<compile_context>
chip_gen: v7x
topology: tpu7x:2x2x1
jax: 0.10.2.dev20260603
libtpu: 0.0.44.dev20260713+nightly
codegen_flags: <defaults>
</compile_context>

<pallas_src>
import jax
import jax.numpy as jnp
from jax import lax
from jax.experimental import pallas as pl
from jax.experimental.pallas import tpu as pltpu
from jax.experimental.pallas import tpu_sc as plsc

T = 32
MD = 2
L = 16
NC, NS = 2, 16
NW = NC * NS
NBUF = 2


def _sc_body(x_hbm, zeros_hbm, out_hbm, xblk, sl0, sl1, id0, id1, os0, os1):
    D = id0.shape[0]
    total = x_hbm.shape[0]
    rows = total // D // NW
    td = T * D
    n_chunk = D // L
    slabs, idxs, osems = (sl0, sl1), (id0, id1), (os0, os1)
    wid = lax.axis_index("s") * NC + lax.axis_index("c")
    base = wid * rows
    zval = jnp.zeros((L,), jnp.float32)
    one = jnp.ones((L,), jnp.float32)
    dv0 = lax.iota(jnp.int32, L)

    def scatter_row(g, slot):
        for j in range(n_chunk):
            xv = xblk[pl.ds(g * D + j * L, L)]
            tf = MD + (1.0 - xv) * (T - MD - 1)
            ti = tf.astype(jnp.int32)
            val = jnp.where(xv > 0.0, one, zval)
            flat = lax.shift_left(ti, 9) + (dv0 + (j * L))
            idxs[slot][pl.ds(j * L, L)] = flat
            plsc.store_scatter(slabs[slot], [flat], val)
        pltpu.async_copy(
            slabs[slot], out_hbm.at[pl.ds((base + g) * td, td)], osems[slot])

    def clear_slab(slot):
        for j in range(n_chunk):
            flat = idxs[slot][pl.ds(j * L, L)]
            plsc.store_scatter(slabs[slot], [flat], zval)

    def wait_out(slot):
        pltpu.make_async_copy(
            slabs[slot], out_hbm.at[pl.ds(0, td)], osems[slot]).wait()

    pltpu.sync_copy(x_hbm.at[pl.ds(base * D, rows * D)], xblk)
    pltpu.sync_copy(zeros_hbm, sl0)
    pltpu.sync_copy(zeros_hbm, sl1)
    for slot in range(NBUF):
        scatter_row(slot, slot)

    def step(m, carry):
        for slot in range(NBUF):
            g = NBUF + m * NBUF + slot
            wait_out(slot)
            clear_slab(slot)
            scatter_row(g, slot)
        return carry

    lax.fori_loop(0, (rows - NBUF) // NBUF, step, 0)

    for slot in range(NBUF):
        wait_out(slot)


def kernel(x):
    B, D = x.shape
    rows = B // NW
    mesh = plsc.VectorSubcoreMesh(core_axis_name="c", subcore_axis_name="s")
    k = pl.kernel(
        _sc_body,
        out_type=jax.ShapeDtypeStruct((B * T * D,), jnp.float32),
        mesh=mesh,
        compiler_params=pltpu.CompilerParams(needs_layout_passes=False),
        scratch_types=[
            pltpu.VMEM((rows * D,), jnp.float32),
            pltpu.VMEM((T * D,), jnp.float32),
            pltpu.VMEM((T * D,), jnp.float32),
            pltpu.VMEM((D,), jnp.int32),
            pltpu.VMEM((D,), jnp.int32),
            pltpu.SemaphoreType.DMA,
            pltpu.SemaphoreType.DMA,
        ],
    )
    zeros = jnp.zeros((T * D,), jnp.float32)
    out = k(x.reshape(-1), zeros)
    return out.reshape(B, T, D)

# --- scband reference (transcript-rebuilt; emitter-appended) ---
"""Pipeline reference for scband-temporal-coding-1297080123575 (READ-ONLY COPY).

The authoritative reference and input builder live on the scoring server;
editing this copy changes nothing except your own understanding.
"""

import jax, jax.numpy as jnp
import numpy as np

TIMESTEPS = 32
MIN_DELAY = 2


def setup_inputs(seed: int = 0) -> dict:
    key = jax.random.key(seed)
    x = jax.random.uniform(key, (4096, 512), dtype=jnp.float32)
    return {"x": x}


def reference(x):
    # TemporalCoding: higher input -> earlier spike time; one spike per element.
    x_norm = jnp.clip(x, 0.0, 1.0)
    B, D = x.shape
    T = TIMESTEPS
    md = MIN_DELAY
    available_time_range = T - md - 1
    # torch .long() truncates toward zero; values are non-negative so int cast matches
    spike_times = (md + (1.0 - x_norm) * available_time_range).astype(jnp.int32)
    spike_times = jnp.clip(spike_times, md, T - 1)
    mask = x_norm > 0
    b_idx = jnp.broadcast_to(jnp.arange(B, dtype=jnp.int32)[:, None], (B, D))
    d_idx = jnp.broadcast_to(jnp.arange(D, dtype=jnp.int32)[None, :], (B, D))
    vals = jnp.where(mask, jnp.asarray(1.0, x.dtype), jnp.asarray(0.0, x.dtype))
    spikes = jnp.zeros((B, T, D), dtype=x.dtype)
    # scatter-overwrite: exactly one (b, t, d) target per (b, d) pair, collision-free
    spikes = spikes.at[b_idx, spike_times, d_idx].set(vals)
    return spikes

if __name__ == "__main__":
    import jax
    _d = setup_inputs()
    print(jax.jit(kernel)(*tuple(_d.values())))

</pallas_src>

<mosaic_0001>
#map = affine_map<(d0, d1) -> (0)>
module attributes {stable_mosaic.version = 14 : i64} {
  func.func @_sc_body(%arg0: i32, %arg1: i32, %arg2: memref<2097152xf32, #tpu.memory_space<hbm>>, %arg3: memref<16384xf32, #tpu.memory_space<hbm>>, %arg4: memref<67108864xf32, #tpu.memory_space<hbm>>, %arg5: memref<65536xf32, #tpu.memory_space<vmem>>, %arg6: memref<16384xf32, #tpu.memory_space<vmem>>, %arg7: memref<16384xf32, #tpu.memory_space<vmem>>, %arg8: memref<512xi32, #tpu.memory_space<vmem>>, %arg9: memref<512xi32, #tpu.memory_space<vmem>>, %arg10: memref<!tpu.dma_semaphore, #tpu.memory_space<semaphore_mem>>, %arg11: memref<!tpu.dma_semaphore, #tpu.memory_space<semaphore_mem>>) attributes {dimension_semantics = [#tpu.dimension_semantics<core_parallel>, #tpu.dimension_semantics<subcore_parallel>], iteration_bounds = array<i64: 2, 16>, scalar_prefetch = 0 : i64, scratch_operands = 7 : i64, tpu.core_type = #tpu.core_type<sc_vector_subcore>, window_params = [{transform_indices = #map}, {transform_indices = #map}, {transform_indices = #map}]} {
    %mul3A = arith.constant 2 : i32
    %mul3A_0 = arith.muli %arg1, %mul3A : i32
    %add3A = arith.addi %mul3A_0, %arg0 : i32
    %mul3A_1 = arith.constant 128 : i32
    %mul3A_2 = arith.muli %add3A, %mul3A_1 : i32
    %broadcast_in_dim3A = arith.constant 0.000000e+00 : f32
    %broadcast_in_dim3A_3 = vector.broadcast %broadcast_in_dim3A : f32 to vector<16xf32>
    %broadcast_in_dim3A_4 = arith.constant 1.000000e+00 : f32
    %broadcast_in_dim3A_5 = vector.broadcast %broadcast_in_dim3A_4 : f32 to vector<16xf32>
    %iota3A = tpu.iota {dimensions = array<i32: 0>} : vector<16xi32>
    %mul3A_6 = arith.constant 512 : i32
    %mul3A_7 = arith.muli %mul3A_2, %mul3A_6 : i32
    "tpu.region"() ({
      %run_scoped3A = tpu.sem_alloc : memref<!tpu.dma_semaphore, #tpu.memory_space<semaphore_mem>>
      %dma_start3A_1624 = tpu.memref_slice %arg2[%mul3A_7] : memref<2097152xf32, #tpu.memory_space<hbm>> -> memref<65536xf32, #tpu.memory_space<hbm>>
      %dma_start3A_1625 = tpu.memref_slice %arg2[%mul3A_7] : memref<2097152xf32, #tpu.memory_space<hbm>> -> memref<65536xf32, #tpu.memory_space<hbm>>
      tpu.enqueue_dma source(%dma_start3A_1625 : memref<65536xf32, #tpu.memory_space<hbm>>) target(%arg5 : memref<65536xf32, #tpu.memory_space<vmem>>) target_semaphore(%run_scoped3A : memref<!tpu.dma_semaphore, #tpu.memory_space<semaphore_mem>>)
      %dma_wait3A_1626 = tpu.memref_slice %arg2[%mul3A_7] : memref<2097152xf32, #tpu.memory_space<hbm>> -> memref<65536xf32, #tpu.memory_space<hbm>>
      %dma_wait3A_1627 = tpu.memref_slice %arg2[%mul3A_7] : memref<2097152xf32, #tpu.memory_space<hbm>> -> memref<65536xf32, #tpu.memory_space<hbm>>
      tpu.wait_dma2 semaphore(%run_scoped3A : memref<!tpu.dma_semaphore, #tpu.memory_space<semaphore_mem>>) src(%dma_wait3A_1627 : memref<65536xf32, #tpu.memory_space<hbm>>) dst(%arg5 : memref<65536xf32, #tpu.memory_space<vmem>>)
      tpu.yield
    }) : () -> ()
    "tpu.region"() ({
      %run_scoped3A = tpu.sem_alloc : memref<!tpu.dma_semaphore, #tpu.memory_space<semaphore_mem>>
      tpu.enqueue_dma source(%arg3 : memref<16384xf32, #tpu.memory_space<hbm>>) target(%arg6 : memref<16384xf32, #tpu.memory_space<vmem>>) target_semaphore(%run_scoped3A : memref<!tpu.dma_semaphore, #tpu.memory_space<semaphore_mem>>)
      tpu.wait_dma2 semaphore(%run_scoped3A : memref<!tpu.dma_semaphore, #tpu.memory_space<semaphore_mem>>) src(%arg3 : memref<16384xf32, #tpu.memory_space<hbm>>) dst(%arg6 : memref<16384xf32, #tpu.memory_space<vmem>>)
      tpu.yield
    }) : () -> ()
    "tpu.region"() ({
      %run_scoped3A = tpu.sem_alloc : memref<!tpu.dma_semaphore, #tpu.memory_space<semaphore_mem>>
      tpu.enqueue_dma source(%arg3 : memref<16384xf32, #tpu.memory_space<hbm>>) target(%arg7 : memref<16384xf32, #tpu.memory_space<vmem>>) target_semaphore(%run_scoped3A : memref<!tpu.dma_semaphore, #tpu.memory_space<semaphore_mem>>)
      tpu.wait_dma2 semaphore(%run_scoped3A : memref<!tpu.dma_semaphore, #tpu.memory_space<semaphore_mem>>) src(%arg3 : memref<16384xf32, #tpu.memory_space<hbm>>) dst(%arg7 : memref<16384xf32, #tpu.memory_space<vmem>>)
      tpu.yield
    }) : () -> ()
    %get3A = arith.constant 0 : index
    %get3A_8 = tpu.vector_load %arg5[%get3A] {strides = array<i32>} : memref<65536xf32, #tpu.memory_space<vmem>>, vector<16xf32>,
    %sub3A = arith.constant 1.000000e+00 : f32
    %sub3A_9 = vector.broadcast %sub3A : f32 to vector<16xf32>
    %sub3A_10 = arith.subf %sub3A_9, %get3A_8 : vector<16xf32>
    %mul3A_11 = arith.constant 2.900000e+01 : f32
    %mul3A_12 = vector.broadcast %mul3A_11 : f32 to vector<16xf32>
    %mul3A_13 = arith.mulf %sub3A_10, %mul3A_12 : vector<16xf32>
    %add3A_14 = arith.constant 2.000000e+00 : f32
    %add3A_15 = vector.broadcast %add3A_14 : f32 to vector<16xf32>
    %add3A_16 = arith.addf %add3A_15, %mul3A_13 : vector<16xf32>
    %convert_element_type3A = arith.fptosi %add3A_16 : vector<16xf32> to vector<16xi32>
    %gt3A = arith.constant 0.000000e+00 : f32
    %gt3A_17 = vector.broadcast %gt3A : f32 to vector<16xf32>
    %gt3A_18 = arith.cmpf ogt, %get3A_8, %gt3A_17 : vector<16xf32>
    %select_n3A = arith.select %gt3A_18, %broadcast_in_dim3A_5, %broadcast_in_dim3A_3 : vector<16xi1>, vector<16xf32>
    %shift_left3A = arith.constant 9 : i32
    %shift_left3A_19 = vector.broadcast %shift_left3A : i32 to vector<16xi32>
    %shift_left3A_20 = arith.shli %convert_element_type3A, %shift_left3A_19 : vector<16xi32>
    %add3A_21 = arith.constant 0 : i32
    %add3A_22 = vector.broadcast %add3A_21 : i32 to vector<16xi32>
    %add3A_23 = arith.addi %iota3A, %add3A_22 : vector<16xi32>
    %add3A_24 = arith.addi %shift_left3A_20, %add3A_23 : vector<16xi32>
    %swap3A = arith.constant 0 : index
    %swap3A_25 = tpu.vector_load %arg8[%swap3A] {strides = array<i32>} : memref<512xi32, #tpu.memory_space<vmem>>, vector<16xi32>,
    tpu.vector_store %arg8[%swap3A], %add3A_24 {strides = array<i32>} : memref<512xi32, #tpu.memory_space<vmem>>, vector<16xi32>,
    tpu.vector_store_idx %arg6[%add3A_24], %select_n3A : memref<16384xf32, #tpu.memory_space<vmem>>[vector<16xi32>], vector<16xf32>,
    %get3A_26 = arith.constant 16 : index
    %get3A_27 = tpu.vector_load %arg5[%get3A_26] {strides = array<i32>} : memref<65536xf32, #tpu.memory_space<vmem>>, vector<16xf32>,
    %sub3A_28 = arith.constant 1.000000e+00 : f32
    %sub3A_29 = vector.broadcast %sub3A_28 : f32 to vector<16xf32>
    %sub3A_30 = arith.subf %sub3A_29, %get3A_27 : vector<16xf32>
    %mul3A_31 = arith.constant 2.900000e+01 : f32
    %mul3A_32 = vector.broadcast %mul3A_31 : f32 to vector<16xf32>
    %mul3A_33 = arith.mulf %sub3A_30, %mul3A_32 : vector<16xf32>
    %add3A_34 = arith.constant 2.000000e+00 : f32
    %add3A_35 = vector.broadcast %add3A_34 : f32 to vector<16xf32>
    %add3A_36 = arith.addf %add3A_35, %mul3A_33 : vector<16xf32>
    %convert_element_type3A_37 = arith.fptosi %add3A_36 : vector<16xf32> to vector<16xi32>
    %gt3A_38 = arith.constant 0.000000e+00 : f32
    %gt3A_39 = vector.broadcast %gt3A_38 : f32 to vector<16xf32>
    %gt3A_40 = arith.cmpf ogt, %get3A_27, %gt3A_39 : vector<16xf32>
    %select_n3A_41 = arith.select %gt3A_40, %broadcast_in_dim3A_5, %broadcast_in_dim3A_3 : vector<16xi1>, vector<16xf32>
    %shift_left3A_42 = arith.constant 9 : i32
    %shift_left3A_43 = vector.broadcast %shift_left3A_42 : i32 to vector<16xi32>
    %shift_left3A_44 = arith.shli %convert_element_type3A_37, %shift_left3A_43 : vector<16xi32>
    %add3A_45 = arith.constant 16 : i32
    %add3A_46 = vector.broadcast %add3A_45 : i32 to vector<16xi32>
    %add3A_47 = arith.addi %iota3A, %add3A_46 : vector<16xi32>
    %add3A_48 = arith.addi %shift_left3A_44, %add3A_47 : vector<16xi32>
    %swap3A_49 = arith.constant 16 : index
    %swap3A_50 = tpu.vector_load %arg8[%swap3A_49] {strides = array<i32>} : memref<512xi32, #tpu.memory_space<vmem>>, vector<16xi32>,
    tpu.vector_store %arg8[%swap3A_49], %add3A_48 {strides = array<i32>} : memref<512xi32, #tpu.memory_space<vmem>>, vector<16xi32>,
    tpu.vector_store_idx %arg6[%add3A_48], %select_n3A_41 : memref<16384xf32, #tpu.memory_space<vmem>>[vector<16xi32>], vector<16xf32>,
    %get3A_51 = arith.constant 32 : index
    %get3A_52 = tpu.vector_load %arg5[%get3A_51] {strides = array<i32>} : memref<65536xf32, #tpu.memory_space<vmem>>, vector<16xf32>,
    %sub3A_53 = arith.constant 1.000000e+00 : f32
    %sub3A_54 = vector.broadcast %sub3A_53 : f32 to vector<16xf32>
    %sub3A_55 = arith.subf %sub3A_54, %get3A_52 : vector<16xf32>
    %mul3A_56 = arith.constant 2.900000e+01 : f32
    %mul3A_57 = vector.broadcast %mul3A_56 : f32 to vector<16xf32>
    %mul3A_58 = arith.mulf %sub3A_55, %mul3A_57 : vector<16xf32>
    %add3A_59 = arith.constant 2.000000e+00 : f32
    %add3A_60 = vector.broadcast %add3A_59 : f32 to vector<16xf32>
    %add3A_61 = arith.addf %add3A_60, %mul3A_58 : vector<16xf32>
    %convert_element_type3A_62 = arith.fptosi %add3A_61 : vector<16xf32> to vector<16xi32>
    %gt3A_63 = arith.constant 0.000000e+00 : f32
    %gt3A_64 = vector.broadcast %gt3A_63 : f32 to vector<16xf32>
    %gt3A_65 = arith.cmpf ogt, %get3A_52, %gt3A_64 : vector<16xf32>
    %select_n3A_66 = arith.select %gt3A_65, %broadcast_in_dim3A_5, %broadcast_in_dim3A_3 : vector<16xi1>, vector<16xf32>
    %shift_left3A_67 = arith.constant 9 : i32
    %shift_left3A_68 = vector.broadcast %shift_left3A_67 : i32 to vector<16xi32>
    %shift_left3A_69 = arith.shli %convert_element_type3A_62, %shift_left3A_68 : vector<16xi32>
    %add3A_70 = arith.constant 32 : i32
    %add3A_71 = vector.broadcast %add3A_70 : i32 to vector<16xi32>
    %add3A_72 = arith.addi %iota3A, %add3A_71 : vector<16xi32>
    %add3A_73 = arith.addi %shift_left3A_69, %add3A_72 : vector<16xi32>
    %swap3A_74 = arith.constant 32 : index
    %swap3A_75 = tpu.vector_load %arg8[%swap3A_74] {strides = array<i32>} : memref<512xi32, #tpu.memory_space<vmem>>, vector<16xi32>,
    tpu.vector_store %arg8[%swap3A_74], %add3A_73 {strides = array<i32>} : memref<512xi32, #tpu.memory_space<vmem>>, vector<16xi32>,
    tpu.vector_store_idx %arg6[%add3A_73], %select_n3A_66 : memref<16384xf32, #tpu.memory_space<vmem>>[vector<16xi32>], vector<16xf32>,
    %get3A_76 = arith.constant 48 : index
    %get3A_77 = tpu.vector_load %arg5[%get3A_76] {strides = array<i32>} : memref<65536xf32, #tpu.memory_space<vmem>>, vector<16xf32>,
    %sub3A_78 = arith.constant 1.000000e+00 : f32
    %sub3A_79 = vector.broadcast %sub3A_78 : f32 to vector<16xf32>
    %sub3A_80 = arith.subf %sub3A_79, %get3A_77 : vector<16xf32>
    %mul3A_81 = arith.constant 2.900000e+01 : f32
    %mul3A_82 = vector.broadcast %mul3A_81 : f32 to vector<16xf32>
    %mul3A_83 = arith.mulf %sub3A_80, %mul3A_82 : vector<16xf32>
    %add3A_84 = arith.constant 2.000000e+00 : f32
    %add3A_85 = vector.broadcast %add3A_84 : f32 to vector<16xf32>
    %add3A_86 = arith.addf %add3A_85, %mul3A_83 : vector<16xf32>
    %convert_element_type3A_87 = arith.fptosi %add3A_86 : vector<16xf32> to vector<16xi32>
    %gt3A_88 = arith.constant 0.000000e+00 : f32
    %gt3A_89 = vector.broadcast %gt3A_88 : f32 to vector<16xf32>
    %gt3A_90 = arith.cmpf ogt, %get3A_77, %gt3A_89 : vector<16xf32>
    %select_n3A_91 = arith.select %gt3A_90, %broadcast_in_dim3A_5, %broadcast_in_dim3A_3 : vector<16xi1>, vector<16xf32>
    %shift_left3A_92 = arith.constant 9 : i32
    %shift_left3A_93 = vector.broadcast %shift_left3A_92 : i32 to vector<16xi32>
    %shift_left3A_94 = arith.shli %convert_element_type3A_87, %shift_left3A_93 : vector<16xi32>
    %add3A_95 = arith.constant 48 : i32
    %add3A_96 = vector.broadcast %add3A_95 : i32 to vector<16xi32>
    %add3A_97 = arith.addi %iota3A, %add3A_96 : vector<16xi32>
    %add3A_98 = arith.addi %shift_left3A_94, %add3A_97 : vector<16xi32>
    %swap3A_99 = arith.constant 48 : index
    %swap3A_100 = tpu.vector_load %arg8[%swap3A_99] {strides = array<i32>} : memref<512xi32, #tpu.memory_space<vmem>>, vector<16xi32>,
    tpu.vector_store %arg8[%swap3A_99], %add3A_98 {strides = array<i32>} : memref<512xi32, #tpu.memory_space<vmem>>, vector<16xi32>,
    tpu.vector_store_idx %arg6[%add3A_98], %select_n3A_91 : memref<16384xf32, #tpu.memory_space<vmem>>[vector<16xi32>], vector<16xf32>,
    %get3A_101 = arith.constant 64 : index
    %get3A_102 = tpu.vector_load %arg5[%get3A_101] {strides = array<i32>} : memref<65536xf32, #tpu.memory_space<vmem>>, vector<16xf32>,
    %sub3A_103 = arith.constant 1.000000e+00 : f32
    %sub3A_104 = vector.broadcast %sub3A_103 : f32 to vector<16xf32>
    %sub3A_105 = arith.subf %sub3A_104, %get3A_102 : vector<16xf32>
    %mul3A_106 = arith.constant 2.900000e+01 : f32
    %mul3A_107 = vector.broadcast %mul3A_106 : f32 to vector<16xf32>
    %mul3A_108 = arith.mulf %sub3A_105, %mul3A_107 : vector<16xf32>
    %add3A_109 = arith.constant 2.000000e+00 : f32
    %add3A_110 = vector.broadcast %add3A_109 : f32 to vector<16xf32>
    %add3A_111 = arith.addf %add3A_110, %mul3A_108 : vector<16xf32>
    %convert_element_type3A_112 = arith.fptosi %add3A_111 : vector<16xf32> to vector<16xi32>
    %gt3A_113 = arith.constant 0.000000e+00 : f32
    %gt3A_114 = vector.broadcast %gt3A_113 : f32 to vector<16xf32>
    %gt3A_115 = arith.cmpf ogt, %get3A_102, %gt3A_114 : vector<16xf32>
    %select_n3A_116 = arith.select %gt3A_115, %broadcast_in_dim3A_5, %broadcast_in_dim3A_3 : vector<16xi1>, vector<16xf32>
    %shift_left3A_117 = arith.constant 9 : i32
    %shift_left3A_118 = vector.broadcast %shift_left3A_117 : i32 to vector<16xi32>
    %shift_left3A_119 = arith.shli %convert_element_type3A_112, %shift_left3A_118 : vector<16xi32>
    %add3A_120 = arith.constant 64 : i32
    %add3A_121 = vector.broadcast %add3A_120 : i32 to vector<16xi32>
    %add3A_122 = arith.addi %iota3A, %add3A_121 : vector<16xi32>
    %add3A_123 = arith.addi %shift_left3A_119, %add3A_122 : vector<16xi32>
    %swap3A_124 = arith.constant 64 : index
    %swap3A_125 = tpu.vector_load %arg8[%swap3A_124] {strides = array<i32>} : memref<512xi32, #tpu.memory_space<vmem>>, vector<16xi32>,
    tpu.vector_store %arg8[%swap3A_124], %add3A_123 {strides = array<i32>} : memref<512xi32, #tpu.memory_space<vmem>>, vector<16xi32>,
    tpu.vector_store_idx %arg6[%add3A_123], %select_n3A_116 : memref<16384xf32, #tpu.memory_space<vmem>>[vector<16xi32>], vector<16xf32>,
    %get3A_126 = arith.constant 80 : index
    %get3A_127 = tpu.vector_load %arg5[%get3A_126] {strides = array<i32>} : memref<65536xf32, #tpu.memory_space<vmem>>, vector<16xf32>,
    %sub3A_128 = arith.constant 1.000000e+00 : f32
    %sub3A_129 = vector.broadcast %sub3A_128 : f32 to vector<16xf32>
    %sub3A_130 = arith.subf %sub3A_129, %get3A_127 : vector<16xf32>
    %mul3A_131 = arith.constant 2.900000e+01 : f32
    %mul3A_132 = vector.broadcast %mul3A_131 : f32 to vector<16xf32>
    %mul3A_133 = arith.mulf %sub3A_130, %mul3A_132 : vector<16xf32>
    %add3A_134 = arith.constant 2.000000e+00 : f32
    %add3A_135 = vector.broadcast %add3A_134 : f32 to vector<16xf32>
    %add3A_136 = arith.addf %add3A_135, %mul3A_133 : vector<16xf32>
    %convert_element_type3A_137 = arith.fptosi %add3A_136 : vector<16xf32> to vector<16xi32>
    %gt3A_138 = arith.constant 0.000000e+00 : f32
    %gt3A_139 = vector.broadcast %gt3A_138 : f32 to vector<16xf32>
    %gt3A_140 = arith.cmpf ogt, %get3A_127, %gt3A_139 : vector<16xf32>
    %select_n3A_141 = arith.select %gt3A_140, %broadcast_in_dim3A_5, %broadcast_in_dim3A_3 : vector<16xi1>, vector<16xf32>
    %shift_left3A_142 = arith.constant 9 : i32
    %shift_left3A_143 = vector.broadcast %shift_left3A_142 : i32 to vector<16xi32>
    %shift_left3A_144 = arith.shli %convert_element_type3A_137, %shift_left3A_143 : vector<16xi32>
    %add3A_145 = arith.constant 80 : i32
    %add3A_146 = vector.broadcast %add3A_145 : i32 to vector<16xi32>
    %add3A_147 = arith.addi %iota3A, %add3A_146 : vector<16xi32>
    %add3A_148 = arith.addi %shift_left3A_144, %add3A_147 : vector<16xi32>
    %swap3A_149 = arith.constant 80 : index
    %swap3A_150 = tpu.vector_load %arg8[%swap3A_149] {strides = array<i32>} : memref<512xi32, #tpu.memory_space<vmem>>, vector<16xi32>,
    tpu.vector_store %arg8[%swap3A_149], %add3A_148 {strides = array<i32>} : memref<512xi32, #tpu.memory_space<vmem>>, vector<16xi32>,
    tpu.vector_store_idx %arg6[%add3A_148], %select_n3A_141 : memref<16384xf32, #tpu.memory_space<vmem>>[vector<16xi32>], vector<16xf32>,
    %get3A_151 = arith.constant 96 : index
    %get3A_152 = tpu.vector_load %arg5[%get3A_151] {strides = array<i32>} : memref<65536xf32, #tpu.memory_space<vmem>>, vector<16xf32>,
    %sub3A_153 = arith.constant 1.000000e+00 : f32
    %sub3A_154 = vector.broadcast %sub3A_153 : f32 to vector<16xf32>
    %sub3A_155 = arith.subf %sub3A_154, %get3A_152 : vector<16xf32>
    %mul3A_156 = arith.constant 2.900000e+01 : f32
    %mul3A_157 = vector.broadcast %mul3A_156 : f32 to vector<16xf32>
    %mul3A_158 = arith.mulf %sub3A_155, %mul3A_157 : vector<16xf32>
    %add3A_159 = arith.constant 2.000000e+00 : f32
    %add3A_160 = vector.broadcast %add3A_159 : f32 to vector<16xf32>
    %add3A_161 = arith.addf %add3A_160, %mul3A_158 : vector<16xf32>
    %convert_element_type3A_162 = arith.fptosi %add3A_161 : vector<16xf32> to vector<16xi32>
    %gt3A_163 = arith.constant 0.000000e+00 : f32
    %gt3A_164 = vector.broadcast %gt3A_163 : f32 to vector<16xf32>
    %gt3A_165 = arith.cmpf ogt, %get3A_152, %gt3A_164 : vector<16xf32>
    %select_n3A_166 = arith.select %gt3A_165, %broadcast_in_dim3A_5, %broadcast_in_dim3A_3 : vector<16xi1>, vector<16xf32>
    %shift_left3A_167 = arith.constant 9 : i32
    %shift_left3A_168 = vector.broadcast %shift_left3A_167 : i32 to vector<16xi32>
    %shift_left3A_169 = arith.shli %convert_element_type3A_162, %shift_left3A_168 : vector<16xi32>
    %add3A_170 = arith.constant 96 : i32
    %add3A_171 = vector.broadcast %add3A_170 : i32 to vector<16xi32>
    %add3A_172 = arith.addi %iota3A, %add3A_171 : vector<16xi32>
    %add3A_173 = arith.addi %shift_left3A_169, %add3A_172 : vector<16xi32>
    %swap3A_174 = arith.constant 96 : index
    %swap3A_175 = tpu.vector_load %arg8[%swap3A_174] {strides = array<i32>} : memref<512xi32, #tpu.memory_space<vmem>>, vector<16xi32>,
    tpu.vector_store %arg8[%swap3A_174], %add3A_173 {strides = array<i32>} : memref<512xi32, #tpu.memory_space<vmem>>, vector<16xi32>,
    tpu.vector_store_idx %arg6[%add3A_173], %select_n3A_166 : memref<16384xf32, #tpu.memory_space<vmem>>[vector<16xi32>], vector<16xf32>,
    %get3A_176 = arith.constant 112 : index
    %get3A_177 = tpu.vector_load %arg5[%get3A_176] {strides = array<i32>} : memref<65536xf32, #tpu.memory_space<vmem>>, vector<16xf32>,
    %sub3A_178 = arith.constant 1.000000e+00 : f32
    %sub3A_179 = vector.broadcast %sub3A_178 : f32 to vector<16xf32>
    %sub3A_180 = arith.subf %sub3A_179, %get3A_177 : vector<16xf32>
    %mul3A_181 = arith.constant 2.900000e+01 : f32
    %mul3A_182 = vector.broadcast %mul3A_181 : f32 to vector<16xf32>
    %mul3A_183 = arith.mulf %sub3A_180, %mul3A_182 : vector<16xf32>
    %add3A_184 = arith.constant 2.000000e+00 : f32
    %add3A_185 = vector.broadcast %add3A_184 : f32 to vector<16xf32>
    %add3A_186 = arith.addf %add3A_185, %mul3A_183 : vector<16xf32>
    %convert_element_type3A_187 = arith.fptosi %add3A_186 : vector<16xf32> to vector<16xi32>
    %gt3A_188 = arith.constant 0.000000e+00 : f32
    %gt3A_189 = vector.broadcast %gt3A_188 : f32 to vector<16xf32>
    %gt3A_190 = arith.cmpf ogt, %get3A_177, %gt3A_189 : vector<16xf32>
    %select_n3A_191 = arith.select %gt3A_190, %broadcast_in_dim3A_5, %broadcast_in_dim3A_3 : vector<16xi1>, vector<16xf32>
    %shift_left3A_192 = arith.constant 9 : i32
    %shift_left3A_193 = vector.broadcast %shift_left3A_192 : i32 to vector<16xi32>
    %shift_left3A_194 = arith.shli %convert_element_type3A_187, %shift_left3A_193 : vector<16xi32>
    %add3A_195 = arith.constant 112 : i32
    %add3A_196 = vector.broadcast %add3A_195 : i32 to vector<16xi32>
    %add3A_197 = arith.addi %iota3A, %add3A_196 : vector<16xi32>
    %add3A_198 = arith.addi %shift_left3A_194, %add3A_197 : vector<16xi32>
    %swap3A_199 = arith.constant 112 : index
    %swap3A_200 = tpu.vector_load %arg8[%swap3A_199] {strides = array<i32>} : memref<512xi32, #tpu.memory_space<vmem>>, vector<16xi32>,
    tpu.vector_store %arg8[%swap3A_199], %add3A_198 {strides = array<i32>} : memref<512xi32, #tpu.memory_space<vmem>>, vector<16xi32>,
    tpu.vector_store_idx %arg6[%add3A_198], %select_n3A_191 : memref<16384xf32, #tpu.memory_space<vmem>>[vector<16xi32>], vector<16xf32>,
    %get3A_201 = arith.constant 128 : index
    %get3A_202 = tpu.vector_load %arg5[%get3A_201] {strides = array<i32>} : memref<65536xf32, #tpu.memory_space<vmem>>, vector<16xf32>,
    %sub3A_203 = arith.constant 1.000000e+00 : f32
    %sub3A_204 = vector.broadcast %sub3A_203 : f32 to vector<16xf32>
    %sub3A_205 = arith.subf %sub3A_204, %get3A_202 : vector<16xf32>
    %mul3A_206 = arith.constant 2.900000e+01 : f32
    %mul3A_207 = vector.broadcast %mul3A_206 : f32 to vector<16xf32>
    %mul3A_208 = arith.mulf %sub3A_205, %mul3A_207 : vector<16xf32>
    %add3A_209 = arith.constant 2.000000e+00 : f32
    %add3A_210 = vector.broadcast %add3A_209 : f32 to vector<16xf32>
    %add3A_211 = arith.addf %add3A_210, %mul3A_208 : vector<16xf32>
    %convert_element_type3A_212 = arith.fptosi %add3A_211 : vector<16xf32> to vector<16xi32>
    %gt3A_213 = arith.constant 0.000000e+00 : f32
    %gt3A_214 = vector.broadcast %gt3A_213 : f32 to vector<16xf32>
    %gt3A_215 = arith.cmpf ogt, %get3A_202, %gt3A_214 : vector<16xf32>
    %select_n3A_216 = arith.select %gt3A_215, %broadcast_in_dim3A_5, %broadcast_in_dim3A_3 : vector<16xi1>, vector<16xf32>
    %shift_left3A_217 = arith.constant 9 : i32
    %shift_left3A_218 = vector.broadcast %shift_left3A_217 : i32 to vector<16xi32>
    %shift_left3A_219 = arith.shli %convert_element_type3A_212, %shift_left3A_218 : vector<16xi32>
    %add3A_220 = arith.constant 128 : i32
    %add3A_221 = vector.broadcast %add3A_220 : i32 to vector<16xi32>
    %add3A_222 = arith.addi %iota3A, %add3A_221 : vector<16xi32>
    %add3A_223 = arith.addi %shift_left3A_219, %add3A_222 : vector<16xi32>
    %swap3A_224 = arith.constant 128 : index
    %swap3A_225 = tpu.vector_load %arg8[%swap3A_224] {strides = array<i32>} : memref<512xi32, #tpu.memory_space<vmem>>, vector<16xi32>,
    tpu.vector_store %arg8[%swap3A_224], %add3A_223 {strides = array<i32>} : memref<512xi32, #tpu.memory_space<vmem>>, vector<16xi32>,
    tpu.vector_store_idx %arg6[%add3A_223], %select_n3A_216 : memref<16384xf32, #tpu.memory_space<vmem>>[vector<16xi32>], vector<16xf32>,
    %get3A_226 = arith.constant 144 : index
    %get3A_227 = tpu.vector_load %arg5[%get3A_226] {strides = array<i32>} : memref<65536xf32, #tpu.memory_space<vmem>>, vector<16xf32>,
    %sub3A_228 = arith.constant 1.000000e+00 : f32
    %sub3A_229 = vector.broadcast %sub3A_228 : f32 to vector<16xf32>
    %sub3A_230 = arith.subf %sub3A_229, %get3A_227 : vector<16xf32>
    %mul3A_231 = arith.constant 2.900000e+01 : f32
    %mul3A_232 = vector.broadcast %mul3A_231 : f32 to vector<16xf32>
    %mul3A_233 = arith.mulf %sub3A_230, %mul3A_232 : vector<16xf32>
    %add3A_234 = arith.constant 2.000000e+00 : f32
    %add3A_235 = vector.broadcast %add3A_234 : f32 to vector<16xf32>
    %add3A_236 = arith.addf %add3A_235, %mul3A_233 : vector<16xf32>
    %convert_element_type3A_237 = arith.fptosi %add3A_236 : vector<16xf32> to vector<16xi32>
    %gt3A_238 = arith.constant 0.000000e+00 : f32
    %gt3A_239 = vector.broadcast %gt3A_238 : f32 to vector<16xf32>
    %gt3A_240 = arith.cmpf ogt, %get3A_227, %gt3A_239 : vector<16xf32>
    %select_n3A_241 = arith.select %gt3A_240, %broadcast_in_dim3A_5, %broadcast_in_dim3A_3 : vector<16xi1>, vector<16xf32>
    %shift_left3A_242 = arith.constant 9 : i32
    %shift_left3A_243 = vector.broadcast %shift_left3A_242 : i32 to vector<16xi32>
    %shift_left3A_244 = arith.shli %convert_element_type3A_237, %shift_left3A_243 : vector<16xi32>
    %add3A_245 = arith.constant 144 : i32
    %add3A_246 = vector.broadcast %add3A_245 : i32 to vector<16xi32>
    %add3A_247 = arith.addi %iota3A, %add3A_246 : vector<16xi32>
    %add3A_248 = arith.addi %shift_left3A_244, %add3A_247 : vector<16xi32>
    %swap3A_249 = arith.constant 144 : index
    %swap3A_250 = tpu.vector_load %arg8[%swap3A_249] {strides = array<i32>} : memref<512xi32, #tpu.memory_space<vmem>>, vector<16xi32>,
    tpu.vector_store %arg8[%swap3A_249], %add3A_248 {strides = array<i32>} : memref<512xi32, #tpu.memory_space<vmem>>, vector<16xi32>,
    tpu.vector_store_idx %arg6[%add3A_248], %select_n3A_241 : memref<16384xf32, #tpu.memory_space<vmem>>[vector<16xi32>], vector<16xf32>,
    %get3A_251 = arith.constant 160 : index
    %get3A_252 = tpu.vector_load %arg5[%get3A_251] {strides = array<i32>} : memref<65536xf32, #tpu.memory_space<vmem>>, vector<16xf32>,
    %sub3A_253 = arith.constant 1.000000e+00 : f32
    %sub3A_254 = vector.broadcast %sub3A_253 : f32 to vector<16xf32>
    %sub3A_255 = arith.subf %sub3A_254, %get3A_252 : vector<16xf32>
    %mul3A_256 = arith.constant 2.900000e+01 : f32
    %mul3A_257 = vector.broadcast %mul3A_256 : f32 to vector<16xf32>
    %mul3A_258 = arith.mulf %sub3A_255, %mul3A_257 : vector<16xf32>
    %add3A_259 = arith.constant 2.000000e+00 : f32
    %add3A_260 = vector.broadcast %add3A_259 : f32 to vector<16xf32>
    %add3A_261 = arith.addf %add3A_260, %mul3A_258 : vector<16xf32>
    %convert_element_type3A_262 = arith.fptosi %add3A_261 : vector<16xf32> to vector<16xi32>
    %gt3A_263 = arith.constant 0.000000e+00 : f32
    %gt3A_264 = vector.broadcast %gt3A_263 : f32 to vector<16xf32>
    %gt3A_265 = arith.cmpf ogt, %get3A_252, %gt3A_264 : vector<16xf32>
    %select_n3A_266 = arith.select %gt3A_265, %broadcast_in_dim3A_5, %broadcast_in_dim3A_3 : vector<16xi1>, vector<16xf32>
    %shift_left3A_267 = arith.constant 9 : i32
    %shift_left3A_268 = vector.broadcast %shift_left3A_267 : i32 to vector<16xi32>
    %shift_left3A_269 = arith.shli %convert_element_type3A_262, %shift_left3A_268 : vector<16xi32>
    %add3A_270 = arith.constant 160 : i32
    %add3A_271 = vector.broadcast %add3A_270 : i32 to vector<16xi32>
    %add3A_272 = arith.addi %iota3A, %add3A_271 : vector<16xi32>
    %add3A_273 = arith.addi %shift_left3A_269, %add3A_272 : vector<16xi32>
    %swap3A_274 = arith.constant 160 : index
    %swap3A_275 = tpu.vector_load %arg8[%swap3A_274] {strides = array<i32>} : memref<512xi32, #tpu.memory_space<vmem>>, vector<16xi32>,
    tpu.vector_store %arg8[%swap3A_274], %add3A_273 {strides = array<i32>} : memref<512xi32, #tpu.memory_space<vmem>>, vector<16xi32>,
    tpu.vector_store_idx %arg6[%add3A_273], %select_n3A_266 : memref<16384xf32, #tpu.memory_space<vmem>>[vector<16xi32>], vector<16xf32>,
    %get3A_276 = arith.constant 176 : index
    %get3A_277 = tpu.vector_load %arg5[%get3A_276] {strides = array<i32>} : memref<65536xf32, #tpu.memory_space<vmem>>, vector<16xf32>,
    %sub3A_278 = arith.constant 1.000000e+00 : f32
    %sub3A_279 = vector.broadcast %sub3A_278 : f32 to vector<16xf32>
    %sub3A_280 = arith.subf %sub3A_279, %get3A_277 : vector<16xf32>
    %mul3A_281 = arith.constant 2.900000e+01 : f32
    %mul3A_282 = vector.broadcast %mul3A_281 : f32 to vector<16xf32>
    %mul3A_283 = arith.mulf %sub3A_280, %mul3A_282 : vector<16xf32>
    %add3A_284 = arith.constant 2.000000e+00 : f32
    %add3A_285 = vector.broadcast %add3A_284 : f32 to vector<16xf32>
    %add3A_286 = arith.addf %add3A_285, %mul3A_283 : vector<16xf32>
    %convert_element_type3A_287 = arith.fptosi %add3A_286 : vector<16xf32> to vector<16xi32>
    %gt3A_288 = arith.constant 0.000000e+00 : f32
    %gt3A_289 = vector.broadcast %gt3A_288 : f32 to vector<16xf32>
    %gt3A_290 = arith.cmpf ogt, %get3A_277, %gt3A_289 : vector<16xf32>
    %select_n3A_291 = arith.select %gt3A_290, %broadcast_in_dim3A_5, %broadcast_in_dim3A_3 : vector<16xi1>, vector<16xf32>
    %shift_left3A_292 = arith.constant 9 : i32
    %shift_left3A_293 = vector.broadcast %shift_left3A_292 : i32 to vector<16xi32>
    %shift_left3A_294 = arith.shli %convert_element_type3A_287, %shift_left3A_293 : vector<16xi32>
    %add3A_295 = arith.constant 176 : i32
    %add3A_296 = vector.broadcast %add3A_295 : i32 to vector<16xi32>
    %add3A_297 = arith.addi %iota3A, %add3A_296 : vector<16xi32>
    %add3A_298 = arith.addi %shift_left3A_294, %add3A_297 : vector<16xi32>
    %swap3A_299 = arith.constant 176 : index
    %swap3A_300 = tpu.vector_load %arg8[%swap3A_299] {strides = array<i32>} : memref<512xi32, #tpu.memory_space<vmem>>, vector<16xi32>,
    tpu.vector_store %arg8[%swap3A_299], %add3A_298 {strides = array<i32>} : memref<512xi32, #tpu.memory_space<vmem>>, vector<16xi32>,
    tpu.vector_store_idx %arg6[%add3A_298], %select_n3A_291 : memref<16384xf32, #tpu.memory_space<vmem>>[vector<16xi32>], vector<16xf32>,
    %get3A_301 = arith.constant 192 : index
    %get3A_302 = tpu.vector_load %arg5[%get3A_301] {strides = array<i32>} : memref<65536xf32, #tpu.memory_space<vmem>>, vector<16xf32>,
    %sub3A_303 = arith.constant 1.000000e+00 : f32
    %sub3A_304 = vector.broadcast %sub3A_303 : f32 to vector<16xf32>
    %sub3A_305 = arith.subf %sub3A_304, %get3A_302 : vector<16xf32>
    %mul3A_306 = arith.constant 2.900000e+01 : f32
    %mul3A_307 = vector.broadcast %mul3A_306 : f32 to vector<16xf32>
    %mul3A_308 = arith.mulf %sub3A_305, %mul3A_307 : vector<16xf32>
    %add3A_309 = arith.constant 2.000000e+00 : f32
    %add3A_310 = vector.broadcast %add3A_309 : f32 to vector<16xf32>
    %add3A_311 = arith.addf %add3A_310, %mul3A_308 : vector<16xf32>
    %convert_element_type3A_312 = arith.fptosi %add3A_311 : vector<16xf32> to vector<16xi32>
    %gt3A_313 = arith.constant 0.000000e+00 : f32
    %gt3A_314 = vector.broadcast %gt3A_313 : f32 to vector<16xf32>
    %gt3A_315 = arith.cmpf ogt, %get3A_302, %gt3A_314 : vector<16xf32>
    %select_n3A_316 = arith.select %gt3A_315, %broadcast_in_dim3A_5, %broadcast_in_dim3A_3 : vector<16xi1>, vector<16xf32>
    %shift_left3A_317 = arith.constant 9 : i32
    %shift_left3A_318 = vector.broadcast %shift_left3A_317 : i32 to vector<16xi32>
    %shift_left3A_319 = arith.shli %convert_element_type3A_312, %shift_left3A_318 : vector<16xi32>
    %add3A_320 = arith.constant 192 : i32
    %add3A_321 = vector.broadcast %add3A_320 : i32 to vector<16xi32>
    %add3A_322 = arith.addi %iota3A, %add3A_321 : vector<16xi32>
    %add3A_323 = arith.addi %shift_left3A_319, %add3A_322 : vector<16xi32>
    %swap3A_324 = arith.constant 192 : index
    %swap3A_325 = tpu.vector_load %arg8[%swap3A_324] {strides = array<i32>} : memref<512xi32, #tpu.memory_space<vmem>>, vector<16xi32>,
    tpu.vector_store %arg8[%swap3A_324], %add3A_323 {strides = array<i32>} : memref<512xi32, #tpu.memory_space<vmem>>, vector<16xi32>,
    tpu.vector_store_idx %arg6[%add3A_323], %select_n3A_316 : memref<16384xf32, #tpu.memory_space<vmem>>[vector<16xi32>], vector<16xf32>,
    %get3A_326 = arith.constant 208 : index
    %get3A_327 = tpu.vector_load %arg5[%get3A_326] {strides = array<i32>} : memref<65536xf32, #tpu.memory_space<vmem>>, vector<16xf32>,
    %sub3A_328 = arith.constant 1.000000e+00 : f32
    %sub3A_329 = vector.broadcast %sub3A_328 : f32 to vector<16xf32>
    %sub3A_330 = arith.subf %sub3A_329, %get3A_327 : vector<16xf32>
    %mul3A_331 = arith.constant 2.900000e+01 : f32
    %mul3A_332 = vector.broadcast %mul3A_331 : f32 to vector<16xf32>
    %mul3A_333 = arith.mulf %sub3A_330, %mul3A_332 : vector<16xf32>
    %add3A_334 = arith.constant 2.000000e+00 : f32
    %add3A_335 = vector.broadcast %add3A_334 : f32 to vector<16xf32>
    %add3A_336 = arith.addf %add3A_335, %mul3A_333 : vector<16xf32>
    %convert_element_type3A_337 = arith.fptosi %add3A_336 : vector<16xf32> to vector<16xi32>
    %gt3A_338 = arith.constant 0.000000e+00 : f32
    %gt3A_339 = vector.broadcast %gt3A_338 : f32 to vector<16xf32>
    %gt3A_340 = arith.cmpf ogt, %get3A_327, %gt3A_339 : vector<16xf32>
    %select_n3A_341 = arith.select %gt3A_340, %broadcast_in_dim3A_5, %broadcast_in_dim3A_3 : vector<16xi1>, vector<16xf32>
    %shift_left3A_342 = arith.constant 9 : i32
    %shift_left3A_343 = vector.broadcast %shift_left3A_342 : i32 to vector<16xi32>
    %shift_left3A_344 = arith.shli %convert_element_type3A_337, %shift_left3A_343 : vector<16xi32>
    %add3A_345 = arith.constant 208 : i32
    %add3A_346 = vector.broadcast %add3A_345 : i32 to vector<16xi32>
    %add3A_347 = arith.addi %iota3A, %add3A_346 : vector<16xi32>
    %add3A_348 = arith.addi %shift_left3A_344, %add3A_347 : vector<16xi32>
    %swap3A_349 = arith.constant 208 : index
    %swap3A_350 = tpu.vector_load %arg8[%swap3A_349] {strides = array<i32>} : memref<512xi32, #tpu.memory_space<vmem>>, vector<16xi32>,
    tpu.vector_store %arg8[%swap3A_349], %add3A_348 {strides = array<i32>} : memref<512xi32, #tpu.memory_space<vmem>>, vector<16xi32>,
    tpu.vector_store_idx %arg6[%add3A_348], %select_n3A_341 : memref<16384xf32, #tpu.memory_space<vmem>>[vector<16xi32>], vector<16xf32>,
    %get3A_351 = arith.constant 224 : index
    %get3A_352 = tpu.vector_load %arg5[%get3A_351] {strides = array<i32>} : memref<65536xf32, #tpu.memory_space<vmem>>, vector<16xf32>,
    %sub3A_353 = arith.constant 1.000000e+00 : f32
    %sub3A_354 = vector.broadcast %sub3A_353 : f32 to vector<16xf32>
    %sub3A_355 = arith.subf %sub3A_354, %get3A_352 : vector<16xf32>
    %mul3A_356 = arith.constant 2.900000e+01 : f32
    %mul3A_357 = vector.broadcast %mul3A_356 : f32 to vector<16xf32>
    %mul3A_358 = arith.mulf %sub3A_355, %mul3A_357 : vector<16xf32>
    %add3A_359 = arith.constant 2.000000e+00 : f32
    %add3A_360 = vector.broadcast %add3A_359 : f32 to vector<16xf32>
    %add3A_361 = arith.addf %add3A_360, %mul3A_358 : vector<16xf32>
    %convert_element_type3A_362 = arith.fptosi %add3A_361 : vector<16xf32> to vector<16xi32>
    %gt3A_363 = arith.constant 0.000000e+00 : f32
    %gt3A_364 = vector.broadcast %gt3A_363 : f32 to vector<16xf32>
    %gt3A_365 = arith.cmpf ogt, %get3A_352, %gt3A_364 : vector<16xf32>
    %select_n3A_366 = arith.select %gt3A_365, %broadcast_in_dim3A_5, %broadcast_in_dim3A_3 : vector<16xi1>, vector<16xf32>
    %shift_left3A_367 = arith.constant 9 : i32
    %shift_left3A_368 = vector.broadcast %shift_left3A_367 : i32 to vector<16xi32>
    %shift_left3A_369 = arith.shli %convert_element_type3A_362, %shift_left3A_368 : vector<16xi32>
    %add3A_370 = arith.constant 224 : i32
    %add3A_371 = vector.broadcast %add3A_370 : i32 to vector<16xi32>
    %add3A_372 = arith.addi %iota3A, %add3A_371 : vector<16xi32>
    %add3A_373 = arith.addi %shift_left3A_369, %add3A_372 : vector<16xi32>
    %swap3A_374 = arith.constant 224 : index
    %swap3A_375 = tpu.vector_load %arg8[%swap3A_374] {strides = array<i32>} : memref<512xi32, #tpu.memory_space<vmem>>, vector<16xi32>,
    tpu.vector_store %arg8[%swap3A_374], %add3A_373 {strides = array<i32>} : memref<512xi32, #tpu.memory_space<vmem>>, vector<16xi32>,
    tpu.vector_store_idx %arg6[%add3A_373], %select_n3A_366 : memref<16384xf32, #tpu.memory_space<vmem>>[vector<16xi32>], vector<16xf32>,
    %get3A_376 = arith.constant 240 : index
    %get3A_377 = tpu.vector_load %arg5[%get3A_376] {strides = array<i32>} : memref<65536xf32, #tpu.memory_space<vmem>>, vector<16xf32>,
    %sub3A_378 = arith.constant 1.000000e+00 : f32
    %sub3A_379 = vector.broadcast %sub3A_378 : f32 to vector<16xf32>
    %sub3A_380 = arith.subf %sub3A_379, %get3A_377 : vector<16xf32>
    %mul3A_381 = arith.constant 2.900000e+01 : f32
    %mul3A_382 = vector.broadcast %mul3A_381 : f32 to vector<16xf32>
    %mul3A_383 = arith.mulf %sub3A_380, %mul3A_382 : vector<16xf32>
    %add3A_384 = arith.constant 2.000000e+00 : f32
    %add3A_385 = vector.broadcast %add3A_384 : f32 to vector<16xf32>
    %add3A_386 = arith.addf %add3A_385, %mul3A_383 : vector<16xf32>
    %convert_element_type3A_387 = arith.fptosi %add3A_386 : vector<16xf32> to vector<16xi32>
    %gt3A_388 = arith.constant 0.000000e+00 : f32
    %gt3A_389 = vector.broadcast %gt3A_388 : f32 to vector<16xf32>
    %gt3A_390 = arith.cmpf ogt, %get3A_377, %gt3A_389 : vector<16xf32>
    %select_n3A_391 = arith.select %gt3A_390, %broadcast_in_dim3A_5, %broadcast_in_dim3A_3 : vector<16xi1>, vector<16xf32>
    %shift_left3A_392 = arith.constant 9 : i32
    %shift_left3A_393 = vector.broadcast %shift_left3A_392 : i32 to vector<16xi32>
    %shift_left3A_394 = arith.shli %convert_element_type3A_387, %shift_left3A_393 : vector<16xi32>
    %add3A_395 = arith.constant 240 : i32
    %add3A_396 = vector.broadcast %add3A_395 : i32 to vector<16xi32>
    %add3A_397 = arith.addi %iota3A, %add3A_396 : vector<16xi32>
    %add3A_398 = arith.addi %shift_left3A_394, %add3A_397 : vector<16xi32>
    %swap3A_399 = arith.constant 240 : index
    %swap3A_400 = tpu.vector_load %arg8[%swap3A_399] {strides = array<i32>} : memref<512xi32, #tpu.memory_space<vmem>>, vector<16xi32>,
    tpu.vector_store %arg8[%swap3A_399], %add3A_398 {strides = array<i32>} : memref<512xi32, #tpu.memory_space<vmem>>, vector<16xi32>,
    tpu.vector_store_idx %arg6[%add3A_398], %select_n3A_391 : memref<16384xf32, #tpu.memory_space<vmem>>[vector<16xi32>], vector<16xf32>,
    %get3A_401 = arith.constant 256 : index
    %get3A_402 = tpu.vector_load %arg5[%get3A_401] {strides = array<i32>} : memref<65536xf32, #tpu.memory_space<vmem>>, vector<16xf32>,
    %sub3A_403 = arith.constant 1.000000e+00 : f32
    %sub3A_404 = vector.broadcast %sub3A_403 : f32 to vector<16xf32>
    %sub3A_405 = arith.subf %sub3A_404, %get3A_402 : vector<16xf32>
    %mul3A_406 = arith.constant 2.900000e+01 : f32
    %mul3A_407 = vector.broadcast %mul3A_406 : f32 to vector<16xf32>
    %mul3A_408 = arith.mulf %sub3A_405, %mul3A_407 : vector<16xf32>
    %add3A_409 = arith.constant 2.000000e+00 : f32
    %add3A_410 = vector.broadcast %add3A_409 : f32 to vector<16xf32>
    %add3A_411 = arith.addf %add3A_410, %mul3A_408 : vector<16xf32>
    %convert_element_type3A_412 = arith.fptosi %add3A_411 : vector<16xf32> to vector<16xi32>
    %gt3A_413 = arith.constant 0.000000e+00 : f32
    %gt3A_414 = vector.broadcast %gt3A_413 : f32 to vector<16xf32>
    %gt3A_415 = arith.cmpf ogt, %get3A_402, %gt3A_414 : vector<16xf32>
    %select_n3A_416 = arith.select %gt3A_415, %broadcast_in_dim3A_5, %broadcast_in_dim3A_3 : vector<16xi1>, vector<16xf32>
    %shift_left3A_417 = arith.constant 9 : i32
    %shift_left3A_418 = vector.broadcast %shift_left3A_417 : i32 to vector<16xi32>
    %shift_left3A_419 = arith.shli %convert_element_type3A_412, %shift_left3A_418 : vector<16xi32>
    %add3A_420 = arith.constant 256 : i32
    %add3A_421 = vector.broadcast %add3A_420 : i32 to vector<16xi32>
    %add3A_422 = arith.addi %iota3A, %add3A_421 : vector<16xi32>
    %add3A_423 = arith.addi %shift_left3A_419, %add3A_422 : vector<16xi32>
    %swap3A_424 = arith.constant 256 : index
    %swap3A_425 = tpu.vector_load %arg8[%swap3A_424] {strides = array<i32>} : memref<512xi32, #tpu.memory_space<vmem>>, vector<16xi32>,
    tpu.vector_store %arg8[%swap3A_424], %add3A_423 {strides = array<i32>} : memref<512xi32, #tpu.memory_space<vmem>>, vector<16xi32>,
    tpu.vector_store_idx %arg6[%add3A_423], %select_n3A_416 : memref<16384xf32, #tpu.memory_space<vmem>>[vector<16xi32>], vector<16xf32>,
    %get3A_426 = arith.constant 272 : index
    %get3A_427 = tpu.vector_load %arg5[%get3A_426] {strides = array<i32>} : memref<65536xf32, #tpu.memory_space<vmem>>, vector<16xf32>,
    %sub3A_428 = arith.constant 1.000000e+00 : f32
    %sub3A_429 = vector.broadcast %sub3A_428 : f32 to vector<16xf32>
    %sub3A_430 = arith.subf %sub3A_429, %get3A_427 : vector<16xf32>
    %mul3A_431 = arith.constant 2.900000e+01 : f32
    %mul3A_432 = vector.broadcast %mul3A_431 : f32 to vector<16xf32>
    %mul3A_433 = arith.mulf %sub3A_430, %mul3A_432 : vector<16xf32>
    %add3A_434 = arith.constant 2.000000e+00 : f32
    %add3A_435 = vector.broadcast %add3A_434 : f32 to vector<16xf32>
    %add3A_436 = arith.addf %add3A_435, %mul3A_433 : vector<16xf32>
    %convert_element_type3A_437 = arith.fptosi %add3A_436 : vector<16xf32> to vector<16xi32>
    %gt3A_438 = arith.constant 0.000000e+00 : f32
    %gt3A_439 = vector.broadcast %gt3A_438 : f32 to vector<16xf32>
    %gt3A_440 = arith.cmpf ogt, %get3A_427, %gt3A_439 : vector<16xf32>
    %select_n3A_441 = arith.select %gt3A_440, %broadcast_in_dim3A_5, %broadcast_in_dim3A_3 : vector<16xi1>, vector<16xf32>
    %shift_left3A_442 = arith.constant 9 : i32
    %shift_left3A_443 = vector.broadcast %shift_left3A_442 : i32 to vector<16xi32>
    %shift_left3A_444 = arith.shli %convert_element_type3A_437, %shift_left3A_443 : vector<16xi32>
    %add3A_445 = arith.constant 272 : i32
    %add3A_446 = vector.broadcast %add3A_445 : i32 to vector<16xi32>
    %add3A_447 = arith.addi %iota3A, %add3A_446 : vector<16xi32>
    %add3A_448 = arith.addi %shift_left3A_444, %add3A_447 : vector<16xi32>
    %swap3A_449 = arith.constant 272 : index
    %swap3A_450 = tpu.vector_load %arg8[%swap3A_449] {strides = array<i32>} : memref<512xi32, #tpu.memory_space<vmem>>, vector<16xi32>,
    tpu.vector_store %arg8[%swap3A_449], %add3A_448 {strides = array<i32>} : memref<512xi32, #tpu.memory_space<vmem>>, vector<16xi32>,
    tpu.vector_store_idx %arg6[%add3A_448], %select_n3A_441 : memref<16384xf32, #tpu.memory_space<vmem>>[vector<16xi32>], vector<16xf32>,
    %get3A_451 = arith.constant 288 : index
    %get3A_452 = tpu.vector_load %arg5[%get3A_451] {strides = array<i32>} : memref<65536xf32, #tpu.memory_space<vmem>>, vector<16xf32>,
    %sub3A_453 = arith.constant 1.000000e+00 : f32
    %sub3A_454 = vector.broadcast %sub3A_453 : f32 to vector<16xf32>
    %sub3A_455 = arith.subf %sub3A_454, %get3A_452 : vector<16xf32>
    %mul3A_456 = arith.constant 2.900000e+01 : f32
    %mul3A_457 = vector.broadcast %mul3A_456 : f32 to vector<16xf32>
    %mul3A_458 = arith.mulf %sub3A_455, %mul3A_457 : vector<16xf32>
    %add3A_459 = arith.constant 2.000000e+00 : f32
    %add3A_460 = vector.broadcast %add3A_459 : f32 to vector<16xf32>
    %add3A_461 = arith.addf %add3A_460, %mul3A_458 : vector<16xf32>
    %convert_element_type3A_462 = arith.fptosi %add3A_461 : vector<16xf32> to vector<16xi32>
    %gt3A_463 = arith.constant 0.000000e+00 : f32
    %gt3A_464 = vector.broadcast %gt3A_463 : f32 to vector<16xf32>
    %gt3A_465 = arith.cmpf ogt, %get3A_452, %gt3A_464 : vector<16xf32>
    %select_n3A_466 = arith.select %gt3A_465, %broadcast_in_dim3A_5, %broadcast_in_dim3A_3 : vector<16xi1>, vector<16xf32>
    %shift_left3A_467 = arith.constant 9 : i32
    %shift_left3A_468 = vector.broadcast %shift_left3A_467 : i32 to vector<16xi32>
    %shift_left3A_469 = arith.shli %convert_element_type3A_462, %shift_left3A_468 : vector<16xi32>
    %add3A_470 = arith.constant 288 : i32
    %add3A_471 = vector.broadcast %add3A_470 : i32 to vector<16xi32>
    %add3A_472 = arith.addi %iota3A, %add3A_471 : vector<16xi32>
    %add3A_473 = arith.addi %shift_left3A_469, %add3A_472 : vector<16xi32>
    %swap3A_474 = arith.constant 288 : index
    %swap3A_475 = tpu.vector_load %arg8[%swap3A_474] {strides = array<i32>} : memref<512xi32, #tpu.memory_space<vmem>>, vector<16xi32>,
    tpu.vector_store %arg8[%swap3A_474], %add3A_473 {strides = array<i32>} : memref<512xi32, #tpu.memory_space<vmem>>, vector<16xi32>,
    tpu.vector_store_idx %arg6[%add3A_473], %select_n3A_466 : memref<16384xf32, #tpu.memory_space<vmem>>[vector<16xi32>], vector<16xf32>,
    %get3A_476 = arith.constant 304 : index
    %get3A_477 = tpu.vector_load %arg5[%get3A_476] {strides = array<i32>} : memref<65536xf32, #tpu.memory_space<vmem>>, vector<16xf32>,
    %sub3A_478 = arith.constant 1.000000e+00 : f32
    %sub3A_479 = vector.broadcast %sub3A_478 : f32 to vector<16xf32>
    %sub3A_480 = arith.subf %sub3A_479, %get3A_477 : vector<16xf32>
    %mul3A_481 = arith.constant 2.900000e+01 : f32
    %mul3A_482 = vector.broadcast %mul3A_481 : f32 to vector<16xf32>
    %mul3A_483 = arith.mulf %sub3A_480, %mul3A_482 : vector<16xf32>
    %add3A_484 = arith.constant 2.000000e+00 : f32
    %add3A_485 = vector.broadcast %add3A_484 : f32 to vector<16xf32>
    %add3A_486 = arith.addf %add3A_485, %mul3A_483 : vector<16xf32>
    %convert_element_type3A_487 = arith.fptosi %add3A_486 : vector<16xf32> to vector<16xi32>
    %gt3A_488 = arith.constant 0.000000e+00 : f32
    %gt3A_489 = vector.broadcast %gt3A_488 : f32 to vector<16xf32>
    %gt3A_490 = arith.cmpf ogt, %get3A_477, %gt3A_489 : vector<16xf32>
    %select_n3A_491 = arith.select %gt3A_490, %broadcast_in_dim3A_5, %broadcast_in_dim3A_3 : vector<16xi1>, vector<16xf32>
    %shift_left3A_492 = arith.constant 9 : i32
    %shift_left3A_493 = vector.broadcast %shift_left3A_492 : i32 to vector<16xi32>
    %shift_left3A_494 = arith.shli %convert_element_type3A_487, %shift_left3A_493 : vector<16xi32>
    %add3A_495 = arith.constant 304 : i32
    %add3A_496 = vector.broadcast %add3A_495 : i32 to vector<16xi32>
    %add3A_497 = arith.addi %iota3A, %add3A_496 : vector<16xi32>
    %add3A_498 = arith.addi %shift_left3A_494, %add3A_497 : vector<16xi32>
    %swap3A_499 = arith.constant 304 : index
    %swap3A_500 = tpu.vector_load %arg8[%swap3A_499] {strides = array<i32>} : memref<512xi32, #tpu.memory_space<vmem>>, vector<16xi32>,
    tpu.vector_store %arg8[%swap3A_499], %add3A_498 {strides = array<i32>} : memref<512xi32, #tpu.memory_space<vmem>>, vector<16xi32>,
    tpu.vector_store_idx %arg6[%add3A_498], %select_n3A_491 : memref<16384xf32, #tpu.memory_space<vmem>>[vector<16xi32>], vector<16xf32>,
    %get3A_501 = arith.constant 320 : index
    %get3A_502 = tpu.vector_load %arg5[%get3A_501] {strides = array<i32>} : memref<65536xf32, #tpu.memory_space<vmem>>, vector<16xf32>,
    %sub3A_503 = arith.constant 1.000000e+00 : f32
    %sub3A_504 = vector.broadcast %sub3A_503 : f32 to vector<16xf32>
    %sub3A_505 = arith.subf %sub3A_504, %get3A_502 : vector<16xf32>
    %mul3A_506 = arith.constant 2.900000e+01 : f32
    %mul3A_507 = vector.broadcast %mul3A_506 : f32 to vector<16xf32>
    %mul3A_508 = arith.mulf %sub3A_505, %mul3A_507 : vector<16xf32>
    %add3A_509 = arith.constant 2.000000e+00 : f32
    %add3A_510 = vector.broadcast %add3A_509 : f32 to vector<16xf32>
    %add3A_511 = arith.addf %add3A_510, %mul3A_508 : vector<16xf32>
    %convert_element_type3A_512 = arith.fptosi %add3A_511 : vector<16xf32> to vector<16xi32>
    %gt3A_513 = arith.constant 0.000000e+00 : f32
    %gt3A_514 = vector.broadcast %gt3A_513 : f32 to vector<16xf32>
    %gt3A_515 = arith.cmpf ogt, %get3A_502, %gt3A_514 : vector<16xf32>
    %select_n3A_516 = arith.select %gt3A_515, %broadcast_in_dim3A_5, %broadcast_in_dim3A_3 : vector<16xi1>, vector<16xf32>
    %shift_left3A_517 = arith.constant 9 : i32
    %shift_left3A_518 = vector.broadcast %shift_left3A_517 : i32 to vector<16xi32>
    %shift_left3A_519 = arith.shli %convert_element_type3A_512, %shift_left3A_518 : vector<16xi32>
    %add3A_520 = arith.constant 320 : i32
    %add3A_521 = vector.broadcast %add3A_520 : i32 to vector<16xi32>
    %add3A_522 = arith.addi %iota3A, %add3A_521 : vector<16xi32>
    %add3A_523 = arith.addi %shift_left3A_519, %add3A_522 : vector<16xi32>
    %swap3A_524 = arith.constant 320 : index
    %swap3A_525 = tpu.vector_load %arg8[%swap3A_524] {strides = array<i32>} : memref<512xi32, #tpu.memory_space<vmem>>, vector<16xi32>,
    tpu.vector_store %arg8[%swap3A_524], %add3A_523 {strides = array<i32>} : memref<512xi32, #tpu.memory_space<vmem>>, vector<16xi32>,
    tpu.vector_store_idx %arg6[%add3A_523], %select_n3A_516 : memref<16384xf32, #tpu.memory_space<vmem>>[vector<16xi32>], vector<16xf32>,
    %get3A_526 = arith.constant 336 : index
    %get3A_527 = tpu.vector_load %arg5[%get3A_526] {strides = array<i32>} : memref<65536xf32, #tpu.memory_space<vmem>>, vector<16xf32>,
    %sub3A_528 = arith.constant 1.000000e+00 : f32
    %sub3A_529 = vector.broadcast %sub3A_528 : f32 to vector<16xf32>
    %sub3A_530 = arith.subf %sub3A_529, %get3A_527 : vector<16xf32>
    %mul3A_531 = arith.constant 2.900000e+01 : f32
    %mul3A_532 = vector.broadcast %mul3A_531 : f32 to vector<16xf32>
    %mul3A_533 = arith.mulf %sub3A_530, %mul3A_532 : vector<16xf32>
    %add3A_534 = arith.constant 2.000000e+00 : f32
    %add3A_535 = vector.broadcast %add3A_534 : f32 to vector<16xf32>
    %add3A_536 = arith.addf %add3A_535, %mul3A_533 : vector<16xf32>
    %convert_element_type3A_537 = arith.fptosi %add3A_536 : vector<16xf32> to vector<16xi32>
    %gt3A_538 = arith.constant 0.000000e+00 : f32
    %gt3A_539 = vector.broadcast %gt3A_538 : f32 to vector<16xf32>
    %gt3A_540 = arith.cmpf ogt, %get3A_527, %gt3A_539 : vector<16xf32>
    %select_n3A_541 = arith.select %gt3A_540, %broadcast_in_dim3A_5, %broadcast_in_dim3A_3 : vector<16xi1>, vector<16xf32>
    %shift_left3A_542 = arith.constant 9 : i32
    %shift_left3A_543 = vector.broadcast %shift_left3A_542 : i32 to vector<16xi32>
    %shift_left3A_544 = arith.shli %convert_element_type3A_537, %shift_left3A_543 : vector<16xi32>
    %add3A_545 = arith.constant 336 : i32
    %add3A_546 = vector.broadcast %add3A_545 : i32 to vector<16xi32>
    %add3A_547 = arith.addi %iota3A, %add3A_546 : vector<16xi32>
    %add3A_548 = arith.addi %shift_left3A_544, %add3A_547 : vector<16xi32>
    %swap3A_549 = arith.constant 336 : index
    %swap3A_550 = tpu.vector_load %arg8[%swap3A_549] {strides = array<i32>} : memref<512xi32, #tpu.memory_space<vmem>>, vector<16xi32>,
    tpu.vector_store %arg8[%swap3A_549], %add3A_548 {strides = array<i32>} : memref<512xi32, #tpu.memory_space<vmem>>, vector<16xi32>,
    tpu.vector_store_idx %arg6[%add3A_548], %select_n3A_541 : memref<16384xf32, #tpu.memory_space<vmem>>[vector<16xi32>], vector<16xf32>,
    %get3A_551 = arith.constant 352 : index
    %get3A_552 = tpu.vector_load %arg5[%get3A_551] {strides = array<i32>} : memref<65536xf32, #tpu.memory_space<vmem>>, vector<16xf32>,
    %sub3A_553 = arith.constant 1.000000e+00 : f32
    %sub3A_554 = vector.broadcast %sub3A_553 : f32 to vector<16xf32>
    %sub3A_555 = arith.subf %sub3A_554, %get3A_552 : vector<16xf32>
    %mul3A_556 = arith.constant 2.900000e+01 : f32
    %mul3A_557 = vector.broadcast %mul3A_556 : f32 to vector<16xf32>
    %mul3A_558 = arith.mulf %sub3A_555, %mul3A_557 : vector<16xf32>
    %add3A_559 = arith.constant 2.000000e+00 : f32
    %add3A_560 = vector.broadcast %add3A_559 : f32 to vector<16xf32>
    %add3A_561 = arith.addf %add3A_560, %mul3A_558 : vector<16xf32>
    %convert_element_type3A_562 = arith.fptosi %add3A_561 : vector<16xf32> to vector<16xi32>
    %gt3A_563 = arith.constant 0.000000e+00 : f32
    %gt3A_564 = vector.broadcast %gt3A_563 : f32 to vector<16xf32>
    %gt3A_565 = arith.cmpf ogt, %get3A_552, %gt3A_564 : vector<16xf32>
    %select_n3A_566 = arith.select %gt3A_565, %broadcast_in_dim3A_5, %broadcast_in_dim3A_3 : vector<16xi1>, vector<16xf32>
    %shift_left3A_567 = arith.constant 9 : i32
    %shift_left3A_568 = vector.broadcast %shift_left3A_567 : i32 to vector<16xi32>
    %shift_left3A_569 = arith.shli %convert_element_type3A_562, %shift_left3A_568 : vector<16xi32>
    %add3A_570 = arith.constant 352 : i32
    %add3A_571 = vector.broadcast %add3A_570 : i32 to vector<16xi32>
    %add3A_572 = arith.addi %iota3A, %add3A_571 : vector<16xi32>
    %add3A_573 = arith.addi %shift_left3A_569, %add3A_572 : vector<16xi32>
    %swap3A_574 = arith.constant 352 : index
    %swap3A_575 = tpu.vector_load %arg8[%swap3A_574] {strides = array<i32>} : memref<512xi32, #tpu.memory_space<vmem>>, vector<16xi32>,
    tpu.vector_store %arg8[%swap3A_574], %add3A_573 {strides = array<i32>} : memref<512xi32, #tpu.memory_space<vmem>>, vector<16xi32>,
    tpu.vector_store_idx %arg6[%add3A_573], %select_n3A_566 : memref<16384xf32, #tpu.memory_space<vmem>>[vector<16xi32>], vector<16xf32>,
    %get3A_576 = arith.constant 368 : index
    %get3A_577 = tpu.vector_load %arg5[%get3A_576] {strides = array<i32>} : memref<65536xf32, #tpu.memory_space<vmem>>, vector<16xf32>,
    %sub3A_578 = arith.constant 1.000000e+00 : f32
    %sub3A_579 = vector.broadcast %sub3A_578 : f32 to vector<16xf32>
    %sub3A_580 = arith.subf %sub3A_579, %get3A_577 : vector<16xf32>
    %mul3A_581 = arith.constant 2.900000e+01 : f32
    %mul3A_582 = vector.broadcast %mul3A_581 : f32 to vector<16xf32>
    %mul3A_583 = arith.mulf %sub3A_580, %mul3A_582 : vector<16xf32>
    %add3A_584 = arith.constant 2.000000e+00 : f32
    %add3A_585 = vector.broadcast %add3A_584 : f32 to vector<16xf32>
    %add3A_586 = arith.addf %add3A_585, %mul3A_583 : vector<16xf32>
    %convert_element_type3A_587 = arith.fptosi %add3A_586 : vector<16xf32> to vector<16xi32>
    %gt3A_588 = arith.constant 0.000000e+00 : f32
    %gt3A_589 = vector.broadcast %gt3A_588 : f32 to vector<16xf32>
    %gt3A_590 = arith.cmpf ogt, %get3A_577, %gt3A_589 : vector<16xf32>
    %select_n3A_591 = arith.select %gt3A_590, %broadcast_in_dim3A_5, %broadcast_in_dim3A_3 : vector<16xi1>, vector<16xf32>
    %shift_left3A_592 = arith.constant 9 : i32
    %shift_left3A_593 = vector.broadcast %shift_left3A_592 : i32 to vector<16xi32>
    %shift_left3A_594 = arith.shli %convert_element_type3A_587, %shift_left3A_593 : vector<16xi32>
    %add3A_595 = arith.constant 368 : i32
    %add3A_596 = vector.broadcast %add3A_595 : i32 to vector<16xi32>
    %add3A_597 = arith.addi %iota3A, %add3A_596 : vector<16xi32>
    %add3A_598 = arith.addi %shift_left3A_594, %add3A_597 : vector<16xi32>
    %swap3A_599 = arith.constant 368 : index
    %swap3A_600 = tpu.vector_load %arg8[%swap3A_599] {strides = array<i32>} : memref<512xi32, #tpu.memory_space<vmem>>, vector<16xi32>,
    tpu.vector_store %arg8[%swap3A_599], %add3A_598 {strides = array<i32>} : memref<512xi32, #tpu.memory_space<vmem>>, vector<16xi32>,
    tpu.vector_store_idx %arg6[%add3A_598], %select_n3A_591 : memref<16384xf32, #tpu.memory_space<vmem>>[vector<16xi32>], vector<16xf32>,
    %get3A_601 = arith.constant 384 : index
    %get3A_602 = tpu.vector_load %arg5[%get3A_601] {strides = array<i32>} : memref<65536xf32, #tpu.memory_space<vmem>>, vector<16xf32>,
    %sub3A_603 = arith.constant 1.000000e+00 : f32
    %sub3A_604 = vector.broadcast %sub3A_603 : f32 to vector<16xf32>
    %sub3A_605 = arith.subf %sub3A_604, %get3A_602 : vector<16xf32>
    %mul3A_606 = arith.constant 2.900000e+01 : f32
    %mul3A_607 = vector.broadcast %mul3A_606 : f32 to vector<16xf32>
    %mul3A_608 = arith.mulf %sub3A_605, %mul3A_607 : vector<16xf32>
    %add3A_609 = arith.constant 2.000000e+00 : f32
    %add3A_610 = vector.broadcast %add3A_609 : f32 to vector<16xf32>
    %add3A_611 = arith.addf %add3A_610, %mul3A_608 : vector<16xf32>
    %convert_element_type3A_612 = arith.fptosi %add3A_611 : vector<16xf32> to vector<16xi32>
    %gt3A_613 = arith.constant 0.000000e+00 : f32
    %gt3A_614 = vector.broadcast %gt3A_613 : f32 to vector<16xf32>
    %gt3A_615 = arith.cmpf ogt, %get3A_602, %gt3A_614 : vector<16xf32>
    %select_n3A_616 = arith.select %gt3A_615, %broadcast_in_dim3A_5, %broadcast_in_dim3A_3 : vector<16xi1>, vector<16xf32>
    %shift_left3A_617 = arith.constant 9 : i32
    %shift_left3A_618 = vector.broadcast %shift_left3A_617 : i32 to vector<16xi32>
    %shift_left3A_619 = arith.shli %convert_element_type3A_612, %shift_left3A_618 : vector<16xi32>
    %add3A_620 = arith.constant 384 : i32
    %add3A_621 = vector.broadcast %add3A_620 : i32 to vector<16xi32>
    %add3A_622 = arith.addi %iota3A, %add3A_621 : vector<16xi32>
    %add3A_623 = arith.addi %shift_left3A_619, %add3A_622 : vector<16xi32>
    %swap3A_624 = arith.constant 384 : index
    %swap3A_625 = tpu.vector_load %arg8[%swap3A_624] {strides = array<i32>} : memref<512xi32, #tpu.memory_space<vmem>>, vector<16xi32>,
    tpu.vector_store %arg8[%swap3A_624], %add3A_623 {strides = array<i32>} : memref<512xi32, #tpu.memory_space<vmem>>, vector<16xi32>,
    tpu.vector_store_idx %arg6[%add3A_623], %select_n3A_616 : memref<16384xf32, #tpu.memory_space<vmem>>[vector<16xi32>], vector<16xf32>,
    %get3A_626 = arith.constant 400 : index
    %get3A_627 = tpu.vector_load %arg5[%get3A_626] {strides = array<i32>} : memref<65536xf32, #tpu.memory_space<vmem>>, vector<16xf32>,
    %sub3A_628 = arith.constant 1.000000e+00 : f32
    %sub3A_629 = vector.broadcast %sub3A_628 : f32 to vector<16xf32>
    %sub3A_630 = arith.subf %sub3A_629, %get3A_627 : vector<16xf32>
    %mul3A_631 = arith.constant 2.900000e+01 : f32
    %mul3A_632 = vector.broadcast %mul3A_631 : f32 to vector<16xf32>
    %mul3A_633 = arith.mulf %sub3A_630, %mul3A_632 : vector<16xf32>
    %add3A_634 = arith.constant 2.000000e+00 : f32
    %add3A_635 = vector.broadcast %add3A_634 : f32 to vector<16xf32>
    %add3A_636 = arith.addf %add3A_635, %mul3A_633 : vector<16xf32>
    %convert_element_type3A_637 = arith.fptosi %add3A_636 : vector<16xf32> to vector<16xi32>
    %gt3A_638 = arith.constant 0.000000e+00 : f32
    %gt3A_639 = vector.broadcast %gt3A_638 : f32 to vector<16xf32>
    %gt3A_640 = arith.cmpf ogt, %get3A_627, %gt3A_639 : vector<16xf32>
    %select_n3A_641 = arith.select %gt3A_640, %broadcast_in_dim3A_5, %broadcast_in_dim3A_3 : vector<16xi1>, vector<16xf32>
    %shift_left3A_642 = arith.constant 9 : i32
    %shift_left3A_643 = vector.broadcast %shift_left3A_642 : i32 to vector<16xi32>
    %shift_left3A_644 = arith.shli %convert_element_type3A_637, %shift_left3A_643 : vector<16xi32>
    %add3A_645 = arith.constant 400 : i32
    %add3A_646 = vector.broadcast %add3A_645 : i32 to vector<16xi32>
    %add3A_647 = arith.addi %iota3A, %add3A_646 : vector<16xi32>
    %add3A_648 = arith.addi %shift_left3A_644, %add3A_647 : vector<16xi32>
    %swap3A_649 = arith.constant 400 : index
    %swap3A_650 = tpu.vector_load %arg8[%swap3A_649] {strides = array<i32>} : memref<512xi32, #tpu.memory_space<vmem>>, vector<16xi32>,
    tpu.vector_store %arg8[%swap3A_649], %add3A_648 {strides = array<i32>} : memref<512xi32, #tpu.memory_space<vmem>>, vector<16xi32>,
    tpu.vector_store_idx %arg6[%add3A_648], %select_n3A_641 : memref<16384xf32, #tpu.memory_space<vmem>>[vector<16xi32>], vector<16xf32>,
    %get3A_651 = arith.constant 416 : index
    %get3A_652 = tpu.vector_load %arg5[%get3A_651] {strides = array<i32>} : memref<65536xf32, #tpu.memory_space<vmem>>, vector<16xf32>,
    %sub3A_653 = arith.constant 1.000000e+00 : f32
    %sub3A_654 = vector.broadcast %sub3A_653 : f32 to vector<16xf32>
    %sub3A_655 = arith.subf %sub3A_654, %get3A_652 : vector<16xf32>
    %mul3A_656 = arith.constant 2.900000e+01 : f32
    %mul3A_657 = vector.broadcast %mul3A_656 : f32 to vector<16xf32>
    %mul3A_658 = arith.mulf %sub3A_655, %mul3A_657 : vector<16xf32>
    %add3A_659 = arith.constant 2.000000e+00 : f32
    %add3A_660 = vector.broadcast %add3A_659 : f32 to vector<16xf32>
    %add3A_661 = arith.addf %add3A_660, %mul3A_658 : vector<16xf32>
    %convert_element_type3A_662 = arith.fptosi %add3A_661 : vector<16xf32> to vector<16xi32>
    %gt3A_663 = arith.constant 0.000000e+00 : f32
    %gt3A_664 = vector.broadcast %gt3A_663 : f32 to vector<16xf32>
    %gt3A_665 = arith.cmpf ogt, %get3A_652, %gt3A_664 : vector<16xf32>
    %select_n3A_666 = arith.select %gt3A_665, %broadcast_in_dim3A_5, %broadcast_in_dim3A_3 : vector<16xi1>, vector<16xf32>
    %shift_left3A_667 = arith.constant 9 : i32
    %shift_left3A_668 = vector.broadcast %shift_left3A_667 : i32 to vector<16xi32>
    %shift_left3A_669 = arith.shli %convert_element_type3A_662, %shift_left3A_668 : vector<16xi32>
    %add3A_670 = arith.constant 416 : i32
    %add3A_671 = vector.broadcast %add3A_670 : i32 to vector<16xi32>
    %add3A_672 = arith.addi %iota3A, %add3A_671 : vector<16xi32>
    %add3A_673 = arith.addi %shift_left3A_669, %add3A_672 : vector<16xi32>
    %swap3A_674 = arith.constant 416 : index
    %swap3A_675 = tpu.vector_load %arg8[%swap3A_674] {strides = array<i32>} : memref<512xi32, #tpu.memory_space<vmem>>, vector<16xi32>,
    tpu.vector_store %arg8[%swap3A_674], %add3A_673 {strides = array<i32>} : memref<512xi32, #tpu.memory_space<vmem>>, vector<16xi32>,
    tpu.vector_store_idx %arg6[%add3A_673], %select_n3A_666 : memref<16384xf32, #tpu.memory_space<vmem>>[vector<16xi32>], vector<16xf32>,
    %get3A_676 = arith.constant 432 : index
    %get3A_677 = tpu.vector_load %arg5[%get3A_676] {strides = array<i32>} : memref<65536xf32, #tpu.memory_space<vmem>>, vector<16xf32>,
    %sub3A_678 = arith.constant 1.000000e+00 : f32
    %sub3A_679 = vector.broadcast %sub3A_678 : f32 to vector<16xf32>
    %sub3A_680 = arith.subf %sub3A_679, %get3A_677 : vector<16xf32>
    %mul3A_681 = arith.constant 2.900000e+01 : f32
    %mul3A_682 = vector.broadcast %mul3A_681 : f32 to vector<16xf32>
    %mul3A_683 = arith.mulf %sub3A_680, %mul3A_682 : vector<16xf32>
    %add3A_684 = arith.constant 2.000000e+00 : f32
    %add3A_685 = vector.broadcast %add3A_684 : f32 to vector<16xf32>
    %add3A_686 = arith.addf %add3A_685, %mul3A_683 : vector<16xf32>
    %convert_element_type3A_687 = arith.fptosi %add3A_686 : vector<16xf32> to vector<16xi32>
    %gt3A_688 = arith.constant 0.000000e+00 : f32
    %gt3A_689 = vector.broadcast %gt3A_688 : f32 to vector<16xf32>
    %gt3A_690 = arith.cmpf ogt, %get3A_677, %gt3A_689 : vector<16xf32>
    %select_n3A_691 = arith.select %gt3A_690, %broadcast_in_dim3A_5, %broadcast_in_dim3A_3 : vector<16xi1>, vector<16xf32>
    %shift_left3A_692 = arith.constant 9 : i32
    %shift_left3A_693 = vector.broadcast %shift_left3A_692 : i32 to vector<16xi32>
    %shift_left3A_694 = arith.shli %convert_element_type3A_687, %shift_left3A_693 : vector<16xi32>
    %add3A_695 = arith.constant 432 : i32
    %add3A_696 = vector.broadcast %add3A_695 : i32 to vector<16xi32>
    %add3A_697 = arith.addi %iota3A, %add3A_696 : vector<16xi32>
    %add3A_698 = arith.addi %shift_left3A_694, %add3A_697 : vector<16xi32>
    %swap3A_699 = arith.constant 432 : index
    %swap3A_700 = tpu.vector_load %arg8[%swap3A_699] {strides = array<i32>} : memref<512xi32, #tpu.memory_space<vmem>>, vector<16xi32>,
    tpu.vector_store %arg8[%swap3A_699], %add3A_698 {strides = array<i32>} : memref<512xi32, #tpu.memory_space<vmem>>, vector<16xi32>,
    tpu.vector_store_idx %arg6[%add3A_698], %select_n3A_691 : memref<16384xf32, #tpu.memory_space<vmem>>[vector<16xi32>], vector<16xf32>,
    %get3A_701 = arith.constant 448 : index
    %get3A_702 = tpu.vector_load %arg5[%get3A_701] {strides = array<i32>} : memref<65536xf32, #tpu.memory_space<vmem>>, vector<16xf32>,
    %sub3A_703 = arith.constant 1.000000e+00 : f32
    %sub3A_704 = vector.broadcast %sub3A_703 : f32 to vector<16xf32>
    %sub3A_705 = arith.subf %sub3A_704, %get3A_702 : vector<16xf32>
    %mul3A_706 = arith.constant 2.900000e+01 : f32
    %mul3A_707 = vector.broadcast %mul3A_706 : f32 to vector<16xf32>
    %mul3A_708 = arith.mulf %sub3A_705, %mul3A_707 : vector<16xf32>
    %add3A_709 = arith.constant 2.000000e+00 : f32
    %add3A_710 = vector.broadcast %add3A_709 : f32 to vector<16xf32>
    %add3A_711 = arith.addf %add3A_710, %mul3A_708 : vector<16xf32>
    %convert_element_type3A_712 = arith.fptosi %add3A_711 : vector<16xf32> to vector<16xi32>
    %gt3A_713 = arith.constant 0.000000e+00 : f32
    %gt3A_714 = vector.broadcast %gt3A_713 : f32 to vector<16xf32>
    %gt3A_715 = arith.cmpf ogt, %get3A_702, %gt3A_714 : vector<16xf32>
    %select_n3A_716 = arith.select %gt3A_715, %broadcast_in_dim3A_5, %broadcast_in_dim3A_3 : vector<16xi1>, vector<16xf32>
    %shift_left3A_717 = arith.constant 9 : i32
    %shift_left3A_718 = vector.broadcast %shift_left3A_717 : i32 to vector<16xi32>
    %shift_left3A_719 = arith.shli %convert_element_type3A_712, %shift_left3A_718 : vector<16xi32>
    %add3A_720 = arith.constant 448 : i32
    %add3A_721 = vector.broadcast %add3A_720 : i32 to vector<16xi32>
    %add3A_722 = arith.addi %iota3A, %add3A_721 : vector<16xi32>
    %add3A_723 = arith.addi %shift_left3A_719, %add3A_722 : vector<16xi32>
    %swap3A_724 = arith.constant 448 : index
    %swap3A_725 = tpu.vector_load %arg8[%swap3A_724] {strides = array<i32>} : memref<512xi32, #tpu.memory_space<vmem>>, vector<16xi32>,
    tpu.vector_store %arg8[%swap3A_724], %add3A_723 {strides = array<i32>} : memref<512xi32, #tpu.memory_space<vmem>>, vector<16xi32>,
    tpu.vector_store_idx %arg6[%add3A_723], %select_n3A_716 : memref<16384xf32, #tpu.memory_space<vmem>>[vector<16xi32>], vector<16xf32>,
    %get3A_726 = arith.constant 464 : index
    %get3A_727 = tpu.vector_load %arg5[%get3A_726] {strides = array<i32>} : memref<65536xf32, #tpu.memory_space<vmem>>, vector<16xf32>,
    %sub3A_728 = arith.constant 1.000000e+00 : f32
    %sub3A_729 = vector.broadcast %sub3A_728 : f32 to vector<16xf32>
    %sub3A_730 = arith.subf %sub3A_729, %get3A_727 : vector<16xf32>
    %mul3A_731 = arith.constant 2.900000e+01 : f32
    %mul3A_732 = vector.broadcast %mul3A_731 : f32 to vector<16xf32>
    %mul3A_733 = arith.mulf %sub3A_730, %mul3A_732 : vector<16xf32>
    %add3A_734 = arith.constant 2.000000e+00 : f32
    %add3A_735 = vector.broadcast %add3A_734 : f32 to vector<16xf32>
    %add3A_736 = arith.addf %add3A_735, %mul3A_733 : vector<16xf32>
    %convert_element_type3A_737 = arith.fptosi %add3A_736 : vector<16xf32> to vector<16xi32>
    %gt3A_738 = arith.constant 0.000000e+00 : f32
    %gt3A_739 = vector.broadcast %gt3A_738 : f32 to vector<16xf32>
    %gt3A_740 = arith.cmpf ogt, %get3A_727, %gt3A_739 : vector<16xf32>
    %select_n3A_741 = arith.select %gt3A_740, %broadcast_in_dim3A_5, %broadcast_in_dim3A_3 : vector<16xi1>, vector<16xf32>
    %shift_left3A_742 = arith.constant 9 : i32
    %shift_left3A_743 = vector.broadcast %shift_left3A_742 : i32 to vector<16xi32>
    %shift_left3A_744 = arith.shli %convert_element_type3A_737, %shift_left3A_743 : vector<16xi32>
    %add3A_745 = arith.constant 464 : i32
    %add3A_746 = vector.broadcast %add3A_745 : i32 to vector<16xi32>
    %add3A_747 = arith.addi %iota3A, %add3A_746 : vector<16xi32>
    %add3A_748 = arith.addi %shift_left3A_744, %add3A_747 : vector<16xi32>
    %swap3A_749 = arith.constant 464 : index
    %swap3A_750 = tpu.vector_load %arg8[%swap3A_749] {strides = array<i32>} : memref<512xi32, #tpu.memory_space<vmem>>, vector<16xi32>,
    tpu.vector_store %arg8[%swap3A_749], %add3A_748 {strides = array<i32>} : memref<512xi32, #tpu.memory_space<vmem>>, vector<16xi32>,
    tpu.vector_store_idx %arg6[%add3A_748], %select_n3A_741 : memref<16384xf32, #tpu.memory_space<vmem>>[vector<16xi32>], vector<16xf32>,
    %get3A_751 = arith.constant 480 : index
    %get3A_752 = tpu.vector_load %arg5[%get3A_751] {strides = array<i32>} : memref<65536xf32, #tpu.memory_space<vmem>>, vector<16xf32>,
    %sub3A_753 = arith.constant 1.000000e+00 : f32
    %sub3A_754 = vector.broadcast %sub3A_753 : f32 to vector<16xf32>
    %sub3A_755 = arith.subf %sub3A_754, %get3A_752 : vector<16xf32>
    %mul3A_756 = arith.constant 2.900000e+01 : f32
    %mul3A_757 = vector.broadcast %mul3A_756 : f32 to vector<16xf32>
    %mul3A_758 = arith.mulf %sub3A_755, %mul3A_757 : vector<16xf32>
    %add3A_759 = arith.constant 2.000000e+00 : f32
    %add3A_760 = vector.broadcast %add3A_759 : f32 to vector<16xf32>
    %add3A_761 = arith.addf %add3A_760, %mul3A_758 : vector<16xf32>
    %convert_element_type3A_762 = arith.fptosi %add3A_761 : vector<16xf32> to vector<16xi32>
    %gt3A_763 = arith.constant 0.000000e+00 : f32
    %gt3A_764 = vector.broadcast %gt3A_763 : f32 to vector<16xf32>
    %gt3A_765 = arith.cmpf ogt, %get3A_752, %gt3A_764 : vector<16xf32>
    %select_n3A_766 = arith.select %gt3A_765, %broadcast_in_dim3A_5, %broadcast_in_dim3A_3 : vector<16xi1>, vector<16xf32>
    %shift_left3A_767 = arith.constant 9 : i32
    %shift_left3A_768 = vector.broadcast %shift_left3A_767 : i32 to vector<16xi32>
    %shift_left3A_769 = arith.shli %convert_element_type3A_762, %shift_left3A_768 : vector<16xi32>
    %add3A_770 = arith.constant 480 : i32
    %add3A_771 = vector.broadcast %add3A_770 : i32 to vector<16xi32>
    %add3A_772 = arith.addi %iota3A, %add3A_771 : vector<16xi32>
    %add3A_773 = arith.addi %shift_left3A_769, %add3A_772 : vector<16xi32>
    %swap3A_774 = arith.constant 480 : index
    %swap3A_775 = tpu.vector_load %arg8[%swap3A_774] {strides = array<i32>} : memref<512xi32, #tpu.memory_space<vmem>>, vector<16xi32>,
    tpu.vector_store %arg8[%swap3A_774], %add3A_773 {strides = array<i32>} : memref<512xi32, #tpu.memory_space<vmem>>, vector<16xi32>,
    tpu.vector_store_idx %arg6[%add3A_773], %select_n3A_766 : memref<16384xf32, #tpu.memory_space<vmem>>[vector<16xi32>], vector<16xf32>,
    %get3A_776 = arith.constant 496 : index
    %get3A_777 = tpu.vector_load %arg5[%get3A_776] {strides = array<i32>} : memref<65536xf32, #tpu.memory_space<vmem>>, vector<16xf32>,
    %sub3A_778 = arith.constant 1.000000e+00 : f32
    %sub3A_779 = vector.broadcast %sub3A_778 : f32 to vector<16xf32>
    %sub3A_780 = arith.subf %sub3A_779, %get3A_777 : vector<16xf32>
    %mul3A_781 = arith.constant 2.900000e+01 : f32
    %mul3A_782 = vector.broadcast %mul3A_781 : f32 to vector<16xf32>
    %mul3A_783 = arith.mulf %sub3A_780, %mul3A_782 : vector<16xf32>
    %add3A_784 = arith.constant 2.000000e+00 : f32
    %add3A_785 = vector.broadcast %add3A_784 : f32 to vector<16xf32>
    %add3A_786 = arith.addf %add3A_785, %mul3A_783 : vector<16xf32>
    %convert_element_type3A_787 = arith.fptosi %add3A_786 : vector<16xf32> to vector<16xi32>
    %gt3A_788 = arith.constant 0.000000e+00 : f32
    %gt3A_789 = vector.broadcast %gt3A_788 : f32 to vector<16xf32>
    %gt3A_790 = arith.cmpf ogt, %get3A_777, %gt3A_789 : vector<16xf32>
    %select_n3A_791 = arith.select %gt3A_790, %broadcast_in_dim3A_5, %broadcast_in_dim3A_3 : vector<16xi1>, vector<16xf32>
    %shift_left3A_792 = arith.constant 9 : i32
    %shift_left3A_793 = vector.broadcast %shift_left3A_792 : i32 to vector<16xi32>
    %shift_left3A_794 = arith.shli %convert_element_type3A_787, %shift_left3A_793 : vector<16xi32>
    %add3A_795 = arith.constant 496 : i32
    %add3A_796 = vector.broadcast %add3A_795 : i32 to vector<16xi32>
    %add3A_797 = arith.addi %iota3A, %add3A_796 : vector<16xi32>
    %add3A_798 = arith.addi %shift_left3A_794, %add3A_797 : vector<16xi32>
    %swap3A_799 = arith.constant 496 : index
    %swap3A_800 = tpu.vector_load %arg8[%swap3A_799] {strides = array<i32>} : memref<512xi32, #tpu.memory_space<vmem>>, vector<16xi32>,
    tpu.vector_store %arg8[%swap3A_799], %add3A_798 {strides = array<i32>} : memref<512xi32, #tpu.memory_space<vmem>>, vector<16xi32>,
    tpu.vector_store_idx %arg6[%add3A_798], %select_n3A_791 : memref<16384xf32, #tpu.memory_space<vmem>>[vector<16xi32>], vector<16xf32>,
    %add3A_801 = arith.constant 0 : i32
    %add3A_802 = arith.addi %mul3A_2, %add3A_801 : i32
    %mul3A_803 = arith.constant 16384 : i32
    %mul3A_804 = arith.muli %add3A_802, %mul3A_803 : i32
    %dma_start3A = tpu.memref_slice %arg4[%mul3A_804] : memref<67108864xf32, #tpu.memory_space<hbm>> -> memref<16384xf32, #tpu.memory_space<hbm>>
    %dma_start3A_805 = tpu.memref_slice %arg4[%mul3A_804] : memref<67108864xf32, #tpu.memory_space<hbm>> -> memref<16384xf32, #tpu.memory_space<hbm>>
    tpu.enqueue_dma source(%arg6 : memref<16384xf32, #tpu.memory_space<vmem>>) target(%dma_start3A_805 : memref<16384xf32, #tpu.memory_space<hbm>>) target_semaphore(%arg10 : memref<!tpu.dma_semaphore, #tpu.memory_space<semaphore_mem>>)
    %get3A_806 = arith.constant 512 : index
    %get3A_807 = tpu.vector_load %arg5[%get3A_806] {strides = array<i32>} : memref<65536xf32, #tpu.memory_space<vmem>>, vector<16xf32>,
    %sub3A_808 = arith.constant 1.000000e+00 : f32
    %sub3A_809 = vector.broadcast %sub3A_808 : f32 to vector<16xf32>
    %sub3A_810 = arith.subf %sub3A_809, %get3A_807 : vector<16xf32>
    %mul3A_811 = arith.constant 2.900000e+01 : f32
    %mul3A_812 = vector.broadcast %mul3A_811 : f32 to vector<16xf32>
    %mul3A_813 = arith.mulf %sub3A_810, %mul3A_812 : vector<16xf32>
    %add3A_814 = arith.constant 2.000000e+00 : f32
    %add3A_815 = vector.broadcast %add3A_814 : f32 to vector<16xf32>
    %add3A_816 = arith.addf %add3A_815, %mul3A_813 : vector<16xf32>
    %convert_element_type3A_817 = arith.fptosi %add3A_816 : vector<16xf32> to vector<16xi32>
    %gt3A_818 = arith.constant 0.000000e+00 : f32
    %gt3A_819 = vector.broadcast %gt3A_818 : f32 to vector<16xf32>
    %gt3A_820 = arith.cmpf ogt, %get3A_807, %gt3A_819 : vector<16xf32>
    %select_n3A_821 = arith.select %gt3A_820, %broadcast_in_dim3A_5, %broadcast_in_dim3A_3 : vector<16xi1>, vector<16xf32>
    %shift_left3A_822 = arith.constant 9 : i32
    %shift_left3A_823 = vector.broadcast %shift_left3A_822 : i32 to vector<16xi32>
    %shift_left3A_824 = arith.shli %convert_element_type3A_817, %shift_left3A_823 : vector<16xi32>
    %add3A_825 = arith.constant 0 : i32
    %add3A_826 = vector.broadcast %add3A_825 : i32 to vector<16xi32>
    %add3A_827 = arith.addi %iota3A, %add3A_826 : vector<16xi32>
    %add3A_828 = arith.addi %shift_left3A_824, %add3A_827 : vector<16xi32>
    %swap3A_829 = arith.constant 0 : index
    %swap3A_830 = tpu.vector_load %arg9[%swap3A_829] {strides = array<i32>} : memref<512xi32, #tpu.memory_space<vmem>>, vector<16xi32>,
    tpu.vector_store %arg9[%swap3A_829], %add3A_828 {strides = array<i32>} : memref<512xi32, #tpu.memory_space<vmem>>, vector<16xi32>,
    tpu.vector_store_idx %arg7[%add3A_828], %select_n3A_821 : memref<16384xf32, #tpu.memory_space<vmem>>[vector<16xi32>], vector<16xf32>,
    %get3A_831 = arith.constant 528 : index
    %get3A_832 = tpu.vector_load %arg5[%get3A_831] {strides = array<i32>} : memref<65536xf32, #tpu.memory_space<vmem>>, vector<16xf32>,
    %sub3A_833 = arith.constant 1.000000e+00 : f32
    %sub3A_834 = vector.broadcast %sub3A_833 : f32 to vector<16xf32>
    %sub3A_835 = arith.subf %sub3A_834, %get3A_832 : vector<16xf32>
    %mul3A_836 = arith.constant 2.900000e+01 : f32
    %mul3A_837 = vector.broadcast %mul3A_836 : f32 to vector<16xf32>
    %mul3A_838 = arith.mulf %sub3A_835, %mul3A_837 : vector<16xf32>
    %add3A_839 = arith.constant 2.000000e+00 : f32
    %add3A_840 = vector.broadcast %add3A_839 : f32 to vector<16xf32>
    %add3A_841 = arith.addf %add3A_840, %mul3A_838 : vector<16xf32>
    %convert_element_type3A_842 = arith.fptosi %add3A_841 : vector<16xf32> to vector<16xi32>
    %gt3A_843 = arith.constant 0.000000e+00 : f32
    %gt3A_844 = vector.broadcast %gt3A_843 : f32 to vector<16xf32>
    %gt3A_845 = arith.cmpf ogt, %get3A_832, %gt3A_844 : vector<16xf32>
    %select_n3A_846 = arith.select %gt3A_845, %broadcast_in_dim3A_5, %broadcast_in_dim3A_3 : vector<16xi1>, vector<16xf32>
    %shift_left3A_847 = arith.constant 9 : i32
    %shift_left3A_848 = vector.broadcast %shift_left3A_847 : i32 to vector<16xi32>
    %shift_left3A_849 = arith.shli %convert_element_type3A_842, %shift_left3A_848 : vector<16xi32>
    %add3A_850 = arith.constant 16 : i32
    %add3A_851 = vector.broadcast %add3A_850 : i32 to vector<16xi32>
    %add3A_852 = arith.addi %iota3A, %add3A_851 : vector<16xi32>
    %add3A_853 = arith.addi %shift_left3A_849, %add3A_852 : vector<16xi32>
    %swap3A_854 = arith.constant 16 : index
    %swap3A_855 = tpu.vector_load %arg9[%swap3A_854] {strides = array<i32>} : memref<512xi32, #tpu.memory_space<vmem>>, vector<16xi32>,
    tpu.vector_store %arg9[%swap3A_854], %add3A_853 {strides = array<i32>} : memref<512xi32, #tpu.memory_space<vmem>>, vector<16xi32>,
    tpu.vector_store_idx %arg7[%add3A_853], %select_n3A_846 : memref<16384xf32, #tpu.memory_space<vmem>>[vector<16xi32>], vector<16xf32>,
    %get3A_856 = arith.constant 544 : index
    %get3A_857 = tpu.vector_load %arg5[%get3A_856] {strides = array<i32>} : memref<65536xf32, #tpu.memory_space<vmem>>, vector<16xf32>,
    %sub3A_858 = arith.constant 1.000000e+00 : f32
    %sub3A_859 = vector.broadcast %sub3A_858 : f32 to vector<16xf32>
    %sub3A_860 = arith.subf %sub3A_859, %get3A_857 : vector<16xf32>
    %mul3A_861 = arith.constant 2.900000e+01 : f32
    %mul3A_862 = vector.broadcast %mul3A_861 : f32 to vector<16xf32>
    %mul3A_863 = arith.mulf %sub3A_860, %mul3A_862 : vector<16xf32>
    %add3A_864 = arith.constant 2.000000e+00 : f32
    %add3A_865 = vector.broadcast %add3A_864 : f32 to vector<16xf32>
    %add3A_866 = arith.addf %add3A_865, %mul3A_863 : vector<16xf32>
    %convert_element_type3A_867 = arith.fptosi %add3A_866 : vector<16xf32> to vector<16xi32>
    %gt3A_868 = arith.constant 0.000000e+00 : f32
    %gt3A_869 = vector.broadcast %gt3A_868 : f32 to vector<16xf32>
    %gt3A_870 = arith.cmpf ogt, %get3A_857, %gt3A_869 : vector<16xf32>
    %select_n3A_871 = arith.select %gt3A_870, %broadcast_in_dim3A_5, %broadcast_in_dim3A_3 : vector<16xi1>, vector<16xf32>
    %shift_left3A_872 = arith.constant 9 : i32
    %shift_left3A_873 = vector.broadcast %shift_left3A_872 : i32 to vector<16xi32>
    %shift_left3A_874 = arith.shli %convert_element_type3A_867, %shift_left3A_873 : vector<16xi32>
    %add3A_875 = arith.constant 32 : i32
    %add3A_876 = vector.broadcast %add3A_875 : i32 to vector<16xi32>
    %add3A_877 = arith.addi %iota3A, %add3A_876 : vector<16xi32>
    %add3A_878 = arith.addi %shift_left3A_874, %add3A_877 : vector<16xi32>
    %swap3A_879 = arith.constant 32 : index
    %swap3A_880 = tpu.vector_load %arg9[%swap3A_879] {strides = array<i32>} : memref<512xi32, #tpu.memory_space<vmem>>, vector<16xi32>,
    tpu.vector_store %arg9[%swap3A_879], %add3A_878 {strides = array<i32>} : memref<512xi32, #tpu.memory_space<vmem>>, vector<16xi32>,
    tpu.vector_store_idx %arg7[%add3A_878], %select_n3A_871 : memref<16384xf32, #tpu.memory_space<vmem>>[vector<16xi32>], vector<16xf32>,
    %get3A_881 = arith.constant 560 : index
    %get3A_882 = tpu.vector_load %arg5[%get3A_881] {strides = array<i32>} : memref<65536xf32, #tpu.memory_space<vmem>>, vector<16xf32>,
    %sub3A_883 = arith.constant 1.000000e+00 : f32
    %sub3A_884 = vector.broadcast %sub3A_883 : f32 to vector<16xf32>
    %sub3A_885 = arith.subf %sub3A_884, %get3A_882 : vector<16xf32>
    %mul3A_886 = arith.constant 2.900000e+01 : f32
    %mul3A_887 = vector.broadcast %mul3A_886 : f32 to vector<16xf32>
    %mul3A_888 = arith.mulf %sub3A_885, %mul3A_887 : vector<16xf32>
    %add3A_889 = arith.constant 2.000000e+00 : f32
    %add3A_890 = vector.broadcast %add3A_889 : f32 to vector<16xf32>
    %add3A_891 = arith.addf %add3A_890, %mul3A_888 : vector<16xf32>
    %convert_element_type3A_892 = arith.fptosi %add3A_891 : vector<16xf32> to vector<16xi32>
    %gt3A_893 = arith.constant 0.000000e+00 : f32
    %gt3A_894 = vector.broadcast %gt3A_893 : f32 to vector<16xf32>
    %gt3A_895 = arith.cmpf ogt, %get3A_882, %gt3A_894 : vector<16xf32>
    %select_n3A_896 = arith.select %gt3A_895, %broadcast_in_dim3A_5, %broadcast_in_dim3A_3 : vector<16xi1>, vector<16xf32>
    %shift_left3A_897 = arith.constant 9 : i32
    %shift_left3A_898 = vector.broadcast %shift_left3A_897 : i32 to vector<16xi32>
    %shift_left3A_899 = arith.shli %convert_element_type3A_892, %shift_left3A_898 : vector<16xi32>
    %add3A_900 = arith.constant 48 : i32
    %add3A_901 = vector.broadcast %add3A_900 : i32 to vector<16xi32>
    %add3A_902 = arith.addi %iota3A, %add3A_901 : vector<16xi32>
    %add3A_903 = arith.addi %shift_left3A_899, %add3A_902 : vector<16xi32>
    %swap3A_904 = arith.constant 48 : index
    %swap3A_905 = tpu.vector_load %arg9[%swap3A_904] {strides = array<i32>} : memref<512xi32, #tpu.memory_space<vmem>>, vector<16xi32>,
    tpu.vector_store %arg9[%swap3A_904], %add3A_903 {strides = array<i32>} : memref<512xi32, #tpu.memory_space<vmem>>, vector<16xi32>,
    tpu.vector_store_idx %arg7[%add3A_903], %select_n3A_896 : memref<16384xf32, #tpu.memory_space<vmem>>[vector<16xi32>], vector<16xf32>,
    %get3A_906 = arith.constant 576 : index
    %get3A_907 = tpu.vector_load %arg5[%get3A_906] {strides = array<i32>} : memref<65536xf32, #tpu.memory_space<vmem>>, vector<16xf32>,
    %sub3A_908 = arith.constant 1.000000e+00 : f32
    %sub3A_909 = vector.broadcast %sub3A_908 : f32 to vector<16xf32>
    %sub3A_910 = arith.subf %sub3A_909, %get3A_907 : vector<16xf32>
    %mul3A_911 = arith.constant 2.900000e+01 : f32
    %mul3A_912 = vector.broadcast %mul3A_911 : f32 to vector<16xf32>
    %mul3A_913 = arith.mulf %sub3A_910, %mul3A_912 : vector<16xf32>
    %add3A_914 = arith.constant 2.000000e+00 : f32
    %add3A_915 = vector.broadcast %add3A_914 : f32 to vector<16xf32>
    %add3A_916 = arith.addf %add3A_915, %mul3A_913 : vector<16xf32>
    %convert_element_type3A_917 = arith.fptosi %add3A_916 : vector<16xf32> to vector<16xi32>
    %gt3A_918 = arith.constant 0.000000e+00 : f32
    %gt3A_919 = vector.broadcast %gt3A_918 : f32 to vector<16xf32>
    %gt3A_920 = arith.cmpf ogt, %get3A_907, %gt3A_919 : vector<16xf32>
    %select_n3A_921 = arith.select %gt3A_920, %broadcast_in_dim3A_5, %broadcast_in_dim3A_3 : vector<16xi1>, vector<16xf32>
    %shift_left3A_922 = arith.constant 9 : i32
    %shift_left3A_923 = vector.broadcast %shift_left3A_922 : i32 to vector<16xi32>
    %shift_left3A_924 = arith.shli %convert_element_type3A_917, %shift_left3A_923 : vector<16xi32>
    %add3A_925 = arith.constant 64 : i32
    %add3A_926 = vector.broadcast %add3A_925 : i32 to vector<16xi32>
    %add3A_927 = arith.addi %iota3A, %add3A_926 : vector<16xi32>
    %add3A_928 = arith.addi %shift_left3A_924, %add3A_927 : vector<16xi32>
    %swap3A_929 = arith.constant 64 : index
    %swap3A_930 = tpu.vector_load %arg9[%swap3A_929] {strides = array<i32>} : memref<512xi32, #tpu.memory_space<vmem>>, vector<16xi32>,
    tpu.vector_store %arg9[%swap3A_929], %add3A_928 {strides = array<i32>} : memref<512xi32, #tpu.memory_space<vmem>>, vector<16xi32>,
    tpu.vector_store_idx %arg7[%add3A_928], %select_n3A_921 : memref<16384xf32, #tpu.memory_space<vmem>>[vector<16xi32>], vector<16xf32>,
    %get3A_931 = arith.constant 592 : index
    %get3A_932 = tpu.vector_load %arg5[%get3A_931] {strides = array<i32>} : memref<65536xf32, #tpu.memory_space<vmem>>, vector<16xf32>,
    %sub3A_933 = arith.constant 1.000000e+00 : f32
    %sub3A_934 = vector.broadcast %sub3A_933 : f32 to vector<16xf32>
    %sub3A_935 = arith.subf %sub3A_934, %get3A_932 : vector<16xf32>
    %mul3A_936 = arith.constant 2.900000e+01 : f32
    %mul3A_937 = vector.broadcast %mul3A_936 : f32 to vector<16xf32>
    %mul3A_938 = arith.mulf %sub3A_935, %mul3A_937 : vector<16xf32>
    %add3A_939 = arith.constant 2.000000e+00 : f32
    %add3A_940 = vector.broadcast %add3A_939 : f32 to vector<16xf32>
    %add3A_941 = arith.addf %add3A_940, %mul3A_938 : vector<16xf32>
    %convert_element_type3A_942 = arith.fptosi %add3A_941 : vector<16xf32> to vector<16xi32>
    %gt3A_943 = arith.constant 0.000000e+00 : f32
    %gt3A_944 = vector.broadcast %gt3A_943 : f32 to vector<16xf32>
    %gt3A_945 = arith.cmpf ogt, %get3A_932, %gt3A_944 : vector<16xf32>
    %select_n3A_946 = arith.select %gt3A_945, %broadcast_in_dim3A_5, %broadcast_in_dim3A_3 : vector<16xi1>, vector<16xf32>
    %shift_left3A_947 = arith.constant 9 : i32
    %shift_left3A_948 = vector.broadcast %shift_left3A_947 : i32 to vector<16xi32>
    %shift_left3A_949 = arith.shli %convert_element_type3A_942, %shift_left3A_948 : vector<16xi32>
    %add3A_950 = arith.constant 80 : i32
    %add3A_951 = vector.broadcast %add3A_950 : i32 to vector<16xi32>
    %add3A_952 = arith.addi %iota3A, %add3A_951 : vector<16xi32>
    %add3A_953 = arith.addi %shift_left3A_949, %add3A_952 : vector<16xi32>
    %swap3A_954 = arith.constant 80 : index
    %swap3A_955 = tpu.vector_load %arg9[%swap3A_954] {strides = array<i32>} : memref<512xi32, #tpu.memory_space<vmem>>, vector<16xi32>,
    tpu.vector_store %arg9[%swap3A_954], %add3A_953 {strides = array<i32>} : memref<512xi32, #tpu.memory_space<vmem>>, vector<16xi32>,
    tpu.vector_store_idx %arg7[%add3A_953], %select_n3A_946 : memref<16384xf32, #tpu.memory_space<vmem>>[vector<16xi32>], vector<16xf32>,
    %get3A_956 = arith.constant 608 : index
    %get3A_957 = tpu.vector_load %arg5[%get3A_956] {strides = array<i32>} : memref<65536xf32, #tpu.memory_space<vmem>>, vector<16xf32>,
    %sub3A_958 = arith.constant 1.000000e+00 : f32
    %sub3A_959 = vector.broadcast %sub3A_958 : f32 to vector<16xf32>
    %sub3A_960 = arith.subf %sub3A_959, %get3A_957 : vector<16xf32>
    %mul3A_961 = arith.constant 2.900000e+01 : f32
    %mul3A_962 = vector.broadcast %mul3A_961 : f32 to vector<16xf32>
    %mul3A_963 = arith.mulf %sub3A_960, %mul3A_962 : vector<16xf32>
    %add3A_964 = arith.constant 2.000000e+00 : f32
    %add3A_965 = vector.broadcast %add3A_964 : f32 to vector<16xf32>
    %add3A_966 = arith.addf %add3A_965, %mul3A_963 : vector<16xf32>
    %convert_element_type3A_967 = arith.fptosi %add3A_966 : vector<16xf32> to vector<16xi32>
    %gt3A_968 = arith.constant 0.000000e+00 : f32
    %gt3A_969 = vector.broadcast %gt3A_968 : f32 to vector<16xf32>
    %gt3A_970 = arith.cmpf ogt, %get3A_957, %gt3A_969 : vector<16xf32>
    %select_n3A_971 = arith.select %gt3A_970, %broadcast_in_dim3A_5, %broadcast_in_dim3A_3 : vector<16xi1>, vector<16xf32>
    %shift_left3A_972 = arith.constant 9 : i32
    %shift_left3A_973 = vector.broadcast %shift_left3A_972 : i32 to vector<16xi32>
    %shift_left3A_974 = arith.shli %convert_element_type3A_967, %shift_left3A_973 : vector<16xi32>
    %add3A_975 = arith.constant 96 : i32
    %add3A_976 = vector.broadcast %add3A_975 : i32 to vector<16xi32>
    %add3A_977 = arith.addi %iota3A, %add3A_976 : vector<16xi32>
    %add3A_978 = arith.addi %shift_left3A_974, %add3A_977 : vector<16xi32>
    %swap3A_979 = arith.constant 96 : index
    %swap3A_980 = tpu.vector_load %arg9[%swap3A_979] {strides = array<i32>} : memref<512xi32, #tpu.memory_space<vmem>>, vector<16xi32>,
    tpu.vector_store %arg9[%swap3A_979], %add3A_978 {strides = array<i32>} : memref<512xi32, #tpu.memory_space<vmem>>, vector<16xi32>,
    tpu.vector_store_idx %arg7[%add3A_978], %select_n3A_971 : memref<16384xf32, #tpu.memory_space<vmem>>[vector<16xi32>], vector<16xf32>,
    %get3A_981 = arith.constant 624 : index
    %get3A_982 = tpu.vector_load %arg5[%get3A_981] {strides = array<i32>} : memref<65536xf32, #tpu.memory_space<vmem>>, vector<16xf32>,
    %sub3A_983 = arith.constant 1.000000e+00 : f32
    %sub3A_984 = vector.broadcast %sub3A_983 : f32 to vector<16xf32>
    %sub3A_985 = arith.subf %sub3A_984, %get3A_982 : vector<16xf32>
    %mul3A_986 = arith.constant 2.900000e+01 : f32
    %mul3A_987 = vector.broadcast %mul3A_986 : f32 to vector<16xf32>
    %mul3A_988 = arith.mulf %sub3A_985, %mul3A_987 : vector<16xf32>
    %add3A_989 = arith.constant 2.000000e+00 : f32
    %add3A_990 = vector.broadcast %add3A_989 : f32 to vector<16xf32>
    %add3A_991 = arith.addf %add3A_990, %mul3A_988 : vector<16xf32>
    %convert_element_type3A_992 = arith.fptosi %add3A_991 : vector<16xf32> to vector<16xi32>
    %gt3A_993 = arith.constant 0.000000e+00 : f32
    %gt3A_994 = vector.broadcast %gt3A_993 : f32 to vector<16xf32>
    %gt3A_995 = arith.cmpf ogt, %get3A_982, %gt3A_994 : vector<16xf32>
    %select_n3A_996 = arith.select %gt3A_995, %broadcast_in_dim3A_5, %broadcast_in_dim3A_3 : vector<16xi1>, vector<16xf32>
    %shift_left3A_997 = arith.constant 9 : i32
    %shift_left3A_998 = vector.broadcast %shift_left3A_997 : i32 to vector<16xi32>
    %shift_left3A_999 = arith.shli %convert_element_type3A_992, %shift_left3A_998 : vector<16xi32>
    %add3A_1000 = arith.constant 112 : i32
    %add3A_1001 = vector.broadcast %add3A_1000 : i32 to vector<16xi32>
    %add3A_1002 = arith.addi %iota3A, %add3A_1001 : vector<16xi32>
    %add3A_1003 = arith.addi %shift_left3A_999, %add3A_1002 : vector<16xi32>
    %swap3A_1004 = arith.constant 112 : index
    %swap3A_1005 = tpu.vector_load %arg9[%swap3A_1004] {strides = array<i32>} : memref<512xi32, #tpu.memory_space<vmem>>, vector<16xi32>,
    tpu.vector_store %arg9[%swap3A_1004], %add3A_1003 {strides = array<i32>} : memref<512xi32, #tpu.memory_space<vmem>>, vector<16xi32>,
    tpu.vector_store_idx %arg7[%add3A_1003], %select_n3A_996 : memref<16384xf32, #tpu.memory_space<vmem>>[vector<16xi32>], vector<16xf32>,
    %get3A_1006 = arith.constant 640 : index
    %get3A_1007 = tpu.vector_load %arg5[%get3A_1006] {strides = array<i32>} : memref<65536xf32, #tpu.memory_space<vmem>>, vector<16xf32>,
    %sub3A_1008 = arith.constant 1.000000e+00 : f32
    %sub3A_1009 = vector.broadcast %sub3A_1008 : f32 to vector<16xf32>
    %sub3A_1010 = arith.subf %sub3A_1009, %get3A_1007 : vector<16xf32>
    %mul3A_1011 = arith.constant 2.900000e+01 : f32
    %mul3A_1012 = vector.broadcast %mul3A_1011 : f32 to vector<16xf32>
    %mul3A_1013 = arith.mulf %sub3A_1010, %mul3A_1012 : vector<16xf32>
    %add3A_1014 = arith.constant 2.000000e+00 : f32
    %add3A_1015 = vector.broadcast %add3A_1014 : f32 to vector<16xf32>
    %add3A_1016 = arith.addf %add3A_1015, %mul3A_1013 : vector<16xf32>
    %convert_element_type3A_1017 = arith.fptosi %add3A_1016 : vector<16xf32> to vector<16xi32>
    %gt3A_1018 = arith.constant 0.000000e+00 : f32
    %gt3A_1019 = vector.broadcast %gt3A_1018 : f32 to vector<16xf32>
    %gt3A_1020 = arith.cmpf ogt, %get3A_1007, %gt3A_1019 : vector<16xf32>
    %select_n3A_1021 = arith.select %gt3A_1020, %broadcast_in_dim3A_5, %broadcast_in_dim3A_3 : vector<16xi1>, vector<16xf32>
    %shift_left3A_1022 = arith.constant 9 : i32
    %shift_left3A_1023 = vector.broadcast %shift_left3A_1022 : i32 to vector<16xi32>
    %shift_left3A_1024 = arith.shli %convert_element_type3A_1017, %shift_left3A_1023 : vector<16xi32>
    %add3A_1025 = arith.constant 128 : i32
    %add3A_1026 = vector.broadcast %add3A_1025 : i32 to vector<16xi32>
    %add3A_1027 = arith.addi %iota3A, %add3A_1026 : vector<16xi32>
    %add3A_1028 = arith.addi %shift_left3A_1024, %add3A_1027 : vector<16xi32>
    %swap3A_1029 = arith.constant 128 : index
    %swap3A_1030 = tpu.vector_load %arg9[%swap3A_1029] {strides = array<i32>} : memref<512xi32, #tpu.memory_space<vmem>>, vector<16xi32>,
    tpu.vector_store %arg9[%swap3A_1029], %add3A_1028 {strides = array<i32>} : memref<512xi32, #tpu.memory_space<vmem>>, vector<16xi32>,
    tpu.vector_store_idx %arg7[%add3A_1028], %select_n3A_1021 : memref<16384xf32, #tpu.memory_space<vmem>>[vector<16xi32>], vector<16xf32>,
    %get3A_1031 = arith.constant 656 : index
    %get3A_1032 = tpu.vector_load %arg5[%get3A_1031] {strides = array<i32>} : memref<65536xf32, #tpu.memory_space<vmem>>, vector<16xf32>,
    %sub3A_1033 = arith.constant 1.000000e+00 : f32
    %sub3A_1034 = vector.broadcast %sub3A_1033 : f32 to vector<16xf32>
    %sub3A_1035 = arith.subf %sub3A_1034, %get3A_1032 : vector<16xf32>
    %mul3A_1036 = arith.constant 2.900000e+01 : f32
    %mul3A_1037 = vector.broadcast %mul3A_1036 : f32 to vector<16xf32>
    %mul3A_1038 = arith.mulf %sub3A_1035, %mul3A_1037 : vector<16xf32>
    %add3A_1039 = arith.constant 2.000000e+00 : f32
    %add3A_1040 = vector.broadcast %add3A_1039 : f32 to vector<16xf32>
    %add3A_1041 = arith.addf %add3A_1040, %mul3A_1038 : vector<16xf32>
    %convert_element_type3A_1042 = arith.fptosi %add3A_1041 : vector<16xf32> to vector<16xi32>
    %gt3A_1043 = arith.constant 0.000000e+00 : f32
    %gt3A_1044 = vector.broadcast %gt3A_1043 : f32 to vector<16xf32>
    %gt3A_1045 = arith.cmpf ogt, %get3A_1032, %gt3A_1044 : vector<16xf32>
    %select_n3A_1046 = arith.select %gt3A_1045, %broadcast_in_dim3A_5, %broadcast_in_dim3A_3 : vector<16xi1>, vector<16xf32>
    %shift_left3A_1047 = arith.constant 9 : i32
    %shift_left3A_1048 = vector.broadcast %shift_left3A_1047 : i32 to vector<16xi32>
    %shift_left3A_1049 = arith.shli %convert_element_type3A_1042, %shift_left3A_1048 : vector<16xi32>
    %add3A_1050 = arith.constant 144 : i32
    %add3A_1051 = vector.broadcast %add3A_1050 : i32 to vector<16xi32>
    %add3A_1052 = arith.addi %iota3A, %add3A_1051 : vector<16xi32>
    %add3A_1053 = arith.addi %shift_left3A_1049, %add3A_1052 : vector<16xi32>
    %swap3A_1054 = arith.constant 144 : index
    %swap3A_1055 = tpu.vector_load %arg9[%swap3A_1054] {strides = array<i32>} : memref<512xi32, #tpu.memory_space<vmem>>, vector<16xi32>,
    tpu.vector_store %arg9[%swap3A_1054], %add3A_1053 {strides = array<i32>} : memref<512xi32, #tpu.memory_space<vmem>>, vector<16xi32>,
    tpu.vector_store_idx %arg7[%add3A_1053], %select_n3A_1046 : memref<16384xf32, #tpu.memory_space<vmem>>[vector<16xi32>], vector<16xf32>,
    %get3A_1056 = arith.constant 672 : index
    %get3A_1057 = tpu.vector_load %arg5[%get3A_1056] {strides = array<i32>} : memref<65536xf32, #tpu.memory_space<vmem>>, vector<16xf32>,
    %sub3A_1058 = arith.constant 1.000000e+00 : f32
    %sub3A_1059 = vector.broadcast %sub3A_1058 : f32 to vector<16xf32>
    %sub3A_1060 = arith.subf %sub3A_1059, %get3A_1057 : vector<16xf32>
    %mul3A_1061 = arith.constant 2.900000e+01 : f32
    %mul3A_1062 = vector.broadcast %mul3A_1061 : f32 to vector<16xf32>
    %mul3A_1063 = arith.mulf %sub3A_1060, %mul3A_1062 : vector<16xf32>
    %add3A_1064 = arith.constant 2.000000e+00 : f32
    %add3A_1065 = vector.broadcast %add3A_1064 : f32 to vector<16xf32>
    %add3A_1066 = arith.addf %add3A_1065, %mul3A_1063 : vector<16xf32>
    %convert_element_type3A_1067 = arith.fptosi %add3A_1066 : vector<16xf32> to vector<16xi32>
    %gt3A_1068 = arith.constant 0.000000e+00 : f32
    %gt3A_1069 = vector.broadcast %gt3A_1068 : f32 to vector<16xf32>
    %gt3A_1070 = arith.cmpf ogt, %get3A_1057, %gt3A_1069 : vector<16xf32>
    %select_n3A_1071 = arith.select %gt3A_1070, %broadcast_in_dim3A_5, %broadcast_in_dim3A_3 : vector<16xi1>, vector<16xf32>
    %shift_left3A_1072 = arith.constant 9 : i32
    %shift_left3A_1073 = vector.broadcast %shift_left3A_1072 : i32 to vector<16xi32>
    %shift_left3A_1074 = arith.shli %convert_element_type3A_1067, %shift_left3A_1073 : vector<16xi32>
    %add3A_1075 = arith.constant 160 : i32
    %add3A_1076 = vector.broadcast %add3A_1075 : i32 to vector<16xi32>
    %add3A_1077 = arith.addi %iota3A, %add3A_1076 : vector<16xi32>
    %add3A_1078 = arith.addi %shift_left3A_1074, %add3A_1077 : vector<16xi32>
    %swap3A_1079 = arith.constant 160 : index
    %swap3A_1080 = tpu.vector_load %arg9[%swap3A_1079] {strides = array<i32>} : memref<512xi32, #tpu.memory_space<vmem>>, vector<16xi32>,
    tpu.vector_store %arg9[%swap3A_1079], %add3A_1078 {strides = array<i32>} : memref<512xi32, #tpu.memory_space<vmem>>, vector<16xi32>,
    tpu.vector_store_idx %arg7[%add3A_1078], %select_n3A_1071 : memref<16384xf32, #tpu.memory_space<vmem>>[vector<16xi32>], vector<16xf32>,
    %get3A_1081 = arith.constant 688 : index
    %get3A_1082 = tpu.vector_load %arg5[%get3A_1081] {strides = array<i32>} : memref<65536xf32, #tpu.memory_space<vmem>>, vector<16xf32>,
    %sub3A_1083 = arith.constant 1.000000e+00 : f32
    %sub3A_1084 = vector.broadcast %sub3A_1083 : f32 to vector<16xf32>
    %sub3A_1085 = arith.subf %sub3A_1084, %get3A_1082 : vector<16xf32>
    %mul3A_1086 = arith.constant 2.900000e+01 : f32
    %mul3A_1087 = vector.broadcast %mul3A_1086 : f32 to vector<16xf32>
    %mul3A_1088 = arith.mulf %sub3A_1085, %mul3A_1087 : vector<16xf32>
    %add3A_1089 = arith.constant 2.000000e+00 : f32
    %add3A_1090 = vector.broadcast %add3A_1089 : f32 to vector<16xf32>
    %add3A_1091 = arith.addf %add3A_1090, %mul3A_1088 : vector<16xf32>
    %convert_element_type3A_1092 = arith.fptosi %add3A_1091 : vector<16xf32> to vector<16xi32>
    %gt3A_1093 = arith.constant 0.000000e+00 : f32
    %gt3A_1094 = vector.broadcast %gt3A_1093 : f32 to vector<16xf32>
    %gt3A_1095 = arith.cmpf ogt, %get3A_1082, %gt3A_1094 : vector<16xf32>
    %select_n3A_1096 = arith.select %gt3A_1095, %broadcast_in_dim3A_5, %broadcast_in_dim3A_3 : vector<16xi1>, vector<16xf32>
    %shift_left3A_1097 = arith.constant 9 : i32
    %shift_left3A_1098 = vector.broadcast %shift_left3A_1097 : i32 to vector<16xi32>
    %shift_left3A_1099 = arith.shli %convert_element_type3A_1092, %shift_left3A_1098 : vector<16xi32>
    %add3A_1100 = arith.constant 176 : i32
    %add3A_1101 = vector.broadcast %add3A_1100 : i32 to vector<16xi32>
    %add3A_1102 = arith.addi %iota3A, %add3A_1101 : vector<16xi32>
    %add3A_1103 = arith.addi %shift_left3A_1099, %add3A_1102 : vector<16xi32>
    %swap3A_1104 = arith.constant 176 : index
    %swap3A_1105 = tpu.vector_load %arg9[%swap3A_1104] {strides = array<i32>} : memref<512xi32, #tpu.memory_space<vmem>>, vector<16xi32>,
    tpu.vector_store %arg9[%swap3A_1104], %add3A_1103 {strides = array<i32>} : memref<512xi32, #tpu.memory_space<vmem>>, vector<16xi32>,
    tpu.vector_store_idx %arg7[%add3A_1103], %select_n3A_1096 : memref<16384xf32, #tpu.memory_space<vmem>>[vector<16xi32>], vector<16xf32>,
    %get3A_1106 = arith.constant 704 : index
    %get3A_1107 = tpu.vector_load %arg5[%get3A_1106] {strides = array<i32>} : memref<65536xf32, #tpu.memory_space<vmem>>, vector<16xf32>,
    %sub3A_1108 = arith.constant 1.000000e+00 : f32
    %sub3A_1109 = vector.broadcast %sub3A_1108 : f32 to vector<16xf32>
    %sub3A_1110 = arith.subf %sub3A_1109, %get3A_1107 : vector<16xf32>
    %mul3A_1111 = arith.constant 2.900000e+01 : f32
    %mul3A_1112 = vector.broadcast %mul3A_1111 : f32 to vector<16xf32>
    %mul3A_1113 = arith.mulf %sub3A_1110, %mul3A_1112 : vector<16xf32>
    %add3A_1114 = arith.constant 2.000000e+00 : f32
    %add3A_1115 = vector.broadcast %add3A_1114 : f32 to vector<16xf32>
    %add3A_1116 = arith.addf %add3A_1115, %mul3A_1113 : vector<16xf32>
    %convert_element_type3A_1117 = arith.fptosi %add3A_1116 : vector<16xf32> to vector<16xi32>
    %gt3A_1118 = arith.constant 0.000000e+00 : f32
    %gt3A_1119 = vector.broadcast %gt3A_1118 : f32 to vector<16xf32>
    %gt3A_1120 = arith.cmpf ogt, %get3A_1107, %gt3A_1119 : vector<16xf32>
    %select_n3A_1121 = arith.select %gt3A_1120, %broadcast_in_dim3A_5, %broadcast_in_dim3A_3 : vector<16xi1>, vector<16xf32>
    %shift_left3A_1122 = arith.constant 9 : i32
    %shift_left3A_1123 = vector.broadcast %shift_left3A_1122 : i32 to vector<16xi32>
    %shift_left3A_1124 = arith.shli %convert_element_type3A_1117, %shift_left3A_1123 : vector<16xi32>
    %add3A_1125 = arith.constant 192 : i32
    %add3A_1126 = vector.broadcast %add3A_1125 : i32 to vector<16xi32>
    %add3A_1127 = arith.addi %iota3A, %add3A_1126 : vector<16xi32>
    %add3A_1128 = arith.addi %shift_left3A_1124, %add3A_1127 : vector<16xi32>
    %swap3A_1129 = arith.constant 192 : index
    %swap3A_1130 = tpu.vector_load %arg9[%swap3A_1129] {strides = array<i32>} : memref<512xi32, #tpu.memory_space<vmem>>, vector<16xi32>,
    tpu.vector_store %arg9[%swap3A_1129], %add3A_1128 {strides = array<i32>} : memref<512xi32, #tpu.memory_space<vmem>>, vector<16xi32>,
    tpu.vector_store_idx %arg7[%add3A_1128], %select_n3A_1121 : memref<16384xf32, #tpu.memory_space<vmem>>[vector<16xi32>], vector<16xf32>,
    %get3A_1131 = arith.constant 720 : index
    %get3A_1132 = tpu.vector_load %arg5[%get3A_1131] {strides = array<i32>} : memref<65536xf32, #tpu.memory_space<vmem>>, vector<16xf32>,
    %sub3A_1133 = arith.constant 1.000000e+00 : f32
    %sub3A_1134 = vector.broadcast %sub3A_1133 : f32 to vector<16xf32>
    %sub3A_1135 = arith.subf %sub3A_1134, %get3A_1132 : vector<16xf32>
    %mul3A_1136 = arith.constant 2.900000e+01 : f32
    %mul3A_1137 = vector.broadcast %mul3A_1136 : f32 to vector<16xf32>
    %mul3A_1138 = arith.mulf %sub3A_1135, %mul3A_1137 : vector<16xf32>
    %add3A_1139 = arith.constant 2.000000e+00 : f32
    %add3A_1140 = vector.broadcast %add3A_1139 : f32 to vector<16xf32>
    %add3A_1141 = arith.addf %add3A_1140, %mul3A_1138 : vector<16xf32>
    %convert_element_type3A_1142 = arith.fptosi %add3A_1141 : vector<16xf32> to vector<16xi32>
    %gt3A_1143 = arith.constant 0.000000e+00 : f32
    %gt3A_1144 = vector.broadcast %gt3A_1143 : f32 to vector<16xf32>
    %gt3A_1145 = arith.cmpf ogt, %get3A_1132, %gt3A_1144 : vector<16xf32>
    %select_n3A_1146 = arith.select %gt3A_1145, %broadcast_in_dim3A_5, %broadcast_in_dim3A_3 : vector<16xi1>, vector<16xf32>
    %shift_left3A_1147 = arith.constant 9 : i32
    %shift_left3A_1148 = vector.broadcast %shift_left3A_1147 : i32 to vector<16xi32>
    %shift_left3A_1149 = arith.shli %convert_element_type3A_1142, %shift_left3A_1148 : vector<16xi32>
    %add3A_1150 = arith.constant 208 : i32
    %add3A_1151 = vector.broadcast %add3A_1150 : i32 to vector<16xi32>
    %add3A_1152 = arith.addi %iota3A, %add3A_1151 : vector<16xi32>
    %add3A_1153 = arith.addi %shift_left3A_1149, %add3A_1152 : vector<16xi32>
    %swap3A_1154 = arith.constant 208 : index
    %swap3A_1155 = tpu.vector_load %arg9[%swap3A_1154] {strides = array<i32>} : memref<512xi32, #tpu.memory_space<vmem>>, vector<16xi32>,
    tpu.vector_store %arg9[%swap3A_1154], %add3A_1153 {strides = array<i32>} : memref<512xi32, #tpu.memory_space<vmem>>, vector<16xi32>,
    tpu.vector_store_idx %arg7[%add3A_1153], %select_n3A_1146 : memref<16384xf32, #tpu.memory_space<vmem>>[vector<16xi32>], vector<16xf32>,
    %get3A_1156 = arith.constant 736 : index
    %get3A_1157 = tpu.vector_load %arg5[%get3A_1156] {strides = array<i32>} : memref<65536xf32, #tpu.memory_space<vmem>>, vector<16xf32>,
    %sub3A_1158 = arith.constant 1.000000e+00 : f32
    %sub3A_1159 = vector.broadcast %sub3A_1158 : f32 to vector<16xf32>
    %sub3A_1160 = arith.subf %sub3A_1159, %get3A_1157 : vector<16xf32>
    %mul3A_1161 = arith.constant 2.900000e+01 : f32
    %mul3A_1162 = vector.broadcast %mul3A_1161 : f32 to vector<16xf32>
    %mul3A_1163 = arith.mulf %sub3A_1160, %mul3A_1162 : vector<16xf32>
    %add3A_1164 = arith.constant 2.000000e+00 : f32
    %add3A_1165 = vector.broadcast %add3A_1164 : f32 to vector<16xf32>
    %add3A_1166 = arith.addf %add3A_1165, %mul3A_1163 : vector<16xf32>
    %convert_element_type3A_1167 = arith.fptosi %add3A_1166 : vector<16xf32> to vector<16xi32>
    %gt3A_1168 = arith.constant 0.000000e+00 : f32
    %gt3A_1169 = vector.broadcast %gt3A_1168 : f32 to vector<16xf32>
    %gt3A_1170 = arith.cmpf ogt, %get3A_1157, %gt3A_1169 : vector<16xf32>
    %select_n3A_1171 = arith.select %gt3A_1170, %broadcast_in_dim3A_5, %broadcast_in_dim3A_3 : vector<16xi1>, vector<16xf32>
    %shift_left3A_1172 = arith.constant 9 : i32
    %shift_left3A_1173 = vector.broadcast %shift_left3A_1172 : i32 to vector<16xi32>
    %shift_left3A_1174 = arith.shli %convert_element_type3A_1167, %shift_left3A_1173 : vector<16xi32>
    %add3A_1175 = arith.constant 224 : i32
    %add3A_1176 = vector.broadcast %add3A_1175 : i32 to vector<16xi32>
    %add3A_1177 = arith.addi %iota3A, %add3A_1176 : vector<16xi32>
    %add3A_1178 = arith.addi %shift_left3A_1174, %add3A_1177 : vector<16xi32>
    %swap3A_1179 = arith.constant 224 : index
    %swap3A_1180 = tpu.vector_load %arg9[%swap3A_1179] {strides = array<i32>} : memref<512xi32, #tpu.memory_space<vmem>>, vector<16xi32>,
    tpu.vector_store %arg9[%swap3A_1179], %add3A_1178 {strides = array<i32>} : memref<512xi32, #tpu.memory_space<vmem>>, vector<16xi32>,
    tpu.vector_store_idx %arg7[%add3A_1178], %select_n3A_1171 : memref<16384xf32, #tpu.memory_space<vmem>>[vector<16xi32>], vector<16xf32>,
    %get3A_1181 = arith.constant 752 : index
    %get3A_1182 = tpu.vector_load %arg5[%get3A_1181] {strides = array<i32>} : memref<65536xf32, #tpu.memory_space<vmem>>, vector<16xf32>,
    %sub3A_1183 = arith.constant 1.000000e+00 : f32
    %sub3A_1184 = vector.broadcast %sub3A_1183 : f32 to vector<16xf32>
    %sub3A_1185 = arith.subf %sub3A_1184, %get3A_1182 : vector<16xf32>
    %mul3A_1186 = arith.constant 2.900000e+01 : f32
    %mul3A_1187 = vector.broadcast %mul3A_1186 : f32 to vector<16xf32>
    %mul3A_1188 = arith.mulf %sub3A_1185, %mul3A_1187 : vector<16xf32>
    %add3A_1189 = arith.constant 2.000000e+00 : f32
    %add3A_1190 = vector.broadcast %add3A_1189 : f32 to vector<16xf32>
    %add3A_1191 = arith.addf %add3A_1190, %mul3A_1188 : vector<16xf32>
    %convert_element_type3A_1192 = arith.fptosi %add3A_1191 : vector<16xf32> to vector<16xi32>
    %gt3A_1193 = arith.constant 0.000000e+00 : f32
    %gt3A_1194 = vector.broadcast %gt3A_1193 : f32 to vector<16xf32>
    %gt3A_1195 = arith.cmpf ogt, %get3A_1182, %gt3A_1194 : vector<16xf32>
    %select_n3A_1196 = arith.select %gt3A_1195, %broadcast_in_dim3A_5, %broadcast_in_dim3A_3 : vector<16xi1>, vector<16xf32>
    %shift_left3A_1197 = arith.constant 9 : i32
    %shift_left3A_1198 = vector.broadcast %shift_left3A_1197 : i32 to vector<16xi32>
    %shift_left3A_1199 = arith.shli %convert_element_type3A_1192, %shift_left3A_1198 : vector<16xi32>
    %add3A_1200 = arith.constant 240 : i32
    %add3A_1201 = vector.broadcast %add3A_1200 : i32 to vector<16xi32>
    %add3A_1202 = arith.addi %iota3A, %add3A_1201 : vector<16xi32>
    %add3A_1203 = arith.addi %shift_left3A_1199, %add3A_1202 : vector<16xi32>
    %swap3A_1204 = arith.constant 240 : index
    %swap3A_1205 = tpu.vector_load %arg9[%swap3A_1204] {strides = array<i32>} : memref<512xi32, #tpu.memory_space<vmem>>, vector<16xi32>,
    tpu.vector_store %arg9[%swap3A_1204], %add3A_1203 {strides = array<i32>} : memref<512xi32, #tpu.memory_space<vmem>>, vector<16xi32>,
    tpu.vector_store_idx %arg7[%add3A_1203], %select_n3A_1196 : memref<16384xf32, #tpu.memory_space<vmem>>[vector<16xi32>], vector<16xf32>,
    %get3A_1206 = arith.constant 768 : index
    %get3A_1207 = tpu.vector_load %arg5[%get3A_1206] {strides = array<i32>} : memref<65536xf32, #tpu.memory_space<vmem>>, vector<16xf32>,
    %sub3A_1208 = arith.constant 1.000000e+00 : f32
    %sub3A_1209 = vector.broadcast %sub3A_1208 : f32 to vector<16xf32>
    %sub3A_1210 = arith.subf %sub3A_1209, %get3A_1207 : vector<16xf32>
    %mul3A_1211 = arith.constant 2.900000e+01 : f32
    %mul3A_1212 = vector.broadcast %mul3A_1211 : f32 to vector<16xf32>
    %mul3A_1213 = arith.mulf %sub3A_1210, %mul3A_1212 : vector<16xf32>
    %add3A_1214 = arith.constant 2.000000e+00 : f32
    %add3A_1215 = vector.broadcast %add3A_1214 : f32 to vector<16xf32>
    %add3A_1216 = arith.addf %add3A_1215, %mul3A_1213 : vector<16xf32>
    %convert_element_type3A_1217 = arith.fptosi %add3A_1216 : vector<16xf32> to vector<16xi32>
    %gt3A_1218 = arith.constant 0.000000e+00 : f32
    %gt3A_1219 = vector.broadcast %gt3A_1218 : f32 to vector<16xf32>
    %gt3A_1220 = arith.cmpf ogt, %get3A_1207, %gt3A_1219 : vector<16xf32>
    %select_n3A_1221 = arith.select %gt3A_1220, %broadcast_in_dim3A_5, %broadcast_in_dim3A_3 : vector<16xi1>, vector<16xf32>
    %shift_left3A_1222 = arith.constant 9 : i32
    %shift_left3A_1223 = vector.broadcast %shift_left3A_1222 : i32 to vector<16xi32>
    %shift_left3A_1224 = arith.shli %convert_element_type3A_1217, %shift_left3A_1223 : vector<16xi32>
    %add3A_1225 = arith.constant 256 : i32
    %add3A_1226 = vector.broadcast %add3A_1225 : i32 to vector<16xi32>
    %add3A_1227 = arith.addi %iota3A, %add3A_1226 : vector<16xi32>
    %add3A_1228 = arith.addi %shift_left3A_1224, %add3A_1227 : vector<16xi32>
    %swap3A_1229 = arith.constant 256 : index
    %swap3A_1230 = tpu.vector_load %arg9[%swap3A_1229] {strides = array<i32>} : memref<512xi32, #tpu.memory_space<vmem>>, vector<16xi32>,
    tpu.vector_store %arg9[%swap3A_1229], %add3A_1228 {strides = array<i32>} : memref<512xi32, #tpu.memory_space<vmem>>, vector<16xi32>,
    tpu.vector_store_idx %arg7[%add3A_1228], %select_n3A_1221 : memref<16384xf32, #tpu.memory_space<vmem>>[vector<16xi32>], vector<16xf32>,
    %get3A_1231 = arith.constant 784 : index
    %get3A_1232 = tpu.vector_load %arg5[%get3A_1231] {strides = array<i32>} : memref<65536xf32, #tpu.memory_space<vmem>>, vector<16xf32>,
    %sub3A_1233 = arith.constant 1.000000e+00 : f32
    %sub3A_1234 = vector.broadcast %sub3A_1233 : f32 to vector<16xf32>
    %sub3A_1235 = arith.subf %sub3A_1234, %get3A_1232 : vector<16xf32>
    %mul3A_1236 = arith.constant 2.900000e+01 : f32
    %mul3A_1237 = vector.broadcast %mul3A_1236 : f32 to vector<16xf32>
    %mul3A_1238 = arith.mulf %sub3A_1235, %mul3A_1237 : vector<16xf32>
    %add3A_1239 = arith.constant 2.000000e+00 : f32
    %add3A_1240 = vector.broadcast %add3A_1239 : f32 to vector<16xf32>
    %add3A_1241 = arith.addf %add3A_1240, %mul3A_1238 : vector<16xf32>
    %convert_element_type3A_1242 = arith.fptosi %add3A_1241 : vector<16xf32> to vector<16xi32>
    %gt3A_1243 = arith.constant 0.000000e+00 : f32
    %gt3A_1244 = vector.broadcast %gt3A_1243 : f32 to vector<16xf32>
    %gt3A_1245 = arith.cmpf ogt, %get3A_1232, %gt3A_1244 : vector<16xf32>
    %select_n3A_1246 = arith.select %gt3A_1245, %broadcast_in_dim3A_5, %broadcast_in_dim3A_3 : vector<16xi1>, vector<16xf32>
    %shift_left3A_1247 = arith.constant 9 : i32
    %shift_left3A_1248 = vector.broadcast %shift_left3A_1247 : i32 to vector<16xi32>
    %shift_left3A_1249 = arith.shli %convert_element_type3A_1242, %shift_left3A_1248 : vector<16xi32>
    %add3A_1250 = arith.constant 272 : i32
    %add3A_1251 = vector.broadcast %add3A_1250 : i32 to vector<16xi32>
    %add3A_1252 = arith.addi %iota3A, %add3A_1251 : vector<16xi32>
    %add3A_1253 = arith.addi %shift_left3A_1249, %add3A_1252 : vector<16xi32>
    %swap3A_1254 = arith.constant 272 : index
    %swap3A_1255 = tpu.vector_load %arg9[%swap3A_1254] {strides = array<i32>} : memref<512xi32, #tpu.memory_space<vmem>>, vector<16xi32>,
    tpu.vector_store %arg9[%swap3A_1254], %add3A_1253 {strides = array<i32>} : memref<512xi32, #tpu.memory_space<vmem>>, vector<16xi32>,
    tpu.vector_store_idx %arg7[%add3A_1253], %select_n3A_1246 : memref<16384xf32, #tpu.memory_space<vmem>>[vector<16xi32>], vector<16xf32>,
    %get3A_1256 = arith.constant 800 : index
    %get3A_1257 = tpu.vector_load %arg5[%get3A_1256] {strides = array<i32>} : memref<65536xf32, #tpu.memory_space<vmem>>, vector<16xf32>,
    %sub3A_1258 = arith.constant 1.000000e+00 : f32
    %sub3A_1259 = vector.broadcast %sub3A_1258 : f32 to vector<16xf32>
    %sub3A_1260 = arith.subf %sub3A_1259, %get3A_1257 : vector<16xf32>
    %mul3A_1261 = arith.constant 2.900000e+01 : f32
    %mul3A_1262 = vector.broadcast %mul3A_1261 : f32 to vector<16xf32>
    %mul3A_1263 = arith.mulf %sub3A_1260, %mul3A_1262 : vector<16xf32>
    %add3A_1264 = arith.constant 2.000000e+00 : f32
    %add3A_1265 = vector.broadcast %add3A_1264 : f32 to vector<16xf32>
    %add3A_1266 = arith.addf %add3A_1265, %mul3A_1263 : vector<16xf32>
    %convert_element_type3A_1267 = arith.fptosi %add3A_1266 : vector<16xf32> to vector<16xi32>
    %gt3A_1268 = arith.constant 0.000000e+00 : f32
    %gt3A_1269 = vector.broadcast %gt3A_1268 : f32 to vector<16xf32>
    %gt3A_1270 = arith.cmpf ogt, %get3A_1257, %gt3A_1269 : vector<16xf32>
    %select_n3A_1271 = arith.select %gt3A_1270, %broadcast_in_dim3A_5, %broadcast_in_dim3A_3 : vector<16xi1>, vector<16xf32>
    %shift_left3A_1272 = arith.constant 9 : i32
    %shift_left3A_1273 = vector.broadcast %shift_left3A_1272 : i32 to vector<16xi32>
    %shift_left3A_1274 = arith.shli %convert_element_type3A_1267, %shift_left3A_1273 : vector<16xi32>
    %add3A_1275 = arith.constant 288 : i32
    %add3A_1276 = vector.broadcast %add3A_1275 : i32 to vector<16xi32>
    %add3A_1277 = arith.addi %iota3A, %add3A_1276 : vector<16xi32>
    %add3A_1278 = arith.addi %shift_left3A_1274, %add3A_1277 : vector<16xi32>
    %swap3A_1279 = arith.constant 288 : index
    %swap3A_1280 = tpu.vector_load %arg9[%swap3A_1279] {strides = array<i32>} : memref<512xi32, #tpu.memory_space<vmem>>, vector<16xi32>,
    tpu.vector_store %arg9[%swap3A_1279], %add3A_1278 {strides = array<i32>} : memref<512xi32, #tpu.memory_space<vmem>>, vector<16xi32>,
    tpu.vector_store_idx %arg7[%add3A_1278], %select_n3A_1271 : memref<16384xf32, #tpu.memory_space<vmem>>[vector<16xi32>], vector<16xf32>,
    %get3A_1281 = arith.constant 816 : index
    %get3A_1282 = tpu.vector_load %arg5[%get3A_1281] {strides = array<i32>} : memref<65536xf32, #tpu.memory_space<vmem>>, vector<16xf32>,
    %sub3A_1283 = arith.constant 1.000000e+00 : f32
    %sub3A_1284 = vector.broadcast %sub3A_1283 : f32 to vector<16xf32>
    %sub3A_1285 = arith.subf %sub3A_1284, %get3A_1282 : vector<16xf32>
    %mul3A_1286 = arith.constant 2.900000e+01 : f32
    %mul3A_1287 = vector.broadcast %mul3A_1286 : f32 to vector<16xf32>
    %mul3A_1288 = arith.mulf %sub3A_1285, %mul3A_1287 : vector<16xf32>
    %add3A_1289 = arith.constant 2.000000e+00 : f32
    %add3A_1290 = vector.broadcast %add3A_1289 : f32 to vector<16xf32>
    %add3A_1291 = arith.addf %add3A_1290, %mul3A_1288 : vector<16xf32>
    %convert_element_type3A_1292 = arith.fptosi %add3A_1291 : vector<16xf32> to vector<16xi32>
    %gt3A_1293 = arith.constant 0.000000e+00 : f32
    %gt3A_1294 = vector.broadcast %gt3A_1293 : f32 to vector<16xf32>
    %gt3A_1295 = arith.cmpf ogt, %get3A_1282, %gt3A_1294 : vector<16xf32>
    %select_n3A_1296 = arith.select %gt3A_1295, %broadcast_in_dim3A_5, %broadcast_in_dim3A_3 : vector<16xi1>, vector<16xf32>
    %shift_left3A_1297 = arith.constant 9 : i32
    %shift_left3A_1298 = vector.broadcast %shift_left3A_1297 : i32 to vector<16xi32>
    %shift_left3A_1299 = arith.shli %convert_element_type3A_1292, %shift_left3A_1298 : vector<16xi32>
    %add3A_1300 = arith.constant 304 : i32
    %add3A_1301 = vector.broadcast %add3A_1300 : i32 to vector<16xi32>
    %add3A_1302 = arith.addi %iota3A, %add3A_1301 : vector<16xi32>
    %add3A_1303 = arith.addi %shift_left3A_1299, %add3A_1302 : vector<16xi32>
    %swap3A_1304 = arith.constant 304 : index
    %swap3A_1305 = tpu.vector_load %arg9[%swap3A_1304] {strides = array<i32>} : memref<512xi32, #tpu.memory_space<vmem>>, vector<16xi32>,
    tpu.vector_store %arg9[%swap3A_1304], %add3A_1303 {strides = array<i32>} : memref<512xi32, #tpu.memory_space<vmem>>, vector<16xi32>,
    tpu.vector_store_idx %arg7[%add3A_1303], %select_n3A_1296 : memref<16384xf32, #tpu.memory_space<vmem>>[vector<16xi32>], vector<16xf32>,
    %get3A_1306 = arith.constant 832 : index
    %get3A_1307 = tpu.vector_load %arg5[%get3A_1306] {strides = array<i32>} : memref<65536xf32, #tpu.memory_space<vmem>>, vector<16xf32>,
    %sub3A_1308 = arith.constant 1.000000e+00 : f32
    %sub3A_1309 = vector.broadcast %sub3A_1308 : f32 to vector<16xf32>
    %sub3A_1310 = arith.subf %sub3A_1309, %get3A_1307 : vector<16xf32>
    %mul3A_1311 = arith.constant 2.900000e+01 : f32
    %mul3A_1312 = vector.broadcast %mul3A_1311 : f32 to vector<16xf32>
    %mul3A_1313 = arith.mulf %sub3A_1310, %mul3A_1312 : vector<16xf32>
    %add3A_1314 = arith.constant 2.000000e+00 : f32
    %add3A_1315 = vector.broadcast %add3A_1314 : f32 to vector<16xf32>
    %add3A_1316 = arith.addf %add3A_1315, %mul3A_1313 : vector<16xf32>
    %convert_element_type3A_1317 = arith.fptosi %add3A_1316 : vector<16xf32> to vector<16xi32>
    %gt3A_1318 = arith.constant 0.000000e+00 : f32
    %gt3A_1319 = vector.broadcast %gt3A_1318 : f32 to vector<16xf32>
    %gt3A_1320 = arith.cmpf ogt, %get3A_1307, %gt3A_1319 : vector<16xf32>
    %select_n3A_1321 = arith.select %gt3A_1320, %broadcast_in_dim3A_5, %broadcast_in_dim3A_3 : vector<16xi1>, vector<16xf32>
    %shift_left3A_1322 = arith.constant 9 : i32
    %shift_left3A_1323 = vector.broadcast %shift_left3A_1322 : i32 to vector<16xi32>
    %shift_left3A_1324 = arith.shli %convert_element_type3A_1317, %shift_left3A_1323 : vector<16xi32>
    %add3A_1325 = arith.constant 320 : i32
    %add3A_1326 = vector.broadcast %add3A_1325 : i32 to vector<16xi32>
    %add3A_1327 = arith.addi %iota3A, %add3A_1326 : vector<16xi32>
    %add3A_1328 = arith.addi %shift_left3A_1324, %add3A_1327 : vector<16xi32>
    %swap3A_1329 = arith.constant 320 : index
    %swap3A_1330 = tpu.vector_load %arg9[%swap3A_1329] {strides = array<i32>} : memref<512xi32, #tpu.memory_space<vmem>>, vector<16xi32>,
    tpu.vector_store %arg9[%swap3A_1329], %add3A_1328 {strides = array<i32>} : memref<512xi32, #tpu.memory_space<vmem>>, vector<16xi32>,
    tpu.vector_store_idx %arg7[%add3A_1328], %select_n3A_1321 : memref<16384xf32, #tpu.memory_space<vmem>>[vector<16xi32>], vector<16xf32>,
    %get3A_1331 = arith.constant 848 : index
    %get3A_1332 = tpu.vector_load %arg5[%get3A_1331] {strides = array<i32>} : memref<65536xf32, #tpu.memory_space<vmem>>, vector<16xf32>,
    %sub3A_1333 = arith.constant 1.000000e+00 : f32
    %sub3A_1334 = vector.broadcast %sub3A_1333 : f32 to vector<16xf32>
    %sub3A_1335 = arith.subf %sub3A_1334, %get3A_1332 : vector<16xf32>
    %mul3A_1336 = arith.constant 2.900000e+01 : f32
    %mul3A_1337 = vector.broadcast %mul3A_1336 : f32 to vector<16xf32>
    %mul3A_1338 = arith.mulf %sub3A_1335, %mul3A_1337 : vector<16xf32>
    %add3A_1339 = arith.constant 2.000000e+00 : f32
    %add3A_1340 = vector.broadcast %add3A_1339 : f32 to vector<16xf32>
    %add3A_1341 = arith.addf %add3A_1340, %mul3A_1338 : vector<16xf32>
    %convert_element_type3A_1342 = arith.fptosi %add3A_1341 : vector<16xf32> to vector<16xi32>
    %gt3A_1343 = arith.constant 0.000000e+00 : f32
    %gt3A_1344 = vector.broadcast %gt3A_1343 : f32 to vector<16xf32>
    %gt3A_1345 = arith.cmpf ogt, %get3A_1332, %gt3A_1344 : vector<16xf32>
    %select_n3A_1346 = arith.select %gt3A_1345, %broadcast_in_dim3A_5, %broadcast_in_dim3A_3 : vector<16xi1>, vector<16xf32>
    %shift_left3A_1347 = arith.constant 9 : i32
    %shift_left3A_1348 = vector.broadcast %shift_left3A_1347 : i32 to vector<16xi32>
    %shift_left3A_1349 = arith.shli %convert_element_type3A_1342, %shift_left3A_1348 : vector<16xi32>
    %add3A_1350 = arith.constant 336 : i32
    %add3A_1351 = vector.broadcast %add3A_1350 : i32 to vector<16xi32>
    %add3A_1352 = arith.addi %iota3A, %add3A_1351 : vector<16xi32>
    %add3A_1353 = arith.addi %shift_left3A_1349, %add3A_1352 : vector<16xi32>
    %swap3A_1354 = arith.constant 336 : index
    %swap3A_1355 = tpu.vector_load %arg9[%swap3A_1354] {strides = array<i32>} : memref<512xi32, #tpu.memory_space<vmem>>, vector<16xi32>,
    tpu.vector_store %arg9[%swap3A_1354], %add3A_1353 {strides = array<i32>} : memref<512xi32, #tpu.memory_space<vmem>>, vector<16xi32>,
    tpu.vector_store_idx %arg7[%add3A_1353], %select_n3A_1346 : memref<16384xf32, #tpu.memory_space<vmem>>[vector<16xi32>], vector<16xf32>,
    %get3A_1356 = arith.constant 864 : index
    %get3A_1357 = tpu.vector_load %arg5[%get3A_1356] {strides = array<i32>} : memref<65536xf32, #tpu.memory_space<vmem>>, vector<16xf32>,
    %sub3A_1358 = arith.constant 1.000000e+00 : f32
    %sub3A_1359 = vector.broadcast %sub3A_1358 : f32 to vector<16xf32>
    %sub3A_1360 = arith.subf %sub3A_1359, %get3A_1357 : vector<16xf32>
    %mul3A_1361 = arith.constant 2.900000e+01 : f32
    %mul3A_1362 = vector.broadcast %mul3A_1361 : f32 to vector<16xf32>
    %mul3A_1363 = arith.mulf %sub3A_1360, %mul3A_1362 : vector<16xf32>
    %add3A_1364 = arith.constant 2.000000e+00 : f32
    %add3A_1365 = vector.broadcast %add3A_1364 : f32 to vector<16xf32>
    %add3A_1366 = arith.addf %add3A_1365, %mul3A_1363 : vector<16xf32>
    %convert_element_type3A_1367 = arith.fptosi %add3A_1366 : vector<16xf32> to vector<16xi32>
    %gt3A_1368 = arith.constant 0.000000e+00 : f32
    %gt3A_1369 = vector.broadcast %gt3A_1368 : f32 to vector<16xf32>
    %gt3A_1370 = arith.cmpf ogt, %get3A_1357, %gt3A_1369 : vector<16xf32>
    %select_n3A_1371 = arith.select %gt3A_1370, %broadcast_in_dim3A_5, %broadcast_in_dim3A_3 : vector<16xi1>, vector<16xf32>
    %shift_left3A_1372 = arith.constant 9 : i32
    %shift_left3A_1373 = vector.broadcast %shift_left3A_1372 : i32 to vector<16xi32>
    %shift_left3A_1374 = arith.shli %convert_element_type3A_1367, %shift_left3A_1373 : vector<16xi32>
    %add3A_1375 = arith.constant 352 : i32
    %add3A_1376 = vector.broadcast %add3A_1375 : i32 to vector<16xi32>
    %add3A_1377 = arith.addi %iota3A, %add3A_1376 : vector<16xi32>
    %add3A_1378 = arith.addi %shift_left3A_1374, %add3A_1377 : vector<16xi32>
    %swap3A_1379 = arith.constant 352 : index
    %swap3A_1380 = tpu.vector_load %arg9[%swap3A_1379] {strides = array<i32>} : memref<512xi32, #tpu.memory_space<vmem>>, vector<16xi32>,
    tpu.vector_store %arg9[%swap3A_1379], %add3A_1378 {strides = array<i32>} : memref<512xi32, #tpu.memory_space<vmem>>, vector<16xi32>,
    tpu.vector_store_idx %arg7[%add3A_1378], %select_n3A_1371 : memref<16384xf32, #tpu.memory_space<vmem>>[vector<16xi32>], vector<16xf32>,
    %get3A_1381 = arith.constant 880 : index
    %get3A_1382 = tpu.vector_load %arg5[%get3A_1381] {strides = array<i32>} : memref<65536xf32, #tpu.memory_space<vmem>>, vector<16xf32>,
    %sub3A_1383 = arith.constant 1.000000e+00 : f32
    %sub3A_1384 = vector.broadcast %sub3A_1383 : f32 to vector<16xf32>
    %sub3A_1385 = arith.subf %sub3A_1384, %get3A_1382 : vector<16xf32>
    %mul3A_1386 = arith.constant 2.900000e+01 : f32
    %mul3A_1387 = vector.broadcast %mul3A_1386 : f32 to vector<16xf32>
    %mul3A_1388 = arith.mulf %sub3A_1385, %mul3A_1387 : vector<16xf32>
    %add3A_1389 = arith.constant 2.000000e+00 : f32
    %add3A_1390 = vector.broadcast %add3A_1389 : f32 to vector<16xf32>
    %add3A_1391 = arith.addf %add3A_1390, %mul3A_1388 : vector<16xf32>
    %convert_element_type3A_1392 = arith.fptosi %add3A_1391 : vector<16xf32> to vector<16xi32>
    %gt3A_1393 = arith.constant 0.000000e+00 : f32
    %gt3A_1394 = vector.broadcast %gt3A_1393 : f32 to vector<16xf32>
    %gt3A_1395 = arith.cmpf ogt, %get3A_1382, %gt3A_1394 : vector<16xf32>
    %select_n3A_1396 = arith.select %gt3A_1395, %broadcast_in_dim3A_5, %broadcast_in_dim3A_3 : vector<16xi1>, vector<16xf32>
    %shift_left3A_1397 = arith.constant 9 : i32
    %shift_left3A_1398 = vector.broadcast %shift_left3A_1397 : i32 to vector<16xi32>
    %shift_left3A_1399 = arith.shli %convert_element_type3A_1392, %shift_left3A_1398 : vector<16xi32>
    %add3A_1400 = arith.constant 368 : i32
    %add3A_1401 = vector.broadcast %add3A_1400 : i32 to vector<16xi32>
    %add3A_1402 = arith.addi %iota3A, %add3A_1401 : vector<16xi32>
    %add3A_1403 = arith.addi %shift_left3A_1399, %add3A_1402 : vector<16xi32>
    %swap3A_1404 = arith.constant 368 : index
    %swap3A_1405 = tpu.vector_load %arg9[%swap3A_1404] {strides = array<i32>} : memref<512xi32, #tpu.memory_space<vmem>>, vector<16xi32>,
    tpu.vector_store %arg9[%swap3A_1404], %add3A_1403 {strides = array<i32>} : memref<512xi32, #tpu.memory_space<vmem>>, vector<16xi32>,
    tpu.vector_store_idx %arg7[%add3A_1403], %select_n3A_1396 : memref<16384xf32, #tpu.memory_space<vmem>>[vector<16xi32>], vector<16xf32>,
    %get3A_1406 = arith.constant 896 : index
    %get3A_1407 = tpu.vector_load %arg5[%get3A_1406] {strides = array<i32>} : memref<65536xf32, #tpu.memory_space<vmem>>, vector<16xf32>,
    %sub3A_1408 = arith.constant 1.000000e+00 : f32
    %sub3A_1409 = vector.broadcast %sub3A_1408 : f32 to vector<16xf32>
    %sub3A_1410 = arith.subf %sub3A_1409, %get3A_1407 : vector<16xf32>
    %mul3A_1411 = arith.constant 2.900000e+01 : f32
    %mul3A_1412 = vector.broadcast %mul3A_1411 : f32 to vector<16xf32>
    %mul3A_1413 = arith.mulf %sub3A_1410, %mul3A_1412 : vector<16xf32>
    %add3A_1414 = arith.constant 2.000000e+00 : f32
    %add3A_1415 = vector.broadcast %add3A_1414 : f32 to vector<16xf32>
    %add3A_1416 = arith.addf %add3A_1415, %mul3A_1413 : vector<16xf32>
    %convert_element_type3A_1417 = arith.fptosi %add3A_1416 : vector<16xf32> to vector<16xi32>
    %gt3A_1418 = arith.constant 0.000000e+00 : f32
    %gt3A_1419 = vector.broadcast %gt3A_1418 : f32 to vector<16xf32>
    %gt3A_1420 = arith.cmpf ogt, %get3A_1407, %gt3A_1419 : vector<16xf32>
    %select_n3A_1421 = arith.select %gt3A_1420, %broadcast_in_dim3A_5, %broadcast_in_dim3A_3 : vector<16xi1>, vector<16xf32>
    %shift_left3A_1422 = arith.constant 9 : i32
    %shift_left3A_1423 = vector.broadcast %shift_left3A_1422 : i32 to vector<16xi32>
    %shift_left3A_1424 = arith.shli %convert_element_type3A_1417, %shift_left3A_1423 : vector<16xi32>
    %add3A_1425 = arith.constant 384 : i32
    %add3A_1426 = vector.broadcast %add3A_1425 : i32 to vector<16xi32>
    %add3A_1427 = arith.addi %iota3A, %add3A_1426 : vector<16xi32>
    %add3A_1428 = arith.addi %shift_left3A_1424, %add3A_1427 : vector<16xi32>
    %swap3A_1429 = arith.constant 384 : index
    %swap3A_1430 = tpu.vector_load %arg9[%swap3A_1429] {strides = array<i32>} : memref<512xi32, #tpu.memory_space<vmem>>, vector<16xi32>,
    tpu.vector_store %arg9[%swap3A_1429], %add3A_1428 {strides = array<i32>} : memref<512xi32, #tpu.memory_space<vmem>>, vector<16xi32>,
    tpu.vector_store_idx %arg7[%add3A_1428], %select_n3A_1421 : memref<16384xf32, #tpu.memory_space<vmem>>[vector<16xi32>], vector<16xf32>,
    %get3A_1431 = arith.constant 912 : index
    %get3A_1432 = tpu.vector_load %arg5[%get3A_1431] {strides = array<i32>} : memref<65536xf32, #tpu.memory_space<vmem>>, vector<16xf32>,
    %sub3A_1433 = arith.constant 1.000000e+00 : f32
    %sub3A_1434 = vector.broadcast %sub3A_1433 : f32 to vector<16xf32>
    %sub3A_1435 = arith.subf %sub3A_1434, %get3A_1432 : vector<16xf32>
    %mul3A_1436 = arith.constant 2.900000e+01 : f32
    %mul3A_1437 = vector.broadcast %mul3A_1436 : f32 to vector<16xf32>
    %mul3A_1438 = arith.mulf %sub3A_1435, %mul3A_1437 : vector<16xf32>
    %add3A_1439 = arith.constant 2.000000e+00 : f32
    %add3A_1440 = vector.broadcast %add3A_1439 : f32 to vector<16xf32>
    %add3A_1441 = arith.addf %add3A_1440, %mul3A_1438 : vector<16xf32>
    %convert_element_type3A_1442 = arith.fptosi %add3A_1441 : vector<16xf32> to vector<16xi32>
    %gt3A_1443 = arith.constant 0.000000e+00 : f32
    %gt3A_1444 = vector.broadcast %gt3A_1443 : f32 to vector<16xf32>
    %gt3A_1445 = arith.cmpf ogt, %get3A_1432, %gt3A_1444 : vector<16xf32>
    %select_n3A_1446 = arith.select %gt3A_1445, %broadcast_in_dim3A_5, %broadcast_in_dim3A_3 : vector<16xi1>, vector<16xf32>
    %shift_left3A_1447 = arith.constant 9 : i32
    %shift_left3A_1448 = vector.broadcast %shift_left3A_1447 : i32 to vector<16xi32>
    %shift_left3A_1449 = arith.shli %convert_element_type3A_1442, %shift_left3A_1448 : vector<16xi32>
    %add3A_1450 = arith.constant 400 : i32
    %add3A_1451 = vector.broadcast %add3A_1450 : i32 to vector<16xi32>
    %add3A_1452 = arith.addi %iota3A, %add3A_1451 : vector<16xi32>
    %add3A_1453 = arith.addi %shift_left3A_1449, %add3A_1452 : vector<16xi32>
    %swap3A_1454 = arith.constant 400 : index
    %swap3A_1455 = tpu.vector_load %arg9[%swap3A_1454] {strides = array<i32>} : memref<512xi32, #tpu.memory_space<vmem>>, vector<16xi32>,
    tpu.vector_store %arg9[%swap3A_1454], %add3A_1453 {strides = array<i32>} : memref<512xi32, #tpu.memory_space<vmem>>, vector<16xi32>,
    tpu.vector_store_idx %arg7[%add3A_1453], %select_n3A_1446 : memref<16384xf32, #tpu.memory_space<vmem>>[vector<16xi32>], vector<16xf32>,
    %get3A_1456 = arith.constant 928 : index
    %get3A_1457 = tpu.vector_load %arg5[%get3A_1456] {strides = array<i32>} : memref<65536xf32, #tpu.memory_space<vmem>>, vector<16xf32>,
    %sub3A_1458 = arith.constant 1.000000e+00 : f32
    %sub3A_1459 = vector.broadcast %sub3A_1458 : f32 to vector<16xf32>
    %sub3A_1460 = arith.subf %sub3A_1459, %get3A_1457 : vector<16xf32>
    %mul3A_1461 = arith.constant 2.900000e+01 : f32
    %mul3A_1462 = vector.broadcast %mul3A_1461 : f32 to vector<16xf32>
    %mul3A_1463 = arith.mulf %sub3A_1460, %mul3A_1462 : vector<16xf32>
    %add3A_1464 = arith.constant 2.000000e+00 : f32
    %add3A_1465 = vector.broadcast %add3A_1464 : f32 to vector<16xf32>
    %add3A_1466 = arith.addf %add3A_1465, %mul3A_1463 : vector<16xf32>
    %convert_element_type3A_1467 = arith.fptosi %add3A_1466 : vector<16xf32> to vector<16xi32>
    %gt3A_1468 = arith.constant 0.000000e+00 : f32
    %gt3A_1469 = vector.broadcast %gt3A_1468 : f32 to vector<16xf32>
    %gt3A_1470 = arith.cmpf ogt, %get3A_1457, %gt3A_1469 : vector<16xf32>
    %select_n3A_1471 = arith.select %gt3A_1470, %broadcast_in_dim3A_5, %broadcast_in_dim3A_3 : vector<16xi1>, vector<16xf32>
    %shift_left3A_1472 = arith.constant 9 : i32
    %shift_left3A_1473 = vector.broadcast %shift_left3A_1472 : i32 to vector<16xi32>
    %shift_left3A_1474 = arith.shli %convert_element_type3A_1467, %shift_left3A_1473 : vector<16xi32>
    %add3A_1475 = arith.constant 416 : i32
    %add3A_1476 = vector.broadcast %add3A_1475 : i32 to vector<16xi32>
    %add3A_1477 = arith.addi %iota3A, %add3A_1476 : vector<16xi32>
    %add3A_1478 = arith.addi %shift_left3A_1474, %add3A_1477 : vector<16xi32>
    %swap3A_1479 = arith.constant 416 : index
    %swap3A_1480 = tpu.vector_load %arg9[%swap3A_1479] {strides = array<i32>} : memref<512xi32, #tpu.memory_space<vmem>>, vector<16xi32>,
    tpu.vector_store %arg9[%swap3A_1479], %add3A_1478 {strides = array<i32>} : memref<512xi32, #tpu.memory_space<vmem>>, vector<16xi32>,
    tpu.vector_store_idx %arg7[%add3A_1478], %select_n3A_1471 : memref<16384xf32, #tpu.memory_space<vmem>>[vector<16xi32>], vector<16xf32>,
    %get3A_1481 = arith.constant 944 : index
    %get3A_1482 = tpu.vector_load %arg5[%get3A_1481] {strides = array<i32>} : memref<65536xf32, #tpu.memory_space<vmem>>, vector<16xf32>,
    %sub3A_1483 = arith.constant 1.000000e+00 : f32
    %sub3A_1484 = vector.broadcast %sub3A_1483 : f32 to vector<16xf32>
    %sub3A_1485 = arith.subf %sub3A_1484, %get3A_1482 : vector<16xf32>
    %mul3A_1486 = arith.constant 2.900000e+01 : f32
    %mul3A_1487 = vector.broadcast %mul3A_1486 : f32 to vector<16xf32>
    %mul3A_1488 = arith.mulf %sub3A_1485, %mul3A_1487 : vector<16xf32>
    %add3A_1489 = arith.constant 2.000000e+00 : f32
    %add3A_1490 = vector.broadcast %add3A_1489 : f32 to vector<16xf32>
    %add3A_1491 = arith.addf %add3A_1490, %mul3A_1488 : vector<16xf32>
    %convert_element_type3A_1492 = arith.fptosi %add3A_1491 : vector<16xf32> to vector<16xi32>
    %gt3A_1493 = arith.constant 0.000000e+00 : f32
    %gt3A_1494 = vector.broadcast %gt3A_1493 : f32 to vector<16xf32>
    %gt3A_1495 = arith.cmpf ogt, %get3A_1482, %gt3A_1494 : vector<16xf32>
    %select_n3A_1496 = arith.select %gt3A_1495, %broadcast_in_dim3A_5, %broadcast_in_dim3A_3 : vector<16xi1>, vector<16xf32>
    %shift_left3A_1497 = arith.constant 9 : i32
    %shift_left3A_1498 = vector.broadcast %shift_left3A_1497 : i32 to vector<16xi32>
    %shift_left3A_1499 = arith.shli %convert_element_type3A_1492, %shift_left3A_1498 : vector<16xi32>
    %add3A_1500 = arith.constant 432 : i32
    %add3A_1501 = vector.broadcast %add3A_1500 : i32 to vector<16xi32>
    %add3A_1502 = arith.addi %iota3A, %add3A_1501 : vector<16xi32>
    %add3A_1503 = arith.addi %shift_left3A_1499, %add3A_1502 : vector<16xi32>
    %swap3A_1504 = arith.constant 432 : index
    %swap3A_1505 = tpu.vector_load %arg9[%swap3A_1504] {strides = array<i32>} : memref<512xi32, #tpu.memory_space<vmem>>, vector<16xi32>,
    tpu.vector_store %arg9[%swap3A_1504], %add3A_1503 {strides = array<i32>} : memref<512xi32, #tpu.memory_space<vmem>>, vector<16xi32>,
    tpu.vector_store_idx %arg7[%add3A_1503], %select_n3A_1496 : memref<16384xf32, #tpu.memory_space<vmem>>[vector<16xi32>], vector<16xf32>,
    %get3A_1506 = arith.constant 960 : index
    %get3A_1507 = tpu.vector_load %arg5[%get3A_1506] {strides = array<i32>} : memref<65536xf32, #tpu.memory_space<vmem>>, vector<16xf32>,
    %sub3A_1508 = arith.constant 1.000000e+00 : f32
    %sub3A_1509 = vector.broadcast %sub3A_1508 : f32 to vector<16xf32>
    %sub3A_1510 = arith.subf %sub3A_1509, %get3A_1507 : vector<16xf32>
    %mul3A_1511 = arith.constant 2.900000e+01 : f32
    %mul3A_1512 = vector.broadcast %mul3A_1511 : f32 to vector<16xf32>
    %mul3A_1513 = arith.mulf %sub3A_1510, %mul3A_1512 : vector<16xf32>
    %add3A_1514 = arith.constant 2.000000e+00 : f32
    %add3A_1515 = vector.broadcast %add3A_1514 : f32 to vector<16xf32>
    %add3A_1516 = arith.addf %add3A_1515, %mul3A_1513 : vector<16xf32>
    %convert_element_type3A_1517 = arith.fptosi %add3A_1516 : vector<16xf32> to vector<16xi32>
    %gt3A_1518 = arith.constant 0.000000e+00 : f32
    %gt3A_1519 = vector.broadcast %gt3A_1518 : f32 to vector<16xf32>
    %gt3A_1520 = arith.cmpf ogt, %get3A_1507, %gt3A_1519 : vector<16xf32>
    %select_n3A_1521 = arith.select %gt3A_1520, %broadcast_in_dim3A_5, %broadcast_in_dim3A_3 : vector<16xi1>, vector<16xf32>
    %shift_left3A_1522 = arith.constant 9 : i32
    %shift_left3A_1523 = vector.broadcast %shift_left3A_1522 : i32 to vector<16xi32>
    %shift_left3A_1524 = arith.shli %convert_element_type3A_1517, %shift_left3A_1523 : vector<16xi32>
    %add3A_1525 = arith.constant 448 : i32
    %add3A_1526 = vector.broadcast %add3A_1525 : i32 to vector<16xi32>
    %add3A_1527 = arith.addi %iota3A, %add3A_1526 : vector<16xi32>
    %add3A_1528 = arith.addi %shift_left3A_1524, %add3A_1527 : vector<16xi32>
    %swap3A_1529 = arith.constant 448 : index
    %swap3A_1530 = tpu.vector_load %arg9[%swap3A_1529] {strides = array<i32>} : memref<512xi32, #tpu.memory_space<vmem>>, vector<16xi32>,
    tpu.vector_store %arg9[%swap3A_1529], %add3A_1528 {strides = array<i32>} : memref<512xi32, #tpu.memory_space<vmem>>, vector<16xi32>,
    tpu.vector_store_idx %arg7[%add3A_1528], %select_n3A_1521 : memref<16384xf32, #tpu.memory_space<vmem>>[vector<16xi32>], vector<16xf32>,
    %get3A_1531 = arith.constant 976 : index
    %get3A_1532 = tpu.vector_load %arg5[%get3A_1531] {strides = array<i32>} : memref<65536xf32, #tpu.memory_space<vmem>>, vector<16xf32>,
    %sub3A_1533 = arith.constant 1.000000e+00 : f32
    %sub3A_1534 = vector.broadcast %sub3A_1533 : f32 to vector<16xf32>
    %sub3A_1535 = arith.subf %sub3A_1534, %get3A_1532 : vector<16xf32>
    %mul3A_1536 = arith.constant 2.900000e+01 : f32
    %mul3A_1537 = vector.broadcast %mul3A_1536 : f32 to vector<16xf32>
    %mul3A_1538 = arith.mulf %sub3A_1535, %mul3A_1537 : vector<16xf32>
    %add3A_1539 = arith.constant 2.000000e+00 : f32
    %add3A_1540 = vector.broadcast %add3A_1539 : f32 to vector<16xf32>
    %add3A_1541 = arith.addf %add3A_1540, %mul3A_1538 : vector<16xf32>
    %convert_element_type3A_1542 = arith.fptosi %add3A_1541 : vector<16xf32> to vector<16xi32>
    %gt3A_1543 = arith.constant 0.000000e+00 : f32
    %gt3A_1544 = vector.broadcast %gt3A_1543 : f32 to vector<16xf32>
    %gt3A_1545 = arith.cmpf ogt, %get3A_1532, %gt3A_1544 : vector<16xf32>
    %select_n3A_1546 = arith.select %gt3A_1545, %broadcast_in_dim3A_5, %broadcast_in_dim3A_3 : vector<16xi1>, vector<16xf32>
    %shift_left3A_1547 = arith.constant 9 : i32
    %shift_left3A_1548 = vector.broadcast %shift_left3A_1547 : i32 to vector<16xi32>
    %shift_left3A_1549 = arith.shli %convert_element_type3A_1542, %shift_left3A_1548 : vector<16xi32>
    %add3A_1550 = arith.constant 464 : i32
    %add3A_1551 = vector.broadcast %add3A_1550 : i32 to vector<16xi32>
    %add3A_1552 = arith.addi %iota3A, %add3A_1551 : vector<16xi32>
    %add3A_1553 = arith.addi %shift_left3A_1549, %add3A_1552 : vector<16xi32>
    %swap3A_1554 = arith.constant 464 : index
    %swap3A_1555 = tpu.vector_load %arg9[%swap3A_1554] {strides = array<i32>} : memref<512xi32, #tpu.memory_space<vmem>>, vector<16xi32>,
    tpu.vector_store %arg9[%swap3A_1554], %add3A_1553 {strides = array<i32>} : memref<512xi32, #tpu.memory_space<vmem>>, vector<16xi32>,
    tpu.vector_store_idx %arg7[%add3A_1553], %select_n3A_1546 : memref<16384xf32, #tpu.memory_space<vmem>>[vector<16xi32>], vector<16xf32>,
    %get3A_1556 = arith.constant 992 : index
    %get3A_1557 = tpu.vector_load %arg5[%get3A_1556] {strides = array<i32>} : memref<65536xf32, #tpu.memory_space<vmem>>, vector<16xf32>,
    %sub3A_1558 = arith.constant 1.000000e+00 : f32
    %sub3A_1559 = vector.broadcast %sub3A_1558 : f32 to vector<16xf32>
    %sub3A_1560 = arith.subf %sub3A_1559, %get3A_1557 : vector<16xf32>
    %mul3A_1561 = arith.constant 2.900000e+01 : f32
    %mul3A_1562 = vector.broadcast %mul3A_1561 : f32 to vector<16xf32>
    %mul3A_1563 = arith.mulf %sub3A_1560, %mul3A_1562 : vector<16xf32>
    %add3A_1564 = arith.constant 2.000000e+00 : f32
    %add3A_1565 = vector.broadcast %add3A_1564 : f32 to vector<16xf32>
    %add3A_1566 = arith.addf %add3A_1565, %mul3A_1563 : vector<16xf32>
    %convert_element_type3A_1567 = arith.fptosi %add3A_1566 : vector<16xf32> to vector<16xi32>
    %gt3A_1568 = arith.constant 0.000000e+00 : f32
    %gt3A_1569 = vector.broadcast %gt3A_1568 : f32 to vector<16xf32>
    %gt3A_1570 = arith.cmpf ogt, %get3A_1557, %gt3A_1569 : vector<16xf32>
    %select_n3A_1571 = arith.select %gt3A_1570, %broadcast_in_dim3A_5, %broadcast_in_dim3A_3 : vector<16xi1>, vector<16xf32>
    %shift_left3A_1572 = arith.constant 9 : i32
    %shift_left3A_1573 = vector.broadcast %shift_left3A_1572 : i32 to vector<16xi32>
    %shift_left3A_1574 = arith.shli %convert_element_type3A_1567, %shift_left3A_1573 : vector<16xi32>
    %add3A_1575 = arith.constant 480 : i32
    %add3A_1576 = vector.broadcast %add3A_1575 : i32 to vector<16xi32>
    %add3A_1577 = arith.addi %iota3A, %add3A_1576 : vector<16xi32>
    %add3A_1578 = arith.addi %shift_left3A_1574, %add3A_1577 : vector<16xi32>
    %swap3A_1579 = arith.constant 480 : index
    %swap3A_1580 = tpu.vector_load %arg9[%swap3A_1579] {strides = array<i32>} : memref<512xi32, #tpu.memory_space<vmem>>, vector<16xi32>,
    tpu.vector_store %arg9[%swap3A_1579], %add3A_1578 {strides = array<i32>} : memref<512xi32, #tpu.memory_space<vmem>>, vector<16xi32>,
    tpu.vector_store_idx %arg7[%add3A_1578], %select_n3A_1571 : memref<16384xf32, #tpu.memory_space<vmem>>[vector<16xi32>], vector<16xf32>,
    %get3A_1581 = arith.constant 1008 : index
    %get3A_1582 = tpu.vector_load %arg5[%get3A_1581] {strides = array<i32>} : memref<65536xf32, #tpu.memory_space<vmem>>, vector<16xf32>,
    %sub3A_1583 = arith.constant 1.000000e+00 : f32
    %sub3A_1584 = vector.broadcast %sub3A_1583 : f32 to vector<16xf32>
    %sub3A_1585 = arith.subf %sub3A_1584, %get3A_1582 : vector<16xf32>
    %mul3A_1586 = arith.constant 2.900000e+01 : f32
    %mul3A_1587 = vector.broadcast %mul3A_1586 : f32 to vector<16xf32>
    %mul3A_1588 = arith.mulf %sub3A_1585, %mul3A_1587 : vector<16xf32>
    %add3A_1589 = arith.constant 2.000000e+00 : f32
    %add3A_1590 = vector.broadcast %add3A_1589 : f32 to vector<16xf32>
    %add3A_1591 = arith.addf %add3A_1590, %mul3A_1588 : vector<16xf32>
    %convert_element_type3A_1592 = arith.fptosi %add3A_1591 : vector<16xf32> to vector<16xi32>
    %gt3A_1593 = arith.constant 0.000000e+00 : f32
    %gt3A_1594 = vector.broadcast %gt3A_1593 : f32 to vector<16xf32>
    %gt3A_1595 = arith.cmpf ogt, %get3A_1582, %gt3A_1594 : vector<16xf32>
    %select_n3A_1596 = arith.select %gt3A_1595, %broadcast_in_dim3A_5, %broadcast_in_dim3A_3 : vector<16xi1>, vector<16xf32>
    %shift_left3A_1597 = arith.constant 9 : i32
    %shift_left3A_1598 = vector.broadcast %shift_left3A_1597 : i32 to vector<16xi32>
    %shift_left3A_1599 = arith.shli %convert_element_type3A_1592, %shift_left3A_1598 : vector<16xi32>
    %add3A_1600 = arith.constant 496 : i32
    %add3A_1601 = vector.broadcast %add3A_1600 : i32 to vector<16xi32>
    %add3A_1602 = arith.addi %iota3A, %add3A_1601 : vector<16xi32>
    %add3A_1603 = arith.addi %shift_left3A_1599, %add3A_1602 : vector<16xi32>
    %swap3A_1604 = arith.constant 496 : index
    %swap3A_1605 = tpu.vector_load %arg9[%swap3A_1604] {strides = array<i32>} : memref<512xi32, #tpu.memory_space<vmem>>, vector<16xi32>,
    tpu.vector_store %arg9[%swap3A_1604], %add3A_1603 {strides = array<i32>} : memref<512xi32, #tpu.memory_space<vmem>>, vector<16xi32>,
    tpu.vector_store_idx %arg7[%add3A_1603], %select_n3A_1596 : memref<16384xf32, #tpu.memory_space<vmem>>[vector<16xi32>], vector<16xf32>,
    %add3A_1606 = arith.constant 1 : i32
    %add3A_1607 = arith.addi %mul3A_2, %add3A_1606 : i32
    %mul3A_1608 = arith.constant 16384 : i32
    %mul3A_1609 = arith.muli %add3A_1607, %mul3A_1608 : i32
    %dma_start3A_1610 = tpu.memref_slice %arg4[%mul3A_1609] : memref<67108864xf32, #tpu.memory_space<hbm>> -> memref<16384xf32, #tpu.memory_space<hbm>>
    %dma_start3A_1611 = tpu.memref_slice %arg4[%mul3A_1609] : memref<67108864xf32, #tpu.memory_space<hbm>> -> memref<16384xf32, #tpu.memory_space<hbm>>
    tpu.enqueue_dma source(%arg7 : memref<16384xf32, #tpu.memory_space<vmem>>) target(%dma_start3A_1611 : memref<16384xf32, #tpu.memory_space<hbm>>) target_semaphore(%arg11 : memref<!tpu.dma_semaphore, #tpu.memory_space<semaphore_mem>>)
    %scan3A = arith.constant 0 : i32
    %scan3A_1612 = arith.constant 0 : i32
    %scan3A_1613 = arith.constant 63 : i32
    %scan3A_1614 = arith.addi %scan3A_1612, %scan3A_1613 : i32
    %scan3A_1615 = arith.constant 1 : i32
    scf.for %scan3A_1624 = %scan3A_1612 to %scan3A_1614 step %scan3A_1615  : i32 {
      %mul3A_1625 = arith.constant 2 : i32
      %mul3A_1626 = arith.muli %scan3A_1624, %mul3A_1625 : i32
      %add3A_1627 = arith.constant 2 : i32
      %add3A_1628 = arith.addi %add3A_1627, %mul3A_1626 : i32
      %add3A_1629 = arith.constant 0 : i32
      %add3A_1630 = arith.addi %add3A_1628, %add3A_1629 : i32
      %dma_wait3A_1631 = arith.constant 0 : i32
      %dma_wait3A_1632 = tpu.memref_slice %arg4[%dma_wait3A_1631] : memref<67108864xf32, #tpu.memory_space<hbm>> -> memref<16384xf32, #tpu.memory_space<hbm>>
      %dma_wait3A_1633 = arith.constant 0 : i32
      %dma_wait3A_1634 = tpu.memref_slice %arg4[%dma_wait3A_1633] : memref<67108864xf32, #tpu.memory_space<hbm>> -> memref<16384xf32, #tpu.memory_space<hbm>>
      tpu.wait_dma2 semaphore(%arg10 : memref<!tpu.dma_semaphore, #tpu.memory_space<semaphore_mem>>) src(%arg6 : memref<16384xf32, #tpu.memory_space<vmem>>) dst(%dma_wait3A_1634 : memref<16384xf32, #tpu.memory_space<hbm>>)
      %get3A_1635 = arith.constant 0 : index
      %get3A_1636 = tpu.vector_load %arg8[%get3A_1635] {strides = array<i32>} : memref<512xi32, #tpu.memory_space<vmem>>, vector<16xi32>,
      tpu.vector_store_idx %arg6[%get3A_1636], %broadcast_in_dim3A_3 : memref<16384xf32, #tpu.memory_space<vmem>>[vector<16xi32>], vector<16xf32>,
      %get3A_1637 = arith.constant 16 : index
      %get3A_1638 = tpu.vector_load %arg8[%get3A_1637] {strides = array<i32>} : memref<512xi32, #tpu.memory_space<vmem>>, vector<16xi32>,
      tpu.vector_store_idx %arg6[%get3A_1638], %broadcast_in_dim3A_3 : memref<16384xf32, #tpu.memory_space<vmem>>[vector<16xi32>], vector<16xf32>,
      %get3A_1639 = arith.constant 32 : index
      %get3A_1640 = tpu.vector_load %arg8[%get3A_1639] {strides = array<i32>} : memref<512xi32, #tpu.memory_space<vmem>>, vector<16xi32>,
      tpu.vector_store_idx %arg6[%get3A_1640], %broadcast_in_dim3A_3 : memref<16384xf32, #tpu.memory_space<vmem>>[vector<16xi32>], vector<16xf32>,
      %get3A_1641 = arith.constant 48 : index
      %get3A_1642 = tpu.vector_load %arg8[%get3A_1641] {strides = array<i32>} : memref<512xi32, #tpu.memory_space<vmem>>, vector<16xi32>,
      tpu.vector_store_idx %arg6[%get3A_1642], %broadcast_in_dim3A_3 : memref<16384xf32, #tpu.memory_space<vmem>>[vector<16xi32>], vector<16xf32>,
      %get3A_1643 = arith.constant 64 : index
      %get3A_1644 = tpu.vector_load %arg8[%get3A_1643] {strides = array<i32>} : memref<512xi32, #tpu.memory_space<vmem>>, vector<16xi32>,
      tpu.vector_store_idx %arg6[%get3A_1644], %broadcast_in_dim3A_3 : memref<16384xf32, #tpu.memory_space<vmem>>[vector<16xi32>], vector<16xf32>,
      %get3A_1645 = arith.constant 80 : index
      %get3A_1646 = tpu.vector_load %arg8[%get3A_1645] {strides = array<i32>} : memref<512xi32, #tpu.memory_space<vmem>>, vector<16xi32>,
      tpu.vector_store_idx %arg6[%get3A_1646], %broadcast_in_dim3A_3 : memref<16384xf32, #tpu.memory_space<vmem>>[vector<16xi32>], vector<16xf32>,
      %get3A_1647 = arith.constant 96 : index
      %get3A_1648 = tpu.vector_load %arg8[%get3A_1647] {strides = array<i32>} : memref<512xi32, #tpu.memory_space<vmem>>, vector<16xi32>,
      tpu.vector_store_idx %arg6[%get3A_1648], %broadcast_in_dim3A_3 : memref<16384xf32, #tpu.memory_space<vmem>>[vector<16xi32>], vector<16xf32>,
      %get3A_1649 = arith.constant 112 : index
      %get3A_1650 = tpu.vector_load %arg8[%get3A_1649] {strides = array<i32>} : memref<512xi32, #tpu.memory_space<vmem>>, vector<16xi32>,
      tpu.vector_store_idx %arg6[%get3A_1650], %broadcast_in_dim3A_3 : memref<16384xf32, #tpu.memory_space<vmem>>[vector<16xi32>], vector<16xf32>,
      %get3A_1651 = arith.constant 128 : index
      %get3A_1652 = tpu.vector_load %arg8[%get3A_1651] {strides = array<i32>} : memref<512xi32, #tpu.memory_space<vmem>>, vector<16xi32>,
      tpu.vector_store_idx %arg6[%get3A_1652], %broadcast_in_dim3A_3 : memref<16384xf32, #tpu.memory_space<vmem>>[vector<16xi32>], vector<16xf32>,
      %get3A_1653 = arith.constant 144 : index
      %get3A_1654 = tpu.vector_load %arg8[%get3A_1653] {strides = array<i32>} : memref<512xi32, #tpu.memory_space<vmem>>, vector<16xi32>,
      tpu.vector_store_idx %arg6[%get3A_1654], %broadcast_in_dim3A_3 : memref<16384xf32, #tpu.memory_space<vmem>>[vector<16xi32>], vector<16xf32>,
      %get3A_1655 = arith.constant 160 : index
      %get3A_1656 = tpu.vector_load %arg8[%get3A_1655] {strides = array<i32>} : memref<512xi32, #tpu.memory_space<vmem>>, vector<16xi32>,
      tpu.vector_store_idx %arg6[%get3A_1656], %broadcast_in_dim3A_3 : memref<16384xf32, #tpu.memory_space<vmem>>[vector<16xi32>], vector<16xf32>,
      %get3A_1657 = arith.constant 176 : index
      %get3A_1658 = tpu.vector_load %arg8[%get3A_1657] {strides = array<i32>} : memref<512xi32, #tpu.memory_space<vmem>>, vector<16xi32>,
      tpu.vector_store_idx %arg6[%get3A_1658], %broadcast_in_dim3A_3 : memref<16384xf32, #tpu.memory_space<vmem>>[vector<16xi32>], vector<16xf32>,
      %get3A_1659 = arith.constant 192 : index
      %get3A_1660 = tpu.vector_load %arg8[%get3A_1659] {strides = array<i32>} : memref<512xi32, #tpu.memory_space<vmem>>, vector<16xi32>,
      tpu.vector_store_idx %arg6[%get3A_1660], %broadcast_in_dim3A_3 : memref<16384xf32, #tpu.memory_space<vmem>>[vector<16xi32>], vector<16xf32>,
      %get3A_1661 = arith.constant 208 : index
      %get3A_1662 = tpu.vector_load %arg8[%get3A_1661] {strides = array<i32>} : memref<512xi32, #tpu.memory_space<vmem>>, vector<16xi32>,
      tpu.vector_store_idx %arg6[%get3A_1662], %broadcast_in_dim3A_3 : memref<16384xf32, #tpu.memory_space<vmem>>[vector<16xi32>], vector<16xf32>,
      %get3A_1663 = arith.constant 224 : index
      %get3A_1664 = tpu.vector_load %arg8[%get3A_1663] {strides = array<i32>} : memref<512xi32, #tpu.memory_space<vmem>>, vector<16xi32>,
      tpu.vector_store_idx %arg6[%get3A_1664], %broadcast_in_dim3A_3 : memref<16384xf32, #tpu.memory_space<vmem>>[vector<16xi32>], vector<16xf32>,
      %get3A_1665 = arith.constant 240 : index
      %get3A_1666 = tpu.vector_load %arg8[%get3A_1665] {strides = array<i32>} : memref<512xi32, #tpu.memory_space<vmem>>, vector<16xi32>,
      tpu.vector_store_idx %arg6[%get3A_1666], %broadcast_in_dim3A_3 : memref<16384xf32, #tpu.memory_space<vmem>>[vector<16xi32>], vector<16xf32>,
      %get3A_1667 = arith.constant 256 : index
      %get3A_1668 = tpu.vector_load %arg8[%get3A_1667] {strides = array<i32>} : memref<512xi32, #tpu.memory_space<vmem>>, vector<16xi32>,
      tpu.vector_store_idx %arg6[%get3A_1668], %broadcast_in_dim3A_3 : memref<16384xf32, #tpu.memory_space<vmem>>[vector<16xi32>], vector<16xf32>,
      %get3A_1669 = arith.constant 272 : index
      %get3A_1670 = tpu.vector_load %arg8[%get3A_1669] {strides = array<i32>} : memref<512xi32, #tpu.memory_space<vmem>>, vector<16xi32>,
      tpu.vector_store_idx %arg6[%get3A_1670], %broadcast_in_dim3A_3 : memref<16384xf32, #tpu.memory_space<vmem>>[vector<16xi32>], vector<16xf32>,
      %get3A_1671 = arith.constant 288 : index
      %get3A_1672 = tpu.vector_load %arg8[%get3A_1671] {strides = array<i32>} : memref<512xi32, #tpu.memory_space<vmem>>, vector<16xi32>,
      tpu.vector_store_idx %arg6[%get3A_1672], %broadcast_in_dim3A_3 : memref<16384xf32, #tpu.memory_space<vmem>>[vector<16xi32>], vector<16xf32>,
      %get3A_1673 = arith.constant 304 : index
      %get3A_1674 = tpu.vector_load %arg8[%get3A_1673] {strides = array<i32>} : memref<512xi32, #tpu.memory_space<vmem>>, vector<16xi32>,
      tpu.vector_store_idx %arg6[%get3A_1674], %broadcast_in_dim3A_3 : memref<16384xf32, #tpu.memory_space<vmem>>[vector<16xi32>], vector<16xf32>,
      %get3A_1675 = arith.constant 320 : index
      %get3A_1676 = tpu.vector_load %arg8[%get3A_1675] {strides = array<i32>} : memref<512xi32, #tpu.memory_space<vmem>>, vector<16xi32>,
      tpu.vector_store_idx %arg6[%get3A_1676], %broadcast_in_dim3A_3 : memref<16384xf32, #tpu.memory_space<vmem>>[vector<16xi32>], vector<16xf32>,
      %get3A_1677 = arith.constant 336 : index
      %get3A_1678 = tpu.vector_load %arg8[%get3A_1677] {strides = array<i32>} : memref<512xi32, #tpu.memory_space<vmem>>, vector<16xi32>,
      tpu.vector_store_idx %arg6[%get3A_1678], %broadcast_in_dim3A_3 : memref<16384xf32, #tpu.memory_space<vmem>>[vector<16xi32>], vector<16xf32>,
      %get3A_1679 = arith.constant 352 : index
      %get3A_1680 = tpu.vector_load %arg8[%get3A_1679] {strides = array<i32>} : memref<512xi32, #tpu.memory_space<vmem>>, vector<16xi32>,
      tpu.vector_store_idx %arg6[%get3A_1680], %broadcast_in_dim3A_3 : memref<16384xf32, #tpu.memory_space<vmem>>[vector<16xi32>], vector<16xf32>,
      %get3A_1681 = arith.constant 368 : index
      %get3A_1682 = tpu.vector_load %arg8[%get3A_1681] {strides = array<i32>} : memref<512xi32, #tpu.memory_space<vmem>>, vector<16xi32>,
      tpu.vector_store_idx %arg6[%get3A_1682], %broadcast_in_dim3A_3 : memref<16384xf32, #tpu.memory_space<vmem>>[vector<16xi32>], vector<16xf32>,
      %get3A_1683 = arith.constant 384 : index
      %get3A_1684 = tpu.vector_load %arg8[%get3A_1683] {strides = array<i32>} : memref<512xi32, #tpu.memory_space<vmem>>, vector<16xi32>,
      tpu.vector_store_idx %arg6[%get3A_1684], %broadcast_in_dim3A_3 : memref<16384xf32, #tpu.memory_space<vmem>>[vector<16xi32>], vector<16xf32>,
      %get3A_1685 = arith.constant 400 : index
      %get3A_1686 = tpu.vector_load %arg8[%get3A_1685] {strides = array<i32>} : memref<512xi32, #tpu.memory_space<vmem>>, vector<16xi32>,
      tpu.vector_store_idx %arg6[%get3A_1686], %broadcast_in_dim3A_3 : memref<16384xf32, #tpu.memory_space<vmem>>[vector<16xi32>], vector<16xf32>,
      %get3A_1687 = arith.constant 416 : index
      %get3A_1688 = tpu.vector_load %arg8[%get3A_1687] {strides = array<i32>} : memref<512xi32, #tpu.memory_space<vmem>>, vector<16xi32>,
      tpu.vector_store_idx %arg6[%get3A_1688], %broadcast_in_dim3A_3 : memref<16384xf32, #tpu.memory_space<vmem>>[vector<16xi32>], vector<16xf32>,
      %get3A_1689 = arith.constant 432 : index
      %get3A_1690 = tpu.vector_load %arg8[%get3A_1689] {strides = array<i32>} : memref<512xi32, #tpu.memory_space<vmem>>, vector<16xi32>,
      tpu.vector_store_idx %arg6[%get3A_1690], %broadcast_in_dim3A_3 : memref<16384xf32, #tpu.memory_space<vmem>>[vector<16xi32>], vector<16xf32>,
      %get3A_1691 = arith.constant 448 : index
      %get3A_1692 = tpu.vector_load %arg8[%get3A_1691] {strides = array<i32>} : memref<512xi32, #tpu.memory_space<vmem>>, vector<16xi32>,
      tpu.vector_store_idx %arg6[%get3A_1692], %broadcast_in_dim3A_3 : memref<16384xf32, #tpu.memory_space<vmem>>[vector<16xi32>], vector<16xf32>,
      %get3A_1693 = arith.constant 464 : index
      %get3A_1694 = tpu.vector_load %arg8[%get3A_1693] {strides = array<i32>} : memref<512xi32, #tpu.memory_space<vmem>>, vector<16xi32>,
      tpu.vector_store_idx %arg6[%get3A_1694], %broadcast_in_dim3A_3 : memref<16384xf32, #tpu.memory_space<vmem>>[vector<16xi32>], vector<16xf32>,
      %get3A_1695 = arith.constant 480 : index
      %get3A_1696 = tpu.vector_load %arg8[%get3A_1695] {strides = array<i32>} : memref<512xi32, #tpu.memory_space<vmem>>, vector<16xi32>,
      tpu.vector_store_idx %arg6[%get3A_1696], %broadcast_in_dim3A_3 : memref<16384xf32, #tpu.memory_space<vmem>>[vector<16xi32>], vector<16xf32>,
      %get3A_1697 = arith.constant 496 : index
      %get3A_1698 = tpu.vector_load %arg8[%get3A_1697] {strides = array<i32>} : memref<512xi32, #tpu.memory_space<vmem>>, vector<16xi32>,
      tpu.vector_store_idx %arg6[%get3A_1698], %broadcast_in_dim3A_3 : memref<16384xf32, #tpu.memory_space<vmem>>[vector<16xi32>], vector<16xf32>,
      %mul3A_1699 = arith.constant 512 : i32
      %mul3A_1700 = arith.muli %add3A_1630, %mul3A_1699 : i32
      %add3A_1701 = arith.constant 0 : i32
      %add3A_1702 = arith.addi %mul3A_1700, %add3A_1701 : i32
      %get3A_1703 = arith.index_cast %add3A_1702 : i32 to index
      %get3A_1704 = tpu.vector_load %arg5[%get3A_1703] {strides = array<i32>} : memref<65536xf32, #tpu.memory_space<vmem>>, vector<16xf32>,
      %sub3A_1705 = arith.constant 1.000000e+00 : f32
      %sub3A_1706 = vector.broadcast %sub3A_1705 : f32 to vector<16xf32>
      %sub3A_1707 = arith.subf %sub3A_1706, %get3A_1704 : vector<16xf32>
      %mul3A_1708 = arith.constant 2.900000e+01 : f32
      %mul3A_1709 = vector.broadcast %mul3A_1708 : f32 to vector<16xf32>
      %mul3A_1710 = arith.mulf %sub3A_1707, %mul3A_1709 : vector<16xf32>
      %add3A_1711 = arith.constant 2.000000e+00 : f32
      %add3A_1712 = vector.broadcast %add3A_1711 : f32 to vector<16xf32>
      %add3A_1713 = arith.addf %add3A_1712, %mul3A_1710 : vector<16xf32>
      %convert_element_type3A_1714 = arith.fptosi %add3A_1713 : vector<16xf32> to vector<16xi32>
      %gt3A_1715 = arith.constant 0.000000e+00 : f32
      %gt3A_1716 = vector.broadcast %gt3A_1715 : f32 to vector<16xf32>
      %gt3A_1717 = arith.cmpf ogt, %get3A_1704, %gt3A_1716 : vector<16xf32>
      %select_n3A_1718 = arith.select %gt3A_1717, %broadcast_in_dim3A_5, %broadcast_in_dim3A_3 : vector<16xi1>, vector<16xf32>
      %shift_left3A_1719 = arith.constant 9 : i32
      %shift_left3A_1720 = vector.broadcast %shift_left3A_1719 : i32 to vector<16xi32>
      %shift_left3A_1721 = arith.shli %convert_element_type3A_1714, %shift_left3A_1720 : vector<16xi32>
      %add3A_1722 = arith.constant 0 : i32
      %add3A_1723 = vector.broadcast %add3A_1722 : i32 to vector<16xi32>
      %add3A_1724 = arith.addi %iota3A, %add3A_1723 : vector<16xi32>
      %add3A_1725 = arith.addi %shift_left3A_1721, %add3A_1724 : vector<16xi32>
      %swap3A_1726 = arith.constant 0 : index
      %swap3A_1727 = tpu.vector_load %arg8[%swap3A_1726] {strides = array<i32>} : memref<512xi32, #tpu.memory_space<vmem>>, vector<16xi32>,
      tpu.vector_store %arg8[%swap3A_1726], %add3A_1725 {strides = array<i32>} : memref<512xi32, #tpu.memory_space<vmem>>, vector<16xi32>,
      tpu.vector_store_idx %arg6[%add3A_1725], %select_n3A_1718 : memref<16384xf32, #tpu.memory_space<vmem>>[vector<16xi32>], vector<16xf32>,
      %mul3A_1728 = arith.constant 512 : i32
      %mul3A_1729 = arith.muli %add3A_1630, %mul3A_1728 : i32
      %add3A_1730 = arith.constant 16 : i32
      %add3A_1731 = arith.addi %mul3A_1729, %add3A_1730 : i32
      %get3A_1732 = arith.index_cast %add3A_1731 : i32 to index
      %get3A_1733 = tpu.vector_load %arg5[%get3A_1732] {strides = array<i32>} : memref<65536xf32, #tpu.memory_space<vmem>>, vector<16xf32>,
      %sub3A_1734 = arith.constant 1.000000e+00 : f32
      %sub3A_1735 = vector.broadcast %sub3A_1734 : f32 to vector<16xf32>
      %sub3A_1736 = arith.subf %sub3A_1735, %get3A_1733 : vector<16xf32>
      %mul3A_1737 = arith.constant 2.900000e+01 : f32
      %mul3A_1738 = vector.broadcast %mul3A_1737 : f32 to vector<16xf32>
      %mul3A_1739 = arith.mulf %sub3A_1736, %mul3A_1738 : vector<16xf32>
      %add3A_1740 = arith.constant 2.000000e+00 : f32
      %add3A_1741 = vector.broadcast %add3A_1740 : f32 to vector<16xf32>
      %add3A_1742 = arith.addf %add3A_1741, %mul3A_1739 : vector<16xf32>
      %convert_element_type3A_1743 = arith.fptosi %add3A_1742 : vector<16xf32> to vector<16xi32>
      %gt3A_1744 = arith.constant 0.000000e+00 : f32
      %gt3A_1745 = vector.broadcast %gt3A_1744 : f32 to vector<16xf32>
      %gt3A_1746 = arith.cmpf ogt, %get3A_1733, %gt3A_1745 : vector<16xf32>
      %select_n3A_1747 = arith.select %gt3A_1746, %broadcast_in_dim3A_5, %broadcast_in_dim3A_3 : vector<16xi1>, vector<16xf32>
      %shift_left3A_1748 = arith.constant 9 : i32
      %shift_left3A_1749 = vector.broadcast %shift_left3A_1748 : i32 to vector<16xi32>
      %shift_left3A_1750 = arith.shli %convert_element_type3A_1743, %shift_left3A_1749 : vector<16xi32>
      %add3A_1751 = arith.constant 16 : i32
      %add3A_1752 = vector.broadcast %add3A_1751 : i32 to vector<16xi32>
      %add3A_1753 = arith.addi %iota3A, %add3A_1752 : vector<16xi32>
      %add3A_1754 = arith.addi %shift_left3A_1750, %add3A_1753 : vector<16xi32>
      %swap3A_1755 = arith.constant 16 : index
      %swap3A_1756 = tpu.vector_load %arg8[%swap3A_1755] {strides = array<i32>} : memref<512xi32, #tpu.memory_space<vmem>>, vector<16xi32>,
      tpu.vector_store %arg8[%swap3A_1755], %add3A_1754 {strides = array<i32>} : memref<512xi32, #tpu.memory_space<vmem>>, vector<16xi32>,
      tpu.vector_store_idx %arg6[%add3A_1754], %select_n3A_1747 : memref<16384xf32, #tpu.memory_space<vmem>>[vector<16xi32>], vector<16xf32>,
      %mul3A_1757 = arith.constant 512 : i32
      %mul3A_1758 = arith.muli %add3A_1630, %mul3A_1757 : i32
      %add3A_1759 = arith.constant 32 : i32
      %add3A_1760 = arith.addi %mul3A_1758, %add3A_1759 : i32
      %get3A_1761 = arith.index_cast %add3A_1760 : i32 to index
      %get3A_1762 = tpu.vector_load %arg5[%get3A_1761] {strides = array<i32>} : memref<65536xf32, #tpu.memory_space<vmem>>, vector<16xf32>,
      %sub3A_1763 = arith.constant 1.000000e+00 : f32
      %sub3A_1764 = vector.broadcast %sub3A_1763 : f32 to vector<16xf32>
      %sub3A_1765 = arith.subf %sub3A_1764, %get3A_1762 : vector<16xf32>
      %mul3A_1766 = arith.constant 2.900000e+01 : f32
      %mul3A_1767 = vector.broadcast %mul3A_1766 : f32 to vector<16xf32>
      %mul3A_1768 = arith.mulf %sub3A_1765, %mul3A_1767 : vector<16xf32>
      %add3A_1769 = arith.constant 2.000000e+00 : f32
      %add3A_1770 = vector.broadcast %add3A_1769 : f32 to vector<16xf32>
      %add3A_1771 = arith.addf %add3A_1770, %mul3A_1768 : vector<16xf32>
      %convert_element_type3A_1772 = arith.fptosi %add3A_1771 : vector<16xf32> to vector<16xi32>
      %gt3A_1773 = arith.constant 0.000000e+00 : f32
      %gt3A_1774 = vector.broadcast %gt3A_1773 : f32 to vector<16xf32>
      %gt3A_1775 = arith.cmpf ogt, %get3A_1762, %gt3A_1774 : vector<16xf32>
      %select_n3A_1776 = arith.select %gt3A_1775, %broadcast_in_dim3A_5, %broadcast_in_dim3A_3 : vector<16xi1>, vector<16xf32>
      %shift_left3A_1777 = arith.constant 9 : i32
      %shift_left3A_1778 = vector.broadcast %shift_left3A_1777 : i32 to vector<16xi32>
      %shift_left3A_1779 = arith.shli %convert_element_type3A_1772, %shift_left3A_1778 : vector<16xi32>
      %add3A_1780 = arith.constant 32 : i32
      %add3A_1781 = vector.broadcast %add3A_1780 : i32 to vector<16xi32>
      %add3A_1782 = arith.addi %iota3A, %add3A_1781 : vector<16xi32>
      %add3A_1783 = arith.addi %shift_left3A_1779, %add3A_1782 : vector<16xi32>
      %swap3A_1784 = arith.constant 32 : index
      %swap3A_1785 = tpu.vector_load %arg8[%swap3A_1784] {strides = array<i32>} : memref<512xi32, #tpu.memory_space<vmem>>, vector<16xi32>,
      tpu.vector_store %arg8[%swap3A_1784], %add3A_1783 {strides = array<i32>} : memref<512xi32, #tpu.memory_space<vmem>>, vector<16xi32>,
      tpu.vector_store_idx %arg6[%add3A_1783], %select_n3A_1776 : memref<16384xf32, #tpu.memory_space<vmem>>[vector<16xi32>], vector<16xf32>,
      %mul3A_1786 = arith.constant 512 : i32
      %mul3A_1787 = arith.muli %add3A_1630, %mul3A_1786 : i32
      %add3A_1788 = arith.constant 48 : i32
      %add3A_1789 = arith.addi %mul3A_1787, %add3A_1788 : i32
      %get3A_1790 = arith.index_cast %add3A_1789 : i32 to index
      %get3A_1791 = tpu.vector_load %arg5[%get3A_1790] {strides = array<i32>} : memref<65536xf32, #tpu.memory_space<vmem>>, vector<16xf32>,
      %sub3A_1792 = arith.constant 1.000000e+00 : f32
      %sub3A_1793 = vector.broadcast %sub3A_1792 : f32 to vector<16xf32>
      %sub3A_1794 = arith.subf %sub3A_1793, %get3A_1791 : vector<16xf32>
      %mul3A_1795 = arith.constant 2.900000e+01 : f32
      %mul3A_1796 = vector.broadcast %mul3A_1795 : f32 to vector<16xf32>
      %mul3A_1797 = arith.mulf %sub3A_1794, %mul3A_1796 : vector<16xf32>
      %add3A_1798 = arith.constant 2.000000e+00 : f32
      %add3A_1799 = vector.broadcast %add3A_1798 : f32 to vector<16xf32>
      %add3A_1800 = arith.addf %add3A_1799, %mul3A_1797 : vector<16xf32>
      %convert_element_type3A_1801 = arith.fptosi %add3A_1800 : vector<16xf32> to vector<16xi32>
      %gt3A_1802 = arith.constant 0.000000e+00 : f32
      %gt3A_1803 = vector.broadcast %gt3A_1802 : f32 to vector<16xf32>
      %gt3A_1804 = arith.cmpf ogt, %get3A_1791, %gt3A_1803 : vector<16xf32>
      %select_n3A_1805 = arith.select %gt3A_1804, %broadcast_in_dim3A_5, %broadcast_in_dim3A_3 : vector<16xi1>, vector<16xf32>
      %shift_left3A_1806 = arith.constant 9 : i32
      %shift_left3A_1807 = vector.broadcast %shift_left3A_1806 : i32 to vector<16xi32>
      %shift_left3A_1808 = arith.shli %convert_element_type3A_1801, %shift_left3A_1807 : vector<16xi32>
      %add3A_1809 = arith.constant 48 : i32
      %add3A_1810 = vector.broadcast %add3A_1809 : i32 to vector<16xi32>
      %add3A_1811 = arith.addi %iota3A, %add3A_1810 : vector<16xi32>
      %add3A_1812 = arith.addi %shift_left3A_1808, %add3A_1811 : vector<16xi32>
      %swap3A_1813 = arith.constant 48 : index
      %swap3A_1814 = tpu.vector_load %arg8[%swap3A_1813] {strides = array<i32>} : memref<512xi32, #tpu.memory_space<vmem>>, vector<16xi32>,
      tpu.vector_store %arg8[%swap3A_1813], %add3A_1812 {strides = array<i32>} : memref<512xi32, #tpu.memory_space<vmem>>, vector<16xi32>,
      tpu.vector_store_idx %arg6[%add3A_1812], %select_n3A_1805 : memref<16384xf32, #tpu.memory_space<vmem>>[vector<16xi32>], vector<16xf32>,
      %mul3A_1815 = arith.constant 512 : i32
      %mul3A_1816 = arith.muli %add3A_1630, %mul3A_1815 : i32
      %add3A_1817 = arith.constant 64 : i32
      %add3A_1818 = arith.addi %mul3A_1816, %add3A_1817 : i32
      %get3A_1819 = arith.index_cast %add3A_1818 : i32 to index
      %get3A_1820 = tpu.vector_load %arg5[%get3A_1819] {strides = array<i32>} : memref<65536xf32, #tpu.memory_space<vmem>>, vector<16xf32>,
      %sub3A_1821 = arith.constant 1.000000e+00 : f32
      %sub3A_1822 = vector.broadcast %sub3A_1821 : f32 to vector<16xf32>
      %sub3A_1823 = arith.subf %sub3A_1822, %get3A_1820 : vector<16xf32>
      %mul3A_1824 = arith.constant 2.900000e+01 : f32
      %mul3A_1825 = vector.broadcast %mul3A_1824 : f32 to vector<16xf32>
      %mul3A_1826 = arith.mulf %sub3A_1823, %mul3A_1825 : vector<16xf32>
      %add3A_1827 = arith.constant 2.000000e+00 : f32
      %add3A_1828 = vector.broadcast %add3A_1827 : f32 to vector<16xf32>
      %add3A_1829 = arith.addf %add3A_1828, %mul3A_1826 : vector<16xf32>
      %convert_element_type3A_1830 = arith.fptosi %add3A_1829 : vector<16xf32> to vector<16xi32>
      %gt3A_1831 = arith.constant 0.000000e+00 : f32
      %gt3A_1832 = vector.broadcast %gt3A_1831 : f32 to vector<16xf32>
      %gt3A_1833 = arith.cmpf ogt, %get3A_1820, %gt3A_1832 : vector<16xf32>
      %select_n3A_1834 = arith.select %gt3A_1833, %broadcast_in_dim3A_5, %broadcast_in_dim3A_3 : vector<16xi1>, vector<16xf32>
      %shift_left3A_1835 = arith.constant 9 : i32
      %shift_left3A_1836 = vector.broadcast %shift_left3A_1835 : i32 to vector<16xi32>
      %shift_left3A_1837 = arith.shli %convert_element_type3A_1830, %shift_left3A_1836 : vector<16xi32>
      %add3A_1838 = arith.constant 64 : i32
      %add3A_1839 = vector.broadcast %add3A_1838 : i32 to vector<16xi32>
      %add3A_1840 = arith.addi %iota3A, %add3A_1839 : vector<16xi32>
      %add3A_1841 = arith.addi %shift_left3A_1837, %add3A_1840 : vector<16xi32>
      %swap3A_1842 = arith.constant 64 : index
      %swap3A_1843 = tpu.vector_load %arg8[%swap3A_1842] {strides = array<i32>} : memref<512xi32, #tpu.memory_space<vmem>>, vector<16xi32>,
      tpu.vector_store %arg8[%swap3A_1842], %add3A_1841 {strides = array<i32>} : memref<512xi32, #tpu.memory_space<vmem>>, vector<16xi32>,
      tpu.vector_store_idx %arg6[%add3A_1841], %select_n3A_1834 : memref<16384xf32, #tpu.memory_space<vmem>>[vector<16xi32>], vector<16xf32>,
      %mul3A_1844 = arith.constant 512 : i32
      %mul3A_1845 = arith.muli %add3A_1630, %mul3A_1844 : i32
      %add3A_1846 = arith.constant 80 : i32
      %add3A_1847 = arith.addi %mul3A_1845, %add3A_1846 : i32
      %get3A_1848 = arith.index_cast %add3A_1847 : i32 to index
      %get3A_1849 = tpu.vector_load %arg5[%get3A_1848] {strides = array<i32>} : memref<65536xf32, #tpu.memory_space<vmem>>, vector<16xf32>,
      %sub3A_1850 = arith.constant 1.000000e+00 : f32
      %sub3A_1851 = vector.broadcast %sub3A_1850 : f32 to vector<16xf32>
      %sub3A_1852 = arith.subf %sub3A_1851, %get3A_1849 : vector<16xf32>
      %mul3A_1853 = arith.constant 2.900000e+01 : f32
      %mul3A_1854 = vector.broadcast %mul3A_1853 : f32 to vector<16xf32>
      %mul3A_1855 = arith.mulf %sub3A_1852, %mul3A_1854 : vector<16xf32>
      %add3A_1856 = arith.constant 2.000000e+00 : f32
      %add3A_1857 = vector.broadcast %add3A_1856 : f32 to vector<16xf32>
      %add3A_1858 = arith.addf %add3A_1857, %mul3A_1855 : vector<16xf32>
      %convert_element_type3A_1859 = arith.fptosi %add3A_1858 : vector<16xf32> to vector<16xi32>
      %gt3A_1860 = arith.constant 0.000000e+00 : f32
      %gt3A_1861 = vector.broadcast %gt3A_1860 : f32 to vector<16xf32>
      %gt3A_1862 = arith.cmpf ogt, %get3A_1849, %gt3A_1861 : vector<16xf32>
      %select_n3A_1863 = arith.select %gt3A_1862, %broadcast_in_dim3A_5, %broadcast_in_dim3A_3 : vector<16xi1>, vector<16xf32>
      %shift_left3A_1864 = arith.constant 9 : i32
      %shift_left3A_1865 = vector.broadcast %shift_left3A_1864 : i32 to vector<16xi32>
      %shift_left3A_1866 = arith.shli %convert_element_type3A_1859, %shift_left3A_1865 : vector<16xi32>
      %add3A_1867 = arith.constant 80 : i32
      %add3A_1868 = vector.broadcast %add3A_1867 : i32 to vector<16xi32>
      %add3A_1869 = arith.addi %iota3A, %add3A_1868 : vector<16xi32>
      %add3A_1870 = arith.addi %shift_left3A_1866, %add3A_1869 : vector<16xi32>
      %swap3A_1871 = arith.constant 80 : index
      %swap3A_1872 = tpu.vector_load %arg8[%swap3A_1871] {strides = array<i32>} : memref<512xi32, #tpu.memory_space<vmem>>, vector<16xi32>,
      tpu.vector_store %arg8[%swap3A_1871], %add3A_1870 {strides = array<i32>} : memref<512xi32, #tpu.memory_space<vmem>>, vector<16xi32>,
      tpu.vector_store_idx %arg6[%add3A_1870], %select_n3A_1863 : memref<16384xf32, #tpu.memory_space<vmem>>[vector<16xi32>], vector<16xf32>,
      %mul3A_1873 = arith.constant 512 : i32
      %mul3A_1874 = arith.muli %add3A_1630, %mul3A_1873 : i32
      %add3A_1875 = arith.constant 96 : i32
      %add3A_1876 = arith.addi %mul3A_1874, %add3A_1875 : i32
      %get3A_1877 = arith.index_cast %add3A_1876 : i32 to index
      %get3A_1878 = tpu.vector_load %arg5[%get3A_1877] {strides = array<i32>} : memref<65536xf32, #tpu.memory_space<vmem>>, vector<16xf32>,
      %sub3A_1879 = arith.constant 1.000000e+00 : f32
      %sub3A_1880 = vector.broadcast %sub3A_1879 : f32 to vector<16xf32>
      %sub3A_1881 = arith.subf %sub3A_1880, %get3A_1878 : vector<16xf32>
      %mul3A_1882 = arith.constant 2.900000e+01 : f32
      %mul3A_1883 = vector.broadcast %mul3A_1882 : f32 to vector<16xf32>
      %mul3A_1884 = arith.mulf %sub3A_1881, %mul3A_1883 : vector<16xf32>
      %add3A_1885 = arith.constant 2.000000e+00 : f32
      %add3A_1886 = vector.broadcast %add3A_1885 : f32 to vector<16xf32>
      %add3A_1887 = arith.addf %add3A_1886, %mul3A_1884 : vector<16xf32>
      %convert_element_type3A_1888 = arith.fptosi %add3A_1887 : vector<16xf32> to vector<16xi32>
      %gt3A_1889 = arith.constant 0.000000e+00 : f32
      %gt3A_1890 = vector.broadcast %gt3A_1889 : f32 to vector<16xf32>
      %gt3A_1891 = arith.cmpf ogt, %get3A_1878, %gt3A_1890 : vector<16xf32>
      %select_n3A_1892 = arith.select %gt3A_1891, %broadcast_in_dim3A_5, %broadcast_in_dim3A_3 : vector<16xi1>, vector<16xf32>
      %shift_left3A_1893 = arith.constant 9 : i32
      %shift_left3A_1894 = vector.broadcast %shift_left3A_1893 : i32 to vector<16xi32>
      %shift_left3A_1895 = arith.shli %convert_element_type3A_1888, %shift_left3A_1894 : vector<16xi32>
      %add3A_1896 = arith.constant 96 : i32
      %add3A_1897 = vector.broadcast %add3A_1896 : i32 to vector<16xi32>
      %add3A_1898 = arith.addi %iota3A, %add3A_1897 : vector<16xi32>
      %add3A_1899 = arith.addi %shift_left3A_1895, %add3A_1898 : vector<16xi32>
      %swap3A_1900 = arith.constant 96 : index
      %swap3A_1901 = tpu.vector_load %arg8[%swap3A_1900] {strides = array<i32>} : memref<512xi32, #tpu.memory_space<vmem>>, vector<16xi32>,
      tpu.vector_store %arg8[%swap3A_1900], %add3A_1899 {strides = array<i32>} : memref<512xi32, #tpu.memory_space<vmem>>, vector<16xi32>,
      tpu.vector_store_idx %arg6[%add3A_1899], %select_n3A_1892 : memref<16384xf32, #tpu.memory_space<vmem>>[vector<16xi32>], vector<16xf32>,
      %mul3A_1902 = arith.constant 512 : i32
      %mul3A_1903 = arith.muli %add3A_1630, %mul3A_1902 : i32
      %add3A_1904 = arith.constant 112 : i32
      %add3A_1905 = arith.addi %mul3A_1903, %add3A_1904 : i32
      %get3A_1906 = arith.index_cast %add3A_1905 : i32 to index
      %get3A_1907 = tpu.vector_load %arg5[%get3A_1906] {strides = array<i32>} : memref<65536xf32, #tpu.memory_space<vmem>>, vector<16xf32>,
      %sub3A_1908 = arith.constant 1.000000e+00 : f32
      %sub3A_1909 = vector.broadcast %sub3A_1908 : f32 to vector<16xf32>
      %sub3A_1910 = arith.subf %sub3A_1909, %get3A_1907 : vector<16xf32>
      %mul3A_1911 = arith.constant 2.900000e+01 : f32
      %mul3A_1912 = vector.broadcast %mul3A_1911 : f32 to vector<16xf32>
      %mul3A_1913 = arith.mulf %sub3A_1910, %mul3A_1912 : vector<16xf32>
      %add3A_1914 = arith.constant 2.000000e+00 : f32
      %add3A_1915 = vector.broadcast %add3A_1914 : f32 to vector<16xf32>
      %add3A_1916 = arith.addf %add3A_1915, %mul3A_1913 : vector<16xf32>
      %convert_element_type3A_1917 = arith.fptosi %add3A_1916 : vector<16xf32> to vector<16xi32>
      %gt3A_1918 = arith.constant 0.000000e+00 : f32
      %gt3A_1919 = vector.broadcast %gt3A_1918 : f32 to vector<16xf32>
      %gt3A_1920 = arith.cmpf ogt, %get3A_1907, %gt3A_1919 : vector<16xf32>
      %select_n3A_1921 = arith.select %gt3A_1920, %broadcast_in_dim3A_5, %broadcast_in_dim3A_3 : vector<16xi1>, vector<16xf32>
      %shift_left3A_1922 = arith.constant 9 : i32
      %shift_left3A_1923 = vector.broadcast %shift_left3A_1922 : i32 to vector<16xi32>
      %shift_left3A_1924 = arith.shli %convert_element_type3A_1917, %shift_left3A_1923 : vector<16xi32>
      %add3A_1925 = arith.constant 112 : i32
      %add3A_1926 = vector.broadcast %add3A_1925 : i32 to vector<16xi32>
      %add3A_1927 = arith.addi %iota3A, %add3A_1926 : vector<16xi32>
      %add3A_1928 = arith.addi %shift_left3A_1924, %add3A_1927 : vector<16xi32>
      %swap3A_1929 = arith.constant 112 : index
      %swap3A_1930 = tpu.vector_load %arg8[%swap3A_1929] {strides = array<i32>} : memref<512xi32, #tpu.memory_space<vmem>>, vector<16xi32>,
      tpu.vector_store %arg8[%swap3A_1929], %add3A_1928 {strides = array<i32>} : memref<512xi32, #tpu.memory_space<vmem>>, vector<16xi32>,
      tpu.vector_store_idx %arg6[%add3A_1928], %select_n3A_1921 : memref<16384xf32, #tpu.memory_space<vmem>>[vector<16xi32>], vector<16xf32>,
      %mul3A_1931 = arith.constant 512 : i32
      %mul3A_1932 = arith.muli %add3A_1630, %mul3A_1931 : i32
      %add3A_1933 = arith.constant 128 : i32
      %add3A_1934 = arith.addi %mul3A_1932, %add3A_1933 : i32
      %get3A_1935 = arith.index_cast %add3A_1934 : i32 to index
      %get3A_1936 = tpu.vector_load %arg5[%get3A_1935] {strides = array<i32>} : memref<65536xf32, #tpu.memory_space<vmem>>, vector<16xf32>,
      %sub3A_1937 = arith.constant 1.000000e+00 : f32
      %sub3A_1938 = vector.broadcast %sub3A_1937 : f32 to vector<16xf32>
      %sub3A_1939 = arith.subf %sub3A_1938, %get3A_1936 : vector<16xf32>
      %mul3A_1940 = arith.constant 2.900000e+01 : f32
      %mul3A_1941 = vector.broadcast %mul3A_1940 : f32 to vector<16xf32>
      %mul3A_1942 = arith.mulf %sub3A_1939, %mul3A_1941 : vector<16xf32>
      %add3A_1943 = arith.constant 2.000000e+00 : f32
      %add3A_1944 = vector.broadcast %add3A_1943 : f32 to vector<16xf32>
      %add3A_1945 = arith.addf %add3A_1944, %mul3A_1942 : vector<16xf32>
      %convert_element_type3A_1946 = arith.fptosi %add3A_1945 : vector<16xf32> to vector<16xi32>
      %gt3A_1947 = arith.constant 0.000000e+00 : f32
      %gt3A_1948 = vector.broadcast %gt3A_1947 : f32 to vector<16xf32>
      %gt3A_1949 = arith.cmpf ogt, %get3A_1936, %gt3A_1948 : vector<16xf32>
      %select_n3A_1950 = arith.select %gt3A_1949, %broadcast_in_dim3A_5, %broadcast_in_dim3A_3 : vector<16xi1>, vector<16xf32>
      %shift_left3A_1951 = arith.constant 9 : i32
      %shift_left3A_1952 = vector.broadcast %shift_left3A_1951 : i32 to vector<16xi32>
      %shift_left3A_1953 = arith.shli %convert_element_type3A_1946, %shift_left3A_1952 : vector<16xi32>
      %add3A_1954 = arith.constant 128 : i32
      %add3A_1955 = vector.broadcast %add3A_1954 : i32 to vector<16xi32>
      %add3A_1956 = arith.addi %iota3A, %add3A_1955 : vector<16xi32>
      %add3A_1957 = arith.addi %shift_left3A_1953, %add3A_1956 : vector<16xi32>
      %swap3A_1958 = arith.constant 128 : index
      %swap3A_1959 = tpu.vector_load %arg8[%swap3A_1958] {strides = array<i32>} : memref<512xi32, #tpu.memory_space<vmem>>, vector<16xi32>,
      tpu.vector_store %arg8[%swap3A_1958], %add3A_1957 {strides = array<i32>} : memref<512xi32, #tpu.memory_space<vmem>>, vector<16xi32>,
      tpu.vector_store_idx %arg6[%add3A_1957], %select_n3A_1950 : memref<16384xf32, #tpu.memory_space<vmem>>[vector<16xi32>], vector<16xf32>,
      %mul3A_1960 = arith.constant 512 : i32
      %mul3A_1961 = arith.muli %add3A_1630, %mul3A_1960 : i32
      %add3A_1962 = arith.constant 144 : i32
      %add3A_1963 = arith.addi %mul3A_1961, %add3A_1962 : i32
      %get3A_1964 = arith.index_cast %add3A_1963 : i32 to index
      %get3A_1965 = tpu.vector_load %arg5[%get3A_1964] {strides = array<i32>} : memref<65536xf32, #tpu.memory_space<vmem>>, vector<16xf32>,
      %sub3A_1966 = arith.constant 1.000000e+00 : f32
      %sub3A_1967 = vector.broadcast %sub3A_1966 : f32 to vector<16xf32>
      %sub3A_1968 = arith.subf %sub3A_1967, %get3A_1965 : vector<16xf32>
      %mul3A_1969 = arith.constant 2.900000e+01 : f32
      %mul3A_1970 = vector.broadcast %mul3A_1969 : f32 to vector<16xf32>
      %mul3A_1971 = arith.mulf %sub3A_1968, %mul3A_1970 : vector<16xf32>
      %add3A_1972 = arith.constant 2.000000e+00 : f32
      %add3A_1973 = vector.broadcast %add3A_1972 : f32 to vector<16xf32>
      %add3A_1974 = arith.addf %add3A_1973, %mul3A_1971 : vector<16xf32>
      %convert_element_type3A_1975 = arith.fptosi %add3A_1974 : vector<16xf32> to vector<16xi32>
      %gt3A_1976 = arith.constant 0.000000e+00 : f32
      %gt3A_1977 = vector.broadcast %gt3A_1976 : f32 to vector<16xf32>
      %gt3A_1978 = arith.cmpf ogt, %get3A_1965, %gt3A_1977 : vector<16xf32>
      %select_n3A_1979 = arith.select %gt3A_1978, %broadcast_in_dim3A_5, %broadcast_in_dim3A_3 : vector<16xi1>, vector<16xf32>
      %shift_left3A_1980 = arith.constant 9 : i32
      %shift_left3A_1981 = vector.broadcast %shift_left3A_1980 : i32 to vector<16xi32>
      %shift_left3A_1982 = arith.shli %convert_element_type3A_1975, %shift_left3A_1981 : vector<16xi32>
      %add3A_1983 = arith.constant 144 : i32
      %add3A_1984 = vector.broadcast %add3A_1983 : i32 to vector<16xi32>
      %add3A_1985 = arith.addi %iota3A, %add3A_1984 : vector<16xi32>
      %add3A_1986 = arith.addi %shift_left3A_1982, %add3A_1985 : vector<16xi32>
      %swap3A_1987 = arith.constant 144 : index
      %swap3A_1988 = tpu.vector_load %arg8[%swap3A_1987] {strides = array<i32>} : memref<512xi32, #tpu.memory_space<vmem>>, vector<16xi32>,
      tpu.vector_store %arg8[%swap3A_1987], %add3A_1986 {strides = array<i32>} : memref<512xi32, #tpu.memory_space<vmem>>, vector<16xi32>,
      tpu.vector_store_idx %arg6[%add3A_1986], %select_n3A_1979 : memref<16384xf32, #tpu.memory_space<vmem>>[vector<16xi32>], vector<16xf32>,
      %mul3A_1989 = arith.constant 512 : i32
      %mul3A_1990 = arith.muli %add3A_1630, %mul3A_1989 : i32
      %add3A_1991 = arith.constant 160 : i32
      %add3A_1992 = arith.addi %mul3A_1990, %add3A_1991 : i32
      %get3A_1993 = arith.index_cast %add3A_1992 : i32 to index
      %get3A_1994 = tpu.vector_load %arg5[%get3A_1993] {strides = array<i32>} : memref<65536xf32, #tpu.memory_space<vmem>>, vector<16xf32>,
      %sub3A_1995 = arith.constant 1.000000e+00 : f32
      %sub3A_1996 = vector.broadcast %sub3A_1995 : f32 to vector<16xf32>
      %sub3A_1997 = arith.subf %sub3A_1996, %get3A_1994 : vector<16xf32>
      %mul3A_1998 = arith.constant 2.900000e+01 : f32
      %mul3A_1999 = vector.broadcast %mul3A_1998 : f32 to vector<16xf32>
      %mul3A_2000 = arith.mulf %sub3A_1997, %mul3A_1999 : vector<16xf32>
      %add3A_2001 = arith.constant 2.000000e+00 : f32
      %add3A_2002 = vector.broadcast %add3A_2001 : f32 to vector<16xf32>
      %add3A_2003 = arith.addf %add3A_2002, %mul3A_2000 : vector<16xf32>
      %convert_element_type3A_2004 = arith.fptosi %add3A_2003 : vector<16xf32> to vector<16xi32>
      %gt3A_2005 = arith.constant 0.000000e+00 : f32
      %gt3A_2006 = vector.broadcast %gt3A_2005 : f32 to vector<16xf32>
      %gt3A_2007 = arith.cmpf ogt, %get3A_1994, %gt3A_2006 : vector<16xf32>
      %select_n3A_2008 = arith.select %gt3A_2007, %broadcast_in_dim3A_5, %broadcast_in_dim3A_3 : vector<16xi1>, vector<16xf32>
      %shift_left3A_2009 = arith.constant 9 : i32
      %shift_left3A_2010 = vector.broadcast %shift_left3A_2009 : i32 to vector<16xi32>
      %shift_left3A_2011 = arith.shli %convert_element_type3A_2004, %shift_left3A_2010 : vector<16xi32>
      %add3A_2012 = arith.constant 160 : i32
      %add3A_2013 = vector.broadcast %add3A_2012 : i32 to vector<16xi32>
      %add3A_2014 = arith.addi %iota3A, %add3A_2013 : vector<16xi32>
      %add3A_2015 = arith.addi %shift_left3A_2011, %add3A_2014 : vector<16xi32>
      %swap3A_2016 = arith.constant 160 : index
      %swap3A_2017 = tpu.vector_load %arg8[%swap3A_2016] {strides = array<i32>} : memref<512xi32, #tpu.memory_space<vmem>>, vector<16xi32>,
      tpu.vector_store %arg8[%swap3A_2016], %add3A_2015 {strides = array<i32>} : memref<512xi32, #tpu.memory_space<vmem>>, vector<16xi32>,
      tpu.vector_store_idx %arg6[%add3A_2015], %select_n3A_2008 : memref<16384xf32, #tpu.memory_space<vmem>>[vector<16xi32>], vector<16xf32>,
      %mul3A_2018 = arith.constant 512 : i32
      %mul3A_2019 = arith.muli %add3A_1630, %mul3A_2018 : i32
      %add3A_2020 = arith.constant 176 : i32
      %add3A_2021 = arith.addi %mul3A_2019, %add3A_2020 : i32
      %get3A_2022 = arith.index_cast %add3A_2021 : i32 to index
      %get3A_2023 = tpu.vector_load %arg5[%get3A_2022] {strides = array<i32>} : memref<65536xf32, #tpu.memory_space<vmem>>, vector<16xf32>,
      %sub3A_2024 = arith.constant 1.000000e+00 : f32
      %sub3A_2025 = vector.broadcast %sub3A_2024 : f32 to vector<16xf32>
      %sub3A_2026 = arith.subf %sub3A_2025, %get3A_2023 : vector<16xf32>
      %mul3A_2027 = arith.constant 2.900000e+01 : f32
      %mul3A_2028 = vector.broadcast %mul3A_2027 : f32 to vector<16xf32>
      %mul3A_2029 = arith.mulf %sub3A_2026, %mul3A_2028 : vector<16xf32>
      %add3A_2030 = arith.constant 2.000000e+00 : f32
      %add3A_2031 = vector.broadcast %add3A_2030 : f32 to vector<16xf32>
      %add3A_2032 = arith.addf %add3A_2031, %mul3A_2029 : vector<16xf32>
      %convert_element_type3A_2033 = arith.fptosi %add3A_2032 : vector<16xf32> to vector<16xi32>
      %gt3A_2034 = arith.constant 0.000000e+00 : f32
      %gt3A_2035 = vector.broadcast %gt3A_2034 : f32 to vector<16xf32>
      %gt3A_2036 = arith.cmpf ogt, %get3A_2023, %gt3A_2035 : vector<16xf32>
      %select_n3A_2037 = arith.select %gt3A_2036, %broadcast_in_dim3A_5, %broadcast_in_dim3A_3 : vector<16xi1>, vector<16xf32>
      %shift_left3A_2038 = arith.constant 9 : i32
      %shift_left3A_2039 = vector.broadcast %shift_left3A_2038 : i32 to vector<16xi32>
      %shift_left3A_2040 = arith.shli %convert_element_type3A_2033, %shift_left3A_2039 : vector<16xi32>
      %add3A_2041 = arith.constant 176 : i32
      %add3A_2042 = vector.broadcast %add3A_2041 : i32 to vector<16xi32>
      %add3A_2043 = arith.addi %iota3A, %add3A_2042 : vector<16xi32>
      %add3A_2044 = arith.addi %shift_left3A_2040, %add3A_2043 : vector<16xi32>
      %swap3A_2045 = arith.constant 176 : index
      %swap3A_2046 = tpu.vector_load %arg8[%swap3A_2045] {strides = array<i32>} : memref<512xi32, #tpu.memory_space<vmem>>, vector<16xi32>,
      tpu.vector_store %arg8[%swap3A_2045], %add3A_2044 {strides = array<i32>} : memref<512xi32, #tpu.memory_space<vmem>>, vector<16xi32>,
      tpu.vector_store_idx %arg6[%add3A_2044], %select_n3A_2037 : memref<16384xf32, #tpu.memory_space<vmem>>[vector<16xi32>], vector<16xf32>,
      %mul3A_2047 = arith.constant 512 : i32
      %mul3A_2048 = arith.muli %add3A_1630, %mul3A_2047 : i32
      %add3A_2049 = arith.constant 192 : i32
      %add3A_2050 = arith.addi %mul3A_2048, %add3A_2049 : i32
      %get3A_2051 = arith.index_cast %add3A_2050 : i32 to index
      %get3A_2052 = tpu.vector_load %arg5[%get3A_2051] {strides = array<i32>} : memref<65536xf32, #tpu.memory_space<vmem>>, vector<16xf32>,
      %sub3A_2053 = arith.constant 1.000000e+00 : f32
      %sub3A_2054 = vector.broadcast %sub3A_2053 : f32 to vector<16xf32>
      %sub3A_2055 = arith.subf %sub3A_2054, %get3A_2052 : vector<16xf32>
      %mul3A_2056 = arith.constant 2.900000e+01 : f32
      %mul3A_2057 = vector.broadcast %mul3A_2056 : f32 to vector<16xf32>
      %mul3A_2058 = arith.mulf %sub3A_2055, %mul3A_2057 : vector<16xf32>
      %add3A_2059 = arith.constant 2.000000e+00 : f32
      %add3A_2060 = vector.broadcast %add3A_2059 : f32 to vector<16xf32>
      %add3A_2061 = arith.addf %add3A_2060, %mul3A_2058 : vector<16xf32>
      %convert_element_type3A_2062 = arith.fptosi %add3A_2061 : vector<16xf32> to vector<16xi32>
      %gt3A_2063 = arith.constant 0.000000e+00 : f32
      %gt3A_2064 = vector.broadcast %gt3A_2063 : f32 to vector<16xf32>
      %gt3A_2065 = arith.cmpf ogt, %get3A_2052, %gt3A_2064 : vector<16xf32>
      %select_n3A_2066 = arith.select %gt3A_2065, %broadcast_in_dim3A_5, %broadcast_in_dim3A_3 : vector<16xi1>, vector<16xf32>
      %shift_left3A_2067 = arith.constant 9 : i32
      %shift_left3A_2068 = vector.broadcast %shift_left3A_2067 : i32 to vector<16xi32>
      %shift_left3A_2069 = arith.shli %convert_element_type3A_2062, %shift_left3A_2068 : vector<16xi32>
      %add3A_2070 = arith.constant 192 : i32
      %add3A_2071 = vector.broadcast %add3A_2070 : i32 to vector<16xi32>
      %add3A_2072 = arith.addi %iota3A, %add3A_2071 : vector<16xi32>
      %add3A_2073 = arith.addi %shift_left3A_2069, %add3A_2072 : vector<16xi32>
      %swap3A_2074 = arith.constant 192 : index
      %swap3A_2075 = tpu.vector_load %arg8[%swap3A_2074] {strides = array<i32>} : memref<512xi32, #tpu.memory_space<vmem>>, vector<16xi32>,
      tpu.vector_store %arg8[%swap3A_2074], %add3A_2073 {strides = array<i32>} : memref<512xi32, #tpu.memory_space<vmem>>, vector<16xi32>,
      tpu.vector_store_idx %arg6[%add3A_2073], %select_n3A_2066 : memref<16384xf32, #tpu.memory_space<vmem>>[vector<16xi32>], vector<16xf32>,
      %mul3A_2076 = arith.constant 512 : i32
      %mul3A_2077 = arith.muli %add3A_1630, %mul3A_2076 : i32
      %add3A_2078 = arith.constant 208 : i32
      %add3A_2079 = arith.addi %mul3A_2077, %add3A_2078 : i32
      %get3A_2080 = arith.index_cast %add3A_2079 : i32 to index
      %get3A_2081 = tpu.vector_load %arg5[%get3A_2080] {strides = array<i32>} : memref<65536xf32, #tpu.memory_space<vmem>>, vector<16xf32>,
      %sub3A_2082 = arith.constant 1.000000e+00 : f32
      %sub3A_2083 = vector.broadcast %sub3A_2082 : f32 to vector<16xf32>
      %sub3A_2084 = arith.subf %sub3A_2083, %get3A_2081 : vector<16xf32>
      %mul3A_2085 = arith.constant 2.900000e+01 : f32
      %mul3A_2086 = vector.broadcast %mul3A_2085 : f32 to vector<16xf32>
      %mul3A_2087 = arith.mulf %sub3A_2084, %mul3A_2086 : vector<16xf32>
      %add3A_2088 = arith.constant 2.000000e+00 : f32
      %add3A_2089 = vector.broadcast %add3A_2088 : f32 to vector<16xf32>
      %add3A_2090 = arith.addf %add3A_2089, %mul3A_2087 : vector<16xf32>
      %convert_element_type3A_2091 = arith.fptosi %add3A_2090 : vector<16xf32> to vector<16xi32>
      %gt3A_2092 = arith.constant 0.000000e+00 : f32
      %gt3A_2093 = vector.broadcast %gt3A_2092 : f32 to vector<16xf32>
      %gt3A_2094 = arith.cmpf ogt, %get3A_2081, %gt3A_2093 : vector<16xf32>
      %select_n3A_2095 = arith.select %gt3A_2094, %broadcast_in_dim3A_5, %broadcast_in_dim3A_3 : vector<16xi1>, vector<16xf32>
      %shift_left3A_2096 = arith.constant 9 : i32
      %shift_left3A_2097 = vector.broadcast %shift_left3A_2096 : i32 to vector<16xi32>
      %shift_left3A_2098 = arith.shli %convert_element_type3A_2091, %shift_left3A_2097 : vector<16xi32>
      %add3A_2099 = arith.constant 208 : i32
      %add3A_2100 = vector.broadcast %add3A_2099 : i32 to vector<16xi32>
      %add3A_2101 = arith.addi %iota3A, %add3A_2100 : vector<16xi32>
      %add3A_2102 = arith.addi %shift_left3A_2098, %add3A_2101 : vector<16xi32>
      %swap3A_2103 = arith.constant 208 : index
      %swap3A_2104 = tpu.vector_load %arg8[%swap3A_2103] {strides = array<i32>} : memref<512xi32, #tpu.memory_space<vmem>>, vector<16xi32>,
      tpu.vector_store %arg8[%swap3A_2103], %add3A_2102 {strides = array<i32>} : memref<512xi32, #tpu.memory_space<vmem>>, vector<16xi32>,
      tpu.vector_store_idx %arg6[%add3A_2102], %select_n3A_2095 : memref<16384xf32, #tpu.memory_space<vmem>>[vector<16xi32>], vector<16xf32>,
      %mul3A_2105 = arith.constant 512 : i32
      %mul3A_2106 = arith.muli %add3A_1630, %mul3A_2105 : i32
      %add3A_2107 = arith.constant 224 : i32
      %add3A_2108 = arith.addi %mul3A_2106, %add3A_2107 : i32
      %get3A_2109 = arith.index_cast %add3A_2108 : i32 to index
      %get3A_2110 = tpu.vector_load %arg5[%get3A_2109] {strides = array<i32>} : memref<65536xf32, #tpu.memory_space<vmem>>, vector<16xf32>,
      %sub3A_2111 = arith.constant 1.000000e+00 : f32
      %sub3A_2112 = vector.broadcast %sub3A_2111 : f32 to vector<16xf32>
      %sub3A_2113 = arith.subf %sub3A_2112, %get3A_2110 : vector<16xf32>
      %mul3A_2114 = arith.constant 2.900000e+01 : f32
      %mul3A_2115 = vector.broadcast %mul3A_2114 : f32 to vector<16xf32>
      %mul3A_2116 = arith.mulf %sub3A_2113, %mul3A_2115 : vector<16xf32>
      %add3A_2117 = arith.constant 2.000000e+00 : f32
      %add3A_2118 = vector.broadcast %add3A_2117 : f32 to vector<16xf32>
      %add3A_2119 = arith.addf %add3A_2118, %mul3A_2116 : vector<16xf32>
      %convert_element_type3A_2120 = arith.fptosi %add3A_2119 : vector<16xf32> to vector<16xi32>
      %gt3A_2121 = arith.constant 0.000000e+00 : f32
      %gt3A_2122 = vector.broadcast %gt3A_2121 : f32 to vector<16xf32>
      %gt3A_2123 = arith.cmpf ogt, %get3A_2110, %gt3A_2122 : vector<16xf32>
      %select_n3A_2124 = arith.select %gt3A_2123, %broadcast_in_dim3A_5, %broadcast_in_dim3A_3 : vector<16xi1>, vector<16xf32>
      %shift_left3A_2125 = arith.constant 9 : i32
      %shift_left3A_2126 = vector.broadcast %shift_left3A_2125 : i32 to vector<16xi32>
      %shift_left3A_2127 = arith.shli %convert_element_type3A_2120, %shift_left3A_2126 : vector<16xi32>
      %add3A_2128 = arith.constant 224 : i32
      %add3A_2129 = vector.broadcast %add3A_2128 : i32 to vector<16xi32>
      %add3A_2130 = arith.addi %iota3A, %add3A_2129 : vector<16xi32>
      %add3A_2131 = arith.addi %shift_left3A_2127, %add3A_2130 : vector<16xi32>
      %swap3A_2132 = arith.constant 224 : index
      %swap3A_2133 = tpu.vector_load %arg8[%swap3A_2132] {strides = array<i32>} : memref<512xi32, #tpu.memory_space<vmem>>, vector<16xi32>,
      tpu.vector_store %arg8[%swap3A_2132], %add3A_2131 {strides = array<i32>} : memref<512xi32, #tpu.memory_space<vmem>>, vector<16xi32>,
      tpu.vector_store_idx %arg6[%add3A_2131], %select_n3A_2124 : memref<16384xf32, #tpu.memory_space<vmem>>[vector<16xi32>], vector<16xf32>,
      %mul3A_2134 = arith.constant 512 : i32
      %mul3A_2135 = arith.muli %add3A_1630, %mul3A_2134 : i32
      %add3A_2136 = arith.constant 240 : i32
      %add3A_2137 = arith.addi %mul3A_2135, %add3A_2136 : i32
      %get3A_2138 = arith.index_cast %add3A_2137 : i32 to index
      %get3A_2139 = tpu.vector_load %arg5[%get3A_2138] {strides = array<i32>} : memref<65536xf32, #tpu.memory_space<vmem>>, vector<16xf32>,
      %sub3A_2140 = arith.constant 1.000000e+00 : f32
      %sub3A_2141 = vector.broadcast %sub3A_2140 : f32 to vector<16xf32>
      %sub3A_2142 = arith.subf %sub3A_2141, %get3A_2139 : vector<16xf32>
      %mul3A_2143 = arith.constant 2.900000e+01 : f32
      %mul3A_2144 = vector.broadcast %mul3A_2143 : f32 to vector<16xf32>
      %mul3A_2145 = arith.mulf %sub3A_2142, %mul3A_2144 : vector<16xf32>
      %add3A_2146 = arith.constant 2.000000e+00 : f32
      %add3A_2147 = vector.broadcast %add3A_2146 : f32 to vector<16xf32>
      %add3A_2148 = arith.addf %add3A_2147, %mul3A_2145 : vector<16xf32>
      %convert_element_type3A_2149 = arith.fptosi %add3A_2148 : vector<16xf32> to vector<16xi32>
      %gt3A_2150 = arith.constant 0.000000e+00 : f32
      %gt3A_2151 = vector.broadcast %gt3A_2150 : f32 to vector<16xf32>
      %gt3A_2152 = arith.cmpf ogt, %get3A_2139, %gt3A_2151 : vector<16xf32>
      %select_n3A_2153 = arith.select %gt3A_2152, %broadcast_in_dim3A_5, %broadcast_in_dim3A_3 : vector<16xi1>, vector<16xf32>
      %shift_left3A_2154 = arith.constant 9 : i32
      %shift_left3A_2155 = vector.broadcast %shift_left3A_2154 : i32 to vector<16xi32>
      %shift_left3A_2156 = arith.shli %convert_element_type3A_2149, %shift_left3A_2155 : vector<16xi32>
      %add3A_2157 = arith.constant 240 : i32
      %add3A_2158 = vector.broadcast %add3A_2157 : i32 to vector<16xi32>
      %add3A_2159 = arith.addi %iota3A, %add3A_2158 : vector<16xi32>
      %add3A_2160 = arith.addi %shift_left3A_2156, %add3A_2159 : vector<16xi32>
      %swap3A_2161 = arith.constant 240 : index
      %swap3A_2162 = tpu.vector_load %arg8[%swap3A_2161] {strides = array<i32>} : memref<512xi32, #tpu.memory_space<vmem>>, vector<16xi32>,
      tpu.vector_store %arg8[%swap3A_2161], %add3A_2160 {strides = array<i32>} : memref<512xi32, #tpu.memory_space<vmem>>, vector<16xi32>,
      tpu.vector_store_idx %arg6[%add3A_2160], %select_n3A_2153 : memref<16384xf32, #tpu.memory_space<vmem>>[vector<16xi32>], vector<16xf32>,
      %mul3A_2163 = arith.constant 512 : i32
      %mul3A_2164 = arith.muli %add3A_1630, %mul3A_2163 : i32
      %add3A_2165 = arith.constant 256 : i32
      %add3A_2166 = arith.addi %mul3A_2164, %add3A_2165 : i32
      %get3A_2167 = arith.index_cast %add3A_2166 : i32 to index
      %get3A_2168 = tpu.vector_load %arg5[%get3A_2167] {strides = array<i32>} : memref<65536xf32, #tpu.memory_space<vmem>>, vector<16xf32>,
      %sub3A_2169 = arith.constant 1.000000e+00 : f32
      %sub3A_2170 = vector.broadcast %sub3A_2169 : f32 to vector<16xf32>
      %sub3A_2171 = arith.subf %sub3A_2170, %get3A_2168 : vector<16xf32>
      %mul3A_2172 = arith.constant 2.900000e+01 : f32
      %mul3A_2173 = vector.broadcast %mul3A_2172 : f32 to vector<16xf32>
      %mul3A_2174 = arith.mulf %sub3A_2171, %mul3A_2173 : vector<16xf32>
      %add3A_2175 = arith.constant 2.000000e+00 : f32
      %add3A_2176 = vector.broadcast %add3A_2175 : f32 to vector<16xf32>
      %add3A_2177 = arith.addf %add3A_2176, %mul3A_2174 : vector<16xf32>
      %convert_element_type3A_2178 = arith.fptosi %add3A_2177 : vector<16xf32> to vector<16xi32>
      %gt3A_2179 = arith.constant 0.000000e+00 : f32
      %gt3A_2180 = vector.broadcast %gt3A_2179 : f32 to vector<16xf32>
      %gt3A_2181 = arith.cmpf ogt, %get3A_2168, %gt3A_2180 : vector<16xf32>
      %select_n3A_2182 = arith.select %gt3A_2181, %broadcast_in_dim3A_5, %broadcast_in_dim3A_3 : vector<16xi1>, vector<16xf32>
      %shift_left3A_2183 = arith.constant 9 : i32
      %shift_left3A_2184 = vector.broadcast %shift_left3A_2183 : i32 to vector<16xi32>
      %shift_left3A_2185 = arith.shli %convert_element_type3A_2178, %shift_left3A_2184 : vector<16xi32>
      %add3A_2186 = arith.constant 256 : i32
      %add3A_2187 = vector.broadcast %add3A_2186 : i32 to vector<16xi32>
      %add3A_2188 = arith.addi %iota3A, %add3A_2187 : vector<16xi32>
      %add3A_2189 = arith.addi %shift_left3A_2185, %add3A_2188 : vector<16xi32>
      %swap3A_2190 = arith.constant 256 : index
      %swap3A_2191 = tpu.vector_load %arg8[%swap3A_2190] {strides = array<i32>} : memref<512xi32, #tpu.memory_space<vmem>>, vector<16xi32>,
      tpu.vector_store %arg8[%swap3A_2190], %add3A_2189 {strides = array<i32>} : memref<512xi32, #tpu.memory_space<vmem>>, vector<16xi32>,
      tpu.vector_store_idx %arg6[%add3A_2189], %select_n3A_2182 : memref<16384xf32, #tpu.memory_space<vmem>>[vector<16xi32>], vector<16xf32>,
      %mul3A_2192 = arith.constant 512 : i32
      %mul3A_2193 = arith.muli %add3A_1630, %mul3A_2192 : i32
      %add3A_2194 = arith.constant 272 : i32
      %add3A_2195 = arith.addi %mul3A_2193, %add3A_2194 : i32
      %get3A_2196 = arith.index_cast %add3A_2195 : i32 to index
      %get3A_2197 = tpu.vector_load %arg5[%get3A_2196] {strides = array<i32>} : memref<65536xf32, #tpu.memory_space<vmem>>, vector<16xf32>,
      %sub3A_2198 = arith.constant 1.000000e+00 : f32
      %sub3A_2199 = vector.broadcast %sub3A_2198 : f32 to vector<16xf32>
      %sub3A_2200 = arith.subf %sub3A_2199, %get3A_2197 : vector<16xf32>
      %mul3A_2201 = arith.constant 2.900000e+01 : f32
      %mul3A_2202 = vector.broadcast %mul3A_2201 : f32 to vector<16xf32>
      %mul3A_2203 = arith.mulf %sub3A_2200, %mul3A_2202 : vector<16xf32>
      %add3A_2204 = arith.constant 2.000000e+00 : f32
      %add3A_2205 = vector.broadcast %add3A_2204 : f32 to vector<16xf32>
      %add3A_2206 = arith.addf %add3A_2205, %mul3A_2203 : vector<16xf32>
      %convert_element_type3A_2207 = arith.fptosi %add3A_2206 : vector<16xf32> to vector<16xi32>
      %gt3A_2208 = arith.constant 0.000000e+00 : f32
      %gt3A_2209 = vector.broadcast %gt3A_2208 : f32 to vector<16xf32>
      %gt3A_2210 = arith.cmpf ogt, %get3A_2197, %gt3A_2209 : vector<16xf32>
      %select_n3A_2211 = arith.select %gt3A_2210, %broadcast_in_dim3A_5, %broadcast_in_dim3A_3 : vector<16xi1>, vector<16xf32>
      %shift_left3A_2212 = arith.constant 9 : i32
      %shift_left3A_2213 = vector.broadcast %shift_left3A_2212 : i32 to vector<16xi32>
      %shift_left3A_2214 = arith.shli %convert_element_type3A_2207, %shift_left3A_2213 : vector<16xi32>
      %add3A_2215 = arith.constant 272 : i32
      %add3A_2216 = vector.broadcast %add3A_2215 : i32 to vector<16xi32>
      %add3A_2217 = arith.addi %iota3A, %add3A_2216 : vector<16xi32>
      %add3A_2218 = arith.addi %shift_left3A_2214, %add3A_2217 : vector<16xi32>
      %swap3A_2219 = arith.constant 272 : index
      %swap3A_2220 = tpu.vector_load %arg8[%swap3A_2219] {strides = array<i32>} : memref<512xi32, #tpu.memory_space<vmem>>, vector<16xi32>,
      tpu.vector_store %arg8[%swap3A_2219], %add3A_2218 {strides = array<i32>} : memref<512xi32, #tpu.memory_space<vmem>>, vector<16xi32>,
      tpu.vector_store_idx %arg6[%add3A_2218], %select_n3A_2211 : memref<16384xf32, #tpu.memory_space<vmem>>[vector<16xi32>], vector<16xf32>,
      %mul3A_2221 = arith.constant 512 : i32
      %mul3A_2222 = arith.muli %add3A_1630, %mul3A_2221 : i32
      %add3A_2223 = arith.constant 288 : i32
      %add3A_2224 = arith.addi %mul3A_2222, %add3A_2223 : i32
      %get3A_2225 = arith.index_cast %add3A_2224 : i32 to index
      %get3A_2226 = tpu.vector_load %arg5[%get3A_2225] {strides = array<i32>} : memref<65536xf32, #tpu.memory_space<vmem>>, vector<16xf32>,
      %sub3A_2227 = arith.constant 1.000000e+00 : f32
      %sub3A_2228 = vector.broadcast %sub3A_2227 : f32 to vector<16xf32>
      %sub3A_2229 = arith.subf %sub3A_2228, %get3A_2226 : vector<16xf32>
      %mul3A_2230 = arith.constant 2.900000e+01 : f32
      %mul3A_2231 = vector.broadcast %mul3A_2230 : f32 to vector<16xf32>
      %mul3A_2232 = arith.mulf %sub3A_2229, %mul3A_2231 : vector<16xf32>
      %add3A_2233 = arith.constant 2.000000e+00 : f32
      %add3A_2234 = vector.broadcast %add3A_2233 : f32 to vector<16xf32>
      %add3A_2235 = arith.addf %add3A_2234, %mul3A_2232 : vector<16xf32>
      %convert_element_type3A_2236 = arith.fptosi %add3A_2235 : vector<16xf32> to vector<16xi32>
      %gt3A_2237 = arith.constant 0.000000e+00 : f32
      %gt3A_2238 = vector.broadcast %gt3A_2237 : f32 to vector<16xf32>
      %gt3A_2239 = arith.cmpf ogt, %get3A_2226, %gt3A_2238 : vector<16xf32>
      %select_n3A_2240 = arith.select %gt3A_2239, %broadcast_in_dim3A_5, %broadcast_in_dim3A_3 : vector<16xi1>, vector<16xf32>
      %shift_left3A_2241 = arith.constant 9 : i32
      %shift_left3A_2242 = vector.broadcast %shift_left3A_2241 : i32 to vector<16xi32>
      %shift_left3A_2243 = arith.shli %convert_element_type3A_2236, %shift_left3A_2242 : vector<16xi32>
      %add3A_2244 = arith.constant 288 : i32
      %add3A_2245 = vector.broadcast %add3A_2244 : i32 to vector<16xi32>
      %add3A_2246 = arith.addi %iota3A, %add3A_2245 : vector<16xi32>
      %add3A_2247 = arith.addi %shift_left3A_2243, %add3A_2246 : vector<16xi32>
      %swap3A_2248 = arith.constant 288 : index
      %swap3A_2249 = tpu.vector_load %arg8[%swap3A_2248] {strides = array<i32>} : memref<512xi32, #tpu.memory_space<vmem>>, vector<16xi32>,
      tpu.vector_store %arg8[%swap3A_2248], %add3A_2247 {strides = array<i32>} : memref<512xi32, #tpu.memory_space<vmem>>, vector<16xi32>,
      tpu.vector_store_idx %arg6[%add3A_2247], %select_n3A_2240 : memref<16384xf32, #tpu.memory_space<vmem>>[vector<16xi32>], vector<16xf32>,
      %mul3A_2250 = arith.constant 512 : i32
      %mul3A_2251 = arith.muli %add3A_1630, %mul3A_2250 : i32
      %add3A_2252 = arith.constant 304 : i32
      %add3A_2253 = arith.addi %mul3A_2251, %add3A_2252 : i32
      %get3A_2254 = arith.index_cast %add3A_2253 : i32 to index
      %get3A_2255 = tpu.vector_load %arg5[%get3A_2254] {strides = array<i32>} : memref<65536xf32, #tpu.memory_space<vmem>>, vector<16xf32>,
      %sub3A_2256 = arith.constant 1.000000e+00 : f32
      %sub3A_2257 = vector.broadcast %sub3A_2256 : f32 to vector<16xf32>
      %sub3A_2258 = arith.subf %sub3A_2257, %get3A_2255 : vector<16xf32>
      %mul3A_2259 = arith.constant 2.900000e+01 : f32
      %mul3A_2260 = vector.broadcast %mul3A_2259 : f32 to vector<16xf32>
      %mul3A_2261 = arith.mulf %sub3A_2258, %mul3A_2260 : vector<16xf32>
      %add3A_2262 = arith.constant 2.000000e+00 : f32
      %add3A_2263 = vector.broadcast %add3A_2262 : f32 to vector<16xf32>
      %add3A_2264 = arith.addf %add3A_2263, %mul3A_2261 : vector<16xf32>
      %convert_element_type3A_2265 = arith.fptosi %add3A_2264 : vector<16xf32> to vector<16xi32>
      %gt3A_2266 = arith.constant 0.000000e+00 : f32
      %gt3A_2267 = vector.broadcast %gt3A_2266 : f32 to vector<16xf32>
      %gt3A_2268 = arith.cmpf ogt, %get3A_2255, %gt3A_2267 : vector<16xf32>
      %select_n3A_2269 = arith.select %gt3A_2268, %broadcast_in_dim3A_5, %broadcast_in_dim3A_3 : vector<16xi1>, vector<16xf32>
      %shift_left3A_2270 = arith.constant 9 : i32
      %shift_left3A_2271 = vector.broadcast %shift_left3A_2270 : i32 to vector<16xi32>
      %shift_left3A_2272 = arith.shli %convert_element_type3A_2265, %shift_left3A_2271 : vector<16xi32>
      %add3A_2273 = arith.constant 304 : i32
      %add3A_2274 = vector.broadcast %add3A_2273 : i32 to vector<16xi32>
      %add3A_2275 = arith.addi %iota3A, %add3A_2274 : vector<16xi32>
      %add3A_2276 = arith.addi %shift_left3A_2272, %add3A_2275 : vector<16xi32>
      %swap3A_2277 = arith.constant 304 : index
      %swap3A_2278 = tpu.vector_load %arg8[%swap3A_2277] {strides = array<i32>} : memref<512xi32, #tpu.memory_space<vmem>>, vector<16xi32>,
      tpu.vector_store %arg8[%swap3A_2277], %add3A_2276 {strides = array<i32>} : memref<512xi32, #tpu.memory_space<vmem>>, vector<16xi32>,
      tpu.vector_store_idx %arg6[%add3A_2276], %select_n3A_2269 : memref<16384xf32, #tpu.memory_space<vmem>>[vector<16xi32>], vector<16xf32>,
      %mul3A_2279 = arith.constant 512 : i32
      %mul3A_2280 = arith.muli %add3A_1630, %mul3A_2279 : i32
      %add3A_2281 = arith.constant 320 : i32
      %add3A_2282 = arith.addi %mul3A_2280, %add3A_2281 : i32
      %get3A_2283 = arith.index_cast %add3A_2282 : i32 to index
      %get3A_2284 = tpu.vector_load %arg5[%get3A_2283] {strides = array<i32>} : memref<65536xf32, #tpu.memory_space<vmem>>, vector<16xf32>,
      %sub3A_2285 = arith.constant 1.000000e+00 : f32
      %sub3A_2286 = vector.broadcast %sub3A_2285 : f32 to vector<16xf32>
      %sub3A_2287 = arith.subf %sub3A_2286, %get3A_2284 : vector<16xf32>
      %mul3A_2288 = arith.constant 2.900000e+01 : f32
      %mul3A_2289 = vector.broadcast %mul3A_2288 : f32 to vector<16xf32>
      %mul3A_2290 = arith.mulf %sub3A_2287, %mul3A_2289 : vector<16xf32>
      %add3A_2291 = arith.constant 2.000000e+00 : f32
      %add3A_2292 = vector.broadcast %add3A_2291 : f32 to vector<16xf32>
      %add3A_2293 = arith.addf %add3A_2292, %mul3A_2290 : vector<16xf32>
      %convert_element_type3A_2294 = arith.fptosi %add3A_2293 : vector<16xf32> to vector<16xi32>
      %gt3A_2295 = arith.constant 0.000000e+00 : f32
      %gt3A_2296 = vector.broadcast %gt3A_2295 : f32 to vector<16xf32>
      %gt3A_2297 = arith.cmpf ogt, %get3A_2284, %gt3A_2296 : vector<16xf32>
      %select_n3A_2298 = arith.select %gt3A_2297, %broadcast_in_dim3A_5, %broadcast_in_dim3A_3 : vector<16xi1>, vector<16xf32>
      %shift_left3A_2299 = arith.constant 9 : i32
      %shift_left3A_2300 = vector.broadcast %shift_left3A_2299 : i32 to vector<16xi32>
      %shift_left3A_2301 = arith.shli %convert_element_type3A_2294, %shift_left3A_2300 : vector<16xi32>
      %add3A_2302 = arith.constant 320 : i32
      %add3A_2303 = vector.broadcast %add3A_2302 : i32 to vector<16xi32>
      %add3A_2304 = arith.addi %iota3A, %add3A_2303 : vector<16xi32>
      %add3A_2305 = arith.addi %shift_left3A_2301, %add3A_2304 : vector<16xi32>
      %swap3A_2306 = arith.constant 320 : index
      %swap3A_2307 = tpu.vector_load %arg8[%swap3A_2306] {strides = array<i32>} : memref<512xi32, #tpu.memory_space<vmem>>, vector<16xi32>,
      tpu.vector_store %arg8[%swap3A_2306], %add3A_2305 {strides = array<i32>} : memref<512xi32, #tpu.memory_space<vmem>>, vector<16xi32>,
      tpu.vector_store_idx %arg6[%add3A_2305], %select_n3A_2298 : memref<16384xf32, #tpu.memory_space<vmem>>[vector<16xi32>], vector<16xf32>,
      %mul3A_2308 = arith.constant 512 : i32
      %mul3A_2309 = arith.muli %add3A_1630, %mul3A_2308 : i32
      %add3A_2310 = arith.constant 336 : i32
      %add3A_2311 = arith.addi %mul3A_2309, %add3A_2310 : i32
      %get3A_2312 = arith.index_cast %add3A_2311 : i32 to index
      %get3A_2313 = tpu.vector_load %arg5[%get3A_2312] {strides = array<i32>} : memref<65536xf32, #tpu.memory_space<vmem>>, vector<16xf32>,
      %sub3A_2314 = arith.constant 1.000000e+00 : f32
      %sub3A_2315 = vector.broadcast %sub3A_2314 : f32 to vector<16xf32>
      %sub3A_2316 = arith.subf %sub3A_2315, %get3A_2313 : vector<16xf32>
      %mul3A_2317 = arith.constant 2.900000e+01 : f32
      %mul3A_2318 = vector.broadcast %mul3A_2317 : f32 to vector<16xf32>
      %mul3A_2319 = arith.mulf %sub3A_2316, %mul3A_2318 : vector<16xf32>
      %add3A_2320 = arith.constant 2.000000e+00 : f32
      %add3A_2321 = vector.broadcast %add3A_2320 : f32 to vector<16xf32>
      %add3A_2322 = arith.addf %add3A_2321, %mul3A_2319 : vector<16xf32>
      %convert_element_type3A_2323 = arith.fptosi %add3A_2322 : vector<16xf32> to vector<16xi32>
      %gt3A_2324 = arith.constant 0.000000e+00 : f32
      %gt3A_2325 = vector.broadcast %gt3A_2324 : f32 to vector<16xf32>
      %gt3A_2326 = arith.cmpf ogt, %get3A_2313, %gt3A_2325 : vector<16xf32>
      %select_n3A_2327 = arith.select %gt3A_2326, %broadcast_in_dim3A_5, %broadcast_in_dim3A_3 : vector<16xi1>, vector<16xf32>
      %shift_left3A_2328 = arith.constant 9 : i32
      %shift_left3A_2329 = vector.broadcast %shift_left3A_2328 : i32 to vector<16xi32>
      %shift_left3A_2330 = arith.shli %convert_element_type3A_2323, %shift_left3A_2329 : vector<16xi32>
      %add3A_2331 = arith.constant 336 : i32
      %add3A_2332 = vector.broadcast %add3A_2331 : i32 to vector<16xi32>
      %add3A_2333 = arith.addi %iota3A, %add3A_2332 : vector<16xi32>
      %add3A_2334 = arith.addi %shift_left3A_2330, %add3A_2333 : vector<16xi32>
      %swap3A_2335 = arith.constant 336 : index
      %swap3A_2336 = tpu.vector_load %arg8[%swap3A_2335] {strides = array<i32>} : memref<512xi32, #tpu.memory_space<vmem>>, vector<16xi32>,
      tpu.vector_store %arg8[%swap3A_2335], %add3A_2334 {strides = array<i32>} : memref<512xi32, #tpu.memory_space<vmem>>, vector<16xi32>,
      tpu.vector_store_idx %arg6[%add3A_2334], %select_n3A_2327 : memref<16384xf32, #tpu.memory_space<vmem>>[vector<16xi32>], vector<16xf32>,
      %mul3A_2337 = arith.constant 512 : i32
      %mul3A_2338 = arith.muli %add3A_1630, %mul3A_2337 : i32
      %add3A_2339 = arith.constant 352 : i32
      %add3A_2340 = arith.addi %mul3A_2338, %add3A_2339 : i32
      %get3A_2341 = arith.index_cast %add3A_2340 : i32 to index
      %get3A_2342 = tpu.vector_load %arg5[%get3A_2341] {strides = array<i32>} : memref<65536xf32, #tpu.memory_space<vmem>>, vector<16xf32>,
      %sub3A_2343 = arith.constant 1.000000e+00 : f32
      %sub3A_2344 = vector.broadcast %sub3A_2343 : f32 to vector<16xf32>
      %sub3A_2345 = arith.subf %sub3A_2344, %get3A_2342 : vector<16xf32>
      %mul3A_2346 = arith.constant 2.900000e+01 : f32
      %mul3A_2347 = vector.broadcast %mul3A_2346 : f32 to vector<16xf32>
      %mul3A_2348 = arith.mulf %sub3A_2345, %mul3A_2347 : vector<16xf32>
      %add3A_2349 = arith.constant 2.000000e+00 : f32
      %add3A_2350 = vector.broadcast %add3A_2349 : f32 to vector<16xf32>
      %add3A_2351 = arith.addf %add3A_2350, %mul3A_2348 : vector<16xf32>
      %convert_element_type3A_2352 = arith.fptosi %add3A_2351 : vector<16xf32> to vector<16xi32>
      %gt3A_2353 = arith.constant 0.000000e+00 : f32
      %gt3A_2354 = vector.broadcast %gt3A_2353 : f32 to vector<16xf32>
      %gt3A_2355 = arith.cmpf ogt, %get3A_2342, %gt3A_2354 : vector<16xf32>
      %select_n3A_2356 = arith.select %gt3A_2355, %broadcast_in_dim3A_5, %broadcast_in_dim3A_3 : vector<16xi1>, vector<16xf32>
      %shift_left3A_2357 = arith.constant 9 : i32
      %shift_left3A_2358 = vector.broadcast %shift_left3A_2357 : i32 to vector<16xi32>
      %shift_left3A_2359 = arith.shli %convert_element_type3A_2352, %shift_left3A_2358 : vector<16xi32>
      %add3A_2360 = arith.constant 352 : i32
      %add3A_2361 = vector.broadcast %add3A_2360 : i32 to vector<16xi32>
      %add3A_2362 = arith.addi %iota3A, %add3A_2361 : vector<16xi32>
      %add3A_2363 = arith.addi %shift_left3A_2359, %add3A_2362 : vector<16xi32>
      %swap3A_2364 = arith.constant 352 : index
      %swap3A_2365 = tpu.vector_load %arg8[%swap3A_2364] {strides = array<i32>} : memref<512xi32, #tpu.memory_space<vmem>>, vector<16xi32>,
      tpu.vector_store %arg8[%swap3A_2364], %add3A_2363 {strides = array<i32>} : memref<512xi32, #tpu.memory_space<vmem>>, vector<16xi32>,
      tpu.vector_store_idx %arg6[%add3A_2363], %select_n3A_2356 : memref<16384xf32, #tpu.memory_space<vmem>>[vector<16xi32>], vector<16xf32>,
      %mul3A_2366 = arith.constant 512 : i32
      %mul3A_2367 = arith.muli %add3A_1630, %mul3A_2366 : i32
      %add3A_2368 = arith.constant 368 : i32
      %add3A_2369 = arith.addi %mul3A_2367, %add3A_2368 : i32
      %get3A_2370 = arith.index_cast %add3A_2369 : i32 to index
      %get3A_2371 = tpu.vector_load %arg5[%get3A_2370] {strides = array<i32>} : memref<65536xf32, #tpu.memory_space<vmem>>, vector<16xf32>,
      %sub3A_2372 = arith.constant 1.000000e+00 : f32
      %sub3A_2373 = vector.broadcast %sub3A_2372 : f32 to vector<16xf32>
      %sub3A_2374 = arith.subf %sub3A_2373, %get3A_2371 : vector<16xf32>
      %mul3A_2375 = arith.constant 2.900000e+01 : f32
      %mul3A_2376 = vector.broadcast %mul3A_2375 : f32 to vector<16xf32>
      %mul3A_2377 = arith.mulf %sub3A_2374, %mul3A_2376 : vector<16xf32>
      %add3A_2378 = arith.constant 2.000000e+00 : f32
      %add3A_2379 = vector.broadcast %add3A_2378 : f32 to vector<16xf32>
      %add3A_2380 = arith.addf %add3A_2379, %mul3A_2377 : vector<16xf32>
      %convert_element_type3A_2381 = arith.fptosi %add3A_2380 : vector<16xf32> to vector<16xi32>
      %gt3A_2382 = arith.constant 0.000000e+00 : f32
      %gt3A_2383 = vector.broadcast %gt3A_2382 : f32 to vector<16xf32>
      %gt3A_2384 = arith.cmpf ogt, %get3A_2371, %gt3A_2383 : vector<16xf32>
      %select_n3A_2385 = arith.select %gt3A_2384, %broadcast_in_dim3A_5, %broadcast_in_dim3A_3 : vector<16xi1>, vector<16xf32>
      %shift_left3A_2386 = arith.constant 9 : i32
      %shift_left3A_2387 = vector.broadcast %shift_left3A_2386 : i32 to vector<16xi32>
      %shift_left3A_2388 = arith.shli %convert_element_type3A_2381, %shift_left3A_2387 : vector<16xi32>
      %add3A_2389 = arith.constant 368 : i32
      %add3A_2390 = vector.broadcast %add3A_2389 : i32 to vector<16xi32>
      %add3A_2391 = arith.addi %iota3A, %add3A_2390 : vector<16xi32>
      %add3A_2392 = arith.addi %shift_left3A_2388, %add3A_2391 : vector<16xi32>
      %swap3A_2393 = arith.constant 368 : index
      %swap3A_2394 = tpu.vector_load %arg8[%swap3A_2393] {strides = array<i32>} : memref<512xi32, #tpu.memory_space<vmem>>, vector<16xi32>,
      tpu.vector_store %arg8[%swap3A_2393], %add3A_2392 {strides = array<i32>} : memref<512xi32, #tpu.memory_space<vmem>>, vector<16xi32>,
      tpu.vector_store_idx %arg6[%add3A_2392], %select_n3A_2385 : memref<16384xf32, #tpu.memory_space<vmem>>[vector<16xi32>], vector<16xf32>,
      %mul3A_2395 = arith.constant 512 : i32
      %mul3A_2396 = arith.muli %add3A_1630, %mul3A_2395 : i32
      %add3A_2397 = arith.constant 384 : i32
      %add3A_2398 = arith.addi %mul3A_2396, %add3A_2397 : i32
      %get3A_2399 = arith.index_cast %add3A_2398 : i32 to index
      %get3A_2400 = tpu.vector_load %arg5[%get3A_2399] {strides = array<i32>} : memref<65536xf32, #tpu.memory_space<vmem>>, vector<16xf32>,
      %sub3A_2401 = arith.constant 1.000000e+00 : f32
      %sub3A_2402 = vector.broadcast %sub3A_2401 : f32 to vector<16xf32>
      %sub3A_2403 = arith.subf %sub3A_2402, %get3A_2400 : vector<16xf32>
      %mul3A_2404 = arith.constant 2.900000e+01 : f32
      %mul3A_2405 = vector.broadcast %mul3A_2404 : f32 to vector<16xf32>
      %mul3A_2406 = arith.mulf %sub3A_2403, %mul3A_2405 : vector<16xf32>
      %add3A_2407 = arith.constant 2.000000e+00 : f32
      %add3A_2408 = vector.broadcast %add3A_2407 : f32 to vector<16xf32>
      %add3A_2409 = arith.addf %add3A_2408, %mul3A_2406 : vector<16xf32>
      %convert_element_type3A_2410 = arith.fptosi %add3A_2409 : vector<16xf32> to vector<16xi32>
      %gt3A_2411 = arith.constant 0.000000e+00 : f32
      %gt3A_2412 = vector.broadcast %gt3A_2411 : f32 to vector<16xf32>
      %gt3A_2413 = arith.cmpf ogt, %get3A_2400, %gt3A_2412 : vector<16xf32>
      %select_n3A_2414 = arith.select %gt3A_2413, %broadcast_in_dim3A_5, %broadcast_in_dim3A_3 : vector<16xi1>, vector<16xf32>
      %shift_left3A_2415 = arith.constant 9 : i32
      %shift_left3A_2416 = vector.broadcast %shift_left3A_2415 : i32 to vector<16xi32>
      %shift_left3A_2417 = arith.shli %convert_element_type3A_2410, %shift_left3A_2416 : vector<16xi32>
      %add3A_2418 = arith.constant 384 : i32
      %add3A_2419 = vector.broadcast %add3A_2418 : i32 to vector<16xi32>
      %add3A_2420 = arith.addi %iota3A, %add3A_2419 : vector<16xi32>
      %add3A_2421 = arith.addi %shift_left3A_2417, %add3A_2420 : vector<16xi32>
      %swap3A_2422 = arith.constant 384 : index
      %swap3A_2423 = tpu.vector_load %arg8[%swap3A_2422] {strides = array<i32>} : memref<512xi32, #tpu.memory_space<vmem>>, vector<16xi32>,
      tpu.vector_store %arg8[%swap3A_2422], %add3A_2421 {strides = array<i32>} : memref<512xi32, #tpu.memory_space<vmem>>, vector<16xi32>,
      tpu.vector_store_idx %arg6[%add3A_2421], %select_n3A_2414 : memref<16384xf32, #tpu.memory_space<vmem>>[vector<16xi32>], vector<16xf32>,
      %mul3A_2424 = arith.constant 512 : i32
      %mul3A_2425 = arith.muli %add3A_1630, %mul3A_2424 : i32
      %add3A_2426 = arith.constant 400 : i32
      %add3A_2427 = arith.addi %mul3A_2425, %add3A_2426 : i32
      %get3A_2428 = arith.index_cast %add3A_2427 : i32 to index
      %get3A_2429 = tpu.vector_load %arg5[%get3A_2428] {strides = array<i32>} : memref<65536xf32, #tpu.memory_space<vmem>>, vector<16xf32>,
      %sub3A_2430 = arith.constant 1.000000e+00 : f32
      %sub3A_2431 = vector.broadcast %sub3A_2430 : f32 to vector<16xf32>
      %sub3A_2432 = arith.subf %sub3A_2431, %get3A_2429 : vector<16xf32>
      %mul3A_2433 = arith.constant 2.900000e+01 : f32
      %mul3A_2434 = vector.broadcast %mul3A_2433 : f32 to vector<16xf32>
      %mul3A_2435 = arith.mulf %sub3A_2432, %mul3A_2434 : vector<16xf32>
      %add3A_2436 = arith.constant 2.000000e+00 : f32
      %add3A_2437 = vector.broadcast %add3A_2436 : f32 to vector<16xf32>
      %add3A_2438 = arith.addf %add3A_2437, %mul3A_2435 : vector<16xf32>
      %convert_element_type3A_2439 = arith.fptosi %add3A_2438 : vector<16xf32> to vector<16xi32>
      %gt3A_2440 = arith.constant 0.000000e+00 : f32
      %gt3A_2441 = vector.broadcast %gt3A_2440 : f32 to vector<16xf32>
      %gt3A_2442 = arith.cmpf ogt, %get3A_2429, %gt3A_2441 : vector<16xf32>
      %select_n3A_2443 = arith.select %gt3A_2442, %broadcast_in_dim3A_5, %broadcast_in_dim3A_3 : vector<16xi1>, vector<16xf32>
      %shift_left3A_2444 = arith.constant 9 : i32
      %shift_left3A_2445 = vector.broadcast %shift_left3A_2444 : i32 to vector<16xi32>
      %shift_left3A_2446 = arith.shli %convert_element_type3A_2439, %shift_left3A_2445 : vector<16xi32>
      %add3A_2447 = arith.constant 400 : i32
      %add3A_2448 = vector.broadcast %add3A_2447 : i32 to vector<16xi32>
      %add3A_2449 = arith.addi %iota3A, %add3A_2448 : vector<16xi32>
      %add3A_2450 = arith.addi %shift_left3A_2446, %add3A_2449 : vector<16xi32>
      %swap3A_2451 = arith.constant 400 : index
      %swap3A_2452 = tpu.vector_load %arg8[%swap3A_2451] {strides = array<i32>} : memref<512xi32, #tpu.memory_space<vmem>>, vector<16xi32>,
      tpu.vector_store %arg8[%swap3A_2451], %add3A_2450 {strides = array<i32>} : memref<512xi32, #tpu.memory_space<vmem>>, vector<16xi32>,
      tpu.vector_store_idx %arg6[%add3A_2450], %select_n3A_2443 : memref<16384xf32, #tpu.memory_space<vmem>>[vector<16xi32>], vector<16xf32>,
      %mul3A_2453 = arith.constant 512 : i32
      %mul3A_2454 = arith.muli %add3A_1630, %mul3A_2453 : i32
      %add3A_2455 = arith.constant 416 : i32
      %add3A_2456 = arith.addi %mul3A_2454, %add3A_2455 : i32
      %get3A_2457 = arith.index_cast %add3A_2456 : i32 to index
      %get3A_2458 = tpu.vector_load %arg5[%get3A_2457] {strides = array<i32>} : memref<65536xf32, #tpu.memory_space<vmem>>, vector<16xf32>,
      %sub3A_2459 = arith.constant 1.000000e+00 : f32
      %sub3A_2460 = vector.broadcast %sub3A_2459 : f32 to vector<16xf32>
      %sub3A_2461 = arith.subf %sub3A_2460, %get3A_2458 : vector<16xf32>
      %mul3A_2462 = arith.constant 2.900000e+01 : f32
      %mul3A_2463 = vector.broadcast %mul3A_2462 : f32 to vector<16xf32>
      %mul3A_2464 = arith.mulf %sub3A_2461, %mul3A_2463 : vector<16xf32>
      %add3A_2465 = arith.constant 2.000000e+00 : f32
      %add3A_2466 = vector.broadcast %add3A_2465 : f32 to vector<16xf32>
      %add3A_2467 = arith.addf %add3A_2466, %mul3A_2464 : vector<16xf32>
      %convert_element_type3A_2468 = arith.fptosi %add3A_2467 : vector<16xf32> to vector<16xi32>
      %gt3A_2469 = arith.constant 0.000000e+00 : f32
      %gt3A_2470 = vector.broadcast %gt3A_2469 : f32 to vector<16xf32>
      %gt3A_2471 = arith.cmpf ogt, %get3A_2458, %gt3A_2470 : vector<16xf32>
      %select_n3A_2472 = arith.select %gt3A_2471, %broadcast_in_dim3A_5, %broadcast_in_dim3A_3 : vector<16xi1>, vector<16xf32>
      %shift_left3A_2473 = arith.constant 9 : i32
      %shift_left3A_2474 = vector.broadcast %shift_left3A_2473 : i32 to vector<16xi32>
      %shift_left3A_2475 = arith.shli %convert_element_type3A_2468, %shift_left3A_2474 : vector<16xi32>
      %add3A_2476 = arith.constant 416 : i32
      %add3A_2477 = vector.broadcast %add3A_2476 : i32 to vector<16xi32>
      %add3A_2478 = arith.addi %iota3A, %add3A_2477 : vector<16xi32>
      %add3A_2479 = arith.addi %shift_left3A_2475, %add3A_2478 : vector<16xi32>
      %swap3A_2480 = arith.constant 416 : index
      %swap3A_2481 = tpu.vector_load %arg8[%swap3A_2480] {strides = array<i32>} : memref<512xi32, #tpu.memory_space<vmem>>, vector<16xi32>,
      tpu.vector_store %arg8[%swap3A_2480], %add3A_2479 {strides = array<i32>} : memref<512xi32, #tpu.memory_space<vmem>>, vector<16xi32>,
      tpu.vector_store_idx %arg6[%add3A_2479], %select_n3A_2472 : memref<16384xf32, #tpu.memory_space<vmem>>[vector<16xi32>], vector<16xf32>,
      %mul3A_2482 = arith.constant 512 : i32
      %mul3A_2483 = arith.muli %add3A_1630, %mul3A_2482 : i32
      %add3A_2484 = arith.constant 432 : i32
      %add3A_2485 = arith.addi %mul3A_2483, %add3A_2484 : i32
      %get3A_2486 = arith.index_cast %add3A_2485 : i32 to index
      %get3A_2487 = tpu.vector_load %arg5[%get3A_2486] {strides = array<i32>} : memref<65536xf32, #tpu.memory_space<vmem>>, vector<16xf32>,
      %sub3A_2488 = arith.constant 1.000000e+00 : f32
      %sub3A_2489 = vector.broadcast %sub3A_2488 : f32 to vector<16xf32>
      %sub3A_2490 = arith.subf %sub3A_2489, %get3A_2487 : vector<16xf32>
      %mul3A_2491 = arith.constant 2.900000e+01 : f32
      %mul3A_2492 = vector.broadcast %mul3A_2491 : f32 to vector<16xf32>
      %mul3A_2493 = arith.mulf %sub3A_2490, %mul3A_2492 : vector<16xf32>
      %add3A_2494 = arith.constant 2.000000e+00 : f32
      %add3A_2495 = vector.broadcast %add3A_2494 : f32 to vector<16xf32>
      %add3A_2496 = arith.addf %add3A_2495, %mul3A_2493 : vector<16xf32>
      %convert_element_type3A_2497 = arith.fptosi %add3A_2496 : vector<16xf32> to vector<16xi32>
      %gt3A_2498 = arith.constant 0.000000e+00 : f32
      %gt3A_2499 = vector.broadcast %gt3A_2498 : f32 to vector<16xf32>
      %gt3A_2500 = arith.cmpf ogt, %get3A_2487, %gt3A_2499 : vector<16xf32>
      %select_n3A_2501 = arith.select %gt3A_2500, %broadcast_in_dim3A_5, %broadcast_in_dim3A_3 : vector<16xi1>, vector<16xf32>
      %shift_left3A_2502 = arith.constant 9 : i32
      %shift_left3A_2503 = vector.broadcast %shift_left3A_2502 : i32 to vector<16xi32>
      %shift_left3A_2504 = arith.shli %convert_element_type3A_2497, %shift_left3A_2503 : vector<16xi32>
      %add3A_2505 = arith.constant 432 : i32
      %add3A_2506 = vector.broadcast %add3A_2505 : i32 to vector<16xi32>
      %add3A_2507 = arith.addi %iota3A, %add3A_2506 : vector<16xi32>
      %add3A_2508 = arith.addi %shift_left3A_2504, %add3A_2507 : vector<16xi32>
      %swap3A_2509 = arith.constant 432 : index
      %swap3A_2510 = tpu.vector_load %arg8[%swap3A_2509] {strides = array<i32>} : memref<512xi32, #tpu.memory_space<vmem>>, vector<16xi32>,
      tpu.vector_store %arg8[%swap3A_2509], %add3A_2508 {strides = array<i32>} : memref<512xi32, #tpu.memory_space<vmem>>, vector<16xi32>,
      tpu.vector_store_idx %arg6[%add3A_2508], %select_n3A_2501 : memref<16384xf32, #tpu.memory_space<vmem>>[vector<16xi32>], vector<16xf32>,
      %mul3A_2511 = arith.constant 512 : i32
      %mul3A_2512 = arith.muli %add3A_1630, %mul3A_2511 : i32
      %add3A_2513 = arith.constant 448 : i32
      %add3A_2514 = arith.addi %mul3A_2512, %add3A_2513 : i32
      %get3A_2515 = arith.index_cast %add3A_2514 : i32 to index
      %get3A_2516 = tpu.vector_load %arg5[%get3A_2515] {strides = array<i32>} : memref<65536xf32, #tpu.memory_space<vmem>>, vector<16xf32>,
      %sub3A_2517 = arith.constant 1.000000e+00 : f32
      %sub3A_2518 = vector.broadcast %sub3A_2517 : f32 to vector<16xf32>
      %sub3A_2519 = arith.subf %sub3A_2518, %get3A_2516 : vector<16xf32>
      %mul3A_2520 = arith.constant 2.900000e+01 : f32
      %mul3A_2521 = vector.broadcast %mul3A_2520 : f32 to vector<16xf32>
      %mul3A_2522 = arith.mulf %sub3A_2519, %mul3A_2521 : vector<16xf32>
      %add3A_2523 = arith.constant 2.000000e+00 : f32
      %add3A_2524 = vector.broadcast %add3A_2523 : f32 to vector<16xf32>
      %add3A_2525 = arith.addf %add3A_2524, %mul3A_2522 : vector<16xf32>
      %convert_element_type3A_2526 = arith.fptosi %add3A_2525 : vector<16xf32> to vector<16xi32>
      %gt3A_2527 = arith.constant 0.000000e+00 : f32
      %gt3A_2528 = vector.broadcast %gt3A_2527 : f32 to vector<16xf32>
      %gt3A_2529 = arith.cmpf ogt, %get3A_2516, %gt3A_2528 : vector<16xf32>
      %select_n3A_2530 = arith.select %gt3A_2529, %broadcast_in_dim3A_5, %broadcast_in_dim3A_3 : vector<16xi1>, vector<16xf32>
      %shift_left3A_2531 = arith.constant 9 : i32
      %shift_left3A_2532 = vector.broadcast %shift_left3A_2531 : i32 to vector<16xi32>
      %shift_left3A_2533 = arith.shli %convert_element_type3A_2526, %shift_left3A_2532 : vector<16xi32>
      %add3A_2534 = arith.constant 448 : i32
      %add3A_2535 = vector.broadcast %add3A_2534 : i32 to vector<16xi32>
      %add3A_2536 = arith.addi %iota3A, %add3A_2535 : vector<16xi32>
      %add3A_2537 = arith.addi %shift_left3A_2533, %add3A_2536 : vector<16xi32>
      %swap3A_2538 = arith.constant 448 : index
      %swap3A_2539 = tpu.vector_load %arg8[%swap3A_2538] {strides = array<i32>} : memref<512xi32, #tpu.memory_space<vmem>>, vector<16xi32>,
      tpu.vector_store %arg8[%swap3A_2538], %add3A_2537 {strides = array<i32>} : memref<512xi32, #tpu.memory_space<vmem>>, vector<16xi32>,
      tpu.vector_store_idx %arg6[%add3A_2537], %select_n3A_2530 : memref<16384xf32, #tpu.memory_space<vmem>>[vector<16xi32>], vector<16xf32>,
      %mul3A_2540 = arith.constant 512 : i32
      %mul3A_2541 = arith.muli %add3A_1630, %mul3A_2540 : i32
      %add3A_2542 = arith.constant 464 : i32
      %add3A_2543 = arith.addi %mul3A_2541, %add3A_2542 : i32
      %get3A_2544 = arith.index_cast %add3A_2543 : i32 to index
      %get3A_2545 = tpu.vector_load %arg5[%get3A_2544] {strides = array<i32>} : memref<65536xf32, #tpu.memory_space<vmem>>, vector<16xf32>,
      %sub3A_2546 = arith.constant 1.000000e+00 : f32
      %sub3A_2547 = vector.broadcast %sub3A_2546 : f32 to vector<16xf32>
      %sub3A_2548 = arith.subf %sub3A_2547, %get3A_2545 : vector<16xf32>
      %mul3A_2549 = arith.constant 2.900000e+01 : f32
      %mul3A_2550 = vector.broadcast %mul3A_2549 : f32 to vector<16xf32>
      %mul3A_2551 = arith.mulf %sub3A_2548, %mul3A_2550 : vector<16xf32>
      %add3A_2552 = arith.constant 2.000000e+00 : f32
      %add3A_2553 = vector.broadcast %add3A_2552 : f32 to vector<16xf32>
      %add3A_2554 = arith.addf %add3A_2553, %mul3A_2551 : vector<16xf32>
      %convert_element_type3A_2555 = arith.fptosi %add3A_2554 : vector<16xf32> to vector<16xi32>
      %gt3A_2556 = arith.constant 0.000000e+00 : f32
      %gt3A_2557 = vector.broadcast %gt3A_2556 : f32 to vector<16xf32>
      %gt3A_2558 = arith.cmpf ogt, %get3A_2545, %gt3A_2557 : vector<16xf32>
      %select_n3A_2559 = arith.select %gt3A_2558, %broadcast_in_dim3A_5, %broadcast_in_dim3A_3 : vector<16xi1>, vector<16xf32>
      %shift_left3A_2560 = arith.constant 9 : i32
      %shift_left3A_2561 = vector.broadcast %shift_left3A_2560 : i32 to vector<16xi32>
      %shift_left3A_2562 = arith.shli %convert_element_type3A_2555, %shift_left3A_2561 : vector<16xi32>
      %add3A_2563 = arith.constant 464 : i32
      %add3A_2564 = vector.broadcast %add3A_2563 : i32 to vector<16xi32>
      %add3A_2565 = arith.addi %iota3A, %add3A_2564 : vector<16xi32>
      %add3A_2566 = arith.addi %shift_left3A_2562, %add3A_2565 : vector<16xi32>
      %swap3A_2567 = arith.constant 464 : index
      %swap3A_2568 = tpu.vector_load %arg8[%swap3A_2567] {strides = array<i32>} : memref<512xi32, #tpu.memory_space<vmem>>, vector<16xi32>,
      tpu.vector_store %arg8[%swap3A_2567], %add3A_2566 {strides = array<i32>} : memref<512xi32, #tpu.memory_space<vmem>>, vector<16xi32>,
      tpu.vector_store_idx %arg6[%add3A_2566], %select_n3A_2559 : memref<16384xf32, #tpu.memory_space<vmem>>[vector<16xi32>], vector<16xf32>,
      %mul3A_2569 = arith.constant 512 : i32
      %mul3A_2570 = arith.muli %add3A_1630, %mul3A_2569 : i32
      %add3A_2571 = arith.constant 480 : i32
      %add3A_2572 = arith.addi %mul3A_2570, %add3A_2571 : i32
      %get3A_2573 = arith.index_cast %add3A_2572 : i32 to index
      %get3A_2574 = tpu.vector_load %arg5[%get3A_2573] {strides = array<i32>} : memref<65536xf32, #tpu.memory_space<vmem>>, vector<16xf32>,
      %sub3A_2575 = arith.constant 1.000000e+00 : f32
      %sub3A_2576 = vector.broadcast %sub3A_2575 : f32 to vector<16xf32>
      %sub3A_2577 = arith.subf %sub3A_2576, %get3A_2574 : vector<16xf32>
      %mul3A_2578 = arith.constant 2.900000e+01 : f32
      %mul3A_2579 = vector.broadcast %mul3A_2578 : f32 to vector<16xf32>
      %mul3A_2580 = arith.mulf %sub3A_2577, %mul3A_2579 : vector<16xf32>
      %add3A_2581 = arith.constant 2.000000e+00 : f32
      %add3A_2582 = vector.broadcast %add3A_2581 : f32 to vector<16xf32>
      %add3A_2583 = arith.addf %add3A_2582, %mul3A_2580 : vector<16xf32>
      %convert_element_type3A_2584 = arith.fptosi %add3A_2583 : vector<16xf32> to vector<16xi32>
      %gt3A_2585 = arith.constant 0.000000e+00 : f32
      %gt3A_2586 = vector.broadcast %gt3A_2585 : f32 to vector<16xf32>
      %gt3A_2587 = arith.cmpf ogt, %get3A_2574, %gt3A_2586 : vector<16xf32>
      %select_n3A_2588 = arith.select %gt3A_2587, %broadcast_in_dim3A_5, %broadcast_in_dim3A_3 : vector<16xi1>, vector<16xf32>
      %shift_left3A_2589 = arith.constant 9 : i32
      %shift_left3A_2590 = vector.broadcast %shift_left3A_2589 : i32 to vector<16xi32>
      %shift_left3A_2591 = arith.shli %convert_element_type3A_2584, %shift_left3A_2590 : vector<16xi32>
      %add3A_2592 = arith.constant 480 : i32
      %add3A_2593 = vector.broadcast %add3A_2592 : i32 to vector<16xi32>
      %add3A_2594 = arith.addi %iota3A, %add3A_2593 : vector<16xi32>
      %add3A_2595 = arith.addi %shift_left3A_2591, %add3A_2594 : vector<16xi32>
      %swap3A_2596 = arith.constant 480 : index
      %swap3A_2597 = tpu.vector_load %arg8[%swap3A_2596] {strides = array<i32>} : memref<512xi32, #tpu.memory_space<vmem>>, vector<16xi32>,
      tpu.vector_store %arg8[%swap3A_2596], %add3A_2595 {strides = array<i32>} : memref<512xi32, #tpu.memory_space<vmem>>, vector<16xi32>,
      tpu.vector_store_idx %arg6[%add3A_2595], %select_n3A_2588 : memref<16384xf32, #tpu.memory_space<vmem>>[vector<16xi32>], vector<16xf32>,
      %mul3A_2598 = arith.constant 512 : i32
      %mul3A_2599 = arith.muli %add3A_1630, %mul3A_2598 : i32
      %add3A_2600 = arith.constant 496 : i32
      %add3A_2601 = arith.addi %mul3A_2599, %add3A_2600 : i32
      %get3A_2602 = arith.index_cast %add3A_2601 : i32 to index
      %get3A_2603 = tpu.vector_load %arg5[%get3A_2602] {strides = array<i32>} : memref<65536xf32, #tpu.memory_space<vmem>>, vector<16xf32>,
      %sub3A_2604 = arith.constant 1.000000e+00 : f32
      %sub3A_2605 = vector.broadcast %sub3A_2604 : f32 to vector<16xf32>
      %sub3A_2606 = arith.subf %sub3A_2605, %get3A_2603 : vector<16xf32>
      %mul3A_2607 = arith.constant 2.900000e+01 : f32
      %mul3A_2608 = vector.broadcast %mul3A_2607 : f32 to vector<16xf32>
      %mul3A_2609 = arith.mulf %sub3A_2606, %mul3A_2608 : vector<16xf32>
      %add3A_2610 = arith.constant 2.000000e+00 : f32
      %add3A_2611 = vector.broadcast %add3A_2610 : f32 to vector<16xf32>
      %add3A_2612 = arith.addf %add3A_2611, %mul3A_2609 : vector<16xf32>
      %convert_element_type3A_2613 = arith.fptosi %add3A_2612 : vector<16xf32> to vector<16xi32>
      %gt3A_2614 = arith.constant 0.000000e+00 : f32
      %gt3A_2615 = vector.broadcast %gt3A_2614 : f32 to vector<16xf32>
      %gt3A_2616 = arith.cmpf ogt, %get3A_2603, %gt3A_2615 : vector<16xf32>
      %select_n3A_2617 = arith.select %gt3A_2616, %broadcast_in_dim3A_5, %broadcast_in_dim3A_3 : vector<16xi1>, vector<16xf32>
      %shift_left3A_2618 = arith.constant 9 : i32
      %shift_left3A_2619 = vector.broadcast %shift_left3A_2618 : i32 to vector<16xi32>
      %shift_left3A_2620 = arith.shli %convert_element_type3A_2613, %shift_left3A_2619 : vector<16xi32>
      %add3A_2621 = arith.constant 496 : i32
      %add3A_2622 = vector.broadcast %add3A_2621 : i32 to vector<16xi32>
      %add3A_2623 = arith.addi %iota3A, %add3A_2622 : vector<16xi32>
      %add3A_2624 = arith.addi %shift_left3A_2620, %add3A_2623 : vector<16xi32>
      %swap3A_2625 = arith.constant 496 : index
      %swap3A_2626 = tpu.vector_load %arg8[%swap3A_2625] {strides = array<i32>} : memref<512xi32, #tpu.memory_space<vmem>>, vector<16xi32>,
      tpu.vector_store %arg8[%swap3A_2625], %add3A_2624 {strides = array<i32>} : memref<512xi32, #tpu.memory_space<vmem>>, vector<16xi32>,
      tpu.vector_store_idx %arg6[%add3A_2624], %select_n3A_2617 : memref<16384xf32, #tpu.memory_space<vmem>>[vector<16xi32>], vector<16xf32>,
      %add3A_2627 = arith.addi %mul3A_2, %add3A_1630 : i32
      %mul3A_2628 = arith.constant 16384 : i32
      %mul3A_2629 = arith.muli %add3A_2627, %mul3A_2628 : i32
      %dma_start3A_2630 = tpu.memref_slice %arg4[%mul3A_2629] : memref<67108864xf32, #tpu.memory_space<hbm>> -> memref<16384xf32, #tpu.memory_space<hbm>>
      %dma_start3A_2631 = tpu.memref_slice %arg4[%mul3A_2629] : memref<67108864xf32, #tpu.memory_space<hbm>> -> memref<16384xf32, #tpu.memory_space<hbm>>
      tpu.enqueue_dma source(%arg6 : memref<16384xf32, #tpu.memory_space<vmem>>) target(%dma_start3A_2631 : memref<16384xf32, #tpu.memory_space<hbm>>) target_semaphore(%arg10 : memref<!tpu.dma_semaphore, #tpu.memory_space<semaphore_mem>>)
      %mul3A_2632 = arith.constant 2 : i32
      %mul3A_2633 = arith.muli %scan3A_1624, %mul3A_2632 : i32
      %add3A_2634 = arith.constant 2 : i32
      %add3A_2635 = arith.addi %add3A_2634, %mul3A_2633 : i32
      %add3A_2636 = arith.constant 1 : i32
      %add3A_2637 = arith.addi %add3A_2635, %add3A_2636 : i32
      %dma_wait3A_2638 = arith.constant 0 : i32
      %dma_wait3A_2639 = tpu.memref_slice %arg4[%dma_wait3A_2638] : memref<67108864xf32, #tpu.memory_space<hbm>> -> memref<16384xf32, #tpu.memory_space<hbm>>
      %dma_wait3A_2640 = arith.constant 0 : i32
      %dma_wait3A_2641 = tpu.memref_slice %arg4[%dma_wait3A_2640] : memref<67108864xf32, #tpu.memory_space<hbm>> -> memref<16384xf32, #tpu.memory_space<hbm>>
      tpu.wait_dma2 semaphore(%arg11 : memref<!tpu.dma_semaphore, #tpu.memory_space<semaphore_mem>>) src(%arg7 : memref<16384xf32, #tpu.memory_space<vmem>>) dst(%dma_wait3A_2641 : memref<16384xf32, #tpu.memory_space<hbm>>)
      %get3A_2642 = arith.constant 0 : index
      %get3A_2643 = tpu.vector_load %arg9[%get3A_2642] {strides = array<i32>} : memref<512xi32, #tpu.memory_space<vmem>>, vector<16xi32>,
      tpu.vector_store_idx %arg7[%get3A_2643], %broadcast_in_dim3A_3 : memref<16384xf32, #tpu.memory_space<vmem>>[vector<16xi32>], vector<16xf32>,
      %get3A_2644 = arith.constant 16 : index
      %get3A_2645 = tpu.vector_load %arg9[%get3A_2644] {strides = array<i32>} : memref<512xi32, #tpu.memory_space<vmem>>, vector<16xi32>,
      tpu.vector_store_idx %arg7[%get3A_2645], %broadcast_in_dim3A_3 : memref<16384xf32, #tpu.memory_space<vmem>>[vector<16xi32>], vector<16xf32>,
      %get3A_2646 = arith.constant 32 : index
      %get3A_2647 = tpu.vector_load %arg9[%get3A_2646] {strides = array<i32>} : memref<512xi32, #tpu.memory_space<vmem>>, vector<16xi32>,
      tpu.vector_store_idx %arg7[%get3A_2647], %broadcast_in_dim3A_3 : memref<16384xf32, #tpu.memory_space<vmem>>[vector<16xi32>], vector<16xf32>,
      %get3A_2648 = arith.constant 48 : index
      %get3A_2649 = tpu.vector_load %arg9[%get3A_2648] {strides = array<i32>} : memref<512xi32, #tpu.memory_space<vmem>>, vector<16xi32>,
      tpu.vector_store_idx %arg7[%get3A_2649], %broadcast_in_dim3A_3 : memref<16384xf32, #tpu.memory_space<vmem>>[vector<16xi32>], vector<16xf32>,
      %get3A_2650 = arith.constant 64 : index
      %get3A_2651 = tpu.vector_load %arg9[%get3A_2650] {strides = array<i32>} : memref<512xi32, #tpu.memory_space<vmem>>, vector<16xi32>,
      tpu.vector_store_idx %arg7[%get3A_2651], %broadcast_in_dim3A_3 : memref<16384xf32, #tpu.memory_space<vmem>>[vector<16xi32>], vector<16xf32>,
      %get3A_2652 = arith.constant 80 : index
      %get3A_2653 = tpu.vector_load %arg9[%get3A_2652] {strides = array<i32>} : memref<512xi32, #tpu.memory_space<vmem>>, vector<16xi32>,
      tpu.vector_store_idx %arg7[%get3A_2653], %broadcast_in_dim3A_3 : memref<16384xf32, #tpu.memory_space<vmem>>[vector<16xi32>], vector<16xf32>,
      %get3A_2654 = arith.constant 96 : index
      %get3A_2655 = tpu.vector_load %arg9[%get3A_2654] {strides = array<i32>} : memref<512xi32, #tpu.memory_space<vmem>>, vector<16xi32>,
      tpu.vector_store_idx %arg7[%get3A_2655], %broadcast_in_dim3A_3 : memref<16384xf32, #tpu.memory_space<vmem>>[vector<16xi32>], vector<16xf32>,
      %get3A_2656 = arith.constant 112 : index
      %get3A_2657 = tpu.vector_load %arg9[%get3A_2656] {strides = array<i32>} : memref<512xi32, #tpu.memory_space<vmem>>, vector<16xi32>,
      tpu.vector_store_idx %arg7[%get3A_2657], %broadcast_in_dim3A_3 : memref<16384xf32, #tpu.memory_space<vmem>>[vector<16xi32>], vector<16xf32>,
      %get3A_2658 = arith.constant 128 : index
      %get3A_2659 = tpu.vector_load %arg9[%get3A_2658] {strides = array<i32>} : memref<512xi32, #tpu.memory_space<vmem>>, vector<16xi32>,
      tpu.vector_store_idx %arg7[%get3A_2659], %broadcast_in_dim3A_3 : memref<16384xf32, #tpu.memory_space<vmem>>[vector<16xi32>], vector<16xf32>,
      %get3A_2660 = arith.constant 144 : index
      %get3A_2661 = tpu.vector_load %arg9[%get3A_2660] {strides = array<i32>} : memref<512xi32, #tpu.memory_space<vmem>>, vector<16xi32>,
      tpu.vector_store_idx %arg7[%get3A_2661], %broadcast_in_dim3A_3 : memref<16384xf32, #tpu.memory_space<vmem>>[vector<16xi32>], vector<16xf32>,
      %get3A_2662 = arith.constant 160 : index
      %get3A_2663 = tpu.vector_load %arg9[%get3A_2662] {strides = array<i32>} : memref<512xi32, #tpu.memory_space<vmem>>, vector<16xi32>,
      tpu.vector_store_idx %arg7[%get3A_2663], %broadcast_in_dim3A_3 : memref<16384xf32, #tpu.memory_space<vmem>>[vector<16xi32>], vector<16xf32>,
      %get3A_2664 = arith.constant 176 : index
      %get3A_2665 = tpu.vector_load %arg9[%get3A_2664] {strides = array<i32>} : memref<512xi32, #tpu.memory_space<vmem>>, vector<16xi32>,
      tpu.vector_store_idx %arg7[%get3A_2665], %broadcast_in_dim3A_3 : memref<16384xf32, #tpu.memory_space<vmem>>[vector<16xi32>], vector<16xf32>,
      %get3A_2666 = arith.constant 192 : index
      %get3A_2667 = tpu.vector_load %arg9[%get3A_2666] {strides = array<i32>} : memref<512xi32, #tpu.memory_space<vmem>>, vector<16xi32>,
      tpu.vector_store_idx %arg7[%get3A_2667], %broadcast_in_dim3A_3 : memref<16384xf32, #tpu.memory_space<vmem>>[vector<16xi32>], vector<16xf32>,
      %get3A_2668 = arith.constant 208 : index
      %get3A_2669 = tpu.vector_load %arg9[%get3A_2668] {strides = array<i32>} : memref<512xi32, #tpu.memory_space<vmem>>, vector<16xi32>,
      tpu.vector_store_idx %arg7[%get3A_2669], %broadcast_in_dim3A_3 : memref<16384xf32, #tpu.memory_space<vmem>>[vector<16xi32>], vector<16xf32>,
      %get3A_2670 = arith.constant 224 : index
      %get3A_2671 = tpu.vector_load %arg9[%get3A_2670] {strides = array<i32>} : memref<512xi32, #tpu.memory_space<vmem>>, vector<16xi32>,
      tpu.vector_store_idx %arg7[%get3A_2671], %broadcast_in_dim3A_3 : memref<16384xf32, #tpu.memory_space<vmem>>[vector<16xi32>], vector<16xf32>,
      %get3A_2672 = arith.constant 240 : index
      %get3A_2673 = tpu.vector_load %arg9[%get3A_2672] {strides = array<i32>} : memref<512xi32, #tpu.memory_space<vmem>>, vector<16xi32>,
      tpu.vector_store_idx %arg7[%get3A_2673], %broadcast_in_dim3A_3 : memref<16384xf32, #tpu.memory_space<vmem>>[vector<16xi32>], vector<16xf32>,
      %get3A_2674 = arith.constant 256 : index
      %get3A_2675 = tpu.vector_load %arg9[%get3A_2674] {strides = array<i32>} : memref<512xi32, #tpu.memory_space<vmem>>, vector<16xi32>,
      tpu.vector_store_idx %arg7[%get3A_2675], %broadcast_in_dim3A_3 : memref<16384xf32, #tpu.memory_space<vmem>>[vector<16xi32>], vector<16xf32>,
      %get3A_2676 = arith.constant 272 : index
      %get3A_2677 = tpu.vector_load %arg9[%get3A_2676] {strides = array<i32>} : memref<512xi32, #tpu.memory_space<vmem>>, vector<16xi32>,
      tpu.vector_store_idx %arg7[%get3A_2677], %broadcast_in_dim3A_3 : memref<16384xf32, #tpu.memory_space<vmem>>[vector<16xi32>], vector<16xf32>,
      %get3A_2678 = arith.constant 288 : index
      %get3A_2679 = tpu.vector_load %arg9[%get3A_2678] {strides = array<i32>} : memref<512xi32, #tpu.memory_space<vmem>>, vector<16xi32>,
      tpu.vector_store_idx %arg7[%get3A_2679], %broadcast_in_dim3A_3 : memref<16384xf32, #tpu.memory_space<vmem>>[vector<16xi32>], vector<16xf32>,
      %get3A_2680 = arith.constant 304 : index
      %get3A_2681 = tpu.vector_load %arg9[%get3A_2680] {strides = array<i32>} : memref<512xi32, #tpu.memory_space<vmem>>, vector<16xi32>,
      tpu.vector_store_idx %arg7[%get3A_2681], %broadcast_in_dim3A_3 : memref<16384xf32, #tpu.memory_space<vmem>>[vector<16xi32>], vector<16xf32>,
      %get3A_2682 = arith.constant 320 : index
      %get3A_2683 = tpu.vector_load %arg9[%get3A_2682] {strides = array<i32>} : memref<512xi32, #tpu.memory_space<vmem>>, vector<16xi32>,
      tpu.vector_store_idx %arg7[%get3A_2683], %broadcast_in_dim3A_3 : memref<16384xf32, #tpu.memory_space<vmem>>[vector<16xi32>], vector<16xf32>,
      %get3A_2684 = arith.constant 336 : index
      %get3A_2685 = tpu.vector_load %arg9[%get3A_2684] {strides = array<i32>} : memref<512xi32, #tpu.memory_space<vmem>>, vector<16xi32>,
      tpu.vector_store_idx %arg7[%get3A_2685], %broadcast_in_dim3A_3 : memref<16384xf32, #tpu.memory_space<vmem>>[vector<16xi32>], vector<16xf32>,
      %get3A_2686 = arith.constant 352 : index
      %get3A_2687 = tpu.vector_load %arg9[%get3A_2686] {strides = array<i32>} : memref<512xi32, #tpu.memory_space<vmem>>, vector<16xi32>,
      tpu.vector_store_idx %arg7[%get3A_2687], %broadcast_in_dim3A_3 : memref<16384xf32, #tpu.memory_space<vmem>>[vector<16xi32>], vector<16xf32>,
      %get3A_2688 = arith.constant 368 : index
      %get3A_2689 = tpu.vector_load %arg9[%get3A_2688] {strides = array<i32>} : memref<512xi32, #tpu.memory_space<vmem>>, vector<16xi32>,
      tpu.vector_store_idx %arg7[%get3A_2689], %broadcast_in_dim3A_3 : memref<16384xf32, #tpu.memory_space<vmem>>[vector<16xi32>], vector<16xf32>,
      %get3A_2690 = arith.constant 384 : index
      %get3A_2691 = tpu.vector_load %arg9[%get3A_2690] {strides = array<i32>} : memref<512xi32, #tpu.memory_space<vmem>>, vector<16xi32>,
      tpu.vector_store_idx %arg7[%get3A_2691], %broadcast_in_dim3A_3 : memref<16384xf32, #tpu.memory_space<vmem>>[vector<16xi32>], vector<16xf32>,
      %get3A_2692 = arith.constant 400 : index
      %get3A_2693 = tpu.vector_load %arg9[%get3A_2692] {strides = array<i32>} : memref<512xi32, #tpu.memory_space<vmem>>, vector<16xi32>,
      tpu.vector_store_idx %arg7[%get3A_2693], %broadcast_in_dim3A_3 : memref<16384xf32, #tpu.memory_space<vmem>>[vector<16xi32>], vector<16xf32>,
      %get3A_2694 = arith.constant 416 : index
      %get3A_2695 = tpu.vector_load %arg9[%get3A_2694] {strides = array<i32>} : memref<512xi32, #tpu.memory_space<vmem>>, vector<16xi32>,
      tpu.vector_store_idx %arg7[%get3A_2695], %broadcast_in_dim3A_3 : memref<16384xf32, #tpu.memory_space<vmem>>[vector<16xi32>], vector<16xf32>,
      %get3A_2696 = arith.constant 432 : index
      %get3A_2697 = tpu.vector_load %arg9[%get3A_2696] {strides = array<i32>} : memref<512xi32, #tpu.memory_space<vmem>>, vector<16xi32>,
      tpu.vector_store_idx %arg7[%get3A_2697], %broadcast_in_dim3A_3 : memref<16384xf32, #tpu.memory_space<vmem>>[vector<16xi32>], vector<16xf32>,
      %get3A_2698 = arith.constant 448 : index
      %get3A_2699 = tpu.vector_load %arg9[%get3A_2698] {strides = array<i32>} : memref<512xi32, #tpu.memory_space<vmem>>, vector<16xi32>,
      tpu.vector_store_idx %arg7[%get3A_2699], %broadcast_in_dim3A_3 : memref<16384xf32, #tpu.memory_space<vmem>>[vector<16xi32>], vector<16xf32>,
      %get3A_2700 = arith.constant 464 : index
      %get3A_2701 = tpu.vector_load %arg9[%get3A_2700] {strides = array<i32>} : memref<512xi32, #tpu.memory_space<vmem>>, vector<16xi32>,
      tpu.vector_store_idx %arg7[%get3A_2701], %broadcast_in_dim3A_3 : memref<16384xf32, #tpu.memory_space<vmem>>[vector<16xi32>], vector<16xf32>,
      %get3A_2702 = arith.constant 480 : index
      %get3A_2703 = tpu.vector_load %arg9[%get3A_2702] {strides = array<i32>} : memref<512xi32, #tpu.memory_space<vmem>>, vector<16xi32>,
      tpu.vector_store_idx %arg7[%get3A_2703], %broadcast_in_dim3A_3 : memref<16384xf32, #tpu.memory_space<vmem>>[vector<16xi32>], vector<16xf32>,
      %get3A_2704 = arith.constant 496 : index
      %get3A_2705 = tpu.vector_load %arg9[%get3A_2704] {strides = array<i32>} : memref<512xi32, #tpu.memory_space<vmem>>, vector<16xi32>,
      tpu.vector_store_idx %arg7[%get3A_2705], %broadcast_in_dim3A_3 : memref<16384xf32, #tpu.memory_space<vmem>>[vector<16xi32>], vector<16xf32>,
      %mul3A_2706 = arith.constant 512 : i32
      %mul3A_2707 = arith.muli %add3A_2637, %mul3A_2706 : i32
      %add3A_2708 = arith.constant 0 : i32
      %add3A_2709 = arith.addi %mul3A_2707, %add3A_2708 : i32
      %get3A_2710 = arith.index_cast %add3A_2709 : i32 to index
      %get3A_2711 = tpu.vector_load %arg5[%get3A_2710] {strides = array<i32>} : memref<65536xf32, #tpu.memory_space<vmem>>, vector<16xf32>,
      %sub3A_2712 = arith.constant 1.000000e+00 : f32
      %sub3A_2713 = vector.broadcast %sub3A_2712 : f32 to vector<16xf32>
      %sub3A_2714 = arith.subf %sub3A_2713, %get3A_2711 : vector<16xf32>
      %mul3A_2715 = arith.constant 2.900000e+01 : f32
      %mul3A_2716 = vector.broadcast %mul3A_2715 : f32 to vector<16xf32>
      %mul3A_2717 = arith.mulf %sub3A_2714, %mul3A_2716 : vector<16xf32>
      %add3A_2718 = arith.constant 2.000000e+00 : f32
      %add3A_2719 = vector.broadcast %add3A_2718 : f32 to vector<16xf32>
      %add3A_2720 = arith.addf %add3A_2719, %mul3A_2717 : vector<16xf32>
      %convert_element_type3A_2721 = arith.fptosi %add3A_2720 : vector<16xf32> to vector<16xi32>
      %gt3A_2722 = arith.constant 0.000000e+00 : f32
      %gt3A_2723 = vector.broadcast %gt3A_2722 : f32 to vector<16xf32>
      %gt3A_2724 = arith.cmpf ogt, %get3A_2711, %gt3A_2723 : vector<16xf32>
      %select_n3A_2725 = arith.select %gt3A_2724, %broadcast_in_dim3A_5, %broadcast_in_dim3A_3 : vector<16xi1>, vector<16xf32>
      %shift_left3A_2726 = arith.constant 9 : i32
      %shift_left3A_2727 = vector.broadcast %shift_left3A_2726 : i32 to vector<16xi32>
      %shift_left3A_2728 = arith.shli %convert_element_type3A_2721, %shift_left3A_2727 : vector<16xi32>
      %add3A_2729 = arith.constant 0 : i32
      %add3A_2730 = vector.broadcast %add3A_2729 : i32 to vector<16xi32>
      %add3A_2731 = arith.addi %iota3A, %add3A_2730 : vector<16xi32>
      %add3A_2732 = arith.addi %shift_left3A_2728, %add3A_2731 : vector<16xi32>
      %swap3A_2733 = arith.constant 0 : index
      %swap3A_2734 = tpu.vector_load %arg9[%swap3A_2733] {strides = array<i32>} : memref<512xi32, #tpu.memory_space<vmem>>, vector<16xi32>,
      tpu.vector_store %arg9[%swap3A_2733], %add3A_2732 {strides = array<i32>} : memref<512xi32, #tpu.memory_space<vmem>>, vector<16xi32>,
      tpu.vector_store_idx %arg7[%add3A_2732], %select_n3A_2725 : memref<16384xf32, #tpu.memory_space<vmem>>[vector<16xi32>], vector<16xf32>,
      %mul3A_2735 = arith.constant 512 : i32
      %mul3A_2736 = arith.muli %add3A_2637, %mul3A_2735 : i32
      %add3A_2737 = arith.constant 16 : i32
      %add3A_2738 = arith.addi %mul3A_2736, %add3A_2737 : i32
      %get3A_2739 = arith.index_cast %add3A_2738 : i32 to index
      %get3A_2740 = tpu.vector_load %arg5[%get3A_2739] {strides = array<i32>} : memref<65536xf32, #tpu.memory_space<vmem>>, vector<16xf32>,
      %sub3A_2741 = arith.constant 1.000000e+00 : f32
      %sub3A_2742 = vector.broadcast %sub3A_2741 : f32 to vector<16xf32>
      %sub3A_2743 = arith.subf %sub3A_2742, %get3A_2740 : vector<16xf32>
      %mul3A_2744 = arith.constant 2.900000e+01 : f32
      %mul3A_2745 = vector.broadcast %mul3A_2744 : f32 to vector<16xf32>
      %mul3A_2746 = arith.mulf %sub3A_2743, %mul3A_2745 : vector<16xf32>
      %add3A_2747 = arith.constant 2.000000e+00 : f32
      %add3A_2748 = vector.broadcast %add3A_2747 : f32 to vector<16xf32>
      %add3A_2749 = arith.addf %add3A_2748, %mul3A_2746 : vector<16xf32>
      %convert_element_type3A_2750 = arith.fptosi %add3A_2749 : vector<16xf32> to vector<16xi32>
      %gt3A_2751 = arith.constant 0.000000e+00 : f32
      %gt3A_2752 = vector.broadcast %gt3A_2751 : f32 to vector<16xf32>
      %gt3A_2753 = arith.cmpf ogt, %get3A_2740, %gt3A_2752 : vector<16xf32>
      %select_n3A_2754 = arith.select %gt3A_2753, %broadcast_in_dim3A_5, %broadcast_in_dim3A_3 : vector<16xi1>, vector<16xf32>
      %shift_left3A_2755 = arith.constant 9 : i32
      %shift_left3A_2756 = vector.broadcast %shift_left3A_2755 : i32 to vector<16xi32>
      %shift_left3A_2757 = arith.shli %convert_element_type3A_2750, %shift_left3A_2756 : vector<16xi32>
      %add3A_2758 = arith.constant 16 : i32
      %add3A_2759 = vector.broadcast %add3A_2758 : i32 to vector<16xi32>
      %add3A_2760 = arith.addi %iota3A, %add3A_2759 : vector<16xi32>
      %add3A_2761 = arith.addi %shift_left3A_2757, %add3A_2760 : vector<16xi32>
      %swap3A_2762 = arith.constant 16 : index
      %swap3A_2763 = tpu.vector_load %arg9[%swap3A_2762] {strides = array<i32>} : memref<512xi32, #tpu.memory_space<vmem>>, vector<16xi32>,
      tpu.vector_store %arg9[%swap3A_2762], %add3A_2761 {strides = array<i32>} : memref<512xi32, #tpu.memory_space<vmem>>, vector<16xi32>,
      tpu.vector_store_idx %arg7[%add3A_2761], %select_n3A_2754 : memref<16384xf32, #tpu.memory_space<vmem>>[vector<16xi32>], vector<16xf32>,
      %mul3A_2764 = arith.constant 512 : i32
      %mul3A_2765 = arith.muli %add3A_2637, %mul3A_2764 : i32
      %add3A_2766 = arith.constant 32 : i32
      %add3A_2767 = arith.addi %mul3A_2765, %add3A_2766 : i32
      %get3A_2768 = arith.index_cast %add3A_2767 : i32 to index
      %get3A_2769 = tpu.vector_load %arg5[%get3A_2768] {strides = array<i32>} : memref<65536xf32, #tpu.memory_space<vmem>>, vector<16xf32>,
      %sub3A_2770 = arith.constant 1.000000e+00 : f32
      %sub3A_2771 = vector.broadcast %sub3A_2770 : f32 to vector<16xf32>
      %sub3A_2772 = arith.subf %sub3A_2771, %get3A_2769 : vector<16xf32>
      %mul3A_2773 = arith.constant 2.900000e+01 : f32
      %mul3A_2774 = vector.broadcast %mul3A_2773 : f32 to vector<16xf32>
      %mul3A_2775 = arith.mulf %sub3A_2772, %mul3A_2774 : vector<16xf32>
      %add3A_2776 = arith.constant 2.000000e+00 : f32
      %add3A_2777 = vector.broadcast %add3A_2776 : f32 to vector<16xf32>
      %add3A_2778 = arith.addf %add3A_2777, %mul3A_2775 : vector<16xf32>
      %convert_element_type3A_2779 = arith.fptosi %add3A_2778 : vector<16xf32> to vector<16xi32>
      %gt3A_2780 = arith.constant 0.000000e+00 : f32
      %gt3A_2781 = vector.broadcast %gt3A_2780 : f32 to vector<16xf32>
      %gt3A_2782 = arith.cmpf ogt, %get3A_2769, %gt3A_2781 : vector<16xf32>
      %select_n3A_2783 = arith.select %gt3A_2782, %broadcast_in_dim3A_5, %broadcast_in_dim3A_3 : vector<16xi1>, vector<16xf32>
      %shift_left3A_2784 = arith.constant 9 : i32
      %shift_left3A_2785 = vector.broadcast %shift_left3A_2784 : i32 to vector<16xi32>
      %shift_left3A_2786 = arith.shli %convert_element_type3A_2779, %shift_left3A_2785 : vector<16xi32>
      %add3A_2787 = arith.constant 32 : i32
      %add3A_2788 = vector.broadcast %add3A_2787 : i32 to vector<16xi32>
      %add3A_2789 = arith.addi %iota3A, %add3A_2788 : vector<16xi32>
      %add3A_2790 = arith.addi %shift_left3A_2786, %add3A_2789 : vector<16xi32>
      %swap3A_2791 = arith.constant 32 : index
      %swap3A_2792 = tpu.vector_load %arg9[%swap3A_2791] {strides = array<i32>} : memref<512xi32, #tpu.memory_space<vmem>>, vector<16xi32>,
      tpu.vector_store %arg9[%swap3A_2791], %add3A_2790 {strides = array<i32>} : memref<512xi32, #tpu.memory_space<vmem>>, vector<16xi32>,
      tpu.vector_store_idx %arg7[%add3A_2790], %select_n3A_2783 : memref<16384xf32, #tpu.memory_space<vmem>>[vector<16xi32>], vector<16xf32>,
      %mul3A_2793 = arith.constant 512 : i32
      %mul3A_2794 = arith.muli %add3A_2637, %mul3A_2793 : i32
      %add3A_2795 = arith.constant 48 : i32
      %add3A_2796 = arith.addi %mul3A_2794, %add3A_2795 : i32
      %get3A_2797 = arith.index_cast %add3A_2796 : i32 to index
      %get3A_2798 = tpu.vector_load %arg5[%get3A_2797] {strides = array<i32>} : memref<65536xf32, #tpu.memory_space<vmem>>, vector<16xf32>,
      %sub3A_2799 = arith.constant 1.000000e+00 : f32
      %sub3A_2800 = vector.broadcast %sub3A_2799 : f32 to vector<16xf32>
      %sub3A_2801 = arith.subf %sub3A_2800, %get3A_2798 : vector<16xf32>
      %mul3A_2802 = arith.constant 2.900000e+01 : f32
      %mul3A_2803 = vector.broadcast %mul3A_2802 : f32 to vector<16xf32>
      %mul3A_2804 = arith.mulf %sub3A_2801, %mul3A_2803 : vector<16xf32>
      %add3A_2805 = arith.constant 2.000000e+00 : f32
      %add3A_2806 = vector.broadcast %add3A_2805 : f32 to vector<16xf32>
      %add3A_2807 = arith.addf %add3A_2806, %mul3A_2804 : vector<16xf32>
      %convert_element_type3A_2808 = arith.fptosi %add3A_2807 : vector<16xf32> to vector<16xi32>
      %gt3A_2809 = arith.constant 0.000000e+00 : f32
      %gt3A_2810 = vector.broadcast %gt3A_2809 : f32 to vector<16xf32>
      %gt3A_2811 = arith.cmpf ogt, %get3A_2798, %gt3A_2810 : vector<16xf32>
      %select_n3A_2812 = arith.select %gt3A_2811, %broadcast_in_dim3A_5, %broadcast_in_dim3A_3 : vector<16xi1>, vector<16xf32>
      %shift_left3A_2813 = arith.constant 9 : i32
      %shift_left3A_2814 = vector.broadcast %shift_left3A_2813 : i32 to vector<16xi32>
      %shift_left3A_2815 = arith.shli %convert_element_type3A_2808, %shift_left3A_2814 : vector<16xi32>
      %add3A_2816 = arith.constant 48 : i32
      %add3A_2817 = vector.broadcast %add3A_2816 : i32 to vector<16xi32>
      %add3A_2818 = arith.addi %iota3A, %add3A_2817 : vector<16xi32>
      %add3A_2819 = arith.addi %shift_left3A_2815, %add3A_2818 : vector<16xi32>
      %swap3A_2820 = arith.constant 48 : index
      %swap3A_2821 = tpu.vector_load %arg9[%swap3A_2820] {strides = array<i32>} : memref<512xi32, #tpu.memory_space<vmem>>, vector<16xi32>,
      tpu.vector_store %arg9[%swap3A_2820], %add3A_2819 {strides = array<i32>} : memref<512xi32, #tpu.memory_space<vmem>>, vector<16xi32>,
      tpu.vector_store_idx %arg7[%add3A_2819], %select_n3A_2812 : memref<16384xf32, #tpu.memory_space<vmem>>[vector<16xi32>], vector<16xf32>,
      %mul3A_2822 = arith.constant 512 : i32
      %mul3A_2823 = arith.muli %add3A_2637, %mul3A_2822 : i32
      %add3A_2824 = arith.constant 64 : i32
      %add3A_2825 = arith.addi %mul3A_2823, %add3A_2824 : i32
      %get3A_2826 = arith.index_cast %add3A_2825 : i32 to index
      %get3A_2827 = tpu.vector_load %arg5[%get3A_2826] {strides = array<i32>} : memref<65536xf32, #tpu.memory_space<vmem>>, vector<16xf32>,
      %sub3A_2828 = arith.constant 1.000000e+00 : f32
      %sub3A_2829 = vector.broadcast %sub3A_2828 : f32 to vector<16xf32>
      %sub3A_2830 = arith.subf %sub3A_2829, %get3A_2827 : vector<16xf32>
      %mul3A_2831 = arith.constant 2.900000e+01 : f32
      %mul3A_2832 = vector.broadcast %mul3A_2831 : f32 to vector<16xf32>
      %mul3A_2833 = arith.mulf %sub3A_2830, %mul3A_2832 : vector<16xf32>
      %add3A_2834 = arith.constant 2.000000e+00 : f32
      %add3A_2835 = vector.broadcast %add3A_2834 : f32 to vector<16xf32>
      %add3A_2836 = arith.addf %add3A_2835, %mul3A_2833 : vector<16xf32>
      %convert_element_type3A_2837 = arith.fptosi %add3A_2836 : vector<16xf32> to vector<16xi32>
      %gt3A_2838 = arith.constant 0.000000e+00 : f32
      %gt3A_2839 = vector.broadcast %gt3A_2838 : f32 to vector<16xf32>
      %gt3A_2840 = arith.cmpf ogt, %get3A_2827, %gt3A_2839 : vector<16xf32>
      %select_n3A_2841 = arith.select %gt3A_2840, %broadcast_in_dim3A_5, %broadcast_in_dim3A_3 : vector<16xi1>, vector<16xf32>
      %shift_left3A_2842 = arith.constant 9 : i32
      %shift_left3A_2843 = vector.broadcast %shift_left3A_2842 : i32 to vector<16xi32>
      %shift_left3A_2844 = arith.shli %convert_element_type3A_2837, %shift_left3A_2843 : vector<16xi32>
      %add3A_2845 = arith.constant 64 : i32
      %add3A_2846 = vector.broadcast %add3A_2845 : i32 to vector<16xi32>
      %add3A_2847 = arith.addi %iota3A, %add3A_2846 : vector<16xi32>
      %add3A_2848 = arith.addi %shift_left3A_2844, %add3A_2847 : vector<16xi32>
      %swap3A_2849 = arith.constant 64 : index
      %swap3A_2850 = tpu.vector_load %arg9[%swap3A_2849] {strides = array<i32>} : memref<512xi32, #tpu.memory_space<vmem>>, vector<16xi32>,
      tpu.vector_store %arg9[%swap3A_2849], %add3A_2848 {strides = array<i32>} : memref<512xi32, #tpu.memory_space<vmem>>, vector<16xi32>,
      tpu.vector_store_idx %arg7[%add3A_2848], %select_n3A_2841 : memref<16384xf32, #tpu.memory_space<vmem>>[vector<16xi32>], vector<16xf32>,
      %mul3A_2851 = arith.constant 512 : i32
      %mul3A_2852 = arith.muli %add3A_2637, %mul3A_2851 : i32
      %add3A_2853 = arith.constant 80 : i32
      %add3A_2854 = arith.addi %mul3A_2852, %add3A_2853 : i32
      %get3A_2855 = arith.index_cast %add3A_2854 : i32 to index
      %get3A_2856 = tpu.vector_load %arg5[%get3A_2855] {strides = array<i32>} : memref<65536xf32, #tpu.memory_space<vmem>>, vector<16xf32>,
      %sub3A_2857 = arith.constant 1.000000e+00 : f32
      %sub3A_2858 = vector.broadcast %sub3A_2857 : f32 to vector<16xf32>
      %sub3A_2859 = arith.subf %sub3A_2858, %get3A_2856 : vector<16xf32>
      %mul3A_2860 = arith.constant 2.900000e+01 : f32
      %mul3A_2861 = vector.broadcast %mul3A_2860 : f32 to vector<16xf32>
      %mul3A_2862 = arith.mulf %sub3A_2859, %mul3A_2861 : vector<16xf32>
      %add3A_2863 = arith.constant 2.000000e+00 : f32
      %add3A_2864 = vector.broadcast %add3A_2863 : f32 to vector<16xf32>
      %add3A_2865 = arith.addf %add3A_2864, %mul3A_2862 : vector<16xf32>
      %convert_element_type3A_2866 = arith.fptosi %add3A_2865 : vector<16xf32> to vector<16xi32>
      %gt3A_2867 = arith.constant 0.000000e+00 : f32
      %gt3A_2868 = vector.broadcast %gt3A_2867 : f32 to vector<16xf32>
      %gt3A_2869 = arith.cmpf ogt, %get3A_2856, %gt3A_2868 : vector<16xf32>
      %select_n3A_2870 = arith.select %gt3A_2869, %broadcast_in_dim3A_5, %broadcast_in_dim3A_3 : vector<16xi1>, vector<16xf32>
      %shift_left3A_2871 = arith.constant 9 : i32
      %shift_left3A_2872 = vector.broadcast %shift_left3A_2871 : i32 to vector<16xi32>
      %shift_left3A_2873 = arith.shli %convert_element_type3A_2866, %shift_left3A_2872 : vector<16xi32>
      %add3A_2874 = arith.constant 80 : i32
      %add3A_2875 = vector.broadcast %add3A_2874 : i32 to vector<16xi32>
      %add3A_2876 = arith.addi %iota3A, %add3A_2875 : vector<16xi32>
      %add3A_2877 = arith.addi %shift_left3A_2873, %add3A_2876 : vector<16xi32>
      %swap3A_2878 = arith.constant 80 : index
      %swap3A_2879 = tpu.vector_load %arg9[%swap3A_2878] {strides = array<i32>} : memref<512xi32, #tpu.memory_space<vmem>>, vector<16xi32>,
      tpu.vector_store %arg9[%swap3A_2878], %add3A_2877 {strides = array<i32>} : memref<512xi32, #tpu.memory_space<vmem>>, vector<16xi32>,
      tpu.vector_store_idx %arg7[%add3A_2877], %select_n3A_2870 : memref<16384xf32, #tpu.memory_space<vmem>>[vector<16xi32>], vector<16xf32>,
      %mul3A_2880 = arith.constant 512 : i32
      %mul3A_2881 = arith.muli %add3A_2637, %mul3A_2880 : i32
      %add3A_2882 = arith.constant 96 : i32
      %add3A_2883 = arith.addi %mul3A_2881, %add3A_2882 : i32
      %get3A_2884 = arith.index_cast %add3A_2883 : i32 to index
      %get3A_2885 = tpu.vector_load %arg5[%get3A_2884] {strides = array<i32>} : memref<65536xf32, #tpu.memory_space<vmem>>, vector<16xf32>,
      %sub3A_2886 = arith.constant 1.000000e+00 : f32
      %sub3A_2887 = vector.broadcast %sub3A_2886 : f32 to vector<16xf32>
      %sub3A_2888 = arith.subf %sub3A_2887, %get3A_2885 : vector<16xf32>
      %mul3A_2889 = arith.constant 2.900000e+01 : f32
      %mul3A_2890 = vector.broadcast %mul3A_2889 : f32 to vector<16xf32>
      %mul3A_2891 = arith.mulf %sub3A_2888, %mul3A_2890 : vector<16xf32>
      %add3A_2892 = arith.constant 2.000000e+00 : f32
      %add3A_2893 = vector.broadcast %add3A_2892 : f32 to vector<16xf32>
      %add3A_2894 = arith.addf %add3A_2893, %mul3A_2891 : vector<16xf32>
      %convert_element_type3A_2895 = arith.fptosi %add3A_2894 : vector<16xf32> to vector<16xi32>
      %gt3A_2896 = arith.constant 0.000000e+00 : f32
      %gt3A_2897 = vector.broadcast %gt3A_2896 : f32 to vector<16xf32>
      %gt3A_2898 = arith.cmpf ogt, %get3A_2885, %gt3A_2897 : vector<16xf32>
      %select_n3A_2899 = arith.select %gt3A_2898, %broadcast_in_dim3A_5, %broadcast_in_dim3A_3 : vector<16xi1>, vector<16xf32>
      %shift_left3A_2900 = arith.constant 9 : i32
      %shift_left3A_2901 = vector.broadcast %shift_left3A_2900 : i32 to vector<16xi32>
      %shift_left3A_2902 = arith.shli %convert_element_type3A_2895, %shift_left3A_2901 : vector<16xi32>
      %add3A_2903 = arith.constant 96 : i32
      %add3A_2904 = vector.broadcast %add3A_2903 : i32 to vector<16xi32>
      %add3A_2905 = arith.addi %iota3A, %add3A_2904 : vector<16xi32>
      %add3A_2906 = arith.addi %shift_left3A_2902, %add3A_2905 : vector<16xi32>
      %swap3A_2907 = arith.constant 96 : index
      %swap3A_2908 = tpu.vector_load %arg9[%swap3A_2907] {strides = array<i32>} : memref<512xi32, #tpu.memory_space<vmem>>, vector<16xi32>,
      tpu.vector_store %arg9[%swap3A_2907], %add3A_2906 {strides = array<i32>} : memref<512xi32, #tpu.memory_space<vmem>>, vector<16xi32>,
      tpu.vector_store_idx %arg7[%add3A_2906], %select_n3A_2899 : memref<16384xf32, #tpu.memory_space<vmem>>[vector<16xi32>], vector<16xf32>,
      %mul3A_2909 = arith.constant 512 : i32
      %mul3A_2910 = arith.muli %add3A_2637, %mul3A_2909 : i32
      %add3A_2911 = arith.constant 112 : i32
      %add3A_2912 = arith.addi %mul3A_2910, %add3A_2911 : i32
      %get3A_2913 = arith.index_cast %add3A_2912 : i32 to index
      %get3A_2914 = tpu.vector_load %arg5[%get3A_2913] {strides = array<i32>} : memref<65536xf32, #tpu.memory_space<vmem>>, vector<16xf32>,
      %sub3A_2915 = arith.constant 1.000000e+00 : f32
      %sub3A_2916 = vector.broadcast %sub3A_2915 : f32 to vector<16xf32>
      %sub3A_2917 = arith.subf %sub3A_2916, %get3A_2914 : vector<16xf32>
      %mul3A_2918 = arith.constant 2.900000e+01 : f32
      %mul3A_2919 = vector.broadcast %mul3A_2918 : f32 to vector<16xf32>
      %mul3A_2920 = arith.mulf %sub3A_2917, %mul3A_2919 : vector<16xf32>
      %add3A_2921 = arith.constant 2.000000e+00 : f32
      %add3A_2922 = vector.broadcast %add3A_2921 : f32 to vector<16xf32>
      %add3A_2923 = arith.addf %add3A_2922, %mul3A_2920 : vector<16xf32>
      %convert_element_type3A_2924 = arith.fptosi %add3A_2923 : vector<16xf32> to vector<16xi32>
      %gt3A_2925 = arith.constant 0.000000e+00 : f32
      %gt3A_2926 = vector.broadcast %gt3A_2925 : f32 to vector<16xf32>
      %gt3A_2927 = arith.cmpf ogt, %get3A_2914, %gt3A_2926 : vector<16xf32>
      %select_n3A_2928 = arith.select %gt3A_2927, %broadcast_in_dim3A_5, %broadcast_in_dim3A_3 : vector<16xi1>, vector<16xf32>
      %shift_left3A_2929 = arith.constant 9 : i32
      %shift_left3A_2930 = vector.broadcast %shift_left3A_2929 : i32 to vector<16xi32>
      %shift_left3A_2931 = arith.shli %convert_element_type3A_2924, %shift_left3A_2930 : vector<16xi32>
      %add3A_2932 = arith.constant 112 : i32
      %add3A_2933 = vector.broadcast %add3A_2932 : i32 to vector<16xi32>
      %add3A_2934 = arith.addi %iota3A, %add3A_2933 : vector<16xi32>
      %add3A_2935 = arith.addi %shift_left3A_2931, %add3A_2934 : vector<16xi32>
      %swap3A_2936 = arith.constant 112 : index
      %swap3A_2937 = tpu.vector_load %arg9[%swap3A_2936] {strides = array<i32>} : memref<512xi32, #tpu.memory_space<vmem>>, vector<16xi32>,
      tpu.vector_store %arg9[%swap3A_2936], %add3A_2935 {strides = array<i32>} : memref<512xi32, #tpu.memory_space<vmem>>, vector<16xi32>,
      tpu.vector_store_idx %arg7[%add3A_2935], %select_n3A_2928 : memref<16384xf32, #tpu.memory_space<vmem>>[vector<16xi32>], vector<16xf32>,
      %mul3A_2938 = arith.constant 512 : i32
      %mul3A_2939 = arith.muli %add3A_2637, %mul3A_2938 : i32
      %add3A_2940 = arith.constant 128 : i32
      %add3A_2941 = arith.addi %mul3A_2939, %add3A_2940 : i32
      %get3A_2942 = arith.index_cast %add3A_2941 : i32 to index
      %get3A_2943 = tpu.vector_load %arg5[%get3A_2942] {strides = array<i32>} : memref<65536xf32, #tpu.memory_space<vmem>>, vector<16xf32>,
      %sub3A_2944 = arith.constant 1.000000e+00 : f32
      %sub3A_2945 = vector.broadcast %sub3A_2944 : f32 to vector<16xf32>
      %sub3A_2946 = arith.subf %sub3A_2945, %get3A_2943 : vector<16xf32>
      %mul3A_2947 = arith.constant 2.900000e+01 : f32
      %mul3A_2948 = vector.broadcast %mul3A_2947 : f32 to vector<16xf32>
      %mul3A_2949 = arith.mulf %sub3A_2946, %mul3A_2948 : vector<16xf32>
      %add3A_2950 = arith.constant 2.000000e+00 : f32
      %add3A_2951 = vector.broadcast %add3A_2950 : f32 to vector<16xf32>
      %add3A_2952 = arith.addf %add3A_2951, %mul3A_2949 : vector<16xf32>
      %convert_element_type3A_2953 = arith.fptosi %add3A_2952 : vector<16xf32> to vector<16xi32>
      %gt3A_2954 = arith.constant 0.000000e+00 : f32
      %gt3A_2955 = vector.broadcast %gt3A_2954 : f32 to vector<16xf32>
      %gt3A_2956 = arith.cmpf ogt, %get3A_2943, %gt3A_2955 : vector<16xf32>
      %select_n3A_2957 = arith.select %gt3A_2956, %broadcast_in_dim3A_5, %broadcast_in_dim3A_3 : vector<16xi1>, vector<16xf32>
      %shift_left3A_2958 = arith.constant 9 : i32
      %shift_left3A_2959 = vector.broadcast %shift_left3A_2958 : i32 to vector<16xi32>
      %shift_left3A_2960 = arith.shli %convert_element_type3A_2953, %shift_left3A_2959 : vector<16xi32>
      %add3A_2961 = arith.constant 128 : i32
      %add3A_2962 = vector.broadcast %add3A_2961 : i32 to vector<16xi32>
      %add3A_2963 = arith.addi %iota3A, %add3A_2962 : vector<16xi32>
      %add3A_2964 = arith.addi %shift_left3A_2960, %add3A_2963 : vector<16xi32>
      %swap3A_2965 = arith.constant 128 : index
      %swap3A_2966 = tpu.vector_load %arg9[%swap3A_2965] {strides = array<i32>} : memref<512xi32, #tpu.memory_space<vmem>>, vector<16xi32>,
      tpu.vector_store %arg9[%swap3A_2965], %add3A_2964 {strides = array<i32>} : memref<512xi32, #tpu.memory_space<vmem>>, vector<16xi32>,
      tpu.vector_store_idx %arg7[%add3A_2964], %select_n3A_2957 : memref<16384xf32, #tpu.memory_space<vmem>>[vector<16xi32>], vector<16xf32>,
      %mul3A_2967 = arith.constant 512 : i32
      %mul3A_2968 = arith.muli %add3A_2637, %mul3A_2967 : i32
      %add3A_2969 = arith.constant 144 : i32
      %add3A_2970 = arith.addi %mul3A_2968, %add3A_2969 : i32
      %get3A_2971 = arith.index_cast %add3A_2970 : i32 to index
      %get3A_2972 = tpu.vector_load %arg5[%get3A_2971] {strides = array<i32>} : memref<65536xf32, #tpu.memory_space<vmem>>, vector<16xf32>,
      %sub3A_2973 = arith.constant 1.000000e+00 : f32
      %sub3A_2974 = vector.broadcast %sub3A_2973 : f32 to vector<16xf32>
      %sub3A_2975 = arith.subf %sub3A_2974, %get3A_2972 : vector<16xf32>
      %mul3A_2976 = arith.constant 2.900000e+01 : f32
      %mul3A_2977 = vector.broadcast %mul3A_2976 : f32 to vector<16xf32>
      %mul3A_2978 = arith.mulf %sub3A_2975, %mul3A_2977 : vector<16xf32>
      %add3A_2979 = arith.constant 2.000000e+00 : f32
      %add3A_2980 = vector.broadcast %add3A_2979 : f32 to vector<16xf32>
      %add3A_2981 = arith.addf %add3A_2980, %mul3A_2978 : vector<16xf32>
      %convert_element_type3A_2982 = arith.fptosi %add3A_2981 : vector<16xf32> to vector<16xi32>
      %gt3A_2983 = arith.constant 0.000000e+00 : f32
      %gt3A_2984 = vector.broadcast %gt3A_2983 : f32 to vector<16xf32>
      %gt3A_2985 = arith.cmpf ogt, %get3A_2972, %gt3A_2984 : vector<16xf32>
      %select_n3A_2986 = arith.select %gt3A_2985, %broadcast_in_dim3A_5, %broadcast_in_dim3A_3 : vector<16xi1>, vector<16xf32>
      %shift_left3A_2987 = arith.constant 9 : i32
      %shift_left3A_2988 = vector.broadcast %shift_left3A_2987 : i32 to vector<16xi32>
      %shift_left3A_2989 = arith.shli %convert_element_type3A_2982, %shift_left3A_2988 : vector<16xi32>
      %add3A_2990 = arith.constant 144 : i32
      %add3A_2991 = vector.broadcast %add3A_2990 : i32 to vector<16xi32>
      %add3A_2992 = arith.addi %iota3A, %add3A_2991 : vector<16xi32>
      %add3A_2993 = arith.addi %shift_left3A_2989, %add3A_2992 : vector<16xi32>
      %swap3A_2994 = arith.constant 144 : index
      %swap3A_2995 = tpu.vector_load %arg9[%swap3A_2994] {strides = array<i32>} : memref<512xi32, #tpu.memory_space<vmem>>, vector<16xi32>,
      tpu.vector_store %arg9[%swap3A_2994], %add3A_2993 {strides = array<i32>} : memref<512xi32, #tpu.memory_space<vmem>>, vector<16xi32>,
      tpu.vector_store_idx %arg7[%add3A_2993], %select_n3A_2986 : memref<16384xf32, #tpu.memory_space<vmem>>[vector<16xi32>], vector<16xf32>,
      %mul3A_2996 = arith.constant 512 : i32
      %mul3A_2997 = arith.muli %add3A_2637, %mul3A_2996 : i32
      %add3A_2998 = arith.constant 160 : i32
      %add3A_2999 = arith.addi %mul3A_2997, %add3A_2998 : i32
      %get3A_3000 = arith.index_cast %add3A_2999 : i32 to index
      %get3A_3001 = tpu.vector_load %arg5[%get3A_3000] {strides = array<i32>} : memref<65536xf32, #tpu.memory_space<vmem>>, vector<16xf32>,
      %sub3A_3002 = arith.constant 1.000000e+00 : f32
      %sub3A_3003 = vector.broadcast %sub3A_3002 : f32 to vector<16xf32>
      %sub3A_3004 = arith.subf %sub3A_3003, %get3A_3001 : vector<16xf32>
      %mul3A_3005 = arith.constant 2.900000e+01 : f32
      %mul3A_3006 = vector.broadcast %mul3A_3005 : f32 to vector<16xf32>
      %mul3A_3007 = arith.mulf %sub3A_3004, %mul3A_3006 : vector<16xf32>
      %add3A_3008 = arith.constant 2.000000e+00 : f32
      %add3A_3009 = vector.broadcast %add3A_3008 : f32 to vector<16xf32>
      %add3A_3010 = arith.addf %add3A_3009, %mul3A_3007 : vector<16xf32>
      %convert_element_type3A_3011 = arith.fptosi %add3A_3010 : vector<16xf32> to vector<16xi32>
      %gt3A_3012 = arith.constant 0.000000e+00 : f32
      %gt3A_3013 = vector.broadcast %gt3A_3012 : f32 to vector<16xf32>
      %gt3A_3014 = arith.cmpf ogt, %get3A_3001, %gt3A_3013 : vector<16xf32>
      %select_n3A_3015 = arith.select %gt3A_3014, %broadcast_in_dim3A_5, %broadcast_in_dim3A_3 : vector<16xi1>, vector<16xf32>
      %shift_left3A_3016 = arith.constant 9 : i32
      %shift_left3A_3017 = vector.broadcast %shift_left3A_3016 : i32 to vector<16xi32>
      %shift_left3A_3018 = arith.shli %convert_element_type3A_3011, %shift_left3A_3017 : vector<16xi32>
      %add3A_3019 = arith.constant 160 : i32
      %add3A_3020 = vector.broadcast %add3A_3019 : i32 to vector<16xi32>
      %add3A_3021 = arith.addi %iota3A, %add3A_3020 : vector<16xi32>
      %add3A_3022 = arith.addi %shift_left3A_3018, %add3A_3021 : vector<16xi32>
      %swap3A_3023 = arith.constant 160 : index
      %swap3A_3024 = tpu.vector_load %arg9[%swap3A_3023] {strides = array<i32>} : memref<512xi32, #tpu.memory_space<vmem>>, vector<16xi32>,
      tpu.vector_store %arg9[%swap3A_3023], %add3A_3022 {strides = array<i32>} : memref<512xi32, #tpu.memory_space<vmem>>, vector<16xi32>,
      tpu.vector_store_idx %arg7[%add3A_3022], %select_n3A_3015 : memref<16384xf32, #tpu.memory_space<vmem>>[vector<16xi32>], vector<16xf32>,
      %mul3A_3025 = arith.constant 512 : i32
      %mul3A_3026 = arith.muli %add3A_2637, %mul3A_3025 : i32
      %add3A_3027 = arith.constant 176 : i32
      %add3A_3028 = arith.addi %mul3A_3026, %add3A_3027 : i32
      %get3A_3029 = arith.index_cast %add3A_3028 : i32 to index
      %get3A_3030 = tpu.vector_load %arg5[%get3A_3029] {strides = array<i32>} : memref<65536xf32, #tpu.memory_space<vmem>>, vector<16xf32>,
      %sub3A_3031 = arith.constant 1.000000e+00 : f32
      %sub3A_3032 = vector.broadcast %sub3A_3031 : f32 to vector<16xf32>
      %sub3A_3033 = arith.subf %sub3A_3032, %get3A_3030 : vector<16xf32>
      %mul3A_3034 = arith.constant 2.900000e+01 : f32
      %mul3A_3035 = vector.broadcast %mul3A_3034 : f32 to vector<16xf32>
      %mul3A_3036 = arith.mulf %sub3A_3033, %mul3A_3035 : vector<16xf32>
      %add3A_3037 = arith.constant 2.000000e+00 : f32
      %add3A_3038 = vector.broadcast %add3A_3037 : f32 to vector<16xf32>
      %add3A_3039 = arith.addf %add3A_3038, %mul3A_3036 : vector<16xf32>
      %convert_element_type3A_3040 = arith.fptosi %add3A_3039 : vector<16xf32> to vector<16xi32>
      %gt3A_3041 = arith.constant 0.000000e+00 : f32
      %gt3A_3042 = vector.broadcast %gt3A_3041 : f32 to vector<16xf32>
      %gt3A_3043 = arith.cmpf ogt, %get3A_3030, %gt3A_3042 : vector<16xf32>
      %select_n3A_3044 = arith.select %gt3A_3043, %broadcast_in_dim3A_5, %broadcast_in_dim3A_3 : vector<16xi1>, vector<16xf32>
      %shift_left3A_3045 = arith.constant 9 : i32
      %shift_left3A_3046 = vector.broadcast %shift_left3A_3045 : i32 to vector<16xi32>
      %shift_left3A_3047 = arith.shli %convert_element_type3A_3040, %shift_left3A_3046 : vector<16xi32>
      %add3A_3048 = arith.constant 176 : i32
      %add3A_3049 = vector.broadcast %add3A_3048 : i32 to vector<16xi32>
      %add3A_3050 = arith.addi %iota3A, %add3A_3049 : vector<16xi32>
      %add3A_3051 = arith.addi %shift_left3A_3047, %add3A_3050 : vector<16xi32>
      %swap3A_3052 = arith.constant 176 : index
      %swap3A_3053 = tpu.vector_load %arg9[%swap3A_3052] {strides = array<i32>} : memref<512xi32, #tpu.memory_space<vmem>>, vector<16xi32>,
      tpu.vector_store %arg9[%swap3A_3052], %add3A_3051 {strides = array<i32>} : memref<512xi32, #tpu.memory_space<vmem>>, vector<16xi32>,
      tpu.vector_store_idx %arg7[%add3A_3051], %select_n3A_3044 : memref<16384xf32, #tpu.memory_space<vmem>>[vector<16xi32>], vector<16xf32>,
      %mul3A_3054 = arith.constant 512 : i32
      %mul3A_3055 = arith.muli %add3A_2637, %mul3A_3054 : i32
      %add3A_3056 = arith.constant 192 : i32
      %add3A_3057 = arith.addi %mul3A_3055, %add3A_3056 : i32
      %get3A_3058 = arith.index_cast %add3A_3057 : i32 to index
      %get3A_3059 = tpu.vector_load %arg5[%get3A_3058] {strides = array<i32>} : memref<65536xf32, #tpu.memory_space<vmem>>, vector<16xf32>,
      %sub3A_3060 = arith.constant 1.000000e+00 : f32
      %sub3A_3061 = vector.broadcast %sub3A_3060 : f32 to vector<16xf32>
      %sub3A_3062 = arith.subf %sub3A_3061, %get3A_3059 : vector<16xf32>
      %mul3A_3063 = arith.constant 2.900000e+01 : f32
      %mul3A_3064 = vector.broadcast %mul3A_3063 : f32 to vector<16xf32>
      %mul3A_3065 = arith.mulf %sub3A_3062, %mul3A_3064 : vector<16xf32>
      %add3A_3066 = arith.constant 2.000000e+00 : f32
      %add3A_3067 = vector.broadcast %add3A_3066 : f32 to vector<16xf32>
      %add3A_3068 = arith.addf %add3A_3067, %mul3A_3065 : vector<16xf32>
      %convert_element_type3A_3069 = arith.fptosi %add3A_3068 : vector<16xf32> to vector<16xi32>
      %gt3A_3070 = arith.constant 0.000000e+00 : f32
      %gt3A_3071 = vector.broadcast %gt3A_3070 : f32 to vector<16xf32>
      %gt3A_3072 = arith.cmpf ogt, %get3A_3059, %gt3A_3071 : vector<16xf32>
      %select_n3A_3073 = arith.select %gt3A_3072, %broadcast_in_dim3A_5, %broadcast_in_dim3A_3 : vector<16xi1>, vector<16xf32>
      %shift_left3A_3074 = arith.constant 9 : i32
      %shift_left3A_3075 = vector.broadcast %shift_left3A_3074 : i32 to vector<16xi32>
      %shift_left3A_3076 = arith.shli %convert_element_type3A_3069, %shift_left3A_3075 : vector<16xi32>
      %add3A_3077 = arith.constant 192 : i32
      %add3A_3078 = vector.broadcast %add3A_3077 : i32 to vector<16xi32>
      %add3A_3079 = arith.addi %iota3A, %add3A_3078 : vector<16xi32>
      %add3A_3080 = arith.addi %shift_left3A_3076, %add3A_3079 : vector<16xi32>
      %swap3A_3081 = arith.constant 192 : index
      %swap3A_3082 = tpu.vector_load %arg9[%swap3A_3081] {strides = array<i32>} : memref<512xi32, #tpu.memory_space<vmem>>, vector<16xi32>,
      tpu.vector_store %arg9[%swap3A_3081], %add3A_3080 {strides = array<i32>} : memref<512xi32, #tpu.memory_space<vmem>>, vector<16xi32>,
      tpu.vector_store_idx %arg7[%add3A_3080], %select_n3A_3073 : memref<16384xf32, #tpu.memory_space<vmem>>[vector<16xi32>], vector<16xf32>,
      %mul3A_3083 = arith.constant 512 : i32
      %mul3A_3084 = arith.muli %add3A_2637, %mul3A_3083 : i32
      %add3A_3085 = arith.constant 208 : i32
      %add3A_3086 = arith.addi %mul3A_3084, %add3A_3085 : i32
      %get3A_3087 = arith.index_cast %add3A_3086 : i32 to index
      %get3A_3088 = tpu.vector_load %arg5[%get3A_3087] {strides = array<i32>} : memref<65536xf32, #tpu.memory_space<vmem>>, vector<16xf32>,
      %sub3A_3089 = arith.constant 1.000000e+00 : f32
      %sub3A_3090 = vector.broadcast %sub3A_3089 : f32 to vector<16xf32>
      %sub3A_3091 = arith.subf %sub3A_3090, %get3A_3088 : vector<16xf32>
      %mul3A_3092 = arith.constant 2.900000e+01 : f32
      %mul3A_3093 = vector.broadcast %mul3A_3092 : f32 to vector<16xf32>
      %mul3A_3094 = arith.mulf %sub3A_3091, %mul3A_3093 : vector<16xf32>
      %add3A_3095 = arith.constant 2.000000e+00 : f32
      %add3A_3096 = vector.broadcast %add3A_3095 : f32 to vector<16xf32>
      %add3A_3097 = arith.addf %add3A_3096, %mul3A_3094 : vector<16xf32>
      %convert_element_type3A_3098 = arith.fptosi %add3A_3097 : vector<16xf32> to vector<16xi32>
      %gt3A_3099 = arith.constant 0.000000e+00 : f32
      %gt3A_3100 = vector.broadcast %gt3A_3099 : f32 to vector<16xf32>
      %gt3A_3101 = arith.cmpf ogt, %get3A_3088, %gt3A_3100 : vector<16xf32>
      %select_n3A_3102 = arith.select %gt3A_3101, %broadcast_in_dim3A_5, %broadcast_in_dim3A_3 : vector<16xi1>, vector<16xf32>
      %shift_left3A_3103 = arith.constant 9 : i32
      %shift_left3A_3104 = vector.broadcast %shift_left3A_3103 : i32 to vector<16xi32>
      %shift_left3A_3105 = arith.shli %convert_element_type3A_3098, %shift_left3A_3104 : vector<16xi32>
      %add3A_3106 = arith.constant 208 : i32
      %add3A_3107 = vector.broadcast %add3A_3106 : i32 to vector<16xi32>
      %add3A_3108 = arith.addi %iota3A, %add3A_3107 : vector<16xi32>
      %add3A_3109 = arith.addi %shift_left3A_3105, %add3A_3108 : vector<16xi32>
      %swap3A_3110 = arith.constant 208 : index
      %swap3A_3111 = tpu.vector_load %arg9[%swap3A_3110] {strides = array<i32>} : memref<512xi32, #tpu.memory_space<vmem>>, vector<16xi32>,
      tpu.vector_store %arg9[%swap3A_3110], %add3A_3109 {strides = array<i32>} : memref<512xi32, #tpu.memory_space<vmem>>, vector<16xi32>,
      tpu.vector_store_idx %arg7[%add3A_3109], %select_n3A_3102 : memref<16384xf32, #tpu.memory_space<vmem>>[vector<16xi32>], vector<16xf32>,
      %mul3A_3112 = arith.constant 512 : i32
      %mul3A_3113 = arith.muli %add3A_2637, %mul3A_3112 : i32
      %add3A_3114 = arith.constant 224 : i32
      %add3A_3115 = arith.addi %mul3A_3113, %add3A_3114 : i32
      %get3A_3116 = arith.index_cast %add3A_3115 : i32 to index
      %get3A_3117 = tpu.vector_load %arg5[%get3A_3116] {strides = array<i32>} : memref<65536xf32, #tpu.memory_space<vmem>>, vector<16xf32>,
      %sub3A_3118 = arith.constant 1.000000e+00 : f32
      %sub3A_3119 = vector.broadcast %sub3A_3118 : f32 to vector<16xf32>
      %sub3A_3120 = arith.subf %sub3A_3119, %get3A_3117 : vector<16xf32>
      %mul3A_3121 = arith.constant 2.900000e+01 : f32
      %mul3A_3122 = vector.broadcast %mul3A_3121 : f32 to vector<16xf32>
      %mul3A_3123 = arith.mulf %sub3A_3120, %mul3A_3122 : vector<16xf32>
      %add3A_3124 = arith.constant 2.000000e+00 : f32
      %add3A_3125 = vector.broadcast %add3A_3124 : f32 to vector<16xf32>
      %add3A_3126 = arith.addf %add3A_3125, %mul3A_3123 : vector<16xf32>
      %convert_element_type3A_3127 = arith.fptosi %add3A_3126 : vector<16xf32> to vector<16xi32>
      %gt3A_3128 = arith.constant 0.000000e+00 : f32
      %gt3A_3129 = vector.broadcast %gt3A_3128 : f32 to vector<16xf32>
      %gt3A_3130 = arith.cmpf ogt, %get3A_3117, %gt3A_3129 : vector<16xf32>
      %select_n3A_3131 = arith.select %gt3A_3130, %broadcast_in_dim3A_5, %broadcast_in_dim3A_3 : vector<16xi1>, vector<16xf32>
      %shift_left3A_3132 = arith.constant 9 : i32
      %shift_left3A_3133 = vector.broadcast %shift_left3A_3132 : i32 to vector<16xi32>
      %shift_left3A_3134 = arith.shli %convert_element_type3A_3127, %shift_left3A_3133 : vector<16xi32>
      %add3A_3135 = arith.constant 224 : i32
      %add3A_3136 = vector.broadcast %add3A_3135 : i32 to vector<16xi32>
      %add3A_3137 = arith.addi %iota3A, %add3A_3136 : vector<16xi32>
      %add3A_3138 = arith.addi %shift_left3A_3134, %add3A_3137 : vector<16xi32>
      %swap3A_3139 = arith.constant 224 : index
      %swap3A_3140 = tpu.vector_load %arg9[%swap3A_3139] {strides = array<i32>} : memref<512xi32, #tpu.memory_space<vmem>>, vector<16xi32>,
      tpu.vector_store %arg9[%swap3A_3139], %add3A_3138 {strides = array<i32>} : memref<512xi32, #tpu.memory_space<vmem>>, vector<16xi32>,
      tpu.vector_store_idx %arg7[%add3A_3138], %select_n3A_3131 : memref<16384xf32, #tpu.memory_space<vmem>>[vector<16xi32>], vector<16xf32>,
      %mul3A_3141 = arith.constant 512 : i32
      %mul3A_3142 = arith.muli %add3A_2637, %mul3A_3141 : i32
      %add3A_3143 = arith.constant 240 : i32
      %add3A_3144 = arith.addi %mul3A_3142, %add3A_3143 : i32
      %get3A_3145 = arith.index_cast %add3A_3144 : i32 to index
      %get3A_3146 = tpu.vector_load %arg5[%get3A_3145] {strides = array<i32>} : memref<65536xf32, #tpu.memory_space<vmem>>, vector<16xf32>,
      %sub3A_3147 = arith.constant 1.000000e+00 : f32
      %sub3A_3148 = vector.broadcast %sub3A_3147 : f32 to vector<16xf32>
      %sub3A_3149 = arith.subf %sub3A_3148, %get3A_3146 : vector<16xf32>
      %mul3A_3150 = arith.constant 2.900000e+01 : f32
      %mul3A_3151 = vector.broadcast %mul3A_3150 : f32 to vector<16xf32>
      %mul3A_3152 = arith.mulf %sub3A_3149, %mul3A_3151 : vector<16xf32>
      %add3A_3153 = arith.constant 2.000000e+00 : f32
      %add3A_3154 = vector.broadcast %add3A_3153 : f32 to vector<16xf32>
      %add3A_3155 = arith.addf %add3A_3154, %mul3A_3152 : vector<16xf32>
      %convert_element_type3A_3156 = arith.fptosi %add3A_3155 : vector<16xf32> to vector<16xi32>
      %gt3A_3157 = arith.constant 0.000000e+00 : f32
      %gt3A_3158 = vector.broadcast %gt3A_3157 : f32 to vector<16xf32>
      %gt3A_3159 = arith.cmpf ogt, %get3A_3146, %gt3A_3158 : vector<16xf32>
      %select_n3A_3160 = arith.select %gt3A_3159, %broadcast_in_dim3A_5, %broadcast_in_dim3A_3 : vector<16xi1>, vector<16xf32>
      %shift_left3A_3161 = arith.constant 9 : i32
      %shift_left3A_3162 = vector.broadcast %shift_left3A_3161 : i32 to vector<16xi32>
      %shift_left3A_3163 = arith.shli %convert_element_type3A_3156, %shift_left3A_3162 : vector<16xi32>
      %add3A_3164 = arith.constant 240 : i32
      %add3A_3165 = vector.broadcast %add3A_3164 : i32 to vector<16xi32>
      %add3A_3166 = arith.addi %iota3A, %add3A_3165 : vector<16xi32>
      %add3A_3167 = arith.addi %shift_left3A_3163, %add3A_3166 : vector<16xi32>
      %swap3A_3168 = arith.constant 240 : index
      %swap3A_3169 = tpu.vector_load %arg9[%swap3A_3168] {strides = array<i32>} : memref<512xi32, #tpu.memory_space<vmem>>, vector<16xi32>,
      tpu.vector_store %arg9[%swap3A_3168], %add3A_3167 {strides = array<i32>} : memref<512xi32, #tpu.memory_space<vmem>>, vector<16xi32>,
      tpu.vector_store_idx %arg7[%add3A_3167], %select_n3A_3160 : memref<16384xf32, #tpu.memory_space<vmem>>[vector<16xi32>], vector<16xf32>,
      %mul3A_3170 = arith.constant 512 : i32
      %mul3A_3171 = arith.muli %add3A_2637, %mul3A_3170 : i32
      %add3A_3172 = arith.constant 256 : i32
      %add3A_3173 = arith.addi %mul3A_3171, %add3A_3172 : i32
      %get3A_3174 = arith.index_cast %add3A_3173 : i32 to index
      %get3A_3175 = tpu.vector_load %arg5[%get3A_3174] {strides = array<i32>} : memref<65536xf32, #tpu.memory_space<vmem>>, vector<16xf32>,
      %sub3A_3176 = arith.constant 1.000000e+00 : f32
      %sub3A_3177 = vector.broadcast %sub3A_3176 : f32 to vector<16xf32>
      %sub3A_3178 = arith.subf %sub3A_3177, %get3A_3175 : vector<16xf32>
      %mul3A_3179 = arith.constant 2.900000e+01 : f32
      %mul3A_3180 = vector.broadcast %mul3A_3179 : f32 to vector<16xf32>
      %mul3A_3181 = arith.mulf %sub3A_3178, %mul3A_3180 : vector<16xf32>
      %add3A_3182 = arith.constant 2.000000e+00 : f32
      %add3A_3183 = vector.broadcast %add3A_3182 : f32 to vector<16xf32>
      %add3A_3184 = arith.addf %add3A_3183, %mul3A_3181 : vector<16xf32>
      %convert_element_type3A_3185 = arith.fptosi %add3A_3184 : vector<16xf32> to vector<16xi32>
      %gt3A_3186 = arith.constant 0.000000e+00 : f32
      %gt3A_3187 = vector.broadcast %gt3A_3186 : f32 to vector<16xf32>
      %gt3A_3188 = arith.cmpf ogt, %get3A_3175, %gt3A_3187 : vector<16xf32>
      %select_n3A_3189 = arith.select %gt3A_3188, %broadcast_in_dim3A_5, %broadcast_in_dim3A_3 : vector<16xi1>, vector<16xf32>
      %shift_left3A_3190 = arith.constant 9 : i32
      %shift_left3A_3191 = vector.broadcast %shift_left3A_3190 : i32 to vector<16xi32>
      %shift_left3A_3192 = arith.shli %convert_element_type3A_3185, %shift_left3A_3191 : vector<16xi32>
      %add3A_3193 = arith.constant 256 : i32
      %add3A_3194 = vector.broadcast %add3A_3193 : i32 to vector<16xi32>
      %add3A_3195 = arith.addi %iota3A, %add3A_3194 : vector<16xi32>
      %add3A_3196 = arith.addi %shift_left3A_3192, %add3A_3195 : vector<16xi32>
      %swap3A_3197 = arith.constant 256 : index
      %swap3A_3198 = tpu.vector_load %arg9[%swap3A_3197] {strides = array<i32>} : memref<512xi32, #tpu.memory_space<vmem>>, vector<16xi32>,
      tpu.vector_store %arg9[%swap3A_3197], %add3A_3196 {strides = array<i32>} : memref<512xi32, #tpu.memory_space<vmem>>, vector<16xi32>,
      tpu.vector_store_idx %arg7[%add3A_3196], %select_n3A_3189 : memref<16384xf32, #tpu.memory_space<vmem>>[vector<16xi32>], vector<16xf32>,
      %mul3A_3199 = arith.constant 512 : i32
      %mul3A_3200 = arith.muli %add3A_2637, %mul3A_3199 : i32
      %add3A_3201 = arith.constant 272 : i32
      %add3A_3202 = arith.addi %mul3A_3200, %add3A_3201 : i32
      %get3A_3203 = arith.index_cast %add3A_3202 : i32 to index
      %get3A_3204 = tpu.vector_load %arg5[%get3A_3203] {strides = array<i32>} : memref<65536xf32, #tpu.memory_space<vmem>>, vector<16xf32>,
      %sub3A_3205 = arith.constant 1.000000e+00 : f32
      %sub3A_3206 = vector.broadcast %sub3A_3205 : f32 to vector<16xf32>
      %sub3A_3207 = arith.subf %sub3A_3206, %get3A_3204 : vector<16xf32>
      %mul3A_3208 = arith.constant 2.900000e+01 : f32
      %mul3A_3209 = vector.broadcast %mul3A_3208 : f32 to vector<16xf32>
      %mul3A_3210 = arith.mulf %sub3A_3207, %mul3A_3209 : vector<16xf32>
      %add3A_3211 = arith.constant 2.000000e+00 : f32
      %add3A_3212 = vector.broadcast %add3A_3211 : f32 to vector<16xf32>
      %add3A_3213 = arith.addf %add3A_3212, %mul3A_3210 : vector<16xf32>
      %convert_element_type3A_3214 = arith.fptosi %add3A_3213 : vector<16xf32> to vector<16xi32>
      %gt3A_3215 = arith.constant 0.000000e+00 : f32
      %gt3A_3216 = vector.broadcast %gt3A_3215 : f32 to vector<16xf32>
      %gt3A_3217 = arith.cmpf ogt, %get3A_3204, %gt3A_3216 : vector<16xf32>
      %select_n3A_3218 = arith.select %gt3A_3217, %broadcast_in_dim3A_5, %broadcast_in_dim3A_3 : vector<16xi1>, vector<16xf32>
      %shift_left3A_3219 = arith.constant 9 : i32
      %shift_left3A_3220 = vector.broadcast %shift_left3A_3219 : i32 to vector<16xi32>
      %shift_left3A_3221 = arith.shli %convert_element_type3A_3214, %shift_left3A_3220 : vector<16xi32>
      %add3A_3222 = arith.constant 272 : i32
      %add3A_3223 = vector.broadcast %add3A_3222 : i32 to vector<16xi32>
      %add3A_3224 = arith.addi %iota3A, %add3A_3223 : vector<16xi32>
      %add3A_3225 = arith.addi %shift_left3A_3221, %add3A_3224 : vector<16xi32>
      %swap3A_3226 = arith.constant 272 : index
      %swap3A_3227 = tpu.vector_load %arg9[%swap3A_3226] {strides = array<i32>} : memref<512xi32, #tpu.memory_space<vmem>>, vector<16xi32>,
      tpu.vector_store %arg9[%swap3A_3226], %add3A_3225 {strides = array<i32>} : memref<512xi32, #tpu.memory_space<vmem>>, vector<16xi32>,
      tpu.vector_store_idx %arg7[%add3A_3225], %select_n3A_3218 : memref<16384xf32, #tpu.memory_space<vmem>>[vector<16xi32>], vector<16xf32>,
      %mul3A_3228 = arith.constant 512 : i32
      %mul3A_3229 = arith.muli %add3A_2637, %mul3A_3228 : i32
      %add3A_3230 = arith.constant 288 : i32
      %add3A_3231 = arith.addi %mul3A_3229, %add3A_3230 : i32
      %get3A_3232 = arith.index_cast %add3A_3231 : i32 to index
      %get3A_3233 = tpu.vector_load %arg5[%get3A_3232] {strides = array<i32>} : memref<65536xf32, #tpu.memory_space<vmem>>, vector<16xf32>,
      %sub3A_3234 = arith.constant 1.000000e+00 : f32
      %sub3A_3235 = vector.broadcast %sub3A_3234 : f32 to vector<16xf32>
      %sub3A_3236 = arith.subf %sub3A_3235, %get3A_3233 : vector<16xf32>
      %mul3A_3237 = arith.constant 2.900000e+01 : f32
      %mul3A_3238 = vector.broadcast %mul3A_3237 : f32 to vector<16xf32>
      %mul3A_3239 = arith.mulf %sub3A_3236, %mul3A_3238 : vector<16xf32>
      %add3A_3240 = arith.constant 2.000000e+00 : f32
      %add3A_3241 = vector.broadcast %add3A_3240 : f32 to vector<16xf32>
      %add3A_3242 = arith.addf %add3A_3241, %mul3A_3239 : vector<16xf32>
      %convert_element_type3A_3243 = arith.fptosi %add3A_3242 : vector<16xf32> to vector<16xi32>
      %gt3A_3244 = arith.constant 0.000000e+00 : f32
      %gt3A_3245 = vector.broadcast %gt3A_3244 : f32 to vector<16xf32>
      %gt3A_3246 = arith.cmpf ogt, %get3A_3233, %gt3A_3245 : vector<16xf32>
      %select_n3A_3247 = arith.select %gt3A_3246, %broadcast_in_dim3A_5, %broadcast_in_dim3A_3 : vector<16xi1>, vector<16xf32>
      %shift_left3A_3248 = arith.constant 9 : i32
      %shift_left3A_3249 = vector.broadcast %shift_left3A_3248 : i32 to vector<16xi32>
      %shift_left3A_3250 = arith.shli %convert_element_type3A_3243, %shift_left3A_3249 : vector<16xi32>
      %add3A_3251 = arith.constant 288 : i32
      %add3A_3252 = vector.broadcast %add3A_3251 : i32 to vector<16xi32>
      %add3A_3253 = arith.addi %iota3A, %add3A_3252 : vector<16xi32>
      %add3A_3254 = arith.addi %shift_left3A_3250, %add3A_3253 : vector<16xi32>
      %swap3A_3255 = arith.constant 288 : index
      %swap3A_3256 = tpu.vector_load %arg9[%swap3A_3255] {strides = array<i32>} : memref<512xi32, #tpu.memory_space<vmem>>, vector<16xi32>,
      tpu.vector_store %arg9[%swap3A_3255], %add3A_3254 {strides = array<i32>} : memref<512xi32, #tpu.memory_space<vmem>>, vector<16xi32>,
      tpu.vector_store_idx %arg7[%add3A_3254], %select_n3A_3247 : memref<16384xf32, #tpu.memory_space<vmem>>[vector<16xi32>], vector<16xf32>,
      %mul3A_3257 = arith.constant 512 : i32
      %mul3A_3258 = arith.muli %add3A_2637, %mul3A_3257 : i32
      %add3A_3259 = arith.constant 304 : i32
      %add3A_3260 = arith.addi %mul3A_3258, %add3A_3259 : i32
      %get3A_3261 = arith.index_cast %add3A_3260 : i32 to index
      %get3A_3262 = tpu.vector_load %arg5[%get3A_3261] {strides = array<i32>} : memref<65536xf32, #tpu.memory_space<vmem>>, vector<16xf32>,
      %sub3A_3263 = arith.constant 1.000000e+00 : f32
      %sub3A_3264 = vector.broadcast %sub3A_3263 : f32 to vector<16xf32>
      %sub3A_3265 = arith.subf %sub3A_3264, %get3A_3262 : vector<16xf32>
      %mul3A_3266 = arith.constant 2.900000e+01 : f32
      %mul3A_3267 = vector.broadcast %mul3A_3266 : f32 to vector<16xf32>
      %mul3A_3268 = arith.mulf %sub3A_3265, %mul3A_3267 : vector<16xf32>
      %add3A_3269 = arith.constant 2.000000e+00 : f32
      %add3A_3270 = vector.broadcast %add3A_3269 : f32 to vector<16xf32>
      %add3A_3271 = arith.addf %add3A_3270, %mul3A_3268 : vector<16xf32>
      %convert_element_type3A_3272 = arith.fptosi %add3A_3271 : vector<16xf32> to vector<16xi32>
      %gt3A_3273 = arith.constant 0.000000e+00 : f32
      %gt3A_3274 = vector.broadcast %gt3A_3273 : f32 to vector<16xf32>
      %gt3A_3275 = arith.cmpf ogt, %get3A_3262, %gt3A_3274 : vector<16xf32>
      %select_n3A_3276 = arith.select %gt3A_3275, %broadcast_in_dim3A_5, %broadcast_in_dim3A_3 : vector<16xi1>, vector<16xf32>
      %shift_left3A_3277 = arith.constant 9 : i32
      %shift_left3A_3278 = vector.broadcast %shift_left3A_3277 : i32 to vector<16xi32>
      %shift_left3A_3279 = arith.shli %convert_element_type3A_3272, %shift_left3A_3278 : vector<16xi32>
      %add3A_3280 = arith.constant 304 : i32
      %add3A_3281 = vector.broadcast %add3A_3280 : i32 to vector<16xi32>
      %add3A_3282 = arith.addi %iota3A, %add3A_3281 : vector<16xi32>
      %add3A_3283 = arith.addi %shift_left3A_3279, %add3A_3282 : vector<16xi32>
      %swap3A_3284 = arith.constant 304 : index
      %swap3A_3285 = tpu.vector_load %arg9[%swap3A_3284] {strides = array<i32>} : memref<512xi32, #tpu.memory_space<vmem>>, vector<16xi32>,
      tpu.vector_store %arg9[%swap3A_3284], %add3A_3283 {strides = array<i32>} : memref<512xi32, #tpu.memory_space<vmem>>, vector<16xi32>,
      tpu.vector_store_idx %arg7[%add3A_3283], %select_n3A_3276 : memref<16384xf32, #tpu.memory_space<vmem>>[vector<16xi32>], vector<16xf32>,
      %mul3A_3286 = arith.constant 512 : i32
      %mul3A_3287 = arith.muli %add3A_2637, %mul3A_3286 : i32
      %add3A_3288 = arith.constant 320 : i32
      %add3A_3289 = arith.addi %mul3A_3287, %add3A_3288 : i32
      %get3A_3290 = arith.index_cast %add3A_3289 : i32 to index
      %get3A_3291 = tpu.vector_load %arg5[%get3A_3290] {strides = array<i32>} : memref<65536xf32, #tpu.memory_space<vmem>>, vector<16xf32>,
      %sub3A_3292 = arith.constant 1.000000e+00 : f32
      %sub3A_3293 = vector.broadcast %sub3A_3292 : f32 to vector<16xf32>
      %sub3A_3294 = arith.subf %sub3A_3293, %get3A_3291 : vector<16xf32>
      %mul3A_3295 = arith.constant 2.900000e+01 : f32
      %mul3A_3296 = vector.broadcast %mul3A_3295 : f32 to vector<16xf32>
      %mul3A_3297 = arith.mulf %sub3A_3294, %mul3A_3296 : vector<16xf32>
      %add3A_3298 = arith.constant 2.000000e+00 : f32
      %add3A_3299 = vector.broadcast %add3A_3298 : f32 to vector<16xf32>
      %add3A_3300 = arith.addf %add3A_3299, %mul3A_3297 : vector<16xf32>
      %convert_element_type3A_3301 = arith.fptosi %add3A_3300 : vector<16xf32> to vector<16xi32>
      %gt3A_3302 = arith.constant 0.000000e+00 : f32
      %gt3A_3303 = vector.broadcast %gt3A_3302 : f32 to vector<16xf32>
      %gt3A_3304 = arith.cmpf ogt, %get3A_3291, %gt3A_3303 : vector<16xf32>
      %select_n3A_3305 = arith.select %gt3A_3304, %broadcast_in_dim3A_5, %broadcast_in_dim3A_3 : vector<16xi1>, vector<16xf32>
      %shift_left3A_3306 = arith.constant 9 : i32
      %shift_left3A_3307 = vector.broadcast %shift_left3A_3306 : i32 to vector<16xi32>
      %shift_left3A_3308 = arith.shli %convert_element_type3A_3301, %shift_left3A_3307 : vector<16xi32>
      %add3A_3309 = arith.constant 320 : i32
      %add3A_3310 = vector.broadcast %add3A_3309 : i32 to vector<16xi32>
      %add3A_3311 = arith.addi %iota3A, %add3A_3310 : vector<16xi32>
      %add3A_3312 = arith.addi %shift_left3A_3308, %add3A_3311 : vector<16xi32>
      %swap3A_3313 = arith.constant 320 : index
      %swap3A_3314 = tpu.vector_load %arg9[%swap3A_3313] {strides = array<i32>} : memref<512xi32, #tpu.memory_space<vmem>>, vector<16xi32>,
      tpu.vector_store %arg9[%swap3A_3313], %add3A_3312 {strides = array<i32>} : memref<512xi32, #tpu.memory_space<vmem>>, vector<16xi32>,
      tpu.vector_store_idx %arg7[%add3A_3312], %select_n3A_3305 : memref<16384xf32, #tpu.memory_space<vmem>>[vector<16xi32>], vector<16xf32>,
      %mul3A_3315 = arith.constant 512 : i32
      %mul3A_3316 = arith.muli %add3A_2637, %mul3A_3315 : i32
      %add3A_3317 = arith.constant 336 : i32
      %add3A_3318 = arith.addi %mul3A_3316, %add3A_3317 : i32
      %get3A_3319 = arith.index_cast %add3A_3318 : i32 to index
      %get3A_3320 = tpu.vector_load %arg5[%get3A_3319] {strides = array<i32>} : memref<65536xf32, #tpu.memory_space<vmem>>, vector<16xf32>,
      %sub3A_3321 = arith.constant 1.000000e+00 : f32
      %sub3A_3322 = vector.broadcast %sub3A_3321 : f32 to vector<16xf32>
      %sub3A_3323 = arith.subf %sub3A_3322, %get3A_3320 : vector<16xf32>
      %mul3A_3324 = arith.constant 2.900000e+01 : f32
      %mul3A_3325 = vector.broadcast %mul3A_3324 : f32 to vector<16xf32>
      %mul3A_3326 = arith.mulf %sub3A_3323, %mul3A_3325 : vector<16xf32>
      %add3A_3327 = arith.constant 2.000000e+00 : f32
      %add3A_3328 = vector.broadcast %add3A_3327 : f32 to vector<16xf32>
      %add3A_3329 = arith.addf %add3A_3328, %mul3A_3326 : vector<16xf32>
      %convert_element_type3A_3330 = arith.fptosi %add3A_3329 : vector<16xf32> to vector<16xi32>
      %gt3A_3331 = arith.constant 0.000000e+00 : f32
      %gt3A_3332 = vector.broadcast %gt3A_3331 : f32 to vector<16xf32>
      %gt3A_3333 = arith.cmpf ogt, %get3A_3320, %gt3A_3332 : vector<16xf32>
      %select_n3A_3334 = arith.select %gt3A_3333, %broadcast_in_dim3A_5, %broadcast_in_dim3A_3 : vector<16xi1>, vector<16xf32>
      %shift_left3A_3335 = arith.constant 9 : i32
      %shift_left3A_3336 = vector.broadcast %shift_left3A_3335 : i32 to vector<16xi32>
      %shift_left3A_3337 = arith.shli %convert_element_type3A_3330, %shift_left3A_3336 : vector<16xi32>
      %add3A_3338 = arith.constant 336 : i32
      %add3A_3339 = vector.broadcast %add3A_3338 : i32 to vector<16xi32>
      %add3A_3340 = arith.addi %iota3A, %add3A_3339 : vector<16xi32>
      %add3A_3341 = arith.addi %shift_left3A_3337, %add3A_3340 : vector<16xi32>
      %swap3A_3342 = arith.constant 336 : index
      %swap3A_3343 = tpu.vector_load %arg9[%swap3A_3342] {strides = array<i32>} : memref<512xi32, #tpu.memory_space<vmem>>, vector<16xi32>,
      tpu.vector_store %arg9[%swap3A_3342], %add3A_3341 {strides = array<i32>} : memref<512xi32, #tpu.memory_space<vmem>>, vector<16xi32>,
      tpu.vector_store_idx %arg7[%add3A_3341], %select_n3A_3334 : memref<16384xf32, #tpu.memory_space<vmem>>[vector<16xi32>], vector<16xf32>,
      %mul3A_3344 = arith.constant 512 : i32
      %mul3A_3345 = arith.muli %add3A_2637, %mul3A_3344 : i32
      %add3A_3346 = arith.constant 352 : i32
      %add3A_3347 = arith.addi %mul3A_3345, %add3A_3346 : i32
      %get3A_3348 = arith.index_cast %add3A_3347 : i32 to index
      %get3A_3349 = tpu.vector_load %arg5[%get3A_3348] {strides = array<i32>} : memref<65536xf32, #tpu.memory_space<vmem>>, vector<16xf32>,
      %sub3A_3350 = arith.constant 1.000000e+00 : f32
      %sub3A_3351 = vector.broadcast %sub3A_3350 : f32 to vector<16xf32>
      %sub3A_3352 = arith.subf %sub3A_3351, %get3A_3349 : vector<16xf32>
      %mul3A_3353 = arith.constant 2.900000e+01 : f32
      %mul3A_3354 = vector.broadcast %mul3A_3353 : f32 to vector<16xf32>
      %mul3A_3355 = arith.mulf %sub3A_3352, %mul3A_3354 : vector<16xf32>
      %add3A_3356 = arith.constant 2.000000e+00 : f32
      %add3A_3357 = vector.broadcast %add3A_3356 : f32 to vector<16xf32>
      %add3A_3358 = arith.addf %add3A_3357, %mul3A_3355 : vector<16xf32>
      %convert_element_type3A_3359 = arith.fptosi %add3A_3358 : vector<16xf32> to vector<16xi32>
      %gt3A_3360 = arith.constant 0.000000e+00 : f32
      %gt3A_3361 = vector.broadcast %gt3A_3360 : f32 to vector<16xf32>
      %gt3A_3362 = arith.cmpf ogt, %get3A_3349, %gt3A_3361 : vector<16xf32>
      %select_n3A_3363 = arith.select %gt3A_3362, %broadcast_in_dim3A_5, %broadcast_in_dim3A_3 : vector<16xi1>, vector<16xf32>
      %shift_left3A_3364 = arith.constant 9 : i32
      %shift_left3A_3365 = vector.broadcast %shift_left3A_3364 : i32 to vector<16xi32>
      %shift_left3A_3366 = arith.shli %convert_element_type3A_3359, %shift_left3A_3365 : vector<16xi32>
      %add3A_3367 = arith.constant 352 : i32
      %add3A_3368 = vector.broadcast %add3A_3367 : i32 to vector<16xi32>
      %add3A_3369 = arith.addi %iota3A, %add3A_3368 : vector<16xi32>
      %add3A_3370 = arith.addi %shift_left3A_3366, %add3A_3369 : vector<16xi32>
      %swap3A_3371 = arith.constant 352 : index
      %swap3A_3372 = tpu.vector_load %arg9[%swap3A_3371] {strides = array<i32>} : memref<512xi32, #tpu.memory_space<vmem>>, vector<16xi32>,
      tpu.vector_store %arg9[%swap3A_3371], %add3A_3370 {strides = array<i32>} : memref<512xi32, #tpu.memory_space<vmem>>, vector<16xi32>,
      tpu.vector_store_idx %arg7[%add3A_3370], %select_n3A_3363 : memref<16384xf32, #tpu.memory_space<vmem>>[vector<16xi32>], vector<16xf32>,
      %mul3A_3373 = arith.constant 512 : i32
      %mul3A_3374 = arith.muli %add3A_2637, %mul3A_3373 : i32
      %add3A_3375 = arith.constant 368 : i32
      %add3A_3376 = arith.addi %mul3A_3374, %add3A_3375 : i32
      %get3A_3377 = arith.index_cast %add3A_3376 : i32 to index
      %get3A_3378 = tpu.vector_load %arg5[%get3A_3377] {strides = array<i32>} : memref<65536xf32, #tpu.memory_space<vmem>>, vector<16xf32>,
      %sub3A_3379 = arith.constant 1.000000e+00 : f32
      %sub3A_3380 = vector.broadcast %sub3A_3379 : f32 to vector<16xf32>
      %sub3A_3381 = arith.subf %sub3A_3380, %get3A_3378 : vector<16xf32>
      %mul3A_3382 = arith.constant 2.900000e+01 : f32
      %mul3A_3383 = vector.broadcast %mul3A_3382 : f32 to vector<16xf32>
      %mul3A_3384 = arith.mulf %sub3A_3381, %mul3A_3383 : vector<16xf32>
      %add3A_3385 = arith.constant 2.000000e+00 : f32
      %add3A_3386 = vector.broadcast %add3A_3385 : f32 to vector<16xf32>
      %add3A_3387 = arith.addf %add3A_3386, %mul3A_3384 : vector<16xf32>
      %convert_element_type3A_3388 = arith.fptosi %add3A_3387 : vector<16xf32> to vector<16xi32>
      %gt3A_3389 = arith.constant 0.000000e+00 : f32
      %gt3A_3390 = vector.broadcast %gt3A_3389 : f32 to vector<16xf32>
      %gt3A_3391 = arith.cmpf ogt, %get3A_3378, %gt3A_3390 : vector<16xf32>
      %select_n3A_3392 = arith.select %gt3A_3391, %broadcast_in_dim3A_5, %broadcast_in_dim3A_3 : vector<16xi1>, vector<16xf32>
      %shift_left3A_3393 = arith.constant 9 : i32
      %shift_left3A_3394 = vector.broadcast %shift_left3A_3393 : i32 to vector<16xi32>
      %shift_left3A_3395 = arith.shli %convert_element_type3A_3388, %shift_left3A_3394 : vector<16xi32>
      %add3A_3396 = arith.constant 368 : i32
      %add3A_3397 = vector.broadcast %add3A_3396 : i32 to vector<16xi32>
      %add3A_3398 = arith.addi %iota3A, %add3A_3397 : vector<16xi32>
      %add3A_3399 = arith.addi %shift_left3A_3395, %add3A_3398 : vector<16xi32>
      %swap3A_3400 = arith.constant 368 : index
      %swap3A_3401 = tpu.vector_load %arg9[%swap3A_3400] {strides = array<i32>} : memref<512xi32, #tpu.memory_space<vmem>>, vector<16xi32>,
      tpu.vector_store %arg9[%swap3A_3400], %add3A_3399 {strides = array<i32>} : memref<512xi32, #tpu.memory_space<vmem>>, vector<16xi32>,
      tpu.vector_store_idx %arg7[%add3A_3399], %select_n3A_3392 : memref<16384xf32, #tpu.memory_space<vmem>>[vector<16xi32>], vector<16xf32>,
      %mul3A_3402 = arith.constant 512 : i32
      %mul3A_3403 = arith.muli %add3A_2637, %mul3A_3402 : i32
      %add3A_3404 = arith.constant 384 : i32
      %add3A_3405 = arith.addi %mul3A_3403, %add3A_3404 : i32
      %get3A_3406 = arith.index_cast %add3A_3405 : i32 to index
      %get3A_3407 = tpu.vector_load %arg5[%get3A_3406] {strides = array<i32>} : memref<65536xf32, #tpu.memory_space<vmem>>, vector<16xf32>,
      %sub3A_3408 = arith.constant 1.000000e+00 : f32
      %sub3A_3409 = vector.broadcast %sub3A_3408 : f32 to vector<16xf32>
      %sub3A_3410 = arith.subf %sub3A_3409, %get3A_3407 : vector<16xf32>
      %mul3A_3411 = arith.constant 2.900000e+01 : f32
      %mul3A_3412 = vector.broadcast %mul3A_3411 : f32 to vector<16xf32>
      %mul3A_3413 = arith.mulf %sub3A_3410, %mul3A_3412 : vector<16xf32>
      %add3A_3414 = arith.constant 2.000000e+00 : f32
      %add3A_3415 = vector.broadcast %add3A_3414 : f32 to vector<16xf32>
      %add3A_3416 = arith.addf %add3A_3415, %mul3A_3413 : vector<16xf32>
      %convert_element_type3A_3417 = arith.fptosi %add3A_3416 : vector<16xf32> to vector<16xi32>
      %gt3A_3418 = arith.constant 0.000000e+00 : f32
      %gt3A_3419 = vector.broadcast %gt3A_3418 : f32 to vector<16xf32>
      %gt3A_3420 = arith.cmpf ogt, %get3A_3407, %gt3A_3419 : vector<16xf32>
      %select_n3A_3421 = arith.select %gt3A_3420, %broadcast_in_dim3A_5, %broadcast_in_dim3A_3 : vector<16xi1>, vector<16xf32>
      %shift_left3A_3422 = arith.constant 9 : i32
      %shift_left3A_3423 = vector.broadcast %shift_left3A_3422 : i32 to vector<16xi32>
      %shift_left3A_3424 = arith.shli %convert_element_type3A_3417, %shift_left3A_3423 : vector<16xi32>
      %add3A_3425 = arith.constant 384 : i32
      %add3A_3426 = vector.broadcast %add3A_3425 : i32 to vector<16xi32>
      %add3A_3427 = arith.addi %iota3A, %add3A_3426 : vector<16xi32>
      %add3A_3428 = arith.addi %shift_left3A_3424, %add3A_3427 : vector<16xi32>
      %swap3A_3429 = arith.constant 384 : index
      %swap3A_3430 = tpu.vector_load %arg9[%swap3A_3429] {strides = array<i32>} : memref<512xi32, #tpu.memory_space<vmem>>, vector<16xi32>,
      tpu.vector_store %arg9[%swap3A_3429], %add3A_3428 {strides = array<i32>} : memref<512xi32, #tpu.memory_space<vmem>>, vector<16xi32>,
      tpu.vector_store_idx %arg7[%add3A_3428], %select_n3A_3421 : memref<16384xf32, #tpu.memory_space<vmem>>[vector<16xi32>], vector<16xf32>,
      %mul3A_3431 = arith.constant 512 : i32
      %mul3A_3432 = arith.muli %add3A_2637, %mul3A_3431 : i32
      %add3A_3433 = arith.constant 400 : i32
      %add3A_3434 = arith.addi %mul3A_3432, %add3A_3433 : i32
      %get3A_3435 = arith.index_cast %add3A_3434 : i32 to index
      %get3A_3436 = tpu.vector_load %arg5[%get3A_3435] {strides = array<i32>} : memref<65536xf32, #tpu.memory_space<vmem>>, vector<16xf32>,
      %sub3A_3437 = arith.constant 1.000000e+00 : f32
      %sub3A_3438 = vector.broadcast %sub3A_3437 : f32 to vector<16xf32>
      %sub3A_3439 = arith.subf %sub3A_3438, %get3A_3436 : vector<16xf32>
      %mul3A_3440 = arith.constant 2.900000e+01 : f32
      %mul3A_3441 = vector.broadcast %mul3A_3440 : f32 to vector<16xf32>
      %mul3A_3442 = arith.mulf %sub3A_3439, %mul3A_3441 : vector<16xf32>
      %add3A_3443 = arith.constant 2.000000e+00 : f32
      %add3A_3444 = vector.broadcast %add3A_3443 : f32 to vector<16xf32>
      %add3A_3445 = arith.addf %add3A_3444, %mul3A_3442 : vector<16xf32>
      %convert_element_type3A_3446 = arith.fptosi %add3A_3445 : vector<16xf32> to vector<16xi32>
      %gt3A_3447 = arith.constant 0.000000e+00 : f32
      %gt3A_3448 = vector.broadcast %gt3A_3447 : f32 to vector<16xf32>
      %gt3A_3449 = arith.cmpf ogt, %get3A_3436, %gt3A_3448 : vector<16xf32>
      %select_n3A_3450 = arith.select %gt3A_3449, %broadcast_in_dim3A_5, %broadcast_in_dim3A_3 : vector<16xi1>, vector<16xf32>
      %shift_left3A_3451 = arith.constant 9 : i32
      %shift_left3A_3452 = vector.broadcast %shift_left3A_3451 : i32 to vector<16xi32>
      %shift_left3A_3453 = arith.shli %convert_element_type3A_3446, %shift_left3A_3452 : vector<16xi32>
      %add3A_3454 = arith.constant 400 : i32
      %add3A_3455 = vector.broadcast %add3A_3454 : i32 to vector<16xi32>
      %add3A_3456 = arith.addi %iota3A, %add3A_3455 : vector<16xi32>
      %add3A_3457 = arith.addi %shift_left3A_3453, %add3A_3456 : vector<16xi32>
      %swap3A_3458 = arith.constant 400 : index
      %swap3A_3459 = tpu.vector_load %arg9[%swap3A_3458] {strides = array<i32>} : memref<512xi32, #tpu.memory_space<vmem>>, vector<16xi32>,
      tpu.vector_store %arg9[%swap3A_3458], %add3A_3457 {strides = array<i32>} : memref<512xi32, #tpu.memory_space<vmem>>, vector<16xi32>,
      tpu.vector_store_idx %arg7[%add3A_3457], %select_n3A_3450 : memref<16384xf32, #tpu.memory_space<vmem>>[vector<16xi32>], vector<16xf32>,
      %mul3A_3460 = arith.constant 512 : i32
      %mul3A_3461 = arith.muli %add3A_2637, %mul3A_3460 : i32
      %add3A_3462 = arith.constant 416 : i32
      %add3A_3463 = arith.addi %mul3A_3461, %add3A_3462 : i32
      %get3A_3464 = arith.index_cast %add3A_3463 : i32 to index
      %get3A_3465 = tpu.vector_load %arg5[%get3A_3464] {strides = array<i32>} : memref<65536xf32, #tpu.memory_space<vmem>>, vector<16xf32>,
      %sub3A_3466 = arith.constant 1.000000e+00 : f32
      %sub3A_3467 = vector.broadcast %sub3A_3466 : f32 to vector<16xf32>
      %sub3A_3468 = arith.subf %sub3A_3467, %get3A_3465 : vector<16xf32>
      %mul3A_3469 = arith.constant 2.900000e+01 : f32
      %mul3A_3470 = vector.broadcast %mul3A_3469 : f32 to vector<16xf32>
      %mul3A_3471 = arith.mulf %sub3A_3468, %mul3A_3470 : vector<16xf32>
      %add3A_3472 = arith.constant 2.000000e+00 : f32
      %add3A_3473 = vector.broadcast %add3A_3472 : f32 to vector<16xf32>
      %add3A_3474 = arith.addf %add3A_3473, %mul3A_3471 : vector<16xf32>
      %convert_element_type3A_3475 = arith.fptosi %add3A_3474 : vector<16xf32> to vector<16xi32>
      %gt3A_3476 = arith.constant 0.000000e+00 : f32
      %gt3A_3477 = vector.broadcast %gt3A_3476 : f32 to vector<16xf32>
      %gt3A_3478 = arith.cmpf ogt, %get3A_3465, %gt3A_3477 : vector<16xf32>
      %select_n3A_3479 = arith.select %gt3A_3478, %broadcast_in_dim3A_5, %broadcast_in_dim3A_3 : vector<16xi1>, vector<16xf32>
      %shift_left3A_3480 = arith.constant 9 : i32
      %shift_left3A_3481 = vector.broadcast %shift_left3A_3480 : i32 to vector<16xi32>
      %shift_left3A_3482 = arith.shli %convert_element_type3A_3475, %shift_left3A_3481 : vector<16xi32>
      %add3A_3483 = arith.constant 416 : i32
      %add3A_3484 = vector.broadcast %add3A_3483 : i32 to vector<16xi32>
      %add3A_3485 = arith.addi %iota3A, %add3A_3484 : vector<16xi32>
      %add3A_3486 = arith.addi %shift_left3A_3482, %add3A_3485 : vector<16xi32>
      %swap3A_3487 = arith.constant 416 : index
      %swap3A_3488 = tpu.vector_load %arg9[%swap3A_3487] {strides = array<i32>} : memref<512xi32, #tpu.memory_space<vmem>>, vector<16xi32>,
      tpu.vector_store %arg9[%swap3A_3487], %add3A_3486 {strides = array<i32>} : memref<512xi32, #tpu.memory_space<vmem>>, vector<16xi32>,
      tpu.vector_store_idx %arg7[%add3A_3486], %select_n3A_3479 : memref<16384xf32, #tpu.memory_space<vmem>>[vector<16xi32>], vector<16xf32>,
      %mul3A_3489 = arith.constant 512 : i32
      %mul3A_3490 = arith.muli %add3A_2637, %mul3A_3489 : i32
      %add3A_3491 = arith.constant 432 : i32
      %add3A_3492 = arith.addi %mul3A_3490, %add3A_3491 : i32
      %get3A_3493 = arith.index_cast %add3A_3492 : i32 to index
      %get3A_3494 = tpu.vector_load %arg5[%get3A_3493] {strides = array<i32>} : memref<65536xf32, #tpu.memory_space<vmem>>, vector<16xf32>,
      %sub3A_3495 = arith.constant 1.000000e+00 : f32
      %sub3A_3496 = vector.broadcast %sub3A_3495 : f32 to vector<16xf32>
      %sub3A_3497 = arith.subf %sub3A_3496, %get3A_3494 : vector<16xf32>
      %mul3A_3498 = arith.constant 2.900000e+01 : f32
      %mul3A_3499 = vector.broadcast %mul3A_3498 : f32 to vector<16xf32>
      %mul3A_3500 = arith.mulf %sub3A_3497, %mul3A_3499 : vector<16xf32>
      %add3A_3501 = arith.constant 2.000000e+00 : f32
      %add3A_3502 = vector.broadcast %add3A_3501 : f32 to vector<16xf32>
      %add3A_3503 = arith.addf %add3A_3502, %mul3A_3500 : vector<16xf32>
      %convert_element_type3A_3504 = arith.fptosi %add3A_3503 : vector<16xf32> to vector<16xi32>
      %gt3A_3505 = arith.constant 0.000000e+00 : f32
      %gt3A_3506 = vector.broadcast %gt3A_3505 : f32 to vector<16xf32>
      %gt3A_3507 = arith.cmpf ogt, %get3A_3494, %gt3A_3506 : vector<16xf32>
      %select_n3A_3508 = arith.select %gt3A_3507, %broadcast_in_dim3A_5, %broadcast_in_dim3A_3 : vector<16xi1>, vector<16xf32>
      %shift_left3A_3509 = arith.constant 9 : i32
      %shift_left3A_3510 = vector.broadcast %shift_left3A_3509 : i32 to vector<16xi32>
      %shift_left3A_3511 = arith.shli %convert_element_type3A_3504, %shift_left3A_3510 : vector<16xi32>
      %add3A_3512 = arith.constant 432 : i32
      %add3A_3513 = vector.broadcast %add3A_3512 : i32 to vector<16xi32>
      %add3A_3514 = arith.addi %iota3A, %add3A_3513 : vector<16xi32>
      %add3A_3515 = arith.addi %shift_left3A_3511, %add3A_3514 : vector<16xi32>
      %swap3A_3516 = arith.constant 432 : index
      %swap3A_3517 = tpu.vector_load %arg9[%swap3A_3516] {strides = array<i32>} : memref<512xi32, #tpu.memory_space<vmem>>, vector<16xi32>,
      tpu.vector_store %arg9[%swap3A_3516], %add3A_3515 {strides = array<i32>} : memref<512xi32, #tpu.memory_space<vmem>>, vector<16xi32>,
      tpu.vector_store_idx %arg7[%add3A_3515], %select_n3A_3508 : memref<16384xf32, #tpu.memory_space<vmem>>[vector<16xi32>], vector<16xf32>,
      %mul3A_3518 = arith.constant 512 : i32
      %mul3A_3519 = arith.muli %add3A_2637, %mul3A_3518 : i32
      %add3A_3520 = arith.constant 448 : i32
      %add3A_3521 = arith.addi %mul3A_3519, %add3A_3520 : i32
      %get3A_3522 = arith.index_cast %add3A_3521 : i32 to index
      %get3A_3523 = tpu.vector_load %arg5[%get3A_3522] {strides = array<i32>} : memref<65536xf32, #tpu.memory_space<vmem>>, vector<16xf32>,
      %sub3A_3524 = arith.constant 1.000000e+00 : f32
      %sub3A_3525 = vector.broadcast %sub3A_3524 : f32 to vector<16xf32>
      %sub3A_3526 = arith.subf %sub3A_3525, %get3A_3523 : vector<16xf32>
      %mul3A_3527 = arith.constant 2.900000e+01 : f32
      %mul3A_3528 = vector.broadcast %mul3A_3527 : f32 to vector<16xf32>
      %mul3A_3529 = arith.mulf %sub3A_3526, %mul3A_3528 : vector<16xf32>
      %add3A_3530 = arith.constant 2.000000e+00 : f32
      %add3A_3531 = vector.broadcast %add3A_3530 : f32 to vector<16xf32>
      %add3A_3532 = arith.addf %add3A_3531, %mul3A_3529 : vector<16xf32>
      %convert_element_type3A_3533 = arith.fptosi %add3A_3532 : vector<16xf32> to vector<16xi32>
      %gt3A_3534 = arith.constant 0.000000e+00 : f32
      %gt3A_3535 = vector.broadcast %gt3A_3534 : f32 to vector<16xf32>
      %gt3A_3536 = arith.cmpf ogt, %get3A_3523, %gt3A_3535 : vector<16xf32>
      %select_n3A_3537 = arith.select %gt3A_3536, %broadcast_in_dim3A_5, %broadcast_in_dim3A_3 : vector<16xi1>, vector<16xf32>
      %shift_left3A_3538 = arith.constant 9 : i32
      %shift_left3A_3539 = vector.broadcast %shift_left3A_3538 : i32 to vector<16xi32>
      %shift_left3A_3540 = arith.shli %convert_element_type3A_3533, %shift_left3A_3539 : vector<16xi32>
      %add3A_3541 = arith.constant 448 : i32
      %add3A_3542 = vector.broadcast %add3A_3541 : i32 to vector<16xi32>
      %add3A_3543 = arith.addi %iota3A, %add3A_3542 : vector<16xi32>
      %add3A_3544 = arith.addi %shift_left3A_3540, %add3A_3543 : vector<16xi32>
      %swap3A_3545 = arith.constant 448 : index
      %swap3A_3546 = tpu.vector_load %arg9[%swap3A_3545] {strides = array<i32>} : memref<512xi32, #tpu.memory_space<vmem>>, vector<16xi32>,
      tpu.vector_store %arg9[%swap3A_3545], %add3A_3544 {strides = array<i32>} : memref<512xi32, #tpu.memory_space<vmem>>, vector<16xi32>,
      tpu.vector_store_idx %arg7[%add3A_3544], %select_n3A_3537 : memref<16384xf32, #tpu.memory_space<vmem>>[vector<16xi32>], vector<16xf32>,
      %mul3A_3547 = arith.constant 512 : i32
      %mul3A_3548 = arith.muli %add3A_2637, %mul3A_3547 : i32
      %add3A_3549 = arith.constant 464 : i32
      %add3A_3550 = arith.addi %mul3A_3548, %add3A_3549 : i32
      %get3A_3551 = arith.index_cast %add3A_3550 : i32 to index
      %get3A_3552 = tpu.vector_load %arg5[%get3A_3551] {strides = array<i32>} : memref<65536xf32, #tpu.memory_space<vmem>>, vector<16xf32>,
      %sub3A_3553 = arith.constant 1.000000e+00 : f32
      %sub3A_3554 = vector.broadcast %sub3A_3553 : f32 to vector<16xf32>
      %sub3A_3555 = arith.subf %sub3A_3554, %get3A_3552 : vector<16xf32>
      %mul3A_3556 = arith.constant 2.900000e+01 : f32
      %mul3A_3557 = vector.broadcast %mul3A_3556 : f32 to vector<16xf32>
      %mul3A_3558 = arith.mulf %sub3A_3555, %mul3A_3557 : vector<16xf32>
      %add3A_3559 = arith.constant 2.000000e+00 : f32
      %add3A_3560 = vector.broadcast %add3A_3559 : f32 to vector<16xf32>
      %add3A_3561 = arith.addf %add3A_3560, %mul3A_3558 : vector<16xf32>
      %convert_element_type3A_3562 = arith.fptosi %add3A_3561 : vector<16xf32> to vector<16xi32>
      %gt3A_3563 = arith.constant 0.000000e+00 : f32
      %gt3A_3564 = vector.broadcast %gt3A_3563 : f32 to vector<16xf32>
      %gt3A_3565 = arith.cmpf ogt, %get3A_3552, %gt3A_3564 : vector<16xf32>
      %select_n3A_3566 = arith.select %gt3A_3565, %broadcast_in_dim3A_5, %broadcast_in_dim3A_3 : vector<16xi1>, vector<16xf32>
      %shift_left3A_3567 = arith.constant 9 : i32
      %shift_left3A_3568 = vector.broadcast %shift_left3A_3567 : i32 to vector<16xi32>
      %shift_left3A_3569 = arith.shli %convert_element_type3A_3562, %shift_left3A_3568 : vector<16xi32>
      %add3A_3570 = arith.constant 464 : i32
      %add3A_3571 = vector.broadcast %add3A_3570 : i32 to vector<16xi32>
      %add3A_3572 = arith.addi %iota3A, %add3A_3571 : vector<16xi32>
      %add3A_3573 = arith.addi %shift_left3A_3569, %add3A_3572 : vector<16xi32>
      %swap3A_3574 = arith.constant 464 : index
      %swap3A_3575 = tpu.vector_load %arg9[%swap3A_3574] {strides = array<i32>} : memref<512xi32, #tpu.memory_space<vmem>>, vector<16xi32>,
      tpu.vector_store %arg9[%swap3A_3574], %add3A_3573 {strides = array<i32>} : memref<512xi32, #tpu.memory_space<vmem>>, vector<16xi32>,
      tpu.vector_store_idx %arg7[%add3A_3573], %select_n3A_3566 : memref<16384xf32, #tpu.memory_space<vmem>>[vector<16xi32>], vector<16xf32>,
      %mul3A_3576 = arith.constant 512 : i32
      %mul3A_3577 = arith.muli %add3A_2637, %mul3A_3576 : i32
      %add3A_3578 = arith.constant 480 : i32
      %add3A_3579 = arith.addi %mul3A_3577, %add3A_3578 : i32
      %get3A_3580 = arith.index_cast %add3A_3579 : i32 to index
      %get3A_3581 = tpu.vector_load %arg5[%get3A_3580] {strides = array<i32>} : memref<65536xf32, #tpu.memory_space<vmem>>, vector<16xf32>,
      %sub3A_3582 = arith.constant 1.000000e+00 : f32
      %sub3A_3583 = vector.broadcast %sub3A_3582 : f32 to vector<16xf32>
      %sub3A_3584 = arith.subf %sub3A_3583, %get3A_3581 : vector<16xf32>
      %mul3A_3585 = arith.constant 2.900000e+01 : f32
      %mul3A_3586 = vector.broadcast %mul3A_3585 : f32 to vector<16xf32>
      %mul3A_3587 = arith.mulf %sub3A_3584, %mul3A_3586 : vector<16xf32>
      %add3A_3588 = arith.constant 2.000000e+00 : f32
      %add3A_3589 = vector.broadcast %add3A_3588 : f32 to vector<16xf32>
      %add3A_3590 = arith.addf %add3A_3589, %mul3A_3587 : vector<16xf32>
      %convert_element_type3A_3591 = arith.fptosi %add3A_3590 : vector<16xf32> to vector<16xi32>
      %gt3A_3592 = arith.constant 0.000000e+00 : f32
      %gt3A_3593 = vector.broadcast %gt3A_3592 : f32 to vector<16xf32>
      %gt3A_3594 = arith.cmpf ogt, %get3A_3581, %gt3A_3593 : vector<16xf32>
      %select_n3A_3595 = arith.select %gt3A_3594, %broadcast_in_dim3A_5, %broadcast_in_dim3A_3 : vector<16xi1>, vector<16xf32>
      %shift_left3A_3596 = arith.constant 9 : i32
      %shift_left3A_3597 = vector.broadcast %shift_left3A_3596 : i32 to vector<16xi32>
      %shift_left3A_3598 = arith.shli %convert_element_type3A_3591, %shift_left3A_3597 : vector<16xi32>
      %add3A_3599 = arith.constant 480 : i32
      %add3A_3600 = vector.broadcast %add3A_3599 : i32 to vector<16xi32>
      %add3A_3601 = arith.addi %iota3A, %add3A_3600 : vector<16xi32>
      %add3A_3602 = arith.addi %shift_left3A_3598, %add3A_3601 : vector<16xi32>
      %swap3A_3603 = arith.constant 480 : index
      %swap3A_3604 = tpu.vector_load %arg9[%swap3A_3603] {strides = array<i32>} : memref<512xi32, #tpu.memory_space<vmem>>, vector<16xi32>,
      tpu.vector_store %arg9[%swap3A_3603], %add3A_3602 {strides = array<i32>} : memref<512xi32, #tpu.memory_space<vmem>>, vector<16xi32>,
      tpu.vector_store_idx %arg7[%add3A_3602], %select_n3A_3595 : memref<16384xf32, #tpu.memory_space<vmem>>[vector<16xi32>], vector<16xf32>,
      %mul3A_3605 = arith.constant 512 : i32
      %mul3A_3606 = arith.muli %add3A_2637, %mul3A_3605 : i32
      %add3A_3607 = arith.constant 496 : i32
      %add3A_3608 = arith.addi %mul3A_3606, %add3A_3607 : i32
      %get3A_3609 = arith.index_cast %add3A_3608 : i32 to index
      %get3A_3610 = tpu.vector_load %arg5[%get3A_3609] {strides = array<i32>} : memref<65536xf32, #tpu.memory_space<vmem>>, vector<16xf32>,
      %sub3A_3611 = arith.constant 1.000000e+00 : f32
      %sub3A_3612 = vector.broadcast %sub3A_3611 : f32 to vector<16xf32>
      %sub3A_3613 = arith.subf %sub3A_3612, %get3A_3610 : vector<16xf32>
      %mul3A_3614 = arith.constant 2.900000e+01 : f32
      %mul3A_3615 = vector.broadcast %mul3A_3614 : f32 to vector<16xf32>
      %mul3A_3616 = arith.mulf %sub3A_3613, %mul3A_3615 : vector<16xf32>
      %add3A_3617 = arith.constant 2.000000e+00 : f32
      %add3A_3618 = vector.broadcast %add3A_3617 : f32 to vector<16xf32>
      %add3A_3619 = arith.addf %add3A_3618, %mul3A_3616 : vector<16xf32>
      %convert_element_type3A_3620 = arith.fptosi %add3A_3619 : vector<16xf32> to vector<16xi32>
      %gt3A_3621 = arith.constant 0.000000e+00 : f32
      %gt3A_3622 = vector.broadcast %gt3A_3621 : f32 to vector<16xf32>
      %gt3A_3623 = arith.cmpf ogt, %get3A_3610, %gt3A_3622 : vector<16xf32>
      %select_n3A_3624 = arith.select %gt3A_3623, %broadcast_in_dim3A_5, %broadcast_in_dim3A_3 : vector<16xi1>, vector<16xf32>
      %shift_left3A_3625 = arith.constant 9 : i32
      %shift_left3A_3626 = vector.broadcast %shift_left3A_3625 : i32 to vector<16xi32>
      %shift_left3A_3627 = arith.shli %convert_element_type3A_3620, %shift_left3A_3626 : vector<16xi32>
      %add3A_3628 = arith.constant 496 : i32
      %add3A_3629 = vector.broadcast %add3A_3628 : i32 to vector<16xi32>
      %add3A_3630 = arith.addi %iota3A, %add3A_3629 : vector<16xi32>
      %add3A_3631 = arith.addi %shift_left3A_3627, %add3A_3630 : vector<16xi32>
      %swap3A_3632 = arith.constant 496 : index
      %swap3A_3633 = tpu.vector_load %arg9[%swap3A_3632] {strides = array<i32>} : memref<512xi32, #tpu.memory_space<vmem>>, vector<16xi32>,
      tpu.vector_store %arg9[%swap3A_3632], %add3A_3631 {strides = array<i32>} : memref<512xi32, #tpu.memory_space<vmem>>, vector<16xi32>,
      tpu.vector_store_idx %arg7[%add3A_3631], %select_n3A_3624 : memref<16384xf32, #tpu.memory_space<vmem>>[vector<16xi32>], vector<16xf32>,
      %add3A_3634 = arith.addi %mul3A_2, %add3A_2637 : i32
      %mul3A_3635 = arith.constant 16384 : i32
      %mul3A_3636 = arith.muli %add3A_3634, %mul3A_3635 : i32
      %dma_start3A_3637 = tpu.memref_slice %arg4[%mul3A_3636] : memref<67108864xf32, #tpu.memory_space<hbm>> -> memref<16384xf32, #tpu.memory_space<hbm>>
      %dma_start3A_3638 = tpu.memref_slice %arg4[%mul3A_3636] : memref<67108864xf32, #tpu.memory_space<hbm>> -> memref<16384xf32, #tpu.memory_space<hbm>>
      tpu.enqueue_dma source(%arg7 : memref<16384xf32, #tpu.memory_space<vmem>>) target(%dma_start3A_3638 : memref<16384xf32, #tpu.memory_space<hbm>>) target_semaphore(%arg11 : memref<!tpu.dma_semaphore, #tpu.memory_space<semaphore_mem>>)
    }
    %scan3A_1616 = arith.constant 63 : i32
    %dma_wait3A = arith.constant 0 : i32
    %dma_wait3A_1617 = tpu.memref_slice %arg4[%dma_wait3A] : memref<67108864xf32, #tpu.memory_space<hbm>> -> memref<16384xf32, #tpu.memory_space<hbm>>
    %dma_wait3A_1618 = arith.constant 0 : i32
    %dma_wait3A_1619 = tpu.memref_slice %arg4[%dma_wait3A_1618] : memref<67108864xf32, #tpu.memory_space<hbm>> -> memref<16384xf32, #tpu.memory_space<hbm>>
    tpu.wait_dma2 semaphore(%arg10 : memref<!tpu.dma_semaphore, #tpu.memory_space<semaphore_mem>>) src(%arg6 : memref<16384xf32, #tpu.memory_space<vmem>>) dst(%dma_wait3A_1619 : memref<16384xf32, #tpu.memory_space<hbm>>)
    %dma_wait3A_1620 = arith.constant 0 : i32
    %dma_wait3A_1621 = tpu.memref_slice %arg4[%dma_wait3A_1620] : memref<67108864xf32, #tpu.memory_space<hbm>> -> memref<16384xf32, #tpu.memory_space<hbm>>
    %dma_wait3A_1622 = arith.constant 0 : i32
    %dma_wait3A_1623 = tpu.memref_slice %arg4[%dma_wait3A_1622] : memref<67108864xf32, #tpu.memory_space<hbm>> -> memref<16384xf32, #tpu.memory_space<hbm>>
    tpu.wait_dma2 semaphore(%arg11 : memref<!tpu.dma_semaphore, #tpu.memory_space<semaphore_mem>>) src(%arg7 : memref<16384xf32, #tpu.memory_space<vmem>>) dst(%dma_wait3A_1623 : memref<16384xf32, #tpu.memory_space<hbm>>)
    return
  }
}

</mosaic_0001>

<sc_bundles>
// kernel: kernel.3.cloned.1.call-start
scs
__scs_entry_jumppad:
0x0: {  	(pc) =	sbr.rel $0x88, $3  }
0x1: {  	(tag) =	ssettag $0x0;
	lr =	simm.s32 $0x1  }
0x2: {  	[smem:$0x3FA0] =	sst lr;
	_ =	strace $0xD0000000  }
0x3: {  	_ = 	snop  }
0x4: {  	_ = 	snop  }
0x5: {  	_ = 	snop  }
0x6: {  	_ = 	snop  }
0x7: {  	_ = 	snop  }
__scs_overlays_trampoline_lowered:
0x8: {  	[smem:$0x3FAF] =	sst s0  }
0x9: {  	[smem:$0x3FB0] =	sst s1  }
0xa: {  	[smem:$0x3FB1] =	sst s2  }
0xb: {  	[smem:$0x3FB2] =	sst s3  }
0xc: {  	[smem:$0x3FB3] =	sst s4  }
0xd: {  	[smem:$0x3FB4] =	sst s5  }
0xe: {  	[smem:$0x3FB5] =	sst s6  }
0xf: {  	[smem:$0x3FB6] =	sst s7  }
0x10: {  	[smem:$0x3FB7] =	sst s8  }
0x11: {  	[smem:$0x3FB8] =	sst s9;
	s0 =	simm.s32 @!p0 $0x0  }
0x12: {  	s1 =	sld [smem:$0x3F9E];
	s0 =	simm.s32 @p0 $0x1  }
0x13: {  	[smem:$0x3FB9] =	sst s0;
	s0 =	simm.s32 @!p1 $0x0  }
0x14: {  	s2 =	sld [smem:$0x3F9D];
	s0 =	simm.s32 @p1 $0x1  }
0x15: {  	[smem:$0x3FBA] =	sst s0;
	s0 =	simm.s32 @!p2 $0x0  }
0x16: {  	s3 =	sld [smem:$0x3FDB];
	s0 =	simm.s32 @p2 $0x1  }
0x17: {  	s4 =	simm.s32 $0x1BF5;
	[smem:$0x3FBC] =	sst s0  }
0x18: {  	s0 =	sld [smem:$0x3F9F];
	_ =	swait.ge [sflag:s4], $0x0  }
0x19: {  	s7 =	sld [smem:$0x3FA0]  }
0x1a: {  	s8 =	sadd.s32 $0xFFFFE003, lr  }
0x1b: {  	s9 =	sadd.s32 $0xFFFFFEF7, lr;
	s5 =	simm.s32 $0xFFFFFFFF;
	p2 =	slt.u32 s8, $0xFFFFF086  }
0x1c: {  	p1 =	slt.u32 s9, $0xF7A;
	s5 =	simm.s32 @!p2 $0x0  }
0x1d: {  	s5 =	simm.s32 @p1 $0x1;
	p0 =	seq.s32 s7, s2  }
0x1e: {  	s7 =	smul.u32 @!p0 $0xF7A, s2;
	p2 =	seq.s32 @!p0 s5, $0x0  }
0x1f: {  	s9 =	smul.u32 $0xF7A, s1;
	s8 =	simm.s32 @!p0 $0x1BF5;
	p2 =	por !p2, p0  }
0x20: {  	[sflag:s8] =	ssyncset.s32 @!p0 $0xFFFFF086;
	s6 =	sadd.s32 @!p0 s3, s7;
	s7 =	simm.s32 @!p0 $0x108  }
0x21: {  	s3 =	sadd.s32 s3, s9;
	s6 =	sadd.s32 @!p0 $0x88, s6;
	s7 =	simm.s32 @p2 $0x1082  }
0x22: {  	[simem:s7], [sflag:s8] =	dma.local @!p0 [hbm:s6], $0xF7A  }
0x23: {  	s9 =	sor.u32 $0xD0000000, s2;
	s6 =	simm.s32 $0x108;
	_ =	swait.ge @!p0 [sflag:s8], $0x0  }
0x24: {  	s3 =	sadd.s32 $0x88, s3;
	s6 =	simm.s32 @!p1 $0x1082;
	[sflag:s4] =	ssyncset.s32 $0xFFFFF086  }
0x25: {  	[simem:s6], [sflag:s4] =	dma.local [hbm:s3], $0xF7A  }
0x26: {  	[smem:$0x3FA0] =	sst s1;
	(tag) =	ssettag s2;
	_ =	strace s9  }
0x27: {  	s1 =	sld [smem:$0x3FB0]  }
0x28: {  	s2 =	sld [smem:$0x3FB1]  }
0x29: {  	s4 =	sld [smem:$0x3FB3]  }
0x2a: {  	p0 =	seq.s32 s5, $0x0;
	s5 =	sld [smem:$0x3FB4]  }
0x2b: {  	s6 =	sld [smem:$0x3FB5]  }
0x2c: {  	s7 =	sld [smem:$0x3FB6]  }
0x2d: {  	s3 =	simm.s32 $0x108;
	s8 =	sld [smem:$0x3FB7]  }
0x2e: {  	s3 =	simm.s32 @!p0 $0x1082;
	s9 =	sld [smem:$0x3FB8]  }
0x2f: {  	lr =	sadd.s32 s0, s3;
	s0 =	sld [smem:$0x3FAF]  }
0x30: {  	s3 =	sld [smem:$0x3FB2]  }
0x31: {  	[smem:$0x3FBB] =	sst s10  }
0x32: {  	s10 =	sld [smem:$0x3FB9];
	_ =	sdelay $0x3  }
0x33: {  	p0 =	seq.s32 s10, $0x1;
	s10 =	sld [smem:$0x3FBB];
	_ =	sdelay $0x3  }
0x34: {  	[smem:$0x3FBB] =	sst s10  }
0x35: {  	s10 =	sld [smem:$0x3FBA];
	_ =	sdelay $0x3  }
0x36: {  	p1 =	seq.s32 s10, $0x1;
	s10 =	sld [smem:$0x3FBB];
	_ =	sdelay $0x3  }
0x37: {  	[smem:$0x3FBB] =	sst s10  }
0x38: {  	s10 =	sld [smem:$0x3FBC]  }
0x39: {  	_ = 	snop;
	(pc) =	sbr.ind lr, $3  }
0x3a: {  	_ = 	snop  }
0x3b: {  	_ = 	snop  }
0x3c: {  	p2 =	seq.s32 s10, $0x1;
	s10 =	sld [smem:$0x3FBB]  }
0x3d: {  	_ =	shalt  }
0x3e: {  	_ =	shalt  }
0x3f: {  	_ =	shalt  }
0x40: {  	_ =	shalt  }
0x41: {  	_ =	shalt  }
0x42: {  	_ =	shalt  }
0x43: {  	_ =	shalt  }
0x44: {  	_ =	shalt  }
0x45: {  	_ =	shalt  }
0x46: {  	_ =	shalt  }
0x47: {  	_ =	shalt  }
0x48: {  	_ =	shalt  }
0x49: {  	_ =	shalt  }
0x4a: {  	_ =	shalt  }
0x4b: {  	_ =	shalt  }
0x4c: {  	_ =	shalt  }
0x4d: {  	_ =	shalt  }
0x4e: {  	_ =	shalt  }
0x4f: {  	_ =	shalt  }
0x50: {  	_ =	shalt  }
0x51: {  	_ =	shalt  }
0x52: {  	_ =	shalt  }
0x53: {  	_ =	shalt  }
0x54: {  	_ =	shalt  }
0x55: {  	_ =	shalt  }
0x56: {  	_ =	shalt  }
0x57: {  	_ =	shalt  }
0x58: {  	_ =	shalt  }
0x59: {  	_ =	shalt  }
0x5a: {  	_ =	shalt  }
0x5b: {  	_ =	shalt  }
0x5c: {  	_ =	shalt  }
0x5d: {  	_ =	shalt  }
0x5e: {  	_ =	shalt  }
0x5f: {  	_ =	shalt  }
0x60: {  	_ =	shalt  }
0x61: {  	_ =	shalt  }
0x62: {  	_ =	shalt  }
0x63: {  	_ =	shalt  }
0x64: {  	_ =	shalt  }
0x65: {  	_ =	shalt  }
0x66: {  	_ =	shalt  }
0x67: {  	_ =	shalt  }
0x68: {  	_ =	shalt  }
0x69: {  	_ =	shalt  }
0x6a: {  	_ =	shalt  }
0x6b: {  	_ =	shalt  }
0x6c: {  	_ =	shalt  }
0x6d: {  	_ =	shalt  }
0x6e: {  	_ =	shalt  }
0x6f: {  	_ =	shalt  }
0x70: {  	_ =	shalt  }
0x71: {  	_ =	shalt  }
0x72: {  	_ =	shalt  }
0x73: {  	_ =	shalt  }
0x74: {  	_ =	shalt  }
0x75: {  	_ =	shalt  }
0x76: {  	_ =	shalt  }
0x77: {  	_ =	shalt  }
0x78: {  	_ =	shalt  }
0x79: {  	_ =	shalt  }
0x7a: {  	_ =	shalt  }
0x7b: {  	_ =	shalt  }
0x7c: {  	_ =	shalt  }
0x7d: {  	_ =	shalt  }
0x7e: {  	_ =	shalt  }
0x7f: {  	_ =	shalt  }
0x80: {  	_ =	shalt  }
0x81: {  	_ =	shalt  }
0x82: {  	_ =	shalt  }
0x83: {  	_ =	shalt  }
0x84: {  	_ =	shalt  }
0x85: {  	_ =	shalt  }
0x86: {  	_ =	shalt  }
0x87: {  	_ =	shalt  }
.Lfunc_end0:
.L_simem_size_0:
called_computation_lowered:
.L_overlay_start_0:
0x88: {  	s2 =	sld [smem:$0x3FD9]  }
0x89: {  	s3 =	sld [smem:$0x3FFE];
	_ =	sdelay $0x1  }
0x8a: {  	s1 =	srdreg.scid  }
0x8b: {  	s0 =	sand.u32 $0x1, s1  }
0x8c: {  	s17 =	sshll.u32 s0, $0xA;
	s2 =	sadd.s32 s3, s2  }
0x8d: {  	s2 =	sadd.s32 s2, s17  }
0x8e: {  	[smem:$0x3FC7] =	sst s2  }
0x8f: {  	_ = 	snop  }
0x90: {  	s2 =	sld [smem:$0x3FD0];
	(tm) =	ssettm $0x1  }
0x91: {  	s18 =	sld [smem:$0x3FFB];
	_ =	sdelay $0x3  }
0x92: {  	_ =	strace s18  }
0x93: {  	s3 =	sld [smem:$0x3FFC];
	_ =	sdelay $0x3  }
0x94: {  	_ =	strace s3  }
0x95: {  	s3 =	sld [smem:$0x3FFD];
	_ =	sdelay $0x3  }
0x96: {  	_ =	strace s3  }
0x97: {  	_ =	strace $0x8FFFFFFF  }
0x98: {  	s19 =	sld [smem:$0x3FDB];
	_ =	sdelay $0x1  }
0x99: {  	s4 =	simm.s32 $_scs_section_size  }
0x9a: {  	s5 =	simm.s32 $_size__tile_overlayer_lowered;
	s6 =	simm.s32 $_tile_overlayer_lowered  }
0x9b: {  	s22 =	simm.s32 $0x1BFF;
	s21 =	sshll.u32 s6, $0x1;
	s3 =	sadd.s32 s4, s19  }
0x9c: {  	s7 =	simm.s32 $0x0;
	s20 =	sshll.u32 s5, $0x1;
	s5 =	sadd.s32 s21, s3  }
0x9d: {  	[timem:s7], [sflag:s22] =	dma.local [hbm:s5], s20  }
0x9e: {  	_ =	swait.ge [sflag:s22], s20  }
0x9f: {  	s4 =	ssub.s32 $0x0, s20;
	[sflag:s22] =	ssyncset.done $0x0  }
0xa0: {  	[sflag:s22] =	ssyncadd.s32 s4;
	_ =	sdelay $0x1  }
0xa1: {  	s23 =	simm.s32 $0x1B8B  }
0xa2: {  	_ =	swait.ge [sflag:s23], $0x1  }
0xa3: {  	[sflag:s23] =	ssyncset.done $0x0  }
0xa4: {  	s25 =	simm.s32 $0x1B8E;
	s24 =	sld [smem:$0x3FFE];
	[sflag:s23] =	ssyncadd.s32 $0xFFFFFFFF  }
0xa5: {  	s26 =	simm.s32 $execute0_lowered;
	[smem:$0x3FD2] =	sst s25  }
0xa6: {  	s5 =	sshll.u32 s26, $0x1;
	_ =	strace $0x80000046;
	[dreg:$0x1] =	wrdreg $0xFFFFFFFF  }
0xa7: {  	s28 =	simm.s32 $_size_execute0_lowered;
	s3 =	sadd.s32 s3, s5;
	[dreg:$0x0] =	wrdreg $0x0  }
0xa8: {  	s5 =	sshll.u32 s28, $0x1;
	[dreg:$0x2] =	wrdreg s3  }
0xa9: {  	[dreg:$0x3] =	wrdreg s5  }
0xaa: {  	[dreg:$0x4] =	wrdreg $0xC0  }
0xab: {  	_ =	task [dreg:s7], $0x5FFFF  }
0xac: {  	[dreg:$0x1] =	wrdreg $0xFFFFFFFF  }
0xad: {  	[dreg:$0x0] =	wrdreg $0x60  }
0xae: {  	[dreg:$0x2] =	wrdreg s2  }
0xaf: {  	[dreg:$0x3] =	wrdreg s24  }
0xb0: {  	[dreg:$0x4] =	wrdreg $0x9  }
0xb1: {  	_ =	task.clear_ibuf [dreg:s7], $0x5FFFF;
	_ =	strace $0x90000046  }
0xb2: {  	s29 =	simm.s32 $0x9;
	_ =	strace $0x80000048  }
0xb3: {  	_ =	swait.ge [sflag:s29], $0x1  }
0xb4: {  	[sflag:s29] =	ssyncadd.s32 $0xFFFFFFFF  }
0xb5: {  	_ =	strace $0x90000048  }
0xb6: {  	_ =	sfence  }
0xb7: {  	s30 =	sld [smem:$0x0];
	_ =	sdelay $0x2  }
0xb8: {  	s31 =	sshll.u32 s1, $0xD;
	s1 =	sshrl.u32 s1, $0x2  }
0xb9: {  	s3 =	sand.u32 $0x4000, s31;
	s1 =	sadd.s32 s1, s30  }
0xba: {  	s0 =	sor.u32 s3, s0;
	s1 =	sshll.u32 s1, $0x11  }
0xbb: {  	s0 =	sor.u32 s1, s0  }
0xbc: {  	s0 =	sadd.s32 $0x8F2B, s0  }
0xbd: {  	[sflag:s0] =	ssyncadd.remote.s32 $0x1  }
0xbe: {  	_ =	sfence.sel $0xFFFF  }
0xbf: {  	[dreg:$0x0] =	wrdreg $0xFFFFFFFF;
	(pc) =	sbr.abs _section_cstart, $3  }
0xc0: {  	[dreg:$0x1] =	wrdreg $0xFFFFFFFF  }
0xc1: {  	_ =	task.clear_ibuf [dreg:s7], $0x2FFFF;
	_ =	strace $0x9FFFFFFF  }
0xc2: {  	(tm) =	ssettm $0x7FFFFFFF  }
0xc3: {  	_ =	shalt  }
tec
execute0_lowered:
.L_overlay_start_1:
0x0: {  	(tag) =	ssettag $0x1  }
0x1: {  	s5 =	rddreg [dreg:$0x0]  }
0x2: {  	s4 =	rddreg [dreg:$0x1];
	v0 =	vlaneseq.u32  }
0x3: {  	s0 =	rddreg [dreg:$0x2];
	s1 =	simm.s32 $0x0;
	v1 =	vimm.f32 $0.0e+00;
	v2 =	vor.u32 $0x10, v0  }
0x4: {  	s2 =	srdreg.scid;
	s12 =	simm.s32 $0x14000;
	s13 =	simm.s32 $0x1;
	v3 =	vor.u32 $0x20, v0;
	v4 =	vor.u32 $0x30, v0;
	v5 =	vor.u32 $0x40, v0  }
0x5: {  	s14 =	simm.s32 $0x2;
	s15 =	simm.s32 $0x0;
	[smem:$0x7FF] =	sst s1;
	v6 =	vor.u32 $0x50, v0;
	v7 =	vor.u32 $0x60, v0;
	v8 =	vor.u32 $0x70, v0  }
0x6: {  	s6 =	sand.u32 $0x1, s2;
	s2 =	stileid.u32;
	s3 =	sadd.s32 $0x400, s4;
	v9 =	vor.u32 $0x80, v0;
	v10 =	vor.u32 $0x90, v0;
	v11 =	vor.u32 $0xA0, v0  }
0x7: {  	s10 =	sadd.s32 $0xC00, s4;
	v12 =	vor.u32 $0xB0, v0;
	v13 =	vor.u32 $0xC0, v0;
	v14 =	vor.u32 $0xD0, v0;
	_ =	strace $0x80000047;
	s7 =	ssub.s32 $0x2, s6  }
0x8: {  	v15 =	vor.u32 $0xE0, v0;
	v16 =	vor.u32 $0xF0, v0;
	v17 =	vor.u32 $0x100, v0;
	s9 =	sshll.u32 s2, $0x1;
	s30 =	sshll.u32 s2, $0x13;
	s8 =	sshrl.u32 s7, $0x1  }
0x9: {  	v18 =	vor.u32 $0x110, v0;
	v19 =	vor.u32 $0x120, v0;
	v20 =	vor.u32 $0x130, v0;
	s28 =	sor.u32 s6, s9;
	s6 =	sshll.u32 s6, $0x12;
	s7 =	ssub.s32 s7, s8  }
0xa: {  	v21 =	vor.u32 $0x140, v0;
	v22 =	vor.u32 $0x150, v0;
	v23 =	vor.u32 $0x160, v0;
	s29 =	sshll.u32 s28, $0x12;
	s11 =	sshll.u32 s28, $0xD;
	s31 =	sor.u32 s6, s30  }
0xb: {  	v24 =	vor.u32 $0x170, v0;
	v25 =	vor.u32 $0x180, v0;
	v26 =	vor.u32 $0x190, v0;
	s4 =	sadd.s32 s10, s29;
	s5 =	sadd.s32 s5, s11;
	s9 =	sadd.s32 s31, s10  }
0xc: {  	v27 =	vor.u32 $0x1A0, v0;
	v28 =	vor.u32 $0x1B0, v0;
	v29 =	vor.u32 $0x1C0, v0;
	s7 =	smax.u32 s7, $0x1;
	s10 =	simm.s32 $0x3;
	s11 =	simm.s32 $0x10000  }
0xd: {  	v30 =	vor.u32 $0x1D0, v0;
	v31 =	vor.u32 $0x1E0, v0;
	v32 =	vor.u32 $0x1F0, v0;
	s6 =	sadd.s32 $0x800, s4;
	s8 =	sadd.s32 $0x1800, s9;
	s9 =	sadd.s32 $0x1000, s9  }
.LBB2_1:
0xe: {  	[tilespmem:s1], [sflag:$0x3] =	stream.linear.gather [hbm4b:s5+s1], $0x10000, $0x38;
	[tilespmem:$0x18400] =	vst v63  }
0xf: {  	_ =	swait.ge [sflag:s10], $0x10000  }
0x10: {  	[sflag:s10] =	ssyncset.done $0x0  }
0x11: {  	[sflag:s10] =	ssyncadd.s32 $0xFFFF0000  }
0x12: {  	[tilespmem:s11], [sflag:$0x3] =	stream.linear.gather [hbm4b:s3+s1], $0x4000, $0x38;
	[tilespmem:$0x18400] =	vst v63  }
0x13: {  	_ =	swait.ge [sflag:s10], $0x4000  }
0x14: {  	[sflag:s10] =	ssyncset.done $0x0  }
0x15: {  	[sflag:s10] =	ssyncadd.s32 $0xFFFFC000  }
0x16: {  	[tilespmem:s12], [sflag:$0x3] =	stream.linear.gather [hbm4b:s3+s1], $0x4000, $0x38;
	[tilespmem:$0x18400] =	vst v63  }
0x17: {  	_ =	swait.ge [sflag:s10], $0x4000  }
0x18: {  	[sflag:s10] =	ssyncset.done $0x0  }
0x19: {  	[sflag:s10] =	ssyncadd.s32 $0xFFFFC000  }
0x1a: {  	v33 =	vld [tilespmem:$0x0];
	_ =	sdelay $0x4  }
0x1b: {  	v34 =	vsub.f32 $1.000000000e+00, v33;
	_ =	sdelay $0x1  }
0x1c: {  	v34 =	vmul.f32 $2.900000000e+01, v34;
	_ =	sdelay $0x1  }
0x1d: {  	v34 =	vadd.f32 $2.000000000e+00, v34;
	_ =	sdelay $0x1  }
0x1e: {  	v34 =	vtrunc.f32 v34  }
0x1f: {  	v34 =	vcvt.f32.s32 v34;
	_ =	sdelay $0x1  }
0x20: {  	v34 =	vshll.u32 v34, $0x9  }
0x21: {  	v34 =	vor.u32 v0, v34;
	_ =	sdelay $0x2  }
0x22: {  	vm0 =	vgt.f32 v33, $0.0e+00  }
0x23: {  	v33 =	vsel vm0, $0x3F800000, v1;
	[tilespmem:$0x18000] =	vst v34  }
0x24: {  	[tilespmem:v34+s11+$0x0] =	vst.idx.msk $0xffff, v33  }
0x25: {  	v33 =	vld [tilespmem:$0x10];
	_ =	sdelay $0x4  }
0x26: {  	v57 =	vsub.f32 $1.000000000e+00, v33;
	_ =	sdelay $0x1  }
0x27: {  	v34 =	vmul.f32 $2.900000000e+01, v57;
	_ =	sdelay $0x1  }
0x28: {  	v34 =	vadd.f32 $2.000000000e+00, v34;
	_ =	sdelay $0x1  }
0x29: {  	v34 =	vtrunc.f32 v34  }
0x2a: {  	v34 =	vcvt.f32.s32 v34;
	_ =	sdelay $0x1  }
0x2b: {  	v34 =	vshll.u32 v34, $0x9  }
0x2c: {  	v34 =	vor.u32 v2, v34;
	_ =	sdelay $0x2  }
0x2d: {  	vm13 =	vgt.f32 v33, $0.0e+00  }
0x2e: {  	v33 =	vsel vm13, $0x3F800000, v1;
	[tilespmem:$0x18010] =	vst v34  }
0x2f: {  	[tilespmem:v34+s11+$0x0] =	vst.idx.msk $0xffff, v33  }
0x30: {  	v33 =	vld [tilespmem:$0x20];
	_ =	sdelay $0x4  }
0x31: {  	v58 =	vsub.f32 $1.000000000e+00, v33;
	_ =	sdelay $0x1  }
0x32: {  	v34 =	vmul.f32 $2.900000000e+01, v58;
	_ =	sdelay $0x1  }
0x33: {  	v34 =	vadd.f32 $2.000000000e+00, v34;
	_ =	sdelay $0x1  }
0x34: {  	v34 =	vtrunc.f32 v34  }
0x35: {  	v34 =	vcvt.f32.s32 v34;
	_ =	sdelay $0x1  }
0x36: {  	v34 =	vshll.u32 v34, $0x9  }
0x37: {  	v34 =	vor.u32 v3, v34;
	_ =	sdelay $0x2  }
0x38: {  	vm14 =	vgt.f32 v33, $0.0e+00  }
0x39: {  	v33 =	vsel vm14, $0x3F800000, v1;
	[tilespmem:$0x18020] =	vst v34  }
0x3a: {  	[tilespmem:v34+s11+$0x0] =	vst.idx.msk $0xffff, v33  }
0x3b: {  	v33 =	vld [tilespmem:$0x30];
	_ =	sdelay $0x4  }
0x3c: {  	v59 =	vsub.f32 $1.000000000e+00, v33;
	_ =	sdelay $0x1  }
0x3d: {  	v34 =	vmul.f32 $2.900000000e+01, v59;
	_ =	sdelay $0x1  }
0x3e: {  	v34 =	vadd.f32 $2.000000000e+00, v34;
	_ =	sdelay $0x1  }
0x3f: {  	v34 =	vtrunc.f32 v34  }
0x40: {  	v34 =	vcvt.f32.s32 v34;
	_ =	sdelay $0x1  }
0x41: {  	v34 =	vshll.u32 v34, $0x9  }
0x42: {  	v34 =	vor.u32 v4, v34;
	_ =	sdelay $0x2  }
0x43: {  	vm15 =	vgt.f32 v33, $0.0e+00  }
0x44: {  	v33 =	vsel vm15, $0x3F800000, v1;
	[tilespmem:$0x18030] =	vst v34  }
0x45: {  	[tilespmem:v34+s11+$0x0] =	vst.idx.msk $0xffff, v33  }
0x46: {  	v33 =	vld [tilespmem:$0x40];
	_ =	sdelay $0x4  }
0x47: {  	v60 =	vsub.f32 $1.000000000e+00, v33;
	_ =	sdelay $0x1  }
0x48: {  	v34 =	vmul.f32 $2.900000000e+01, v60;
	_ =	sdelay $0x1  }
0x49: {  	v34 =	vadd.f32 $2.000000000e+00, v34;
	_ =	sdelay $0x1  }
0x4a: {  	v34 =	vtrunc.f32 v34  }
0x4b: {  	v34 =	vcvt.f32.s32 v34;
	_ =	sdelay $0x1  }
0x4c: {  	v34 =	vshll.u32 v34, $0x9  }
0x4d: {  	v34 =	vor.u32 v5, v34;
	_ =	sdelay $0x2  }
0x4e: {  	vm4 =	vgt.f32 v33, $0.0e+00  }
0x4f: {  	v33 =	vsel vm4, $0x3F800000, v1;
	[tilespmem:$0x18040] =	vst v34  }
0x50: {  	[tilespmem:v34+s11+$0x0] =	vst.idx.msk $0xffff, v33  }
0x51: {  	v33 =	vld [tilespmem:$0x50];
	_ =	sdelay $0x4  }
0x52: {  	v61 =	vsub.f32 $1.000000000e+00, v33;
	_ =	sdelay $0x1  }
0x53: {  	v34 =	vmul.f32 $2.900000000e+01, v61;
	_ =	sdelay $0x1  }
0x54: {  	v34 =	vadd.f32 $2.000000000e+00, v34;
	_ =	sdelay $0x1  }
0x55: {  	v34 =	vtrunc.f32 v34  }
0x56: {  	v34 =	vcvt.f32.s32 v34;
	_ =	sdelay $0x1  }
0x57: {  	v34 =	vshll.u32 v34, $0x9  }
0x58: {  	v34 =	vor.u32 v6, v34;
	_ =	sdelay $0x2  }
0x59: {  	vm5 =	vgt.f32 v33, $0.0e+00  }
0x5a: {  	v33 =	vsel vm5, $0x3F800000, v1;
	[tilespmem:$0x18050] =	vst v34  }
0x5b: {  	[tilespmem:v34+s11+$0x0] =	vst.idx.msk $0xffff, v33  }
0x5c: {  	v33 =	vld [tilespmem:$0x60];
	_ =	sdelay $0x4  }
0x5d: {  	v62 =	vsub.f32 $1.000000000e+00, v33;
	_ =	sdelay $0x1  }
0x5e: {  	v34 =	vmul.f32 $2.900000000e+01, v62;
	_ =	sdelay $0x1  }
0x5f: {  	v34 =	vadd.f32 $2.000000000e+00, v34;
	_ =	sdelay $0x1  }
0x60: {  	v34 =	vtrunc.f32 v34  }
0x61: {  	v34 =	vcvt.f32.s32 v34;
	_ =	sdelay $0x1  }
0x62: {  	v34 =	vshll.u32 v34, $0x9  }
0x63: {  	v34 =	vor.u32 v7, v34;
	_ =	sdelay $0x2  }
0x64: {  	vm6 =	vgt.f32 v33, $0.0e+00  }
0x65: {  	v33 =	vsel vm6, $0x3F800000, v1;
	[tilespmem:$0x18060] =	vst v34  }
0x66: {  	[tilespmem:v34+s11+$0x0] =	vst.idx.msk $0xffff, v33  }
0x67: {  	v33 =	vld [tilespmem:$0x70];
	_ =	sdelay $0x4  }
0x68: {  	v63 =	vsub.f32 $1.000000000e+00, v33;
	_ =	sdelay $0x1  }
0x69: {  	v34 =	vmul.f32 $2.900000000e+01, v63;
	_ =	sdelay $0x1  }
0x6a: {  	v34 =	vadd.f32 $2.000000000e+00, v34;
	_ =	sdelay $0x1  }
0x6b: {  	v34 =	vtrunc.f32 v34  }
0x6c: {  	v34 =	vcvt.f32.s32 v34;
	_ =	sdelay $0x1  }
0x6d: {  	v34 =	vshll.u32 v34, $0x9  }
0x6e: {  	v34 =	vor.u32 v8, v34;
	_ =	sdelay $0x2  }
0x6f: {  	vm7 =	vgt.f32 v33, $0.0e+00  }
0x70: {  	v33 =	vsel vm7, $0x3F800000, v1;
	[tilespmem:$0x18070] =	vst v34  }
0x71: {  	[tilespmem:v34+s11+$0x0] =	vst.idx.msk $0xffff, v33  }
0x72: {  	v33 =	vld [tilespmem:$0x80];
	_ =	sdelay $0x4  }
0x73: {  	v36 =	vsub.f32 $1.000000000e+00, v33;
	_ =	sdelay $0x1  }
0x74: {  	v34 =	vmul.f32 $2.900000000e+01, v36;
	_ =	sdelay $0x1  }
0x75: {  	v34 =	vadd.f32 $2.000000000e+00, v34;
	_ =	sdelay $0x1  }
0x76: {  	v34 =	vtrunc.f32 v34  }
0x77: {  	v34 =	vcvt.f32.s32 v34;
	_ =	sdelay $0x1  }
0x78: {  	v34 =	vshll.u32 v34, $0x9  }
0x79: {  	v34 =	vor.u32 v9, v34;
	_ =	sdelay $0x2  }
0x7a: {  	vm8 =	vgt.f32 v33, $0.0e+00  }
0x7b: {  	v33 =	vsel vm8, $0x3F800000, v1;
	[tilespmem:$0x18080] =	vst v34  }
0x7c: {  	[tilespmem:v34+s11+$0x0] =	vst.idx.msk $0xffff, v33  }
0x7d: {  	v33 =	vld [tilespmem:$0x90];
	_ =	sdelay $0x4  }
0x7e: {  	v37 =	vsub.f32 $1.000000000e+00, v33;
	_ =	sdelay $0x1  }
0x7f: {  	v34 =	vmul.f32 $2.900000000e+01, v37;
	_ =	sdelay $0x1  }
0x80: {  	v34 =	vadd.f32 $2.000000000e+00, v34;
	_ =	sdelay $0x1  }
0x81: {  	v34 =	vtrunc.f32 v34  }
0x82: {  	v34 =	vcvt.f32.s32 v34;
	_ =	sdelay $0x1  }
0x83: {  	v34 =	vshll.u32 v34, $0x9  }
0x84: {  	v34 =	vor.u32 v10, v34;
	_ =	sdelay $0x2  }
0x85: {  	vm9 =	vgt.f32 v33, $0.0e+00  }
0x86: {  	v33 =	vsel vm9, $0x3F800000, v1;
	[tilespmem:$0x18090] =	vst v34  }
0x87: {  	[tilespmem:v34+s11+$0x0] =	vst.idx.msk $0xffff, v33  }
0x88: {  	v33 =	vld [tilespmem:$0xA0];
	_ =	sdelay $0x4  }
0x89: {  	v38 =	vsub.f32 $1.000000000e+00, v33;
	_ =	sdelay $0x1  }
0x8a: {  	v34 =	vmul.f32 $2.900000000e+01, v38;
	_ =	sdelay $0x1  }
0x8b: {  	v34 =	vadd.f32 $2.000000000e+00, v34;
	_ =	sdelay $0x1  }
0x8c: {  	v34 =	vtrunc.f32 v34  }
0x8d: {  	v34 =	vcvt.f32.s32 v34;
	_ =	sdelay $0x1  }
0x8e: {  	v34 =	vshll.u32 v34, $0x9  }
0x8f: {  	v34 =	vor.u32 v11, v34;
	_ =	sdelay $0x2  }
0x90: {  	vm10 =	vgt.f32 v33, $0.0e+00  }
0x91: {  	v33 =	vsel vm10, $0x3F800000, v1;
	[tilespmem:$0x180A0] =	vst v34  }
0x92: {  	[tilespmem:v34+s11+$0x0] =	vst.idx.msk $0xffff, v33  }
0x93: {  	v33 =	vld [tilespmem:$0xB0];
	_ =	sdelay $0x4  }
0x94: {  	v39 =	vsub.f32 $1.000000000e+00, v33;
	_ =	sdelay $0x1  }
0x95: {  	v34 =	vmul.f32 $2.900000000e+01, v39;
	_ =	sdelay $0x1  }
0x96: {  	v34 =	vadd.f32 $2.000000000e+00, v34;
	_ =	sdelay $0x1  }
0x97: {  	v34 =	vtrunc.f32 v34  }
0x98: {  	v34 =	vcvt.f32.s32 v34;
	_ =	sdelay $0x1  }
0x99: {  	v34 =	vshll.u32 v34, $0x9  }
0x9a: {  	v34 =	vor.u32 v12, v34;
	_ =	sdelay $0x2  }
0x9b: {  	vm11 =	vgt.f32 v33, $0.0e+00  }
0x9c: {  	v33 =	vsel vm11, $0x3F800000, v1;
	[tilespmem:$0x180B0] =	vst v34  }
0x9d: {  	[tilespmem:v34+s11+$0x0] =	vst.idx.msk $0xffff, v33  }
0x9e: {  	v33 =	vld [tilespmem:$0xC0];
	_ =	sdelay $0x4  }
0x9f: {  	v40 =	vsub.f32 $1.000000000e+00, v33;
	_ =	sdelay $0x1  }
0xa0: {  	v34 =	vmul.f32 $2.900000000e+01, v40;
	_ =	sdelay $0x1  }
0xa1: {  	v34 =	vadd.f32 $2.000000000e+00, v34;
	_ =	sdelay $0x1  }
0xa2: {  	v34 =	vtrunc.f32 v34  }
0xa3: {  	v34 =	vcvt.f32.s32 v34;
	_ =	sdelay $0x1  }
0xa4: {  	v34 =	vshll.u32 v34, $0x9  }
0xa5: {  	v34 =	vor.u32 v13, v34;
	_ =	sdelay $0x2  }
0xa6: {  	vm12 =	vgt.f32 v33, $0.0e+00  }
0xa7: {  	v33 =	vsel vm12, $0x3F800000, v1;
	[tilespmem:$0x180C0] =	vst v34  }
0xa8: {  	[tilespmem:v34+s11+$0x0] =	vst.idx.msk $0xffff, v33  }
0xa9: {  	v33 =	vld [tilespmem:$0xD0];
	_ =	sdelay $0x4  }
0xaa: {  	v41 =	vsub.f32 $1.000000000e+00, v33;
	_ =	sdelay $0x1  }
0xab: {  	v34 =	vmul.f32 $2.900000000e+01, v41;
	_ =	sdelay $0x1  }
0xac: {  	v34 =	vadd.f32 $2.000000000e+00, v34;
	_ =	sdelay $0x1  }
0xad: {  	v34 =	vtrunc.f32 v34  }
0xae: {  	v34 =	vcvt.f32.s32 v34;
	_ =	sdelay $0x1  }
0xaf: {  	v34 =	vshll.u32 v34, $0x9  }
0xb0: {  	v34 =	vor.u32 v14, v34;
	_ =	sdelay $0x2  }
0xb1: {  	vm13 =	vgt.f32 v33, $0.0e+00  }
0xb2: {  	v33 =	vsel vm13, $0x3F800000, v1;
	[tilespmem:$0x180D0] =	vst v34  }
0xb3: {  	[tilespmem:v34+s11+$0x0] =	vst.idx.msk $0xffff, v33  }
0xb4: {  	v33 =	vld [tilespmem:$0xE0];
	_ =	sdelay $0x4  }
0xb5: {  	v42 =	vsub.f32 $1.000000000e+00, v33;
	_ =	sdelay $0x1  }
0xb6: {  	v34 =	vmul.f32 $2.900000000e+01, v42;
	_ =	sdelay $0x1  }
0xb7: {  	v34 =	vadd.f32 $2.000000000e+00, v34;
	_ =	sdelay $0x1  }
0xb8: {  	v34 =	vtrunc.f32 v34  }
0xb9: {  	v34 =	vcvt.f32.s32 v34;
	_ =	sdelay $0x1  }
0xba: {  	v34 =	vshll.u32 v34, $0x9  }
0xbb: {  	v34 =	vor.u32 v15, v34;
	_ =	sdelay $0x2  }
0xbc: {  	vm14 =	vgt.f32 v33, $0.0e+00  }
0xbd: {  	v33 =	vsel vm14, $0x3F800000, v1;
	[tilespmem:$0x180E0] =	vst v34  }
0xbe: {  	[tilespmem:v34+s11+$0x0] =	vst.idx.msk $0xffff, v33  }
0xbf: {  	v33 =	vld [tilespmem:$0xF0];
	_ =	sdelay $0x4  }
0xc0: {  	v43 =	vsub.f32 $1.000000000e+00, v33;
	_ =	sdelay $0x1  }
0xc1: {  	v34 =	vmul.f32 $2.900000000e+01, v43;
	_ =	sdelay $0x1  }
0xc2: {  	v34 =	vadd.f32 $2.000000000e+00, v34;
	_ =	sdelay $0x1  }
0xc3: {  	v34 =	vtrunc.f32 v34  }
0xc4: {  	v34 =	vcvt.f32.s32 v34;
	_ =	sdelay $0x1  }
0xc5: {  	v34 =	vshll.u32 v34, $0x9  }
0xc6: {  	v34 =	vor.u32 v16, v34;
	_ =	sdelay $0x2  }
0xc7: {  	vm15 =	vgt.f32 v33, $0.0e+00  }
0xc8: {  	v33 =	vsel vm15, $0x3F800000, v1;
	[tilespmem:$0x180F0] =	vst v34  }
0xc9: {  	[tilespmem:v34+s11+$0x0] =	vst.idx.msk $0xffff, v33  }
0xca: {  	v33 =	vld [tilespmem:$0x100];
	_ =	sdelay $0x4  }
0xcb: {  	v44 =	vsub.f32 $1.000000000e+00, v33;
	_ =	sdelay $0x1  }
0xcc: {  	v34 =	vmul.f32 $2.900000000e+01, v44;
	_ =	sdelay $0x1  }
0xcd: {  	v34 =	vadd.f32 $2.000000000e+00, v34;
	_ =	sdelay $0x1  }
0xce: {  	v34 =	vtrunc.f32 v34  }
0xcf: {  	v34 =	vcvt.f32.s32 v34;
	_ =	sdelay $0x1  }
0xd0: {  	v34 =	vshll.u32 v34, $0x9  }
0xd1: {  	v34 =	vor.u32 v17, v34;
	_ =	sdelay $0x2  }
0xd2: {  	vm4 =	vgt.f32 v33, $0.0e+00  }
0xd3: {  	v33 =	vsel vm4, $0x3F800000, v1;
	[tilespmem:$0x18100] =	vst v34  }
0xd4: {  	[tilespmem:v34+s11+$0x0] =	vst.idx.msk $0xffff, v33  }
0xd5: {  	v33 =	vld [tilespmem:$0x110];
	_ =	sdelay $0x4  }
0xd6: {  	v45 =	vsub.f32 $1.000000000e+00, v33;
	_ =	sdelay $0x1  }
0xd7: {  	v34 =	vmul.f32 $2.900000000e+01, v45;
	_ =	sdelay $0x1  }
0xd8: {  	v34 =	vadd.f32 $2.000000000e+00, v34;
	_ =	sdelay $0x1  }
0xd9: {  	v34 =	vtrunc.f32 v34  }
0xda: {  	v34 =	vcvt.f32.s32 v34;
	_ =	sdelay $0x1  }
0xdb: {  	v34 =	vshll.u32 v34, $0x9  }
0xdc: {  	v34 =	vor.u32 v18, v34;
	_ =	sdelay $0x2  }
0xdd: {  	vm5 =	vgt.f32 v33, $0.0e+00  }
0xde: {  	v33 =	vsel vm5, $0x3F800000, v1;
	[tilespmem:$0x18110] =	vst v34  }
0xdf: {  	[tilespmem:v34+s11+$0x0] =	vst.idx.msk $0xffff, v33  }
0xe0: {  	v33 =	vld [tilespmem:$0x120];
	_ =	sdelay $0x4  }
0xe1: {  	v46 =	vsub.f32 $1.000000000e+00, v33;
	_ =	sdelay $0x1  }
0xe2: {  	v34 =	vmul.f32 $2.900000000e+01, v46;
	_ =	sdelay $0x1  }
0xe3: {  	v34 =	vadd.f32 $2.000000000e+00, v34;
	_ =	sdelay $0x1  }
0xe4: {  	v34 =	vtrunc.f32 v34  }
0xe5: {  	v34 =	vcvt.f32.s32 v34;
	_ =	sdelay $0x1  }
0xe6: {  	v34 =	vshll.u32 v34, $0x9  }
0xe7: {  	v34 =	vor.u32 v19, v34;
	_ =	sdelay $0x2  }
0xe8: {  	vm6 =	vgt.f32 v33, $0.0e+00  }
0xe9: {  	v33 =	vsel vm6, $0x3F800000, v1;
	[tilespmem:$0x18120] =	vst v34  }
0xea: {  	[tilespmem:v34+s11+$0x0] =	vst.idx.msk $0xffff, v33  }
0xeb: {  	v33 =	vld [tilespmem:$0x130];
	_ =	sdelay $0x4  }
0xec: {  	v47 =	vsub.f32 $1.000000000e+00, v33;
	_ =	sdelay $0x1  }
0xed: {  	v34 =	vmul.f32 $2.900000000e+01, v47;
	_ =	sdelay $0x1  }
0xee: {  	v34 =	vadd.f32 $2.000000000e+00, v34;
	_ =	sdelay $0x1  }
0xef: {  	v34 =	vtrunc.f32 v34  }
0xf0: {  	v34 =	vcvt.f32.s32 v34;
	_ =	sdelay $0x1  }
0xf1: {  	v34 =	vshll.u32 v34, $0x9  }
0xf2: {  	v34 =	vor.u32 v20, v34;
	_ =	sdelay $0x2  }
0xf3: {  	vm7 =	vgt.f32 v33, $0.0e+00  }
0xf4: {  	v33 =	vsel vm7, $0x3F800000, v1;
	[tilespmem:$0x18130] =	vst v34  }
0xf5: {  	[tilespmem:v34+s11+$0x0] =	vst.idx.msk $0xffff, v33  }
0xf6: {  	v33 =	vld [tilespmem:$0x140];
	_ =	sdelay $0x4  }
0xf7: {  	v48 =	vsub.f32 $1.000000000e+00, v33;
	_ =	sdelay $0x1  }
0xf8: {  	v34 =	vmul.f32 $2.900000000e+01, v48;
	_ =	sdelay $0x1  }
0xf9: {  	v34 =	vadd.f32 $2.000000000e+00, v34;
	_ =	sdelay $0x1  }
0xfa: {  	v34 =	vtrunc.f32 v34  }
0xfb: {  	v34 =	vcvt.f32.s32 v34;
	_ =	sdelay $0x1  }
0xfc: {  	v34 =	vshll.u32 v34, $0x9  }
0xfd: {  	v34 =	vor.u32 v21, v34;
	_ =	sdelay $0x2  }
0xfe: {  	vm8 =	vgt.f32 v33, $0.0e+00  }
0xff: {  	v33 =	vsel vm8, $0x3F800000, v1;
	[tilespmem:$0x18140] =	vst v34  }
0x100: {  	[tilespmem:v34+s11+$0x0] =	vst.idx.msk $0xffff, v33  }
0x101: {  	v33 =	vld [tilespmem:$0x150];
	_ =	sdelay $0x4  }
0x102: {  	v49 =	vsub.f32 $1.000000000e+00, v33;
	_ =	sdelay $0x1  }
0x103: {  	v34 =	vmul.f32 $2.900000000e+01, v49;
	_ =	sdelay $0x1  }
0x104: {  	v34 =	vadd.f32 $2.000000000e+00, v34;
	_ =	sdelay $0x1  }
0x105: {  	v34 =	vtrunc.f32 v34  }
0x106: {  	v34 =	vcvt.f32.s32 v34;
	_ =	sdelay $0x1  }
0x107: {  	v34 =	vshll.u32 v34, $0x9  }
0x108: {  	v34 =	vor.u32 v22, v34;
	_ =	sdelay $0x2  }
0x109: {  	vm9 =	vgt.f32 v33, $0.0e+00  }
0x10a: {  	v33 =	vsel vm9, $0x3F800000, v1;
	[tilespmem:$0x18150] =	vst v34  }
0x10b: {  	[tilespmem:v34+s11+$0x0] =	vst.idx.msk $0xffff, v33  }
0x10c: {  	v33 =	vld [tilespmem:$0x160];
	_ =	sdelay $0x4  }
0x10d: {  	v50 =	vsub.f32 $1.000000000e+00, v33;
	_ =	sdelay $0x1  }
0x10e: {  	v34 =	vmul.f32 $2.900000000e+01, v50;
	_ =	sdelay $0x1  }
0x10f: {  	v34 =	vadd.f32 $2.000000000e+00, v34;
	_ =	sdelay $0x1  }
0x110: {  	v34 =	vtrunc.f32 v34  }
0x111: {  	v34 =	vcvt.f32.s32 v34;
	_ =	sdelay $0x1  }
0x112: {  	v34 =	vshll.u32 v34, $0x9  }
0x113: {  	v34 =	vor.u32 v23, v34;
	_ =	sdelay $0x2  }
0x114: {  	vm10 =	vgt.f32 v33, $0.0e+00  }
0x115: {  	v33 =	vsel vm10, $0x3F800000, v1;
	[tilespmem:$0x18160] =	vst v34  }
0x116: {  	[tilespmem:v34+s11+$0x0] =	vst.idx.msk $0xffff, v33  }
0x117: {  	v33 =	vld [tilespmem:$0x170];
	_ =	sdelay $0x4  }
0x118: {  	v51 =	vsub.f32 $1.000000000e+00, v33;
	_ =	sdelay $0x1  }
0x119: {  	v34 =	vmul.f32 $2.900000000e+01, v51;
	_ =	sdelay $0x1  }
0x11a: {  	v34 =	vadd.f32 $2.000000000e+00, v34;
	_ =	sdelay $0x1  }
0x11b: {  	v34 =	vtrunc.f32 v34  }
0x11c: {  	v34 =	vcvt.f32.s32 v34;
	_ =	sdelay $0x1  }
0x11d: {  	v34 =	vshll.u32 v34, $0x9  }
0x11e: {  	v34 =	vor.u32 v24, v34;
	_ =	sdelay $0x2  }
0x11f: {  	vm11 =	vgt.f32 v33, $0.0e+00  }
0x120: {  	v33 =	vsel vm11, $0x3F800000, v1;
	[tilespmem:$0x18170] =	vst v34  }
0x121: {  	[tilespmem:v34+s11+$0x0] =	vst.idx.msk $0xffff, v33  }
0x122: {  	v33 =	vld [tilespmem:$0x180];
	_ =	sdelay $0x4  }
0x123: {  	v52 =	vsub.f32 $1.000000000e+00, v33;
	_ =	sdelay $0x1  }
0x124: {  	v34 =	vmul.f32 $2.900000000e+01, v52;
	_ =	sdelay $0x1  }
0x125: {  	v34 =	vadd.f32 $2.000000000e+00, v34;
	_ =	sdelay $0x1  }
0x126: {  	v34 =	vtrunc.f32 v34  }
0x127: {  	v34 =	vcvt.f32.s32 v34;
	_ =	sdelay $0x1  }
0x128: {  	v34 =	vshll.u32 v34, $0x9  }
0x129: {  	v34 =	vor.u32 v25, v34;
	_ =	sdelay $0x2  }
0x12a: {  	vm12 =	vgt.f32 v33, $0.0e+00  }
0x12b: {  	v33 =	vsel vm12, $0x3F800000, v1;
	[tilespmem:$0x18180] =	vst v34  }
0x12c: {  	[tilespmem:v34+s11+$0x0] =	vst.idx.msk $0xffff, v33  }
0x12d: {  	v33 =	vld [tilespmem:$0x190];
	_ =	sdelay $0x4  }
0x12e: {  	v53 =	vsub.f32 $1.000000000e+00, v33;
	_ =	sdelay $0x1  }
0x12f: {  	v34 =	vmul.f32 $2.900000000e+01, v53;
	_ =	sdelay $0x1  }
0x130: {  	v34 =	vadd.f32 $2.000000000e+00, v34;
	_ =	sdelay $0x1  }
0x131: {  	v34 =	vtrunc.f32 v34  }
0x132: {  	v34 =	vcvt.f32.s32 v34;
	_ =	sdelay $0x1  }
0x133: {  	v34 =	vshll.u32 v34, $0x9  }
0x134: {  	v34 =	vor.u32 v26, v34;
	_ =	sdelay $0x2  }
0x135: {  	vm13 =	vgt.f32 v33, $0.0e+00  }
0x136: {  	v33 =	vsel vm13, $0x3F800000, v1;
	[tilespmem:$0x18190] =	vst v34  }
0x137: {  	[tilespmem:v34+s11+$0x0] =	vst.idx.msk $0xffff, v33  }
0x138: {  	v33 =	vld [tilespmem:$0x1A0];
	_ =	sdelay $0x4  }
0x139: {  	v54 =	vsub.f32 $1.000000000e+00, v33;
	_ =	sdelay $0x1  }
0x13a: {  	v34 =	vmul.f32 $2.900000000e+01, v54;
	_ =	sdelay $0x1  }
0x13b: {  	v34 =	vadd.f32 $2.000000000e+00, v34;
	_ =	sdelay $0x1  }
0x13c: {  	v34 =	vtrunc.f32 v34  }
0x13d: {  	v34 =	vcvt.f32.s32 v34;
	_ =	sdelay $0x1  }
0x13e: {  	v34 =	vshll.u32 v34, $0x9  }
0x13f: {  	v34 =	vor.u32 v27, v34;
	_ =	sdelay $0x2  }
0x140: {  	vm14 =	vgt.f32 v33, $0.0e+00  }
0x141: {  	v33 =	vsel vm14, $0x3F800000, v1;
	[tilespmem:$0x181A0] =	vst v34  }
0x142: {  	[tilespmem:v34+s11+$0x0] =	vst.idx.msk $0xffff, v33  }
0x143: {  	v33 =	vld [tilespmem:$0x1B0];
	_ =	sdelay $0x4  }
0x144: {  	v55 =	vsub.f32 $1.000000000e+00, v33;
	_ =	sdelay $0x1  }
0x145: {  	v34 =	vmul.f32 $2.900000000e+01, v55;
	_ =	sdelay $0x1  }
0x146: {  	v34 =	vadd.f32 $2.000000000e+00, v34;
	_ =	sdelay $0x1  }
0x147: {  	v34 =	vtrunc.f32 v34  }
0x148: {  	v34 =	vcvt.f32.s32 v34;
	_ =	sdelay $0x1  }
0x149: {  	v34 =	vshll.u32 v34, $0x9  }
0x14a: {  	v34 =	vor.u32 v28, v34;
	_ =	sdelay $0x2  }
0x14b: {  	vm15 =	vgt.f32 v33, $0.0e+00  }
0x14c: {  	v33 =	vsel vm15, $0x3F800000, v1;
	[tilespmem:$0x181B0] =	vst v34  }
0x14d: {  	[tilespmem:v34+s11+$0x0] =	vst.idx.msk $0xffff, v33  }
0x14e: {  	v33 =	vld [tilespmem:$0x1C0];
	_ =	sdelay $0x4  }
0x14f: {  	v56 =	vsub.f32 $1.000000000e+00, v33;
	_ =	sdelay $0x1  }
0x150: {  	v34 =	vmul.f32 $2.900000000e+01, v56;
	_ =	sdelay $0x1  }
0x151: {  	v34 =	vadd.f32 $2.000000000e+00, v34;
	_ =	sdelay $0x1  }
0x152: {  	v34 =	vtrunc.f32 v34  }
0x153: {  	v34 =	vcvt.f32.s32 v34;
	_ =	sdelay $0x1  }
0x154: {  	v34 =	vshll.u32 v34, $0x9  }
0x155: {  	v34 =	vor.u32 v29, v34;
	_ =	sdelay $0x2  }
0x156: {  	vm4 =	vgt.f32 v33, $0.0e+00  }
0x157: {  	v33 =	vsel vm4, $0x3F800000, v1;
	[tilespmem:$0x181C0] =	vst v34  }
0x158: {  	[tilespmem:v34+s11+$0x0] =	vst.idx.msk $0xffff, v33  }
0x159: {  	v33 =	vld [tilespmem:$0x1D0];
	_ =	sdelay $0x4  }
0x15a: {  	v57 =	vsub.f32 $1.000000000e+00, v33;
	_ =	sdelay $0x1  }
0x15b: {  	v34 =	vmul.f32 $2.900000000e+01, v57;
	_ =	sdelay $0x1  }
0x15c: {  	v34 =	vadd.f32 $2.000000000e+00, v34;
	_ =	sdelay $0x1  }
0x15d: {  	v34 =	vtrunc.f32 v34  }
0x15e: {  	v34 =	vcvt.f32.s32 v34;
	_ =	sdelay $0x1  }
0x15f: {  	v34 =	vshll.u32 v34, $0x9  }
0x160: {  	v34 =	vor.u32 v30, v34;
	_ =	sdelay $0x2  }
0x161: {  	vm5 =	vgt.f32 v33, $0.0e+00  }
0x162: {  	v33 =	vsel vm5, $0x3F800000, v1;
	[tilespmem:$0x181D0] =	vst v34  }
0x163: {  	[tilespmem:v34+s11+$0x0] =	vst.idx.msk $0xffff, v33  }
0x164: {  	v33 =	vld [tilespmem:$0x1E0];
	_ =	sdelay $0x4  }
0x165: {  	v58 =	vsub.f32 $1.000000000e+00, v33;
	_ =	sdelay $0x1  }
0x166: {  	v34 =	vmul.f32 $2.900000000e+01, v58;
	_ =	sdelay $0x1  }
0x167: {  	v34 =	vadd.f32 $2.000000000e+00, v34;
	_ =	sdelay $0x1  }
0x168: {  	v34 =	vtrunc.f32 v34  }
0x169: {  	v34 =	vcvt.f32.s32 v34;
	_ =	sdelay $0x1  }
0x16a: {  	v34 =	vshll.u32 v34, $0x9  }
0x16b: {  	v34 =	vor.u32 v31, v34;
	_ =	sdelay $0x2  }
0x16c: {  	vm6 =	vgt.f32 v33, $0.0e+00  }
0x16d: {  	v33 =	vsel vm6, $0x3F800000, v1;
	[tilespmem:$0x181E0] =	vst v34  }
0x16e: {  	[tilespmem:v34+s11+$0x0] =	vst.idx.msk $0xffff, v33  }
0x16f: {  	v33 =	vld [tilespmem:$0x1F0];
	_ =	sdelay $0x4  }
0x170: {  	v59 =	vsub.f32 $1.000000000e+00, v33;
	_ =	sdelay $0x1  }
0x171: {  	v34 =	vmul.f32 $2.900000000e+01, v59;
	_ =	sdelay $0x1  }
0x172: {  	v34 =	vadd.f32 $2.000000000e+00, v34;
	_ =	sdelay $0x1  }
0x173: {  	v34 =	vtrunc.f32 v34  }
0x174: {  	v34 =	vcvt.f32.s32 v34;
	_ =	sdelay $0x1  }
0x175: {  	v34 =	vshll.u32 v34, $0x9  }
0x176: {  	v34 =	vor.u32 v32, v34;
	_ =	sdelay $0x2  }
0x177: {  	vm7 =	vgt.f32 v33, $0.0e+00  }
0x178: {  	v33 =	vsel vm7, $0x3F800000, v1;
	[tilespmem:$0x181F0] =	vst v34  }
0x179: {  	[tilespmem:v34+s11+$0x0] =	vst.idx.msk $0xffff, v33  }
0x17a: {  	[hbm4b:s4+s1] =	stream.linear.scatter [tilespmem:s11], [sflag:$0x1], $0x4000, $0x38;
	[tilespmem:$0x18400] =	vst v63  }
0x17b: {  	v33 =	vld [tilespmem:$0x200];
	_ =	sdelay $0x4  }
0x17c: {  	v60 =	vsub.f32 $1.000000000e+00, v33;
	_ =	sdelay $0x1  }
0x17d: {  	v34 =	vmul.f32 $2.900000000e+01, v60;
	_ =	sdelay $0x1  }
0x17e: {  	v34 =	vadd.f32 $2.000000000e+00, v34;
	_ =	sdelay $0x1  }
0x17f: {  	v34 =	vtrunc.f32 v34  }
0x180: {  	v34 =	vcvt.f32.s32 v34;
	_ =	sdelay $0x1  }
0x181: {  	v34 =	vshll.u32 v34, $0x9  }
0x182: {  	v34 =	vor.u32 v0, v34;
	_ =	sdelay $0x2  }
0x183: {  	vm8 =	vgt.f32 v33, $0.0e+00  }
0x184: {  	v33 =	vsel vm8, $0x3F800000, v1;
	[tilespmem:$0x18200] =	vst v34  }
0x185: {  	[tilespmem:v34+s12+$0x0] =	vst.idx.msk $0xffff, v33  }
0x186: {  	v33 =	vld [tilespmem:$0x210];
	_ =	sdelay $0x4  }
0x187: {  	v61 =	vsub.f32 $1.000000000e+00, v33;
	_ =	sdelay $0x1  }
0x188: {  	v34 =	vmul.f32 $2.900000000e+01, v61;
	_ =	sdelay $0x1  }
0x189: {  	v34 =	vadd.f32 $2.000000000e+00, v34;
	_ =	sdelay $0x1  }
0x18a: {  	v34 =	vtrunc.f32 v34  }
0x18b: {  	v34 =	vcvt.f32.s32 v34;
	_ =	sdelay $0x1  }
0x18c: {  	v34 =	vshll.u32 v34, $0x9  }
0x18d: {  	v34 =	vor.u32 v2, v34;
	_ =	sdelay $0x2  }
0x18e: {  	vm9 =	vgt.f32 v33, $0.0e+00  }
0x18f: {  	v33 =	vsel vm9, $0x3F800000, v1;
	[tilespmem:$0x18210] =	vst v34  }
0x190: {  	[tilespmem:v34+s12+$0x0] =	vst.idx.msk $0xffff, v33  }
0x191: {  	v33 =	vld [tilespmem:$0x220];
	_ =	sdelay $0x4  }
0x192: {  	v62 =	vsub.f32 $1.000000000e+00, v33;
	_ =	sdelay $0x1  }
0x193: {  	v34 =	vmul.f32 $2.900000000e+01, v62;
	_ =	sdelay $0x1  }
0x194: {  	v34 =	vadd.f32 $2.000000000e+00, v34;
	_ =	sdelay $0x1  }
0x195: {  	v34 =	vtrunc.f32 v34  }
0x196: {  	v34 =	vcvt.f32.s32 v34;
	_ =	sdelay $0x1  }
0x197: {  	v34 =	vshll.u32 v34, $0x9  }
0x198: {  	v34 =	vor.u32 v3, v34;
	_ =	sdelay $0x2  }
0x199: {  	vm10 =	vgt.f32 v33, $0.0e+00  }
0x19a: {  	v33 =	vsel vm10, $0x3F800000, v1;
	[tilespmem:$0x18220] =	vst v34  }
0x19b: {  	[tilespmem:v34+s12+$0x0] =	vst.idx.msk $0xffff, v33  }
0x19c: {  	v33 =	vld [tilespmem:$0x230];
	_ =	sdelay $0x4  }
0x19d: {  	v63 =	vsub.f32 $1.000000000e+00, v33;
	_ =	sdelay $0x1  }
0x19e: {  	v34 =	vmul.f32 $2.900000000e+01, v63;
	_ =	sdelay $0x1  }
0x19f: {  	v34 =	vadd.f32 $2.000000000e+00, v34;
	_ =	sdelay $0x1  }
0x1a0: {  	v34 =	vtrunc.f32 v34  }
0x1a1: {  	v34 =	vcvt.f32.s32 v34;
	_ =	sdelay $0x1  }
0x1a2: {  	v34 =	vshll.u32 v34, $0x9  }
0x1a3: {  	v34 =	vor.u32 v4, v34;
	_ =	sdelay $0x2  }
0x1a4: {  	vm11 =	vgt.f32 v33, $0.0e+00  }
0x1a5: {  	v33 =	vsel vm11, $0x3F800000, v1;
	[tilespmem:$0x18230] =	vst v34  }
0x1a6: {  	[tilespmem:v34+s12+$0x0] =	vst.idx.msk $0xffff, v33  }
0x1a7: {  	v33 =	vld [tilespmem:$0x240];
	_ =	sdelay $0x4  }
0x1a8: {  	v36 =	vsub.f32 $1.000000000e+00, v33;
	_ =	sdelay $0x1  }
0x1a9: {  	v34 =	vmul.f32 $2.900000000e+01, v36;
	_ =	sdelay $0x1  }
0x1aa: {  	v34 =	vadd.f32 $2.000000000e+00, v34;
	_ =	sdelay $0x1  }
0x1ab: {  	v34 =	vtrunc.f32 v34  }
0x1ac: {  	v34 =	vcvt.f32.s32 v34;
	_ =	sdelay $0x1  }
0x1ad: {  	v34 =	vshll.u32 v34, $0x9  }
0x1ae: {  	v34 =	vor.u32 v5, v34;
	_ =	sdelay $0x2  }
0x1af: {  	vm12 =	vgt.f32 v33, $0.0e+00  }
0x1b0: {  	v33 =	vsel vm12, $0x3F800000, v1;
	[tilespmem:$0x18240] =	vst v34  }
0x1b1: {  	[tilespmem:v34+s12+$0x0] =	vst.idx.msk $0xffff, v33  }
0x1b2: {  	v33 =	vld [tilespmem:$0x250];
	_ =	sdelay $0x4  }
0x1b3: {  	v37 =	vsub.f32 $1.000000000e+00, v33;
	_ =	sdelay $0x1  }
0x1b4: {  	v34 =	vmul.f32 $2.900000000e+01, v37;
	_ =	sdelay $0x1  }
0x1b5: {  	v34 =	vadd.f32 $2.000000000e+00, v34;
	_ =	sdelay $0x1  }
0x1b6: {  	v34 =	vtrunc.f32 v34  }
0x1b7: {  	v34 =	vcvt.f32.s32 v34;
	_ =	sdelay $0x1  }
0x1b8: {  	v34 =	vshll.u32 v34, $0x9  }
0x1b9: {  	v34 =	vor.u32 v6, v34;
	_ =	sdelay $0x2  }
0x1ba: {  	vm13 =	vgt.f32 v33, $0.0e+00  }
0x1bb: {  	v33 =	vsel vm13, $0x3F800000, v1;
	[tilespmem:$0x18250] =	vst v34  }
0x1bc: {  	[tilespmem:v34+s12+$0x0] =	vst.idx.msk $0xffff, v33  }
0x1bd: {  	v33 =	vld [tilespmem:$0x260];
	_ =	sdelay $0x4  }
0x1be: {  	v38 =	vsub.f32 $1.000000000e+00, v33;
	_ =	sdelay $0x1  }
0x1bf: {  	v34 =	vmul.f32 $2.900000000e+01, v38;
	_ =	sdelay $0x1  }
0x1c0: {  	v34 =	vadd.f32 $2.000000000e+00, v34;
	_ =	sdelay $0x1  }
0x1c1: {  	v34 =	vtrunc.f32 v34  }
0x1c2: {  	v34 =	vcvt.f32.s32 v34;
	_ =	sdelay $0x1  }
0x1c3: {  	v34 =	vshll.u32 v34, $0x9  }
0x1c4: {  	v34 =	vor.u32 v7, v34;
	_ =	sdelay $0x2  }
0x1c5: {  	vm14 =	vgt.f32 v33, $0.0e+00  }
0x1c6: {  	v33 =	vsel vm14, $0x3F800000, v1;
	[tilespmem:$0x18260] =	vst v34  }
0x1c7: {  	[tilespmem:v34+s12+$0x0] =	vst.idx.msk $0xffff, v33  }
0x1c8: {  	v33 =	vld [tilespmem:$0x270];
	_ =	sdelay $0x4  }
0x1c9: {  	v39 =	vsub.f32 $1.000000000e+00, v33;
	_ =	sdelay $0x1  }
0x1ca: {  	v34 =	vmul.f32 $2.900000000e+01, v39;
	_ =	sdelay $0x1  }
0x1cb: {  	v34 =	vadd.f32 $2.000000000e+00, v34;
	_ =	sdelay $0x1  }
0x1cc: {  	v34 =	vtrunc.f32 v34  }
0x1cd: {  	v34 =	vcvt.f32.s32 v34;
	_ =	sdelay $0x1  }
0x1ce: {  	v34 =	vshll.u32 v34, $0x9  }
0x1cf: {  	v34 =	vor.u32 v8, v34;
	_ =	sdelay $0x2  }
0x1d0: {  	vm15 =	vgt.f32 v33, $0.0e+00  }
0x1d1: {  	v33 =	vsel vm15, $0x3F800000, v1;
	[tilespmem:$0x18270] =	vst v34  }
0x1d2: {  	[tilespmem:v34+s12+$0x0] =	vst.idx.msk $0xffff, v33  }
0x1d3: {  	v33 =	vld [tilespmem:$0x280];
	_ =	sdelay $0x4  }
0x1d4: {  	v40 =	vsub.f32 $1.000000000e+00, v33;
	_ =	sdelay $0x1  }
0x1d5: {  	v34 =	vmul.f32 $2.900000000e+01, v40;
	_ =	sdelay $0x1  }
0x1d6: {  	v34 =	vadd.f32 $2.000000000e+00, v34;
	_ =	sdelay $0x1  }
0x1d7: {  	v34 =	vtrunc.f32 v34  }
0x1d8: {  	v34 =	vcvt.f32.s32 v34;
	_ =	sdelay $0x1  }
0x1d9: {  	v34 =	vshll.u32 v34, $0x9  }
0x1da: {  	v34 =	vor.u32 v9, v34;
	_ =	sdelay $0x2  }
0x1db: {  	vm4 =	vgt.f32 v33, $0.0e+00  }
0x1dc: {  	v33 =	vsel vm4, $0x3F800000, v1;
	[tilespmem:$0x18280] =	vst v34  }
0x1dd: {  	[tilespmem:v34+s12+$0x0] =	vst.idx.msk $0xffff, v33  }
0x1de: {  	v33 =	vld [tilespmem:$0x290];
	_ =	sdelay $0x4  }
0x1df: {  	v41 =	vsub.f32 $1.000000000e+00, v33;
	_ =	sdelay $0x1  }
0x1e0: {  	v34 =	vmul.f32 $2.900000000e+01, v41;
	_ =	sdelay $0x1  }
0x1e1: {  	v34 =	vadd.f32 $2.000000000e+00, v34;
	_ =	sdelay $0x1  }
0x1e2: {  	v34 =	vtrunc.f32 v34  }
0x1e3: {  	v34 =	vcvt.f32.s32 v34;
	_ =	sdelay $0x1  }
0x1e4: {  	v34 =	vshll.u32 v34, $0x9  }
0x1e5: {  	v34 =	vor.u32 v10, v34;
	_ =	sdelay $0x2  }
0x1e6: {  	vm5 =	vgt.f32 v33, $0.0e+00  }
0x1e7: {  	v33 =	vsel vm5, $0x3F800000, v1;
	[tilespmem:$0x18290] =	vst v34  }
0x1e8: {  	[tilespmem:v34+s12+$0x0] =	vst.idx.msk $0xffff, v33  }
0x1e9: {  	v33 =	vld [tilespmem:$0x2A0];
	_ =	sdelay $0x4  }
0x1ea: {  	v42 =	vsub.f32 $1.000000000e+00, v33;
	_ =	sdelay $0x1  }
0x1eb: {  	v34 =	vmul.f32 $2.900000000e+01, v42;
	_ =	sdelay $0x1  }
0x1ec: {  	v34 =	vadd.f32 $2.000000000e+00, v34;
	_ =	sdelay $0x1  }
0x1ed: {  	v34 =	vtrunc.f32 v34  }
0x1ee: {  	v34 =	vcvt.f32.s32 v34;
	_ =	sdelay $0x1  }
0x1ef: {  	v34 =	vshll.u32 v34, $0x9  }
0x1f0: {  	v34 =	vor.u32 v11, v34;
	_ =	sdelay $0x2  }
0x1f1: {  	vm6 =	vgt.f32 v33, $0.0e+00  }
0x1f2: {  	v33 =	vsel vm6, $0x3F800000, v1;
	[tilespmem:$0x182A0] =	vst v34  }
0x1f3: {  	[tilespmem:v34+s12+$0x0] =	vst.idx.msk $0xffff, v33  }
0x1f4: {  	v33 =	vld [tilespmem:$0x2B0];
	_ =	sdelay $0x4  }
0x1f5: {  	v43 =	vsub.f32 $1.000000000e+00, v33;
	_ =	sdelay $0x1  }
0x1f6: {  	v34 =	vmul.f32 $2.900000000e+01, v43;
	_ =	sdelay $0x1  }
0x1f7: {  	v34 =	vadd.f32 $2.000000000e+00, v34;
	_ =	sdelay $0x1  }
0x1f8: {  	v34 =	vtrunc.f32 v34  }
0x1f9: {  	v34 =	vcvt.f32.s32 v34;
	_ =	sdelay $0x1  }
0x1fa: {  	v34 =	vshll.u32 v34, $0x9  }
0x1fb: {  	v34 =	vor.u32 v12, v34;
	_ =	sdelay $0x2  }
0x1fc: {  	vm7 =	vgt.f32 v33, $0.0e+00  }
0x1fd: {  	v33 =	vsel vm7, $0x3F800000, v1;
	[tilespmem:$0x182B0] =	vst v34  }
0x1fe: {  	[tilespmem:v34+s12+$0x0] =	vst.idx.msk $0xffff, v33  }
0x1ff: {  	v33 =	vld [tilespmem:$0x2C0];
	_ =	sdelay $0x4  }
0x200: {  	v44 =	vsub.f32 $1.000000000e+00, v33;
	_ =	sdelay $0x1  }
0x201: {  	v34 =	vmul.f32 $2.900000000e+01, v44;
	_ =	sdelay $0x1  }
0x202: {  	v34 =	vadd.f32 $2.000000000e+00, v34;
	_ =	sdelay $0x1  }
0x203: {  	v34 =	vtrunc.f32 v34  }
0x204: {  	v34 =	vcvt.f32.s32 v34;
	_ =	sdelay $0x1  }
0x205: {  	v34 =	vshll.u32 v34, $0x9  }
0x206: {  	v34 =	vor.u32 v13, v34;
	_ =	sdelay $0x2  }
0x207: {  	vm8 =	vgt.f32 v33, $0.0e+00  }
0x208: {  	v33 =	vsel vm8, $0x3F800000, v1;
	[tilespmem:$0x182C0] =	vst v34  }
0x209: {  	[tilespmem:v34+s12+$0x0] =	vst.idx.msk $0xffff, v33  }
0x20a: {  	v33 =	vld [tilespmem:$0x2D0];
	_ =	sdelay $0x4  }
0x20b: {  	v45 =	vsub.f32 $1.000000000e+00, v33;
	_ =	sdelay $0x1  }
0x20c: {  	v34 =	vmul.f32 $2.900000000e+01, v45;
	_ =	sdelay $0x1  }
0x20d: {  	v34 =	vadd.f32 $2.000000000e+00, v34;
	_ =	sdelay $0x1  }
0x20e: {  	v34 =	vtrunc.f32 v34  }
0x20f: {  	v34 =	vcvt.f32.s32 v34;
	_ =	sdelay $0x1  }
0x210: {  	v34 =	vshll.u32 v34, $0x9  }
0x211: {  	v34 =	vor.u32 v14, v34;
	_ =	sdelay $0x2  }
0x212: {  	vm9 =	vgt.f32 v33, $0.0e+00  }
0x213: {  	v33 =	vsel vm9, $0x3F800000, v1;
	[tilespmem:$0x182D0] =	vst v34  }
0x214: {  	[tilespmem:v34+s12+$0x0] =	vst.idx.msk $0xffff, v33  }
0x215: {  	v33 =	vld [tilespmem:$0x2E0];
	_ =	sdelay $0x4  }
0x216: {  	v46 =	vsub.f32 $1.000000000e+00, v33;
	_ =	sdelay $0x1  }
0x217: {  	v34 =	vmul.f32 $2.900000000e+01, v46;
	_ =	sdelay $0x1  }
0x218: {  	v34 =	vadd.f32 $2.000000000e+00, v34;
	_ =	sdelay $0x1  }
0x219: {  	v34 =	vtrunc.f32 v34  }
0x21a: {  	v34 =	vcvt.f32.s32 v34;
	_ =	sdelay $0x1  }
0x21b: {  	v34 =	vshll.u32 v34, $0x9  }
0x21c: {  	v34 =	vor.u32 v15, v34;
	_ =	sdelay $0x2  }
0x21d: {  	vm10 =	vgt.f32 v33, $0.0e+00  }
0x21e: {  	v33 =	vsel vm10, $0x3F800000, v1;
	[tilespmem:$0x182E0] =	vst v34  }
0x21f: {  	[tilespmem:v34+s12+$0x0] =	vst.idx.msk $0xffff, v33  }
0x220: {  	v33 =	vld [tilespmem:$0x2F0];
	_ =	sdelay $0x4  }
0x221: {  	v47 =	vsub.f32 $1.000000000e+00, v33;
	_ =	sdelay $0x1  }
0x222: {  	v34 =	vmul.f32 $2.900000000e+01, v47;
	_ =	sdelay $0x1  }
0x223: {  	v34 =	vadd.f32 $2.000000000e+00, v34;
	_ =	sdelay $0x1  }
0x224: {  	v34 =	vtrunc.f32 v34  }
0x225: {  	v34 =	vcvt.f32.s32 v34;
	_ =	sdelay $0x1  }
0x226: {  	v34 =	vshll.u32 v34, $0x9  }
0x227: {  	v34 =	vor.u32 v16, v34;
	_ =	sdelay $0x2  }
0x228: {  	vm11 =	vgt.f32 v33, $0.0e+00  }
0x229: {  	v33 =	vsel vm11, $0x3F800000, v1;
	[tilespmem:$0x182F0] =	vst v34  }
0x22a: {  	[tilespmem:v34+s12+$0x0] =	vst.idx.msk $0xffff, v33  }
0x22b: {  	v33 =	vld [tilespmem:$0x300];
	_ =	sdelay $0x4  }
0x22c: {  	v48 =	vsub.f32 $1.000000000e+00, v33;
	_ =	sdelay $0x1  }
0x22d: {  	v34 =	vmul.f32 $2.900000000e+01, v48;
	_ =	sdelay $0x1  }
0x22e: {  	v34 =	vadd.f32 $2.000000000e+00, v34;
	_ =	sdelay $0x1  }
0x22f: {  	v34 =	vtrunc.f32 v34  }
0x230: {  	v34 =	vcvt.f32.s32 v34;
	_ =	sdelay $0x1  }
0x231: {  	v34 =	vshll.u32 v34, $0x9  }
0x232: {  	v34 =	vor.u32 v17, v34;
	_ =	sdelay $0x2  }
0x233: {  	vm12 =	vgt.f32 v33, $0.0e+00  }
0x234: {  	v33 =	vsel vm12, $0x3F800000, v1;
	[tilespmem:$0x18300] =	vst v34  }
0x235: {  	[tilespmem:v34+s12+$0x0] =	vst.idx.msk $0xffff, v33  }
0x236: {  	v33 =	vld [tilespmem:$0x310];
	_ =	sdelay $0x4  }
0x237: {  	v49 =	vsub.f32 $1.000000000e+00, v33;
	_ =	sdelay $0x1  }
0x238: {  	v34 =	vmul.f32 $2.900000000e+01, v49;
	_ =	sdelay $0x1  }
0x239: {  	v34 =	vadd.f32 $2.000000000e+00, v34;
	_ =	sdelay $0x1  }
0x23a: {  	v34 =	vtrunc.f32 v34  }
0x23b: {  	v34 =	vcvt.f32.s32 v34;
	_ =	sdelay $0x1  }
0x23c: {  	v34 =	vshll.u32 v34, $0x9  }
0x23d: {  	v34 =	vor.u32 v18, v34;
	_ =	sdelay $0x2  }
0x23e: {  	vm13 =	vgt.f32 v33, $0.0e+00  }
0x23f: {  	v33 =	vsel vm13, $0x3F800000, v1;
	[tilespmem:$0x18310] =	vst v34  }
0x240: {  	[tilespmem:v34+s12+$0x0] =	vst.idx.msk $0xffff, v33  }
0x241: {  	v33 =	vld [tilespmem:$0x320];
	_ =	sdelay $0x4  }
0x242: {  	v50 =	vsub.f32 $1.000000000e+00, v33;
	_ =	sdelay $0x1  }
0x243: {  	v34 =	vmul.f32 $2.900000000e+01, v50;
	_ =	sdelay $0x1  }
0x244: {  	v34 =	vadd.f32 $2.000000000e+00, v34;
	_ =	sdelay $0x1  }
0x245: {  	v34 =	vtrunc.f32 v34  }
0x246: {  	v34 =	vcvt.f32.s32 v34;
	_ =	sdelay $0x1  }
0x247: {  	v34 =	vshll.u32 v34, $0x9  }
0x248: {  	v34 =	vor.u32 v19, v34;
	_ =	sdelay $0x2  }
0x249: {  	vm14 =	vgt.f32 v33, $0.0e+00  }
0x24a: {  	v33 =	vsel vm14, $0x3F800000, v1;
	[tilespmem:$0x18320] =	vst v34  }
0x24b: {  	[tilespmem:v34+s12+$0x0] =	vst.idx.msk $0xffff, v33  }
0x24c: {  	v33 =	vld [tilespmem:$0x330];
	_ =	sdelay $0x4  }
0x24d: {  	v51 =	vsub.f32 $1.000000000e+00, v33;
	_ =	sdelay $0x1  }
0x24e: {  	v34 =	vmul.f32 $2.900000000e+01, v51;
	_ =	sdelay $0x1  }
0x24f: {  	v34 =	vadd.f32 $2.000000000e+00, v34;
	_ =	sdelay $0x1  }
0x250: {  	v34 =	vtrunc.f32 v34  }
0x251: {  	v34 =	vcvt.f32.s32 v34;
	_ =	sdelay $0x1  }
0x252: {  	v34 =	vshll.u32 v34, $0x9  }
0x253: {  	v34 =	vor.u32 v20, v34;
	_ =	sdelay $0x2  }
0x254: {  	vm15 =	vgt.f32 v33, $0.0e+00  }
0x255: {  	v33 =	vsel vm15, $0x3F800000, v1;
	[tilespmem:$0x18330] =	vst v34  }
0x256: {  	[tilespmem:v34+s12+$0x0] =	vst.idx.msk $0xffff, v33  }
0x257: {  	v33 =	vld [tilespmem:$0x340];
	_ =	sdelay $0x4  }
0x258: {  	v52 =	vsub.f32 $1.000000000e+00, v33;
	_ =	sdelay $0x1  }
0x259: {  	v34 =	vmul.f32 $2.900000000e+01, v52;
	_ =	sdelay $0x1  }
0x25a: {  	v34 =	vadd.f32 $2.000000000e+00, v34;
	_ =	sdelay $0x1  }
0x25b: {  	v34 =	vtrunc.f32 v34  }
0x25c: {  	v34 =	vcvt.f32.s32 v34;
	_ =	sdelay $0x1  }
0x25d: {  	v34 =	vshll.u32 v34, $0x9  }
0x25e: {  	v34 =	vor.u32 v21, v34;
	_ =	sdelay $0x2  }
0x25f: {  	vm4 =	vgt.f32 v33, $0.0e+00  }
0x260: {  	v33 =	vsel vm4, $0x3F800000, v1;
	[tilespmem:$0x18340] =	vst v34  }
0x261: {  	[tilespmem:v34+s12+$0x0] =	vst.idx.msk $0xffff, v33  }
0x262: {  	v33 =	vld [tilespmem:$0x350];
	_ =	sdelay $0x4  }
0x263: {  	v53 =	vsub.f32 $1.000000000e+00, v33;
	_ =	sdelay $0x1  }
0x264: {  	v34 =	vmul.f32 $2.900000000e+01, v53;
	_ =	sdelay $0x1  }
0x265: {  	v34 =	vadd.f32 $2.000000000e+00, v34;
	_ =	sdelay $0x1  }
0x266: {  	v34 =	vtrunc.f32 v34  }
0x267: {  	v34 =	vcvt.f32.s32 v34;
	_ =	sdelay $0x1  }
0x268: {  	v34 =	vshll.u32 v34, $0x9  }
0x269: {  	v34 =	vor.u32 v22, v34;
	_ =	sdelay $0x2  }
0x26a: {  	vm5 =	vgt.f32 v33, $0.0e+00  }
0x26b: {  	v33 =	vsel vm5, $0x3F800000, v1;
	[tilespmem:$0x18350] =	vst v34  }
0x26c: {  	[tilespmem:v34+s12+$0x0] =	vst.idx.msk $0xffff, v33  }
0x26d: {  	v33 =	vld [tilespmem:$0x360];
	_ =	sdelay $0x4  }
0x26e: {  	v54 =	vsub.f32 $1.000000000e+00, v33;
	_ =	sdelay $0x1  }
0x26f: {  	v34 =	vmul.f32 $2.900000000e+01, v54;
	_ =	sdelay $0x1  }
0x270: {  	v34 =	vadd.f32 $2.000000000e+00, v34;
	_ =	sdelay $0x1  }
0x271: {  	v34 =	vtrunc.f32 v34  }
0x272: {  	v34 =	vcvt.f32.s32 v34;
	_ =	sdelay $0x1  }
0x273: {  	v34 =	vshll.u32 v34, $0x9  }
0x274: {  	v34 =	vor.u32 v23, v34;
	_ =	sdelay $0x2  }
0x275: {  	vm6 =	vgt.f32 v33, $0.0e+00  }
0x276: {  	v33 =	vsel vm6, $0x3F800000, v1;
	[tilespmem:$0x18360] =	vst v34  }
0x277: {  	[tilespmem:v34+s12+$0x0] =	vst.idx.msk $0xffff, v33  }
0x278: {  	v33 =	vld [tilespmem:$0x370];
	_ =	sdelay $0x4  }
0x279: {  	v55 =	vsub.f32 $1.000000000e+00, v33;
	_ =	sdelay $0x1  }
0x27a: {  	v34 =	vmul.f32 $2.900000000e+01, v55;
	_ =	sdelay $0x1  }
0x27b: {  	v34 =	vadd.f32 $2.000000000e+00, v34;
	_ =	sdelay $0x1  }
0x27c: {  	v34 =	vtrunc.f32 v34  }
0x27d: {  	v34 =	vcvt.f32.s32 v34;
	_ =	sdelay $0x1  }
0x27e: {  	v34 =	vshll.u32 v34, $0x9  }
0x27f: {  	v34 =	vor.u32 v24, v34;
	_ =	sdelay $0x2  }
0x280: {  	vm7 =	vgt.f32 v33, $0.0e+00  }
0x281: {  	v33 =	vsel vm7, $0x3F800000, v1;
	[tilespmem:$0x18370] =	vst v34  }
0x282: {  	[tilespmem:v34+s12+$0x0] =	vst.idx.msk $0xffff, v33  }
0x283: {  	v33 =	vld [tilespmem:$0x380];
	_ =	sdelay $0x4  }
0x284: {  	v56 =	vsub.f32 $1.000000000e+00, v33;
	_ =	sdelay $0x1  }
0x285: {  	v34 =	vmul.f32 $2.900000000e+01, v56;
	_ =	sdelay $0x1  }
0x286: {  	v34 =	vadd.f32 $2.000000000e+00, v34;
	_ =	sdelay $0x1  }
0x287: {  	v34 =	vtrunc.f32 v34  }
0x288: {  	v34 =	vcvt.f32.s32 v34;
	_ =	sdelay $0x1  }
0x289: {  	v34 =	vshll.u32 v34, $0x9  }
0x28a: {  	v34 =	vor.u32 v25, v34;
	_ =	sdelay $0x2  }
0x28b: {  	vm8 =	vgt.f32 v33, $0.0e+00  }
0x28c: {  	v33 =	vsel vm8, $0x3F800000, v1;
	[tilespmem:$0x18380] =	vst v34  }
0x28d: {  	[tilespmem:v34+s12+$0x0] =	vst.idx.msk $0xffff, v33  }
0x28e: {  	v33 =	vld [tilespmem:$0x390];
	_ =	sdelay $0x4  }
0x28f: {  	v57 =	vsub.f32 $1.000000000e+00, v33;
	_ =	sdelay $0x1  }
0x290: {  	v34 =	vmul.f32 $2.900000000e+01, v57;
	_ =	sdelay $0x1  }
0x291: {  	v34 =	vadd.f32 $2.000000000e+00, v34;
	_ =	sdelay $0x1  }
0x292: {  	v34 =	vtrunc.f32 v34  }
0x293: {  	v34 =	vcvt.f32.s32 v34;
	_ =	sdelay $0x1  }
0x294: {  	v34 =	vshll.u32 v34, $0x9  }
0x295: {  	v34 =	vor.u32 v26, v34;
	_ =	sdelay $0x2  }
0x296: {  	vm9 =	vgt.f32 v33, $0.0e+00  }
0x297: {  	v33 =	vsel vm9, $0x3F800000, v1;
	[tilespmem:$0x18390] =	vst v34  }
0x298: {  	[tilespmem:v34+s12+$0x0] =	vst.idx.msk $0xffff, v33  }
0x299: {  	v33 =	vld [tilespmem:$0x3A0];
	_ =	sdelay $0x4  }
0x29a: {  	v58 =	vsub.f32 $1.000000000e+00, v33;
	_ =	sdelay $0x1  }
0x29b: {  	v34 =	vmul.f32 $2.900000000e+01, v58;
	_ =	sdelay $0x1  }
0x29c: {  	v34 =	vadd.f32 $2.000000000e+00, v34;
	_ =	sdelay $0x1  }
0x29d: {  	v34 =	vtrunc.f32 v34  }
0x29e: {  	v34 =	vcvt.f32.s32 v34;
	_ =	sdelay $0x1  }
0x29f: {  	v34 =	vshll.u32 v34, $0x9  }
0x2a0: {  	v34 =	vor.u32 v27, v34;
	_ =	sdelay $0x2  }
0x2a1: {  	vm10 =	vgt.f32 v33, $0.0e+00  }
0x2a2: {  	v33 =	vsel vm10, $0x3F800000, v1;
	[tilespmem:$0x183A0] =	vst v34  }
0x2a3: {  	[tilespmem:v34+s12+$0x0] =	vst.idx.msk $0xffff, v33  }
0x2a4: {  	v33 =	vld [tilespmem:$0x3B0];
	_ =	sdelay $0x4  }
0x2a5: {  	v59 =	vsub.f32 $1.000000000e+00, v33;
	_ =	sdelay $0x1  }
0x2a6: {  	v34 =	vmul.f32 $2.900000000e+01, v59;
	_ =	sdelay $0x1  }
0x2a7: {  	v34 =	vadd.f32 $2.000000000e+00, v34;
	_ =	sdelay $0x1  }
0x2a8: {  	v34 =	vtrunc.f32 v34  }
0x2a9: {  	v34 =	vcvt.f32.s32 v34;
	_ =	sdelay $0x1  }
0x2aa: {  	v34 =	vshll.u32 v34, $0x9  }
0x2ab: {  	v34 =	vor.u32 v28, v34;
	_ =	sdelay $0x2  }
0x2ac: {  	vm11 =	vgt.f32 v33, $0.0e+00  }
0x2ad: {  	v33 =	vsel vm11, $0x3F800000, v1;
	[tilespmem:$0x183B0] =	vst v34  }
0x2ae: {  	[tilespmem:v34+s12+$0x0] =	vst.idx.msk $0xffff, v33  }
0x2af: {  	v33 =	vld [tilespmem:$0x3C0];
	_ =	sdelay $0x4  }
0x2b0: {  	v60 =	vsub.f32 $1.000000000e+00, v33;
	_ =	sdelay $0x1  }
0x2b1: {  	v34 =	vmul.f32 $2.900000000e+01, v60;
	_ =	sdelay $0x1  }
0x2b2: {  	v34 =	vadd.f32 $2.000000000e+00, v34;
	_ =	sdelay $0x1  }
0x2b3: {  	v34 =	vtrunc.f32 v34  }
0x2b4: {  	v34 =	vcvt.f32.s32 v34;
	_ =	sdelay $0x1  }
0x2b5: {  	v34 =	vshll.u32 v34, $0x9  }
0x2b6: {  	v34 =	vor.u32 v29, v34;
	_ =	sdelay $0x2  }
0x2b7: {  	vm12 =	vgt.f32 v33, $0.0e+00  }
0x2b8: {  	v33 =	vsel vm12, $0x3F800000, v1;
	[tilespmem:$0x183C0] =	vst v34  }
0x2b9: {  	[tilespmem:v34+s12+$0x0] =	vst.idx.msk $0xffff, v33  }
0x2ba: {  	v33 =	vld [tilespmem:$0x3D0];
	_ =	sdelay $0x4  }
0x2bb: {  	v61 =	vsub.f32 $1.000000000e+00, v33;
	_ =	sdelay $0x1  }
0x2bc: {  	v34 =	vmul.f32 $2.900000000e+01, v61;
	_ =	sdelay $0x1  }
0x2bd: {  	v34 =	vadd.f32 $2.000000000e+00, v34;
	_ =	sdelay $0x1  }
0x2be: {  	v34 =	vtrunc.f32 v34  }
0x2bf: {  	v34 =	vcvt.f32.s32 v34;
	_ =	sdelay $0x1  }
0x2c0: {  	v34 =	vshll.u32 v34, $0x9  }
0x2c1: {  	v34 =	vor.u32 v30, v34;
	_ =	sdelay $0x2  }
0x2c2: {  	vm13 =	vgt.f32 v33, $0.0e+00  }
0x2c3: {  	v33 =	vsel vm13, $0x3F800000, v1;
	[tilespmem:$0x183D0] =	vst v34  }
0x2c4: {  	[tilespmem:v34+s12+$0x0] =	vst.idx.msk $0xffff, v33  }
0x2c5: {  	v33 =	vld [tilespmem:$0x3E0];
	_ =	sdelay $0x4  }
0x2c6: {  	v62 =	vsub.f32 $1.000000000e+00, v33;
	_ =	sdelay $0x1  }
0x2c7: {  	v34 =	vmul.f32 $2.900000000e+01, v62;
	_ =	sdelay $0x1  }
0x2c8: {  	v34 =	vadd.f32 $2.000000000e+00, v34;
	_ =	sdelay $0x1  }
0x2c9: {  	v34 =	vtrunc.f32 v34  }
0x2ca: {  	v34 =	vcvt.f32.s32 v34;
	_ =	sdelay $0x1  }
0x2cb: {  	v34 =	vshll.u32 v34, $0x9  }
0x2cc: {  	v34 =	vor.u32 v31, v34;
	_ =	sdelay $0x2  }
0x2cd: {  	vm14 =	vgt.f32 v33, $0.0e+00  }
0x2ce: {  	v33 =	vsel vm14, $0x3F800000, v1;
	[tilespmem:$0x183E0] =	vst v34  }
0x2cf: {  	[tilespmem:v34+s12+$0x0] =	vst.idx.msk $0xffff, v33  }
0x2d0: {  	v33 =	vld [tilespmem:$0x3F0];
	_ =	sdelay $0x4  }
0x2d1: {  	v63 =	vsub.f32 $1.000000000e+00, v33;
	_ =	sdelay $0x1  }
0x2d2: {  	v34 =	vmul.f32 $2.900000000e+01, v63;
	_ =	sdelay $0x1  }
0x2d3: {  	v34 =	vadd.f32 $2.000000000e+00, v34;
	_ =	sdelay $0x1  }
0x2d4: {  	v34 =	vtrunc.f32 v34  }
0x2d5: {  	v34 =	vcvt.f32.s32 v34;
	_ =	sdelay $0x1  }
0x2d6: {  	v34 =	vshll.u32 v34, $0x9  }
0x2d7: {  	v34 =	vor.u32 v32, v34;
	_ =	sdelay $0x2  }
0x2d8: {  	vm15 =	vgt.f32 v33, $0.0e+00  }
0x2d9: {  	v33 =	vsel vm15, $0x3F800000, v1;
	[tilespmem:$0x183F0] =	vst v34  }
0x2da: {  	s16 =	simm.s32 $0x0;
	[tilespmem:v34+s12+$0x0] =	vst.idx.msk $0xffff, v33  }
0x2db: {  	[hbm4b:s6+s1] =	stream.linear.scatter [tilespmem:s12], [sflag:$0x2], $0x4000, $0x38;
	[tilespmem:$0x18400] =	vst v63  }
.LBB2_2:
0x2dc: {  	_ =	swait.ge [sflag:s13], $0x4000  }
0x2dd: {  	[sflag:s13] =	ssyncset.done $0x0  }
0x2de: {  	[sflag:s13] =	ssyncadd.s32 $0xFFFFC000  }
0x2df: {  	v33 =	vld [tilespmem:$0x18000];
	_ =	sdelay $0x7  }
0x2e0: {  	[tilespmem:v33+s11+$0x0] =	vst.idx.msk $0xffff, v1  }
0x2e1: {  	v33 =	vld [tilespmem:$0x18010];
	_ =	sdelay $0x7  }
0x2e2: {  	[tilespmem:v33+s11+$0x0] =	vst.idx.msk $0xffff, v1  }
0x2e3: {  	v33 =	vld [tilespmem:$0x18020];
	_ =	sdelay $0x7  }
0x2e4: {  	[tilespmem:v33+s11+$0x0] =	vst.idx.msk $0xffff, v1  }
0x2e5: {  	v33 =	vld [tilespmem:$0x18030];
	_ =	sdelay $0x7  }
0x2e6: {  	[tilespmem:v33+s11+$0x0] =	vst.idx.msk $0xffff, v1  }
0x2e7: {  	v33 =	vld [tilespmem:$0x18040];
	_ =	sdelay $0x7  }
0x2e8: {  	[tilespmem:v33+s11+$0x0] =	vst.idx.msk $0xffff, v1  }
0x2e9: {  	v33 =	vld [tilespmem:$0x18050];
	_ =	sdelay $0x7  }
0x2ea: {  	[tilespmem:v33+s11+$0x0] =	vst.idx.msk $0xffff, v1  }
0x2eb: {  	v33 =	vld [tilespmem:$0x18060];
	_ =	sdelay $0x7  }
0x2ec: {  	[tilespmem:v33+s11+$0x0] =	vst.idx.msk $0xffff, v1  }
0x2ed: {  	v33 =	vld [tilespmem:$0x18070];
	_ =	sdelay $0x7  }
0x2ee: {  	[tilespmem:v33+s11+$0x0] =	vst.idx.msk $0xffff, v1  }
0x2ef: {  	v33 =	vld [tilespmem:$0x18080];
	_ =	sdelay $0x7  }
0x2f0: {  	[tilespmem:v33+s11+$0x0] =	vst.idx.msk $0xffff, v1  }
0x2f1: {  	v33 =	vld [tilespmem:$0x18090];
	_ =	sdelay $0x7  }
0x2f2: {  	[tilespmem:v33+s11+$0x0] =	vst.idx.msk $0xffff, v1  }
0x2f3: {  	v33 =	vld [tilespmem:$0x180A0];
	_ =	sdelay $0x7  }
0x2f4: {  	[tilespmem:v33+s11+$0x0] =	vst.idx.msk $0xffff, v1  }
0x2f5: {  	v33 =	vld [tilespmem:$0x180B0];
	_ =	sdelay $0x7  }
0x2f6: {  	[tilespmem:v33+s11+$0x0] =	vst.idx.msk $0xffff, v1  }
0x2f7: {  	v33 =	vld [tilespmem:$0x180C0];
	_ =	sdelay $0x7  }
0x2f8: {  	[tilespmem:v33+s11+$0x0] =	vst.idx.msk $0xffff, v1  }
0x2f9: {  	v33 =	vld [tilespmem:$0x180D0];
	_ =	sdelay $0x7  }
0x2fa: {  	[tilespmem:v33+s11+$0x0] =	vst.idx.msk $0xffff, v1  }
0x2fb: {  	v33 =	vld [tilespmem:$0x180E0];
	_ =	sdelay $0x7  }
0x2fc: {  	[tilespmem:v33+s11+$0x0] =	vst.idx.msk $0xffff, v1  }
0x2fd: {  	v33 =	vld [tilespmem:$0x180F0];
	_ =	sdelay $0x7  }
0x2fe: {  	[tilespmem:v33+s11+$0x0] =	vst.idx.msk $0xffff, v1  }
0x2ff: {  	v33 =	vld [tilespmem:$0x18100];
	_ =	sdelay $0x7  }
0x300: {  	[tilespmem:v33+s11+$0x0] =	vst.idx.msk $0xffff, v1  }
0x301: {  	v33 =	vld [tilespmem:$0x18110];
	_ =	sdelay $0x7  }
0x302: {  	[tilespmem:v33+s11+$0x0] =	vst.idx.msk $0xffff, v1  }
0x303: {  	v33 =	vld [tilespmem:$0x18120];
	_ =	sdelay $0x7  }
0x304: {  	[tilespmem:v33+s11+$0x0] =	vst.idx.msk $0xffff, v1  }
0x305: {  	v33 =	vld [tilespmem:$0x18130];
	_ =	sdelay $0x7  }
0x306: {  	[tilespmem:v33+s11+$0x0] =	vst.idx.msk $0xffff, v1  }
0x307: {  	v33 =	vld [tilespmem:$0x18140];
	_ =	sdelay $0x7  }
0x308: {  	[tilespmem:v33+s11+$0x0] =	vst.idx.msk $0xffff, v1  }
0x309: {  	v33 =	vld [tilespmem:$0x18150];
	_ =	sdelay $0x7  }
0x30a: {  	[tilespmem:v33+s11+$0x0] =	vst.idx.msk $0xffff, v1  }
0x30b: {  	v33 =	vld [tilespmem:$0x18160];
	_ =	sdelay $0x7  }
0x30c: {  	[tilespmem:v33+s11+$0x0] =	vst.idx.msk $0xffff, v1  }
0x30d: {  	v33 =	vld [tilespmem:$0x18170];
	_ =	sdelay $0x7  }
0x30e: {  	[tilespmem:v33+s11+$0x0] =	vst.idx.msk $0xffff, v1  }
0x30f: {  	v33 =	vld [tilespmem:$0x18180];
	_ =	sdelay $0x7  }
0x310: {  	[tilespmem:v33+s11+$0x0] =	vst.idx.msk $0xffff, v1  }
0x311: {  	v33 =	vld [tilespmem:$0x18190];
	_ =	sdelay $0x7  }
0x312: {  	[tilespmem:v33+s11+$0x0] =	vst.idx.msk $0xffff, v1  }
0x313: {  	v33 =	vld [tilespmem:$0x181A0];
	_ =	sdelay $0x7  }
0x314: {  	[tilespmem:v33+s11+$0x0] =	vst.idx.msk $0xffff, v1  }
0x315: {  	v33 =	vld [tilespmem:$0x181B0];
	_ =	sdelay $0x7  }
0x316: {  	[tilespmem:v33+s11+$0x0] =	vst.idx.msk $0xffff, v1  }
0x317: {  	v33 =	vld [tilespmem:$0x181C0];
	_ =	sdelay $0x7  }
0x318: {  	[tilespmem:v33+s11+$0x0] =	vst.idx.msk $0xffff, v1  }
0x319: {  	v33 =	vld [tilespmem:$0x181D0];
	_ =	sdelay $0x7  }
0x31a: {  	[tilespmem:v33+s11+$0x0] =	vst.idx.msk $0xffff, v1  }
0x31b: {  	v33 =	vld [tilespmem:$0x181E0];
	_ =	sdelay $0x7  }
0x31c: {  	[tilespmem:v33+s11+$0x0] =	vst.idx.msk $0xffff, v1  }
0x31d: {  	v33 =	vld [tilespmem:$0x181F0];
	_ =	sdelay $0x7  }
0x31e: {  	s17 =	sshra.s32 s16, $0x2;
	[tilespmem:v33+s11+$0x0] =	vst.idx.msk $0xffff, v1  }
0x31f: {  	v33 =	vld [tilespmem:s17+$0x400];
	_ =	sdelay $0x4  }
0x320: {  	v34 =	vsub.f32 $1.000000000e+00, v33;
	_ =	sdelay $0x1  }
0x321: {  	v34 =	vmul.f32 $2.900000000e+01, v34;
	_ =	sdelay $0x1  }
0x322: {  	v34 =	vadd.f32 $2.000000000e+00, v34;
	_ =	sdelay $0x1  }
0x323: {  	v34 =	vtrunc.f32 v34  }
0x324: {  	v34 =	vcvt.f32.s32 v34;
	_ =	sdelay $0x1  }
0x325: {  	v34 =	vshll.u32 v34, $0x9  }
0x326: {  	v34 =	vor.u32 v0, v34;
	_ =	sdelay $0x2  }
0x327: {  	vm0 =	vgt.f32 v33, $0.0e+00  }
0x328: {  	v33 =	vsel vm0, $0x3F800000, v1;
	[tilespmem:$0x18000] =	vst v34  }
0x329: {  	[tilespmem:v34+s11+$0x0] =	vst.idx.msk $0xffff, v33  }
0x32a: {  	v33 =	vld [tilespmem:s17+$0x410];
	_ =	sdelay $0x4  }
0x32b: {  	v56 =	vsub.f32 $1.000000000e+00, v33;
	_ =	sdelay $0x1  }
0x32c: {  	v34 =	vmul.f32 $2.900000000e+01, v56;
	_ =	sdelay $0x1  }
0x32d: {  	v34 =	vadd.f32 $2.000000000e+00, v34;
	_ =	sdelay $0x1  }
0x32e: {  	v34 =	vtrunc.f32 v34  }
0x32f: {  	v34 =	vcvt.f32.s32 v34;
	_ =	sdelay $0x1  }
0x330: {  	v34 =	vshll.u32 v34, $0x9  }
0x331: {  	v34 =	vor.u32 v2, v34;
	_ =	sdelay $0x2  }
0x332: {  	vm13 =	vgt.f32 v33, $0.0e+00  }
0x333: {  	v33 =	vsel vm13, $0x3F800000, v1;
	[tilespmem:$0x18010] =	vst v34  }
0x334: {  	[tilespmem:v34+s11+$0x0] =	vst.idx.msk $0xffff, v33  }
0x335: {  	v33 =	vld [tilespmem:s17+$0x420];
	_ =	sdelay $0x4  }
0x336: {  	v57 =	vsub.f32 $1.000000000e+00, v33;
	_ =	sdelay $0x1  }
0x337: {  	v34 =	vmul.f32 $2.900000000e+01, v57;
	_ =	sdelay $0x1  }
0x338: {  	v34 =	vadd.f32 $2.000000000e+00, v34;
	_ =	sdelay $0x1  }
0x339: {  	v34 =	vtrunc.f32 v34  }
0x33a: {  	v34 =	vcvt.f32.s32 v34;
	_ =	sdelay $0x1  }
0x33b: {  	v34 =	vshll.u32 v34, $0x9  }
0x33c: {  	v34 =	vor.u32 v3, v34;
	_ =	sdelay $0x2  }
0x33d: {  	vm14 =	vgt.f32 v33, $0.0e+00  }
0x33e: {  	v33 =	vsel vm14, $0x3F800000, v1;
	[tilespmem:$0x18020] =	vst v34  }
0x33f: {  	[tilespmem:v34+s11+$0x0] =	vst.idx.msk $0xffff, v33  }
0x340: {  	v33 =	vld [tilespmem:s17+$0x430];
	_ =	sdelay $0x4  }
0x341: {  	v58 =	vsub.f32 $1.000000000e+00, v33;
	_ =	sdelay $0x1  }
0x342: {  	v34 =	vmul.f32 $2.900000000e+01, v58;
	_ =	sdelay $0x1  }
0x343: {  	v34 =	vadd.f32 $2.000000000e+00, v34;
	_ =	sdelay $0x1  }
0x344: {  	v34 =	vtrunc.f32 v34  }
0x345: {  	v34 =	vcvt.f32.s32 v34;
	_ =	sdelay $0x1  }
0x346: {  	v34 =	vshll.u32 v34, $0x9  }
0x347: {  	v34 =	vor.u32 v4, v34;
	_ =	sdelay $0x2  }
0x348: {  	vm15 =	vgt.f32 v33, $0.0e+00  }
0x349: {  	v33 =	vsel vm15, $0x3F800000, v1;
	[tilespmem:$0x18030] =	vst v34  }
0x34a: {  	[tilespmem:v34+s11+$0x0] =	vst.idx.msk $0xffff, v33  }
0x34b: {  	v33 =	vld [tilespmem:s17+$0x440];
	_ =	sdelay $0x4  }
0x34c: {  	v59 =	vsub.f32 $1.000000000e+00, v33;
	_ =	sdelay $0x1  }
0x34d: {  	v34 =	vmul.f32 $2.900000000e+01, v59;
	_ =	sdelay $0x1  }
0x34e: {  	v34 =	vadd.f32 $2.000000000e+00, v34;
	_ =	sdelay $0x1  }
0x34f: {  	v34 =	vtrunc.f32 v34  }
0x350: {  	v34 =	vcvt.f32.s32 v34;
	_ =	sdelay $0x1  }
0x351: {  	v34 =	vshll.u32 v34, $0x9  }
0x352: {  	v34 =	vor.u32 v5, v34;
	_ =	sdelay $0x2  }
0x353: {  	vm4 =	vgt.f32 v33, $0.0e+00  }
0x354: {  	v33 =	vsel vm4, $0x3F800000, v1;
	[tilespmem:$0x18040] =	vst v34  }
0x355: {  	[tilespmem:v34+s11+$0x0] =	vst.idx.msk $0xffff, v33  }
0x356: {  	v33 =	vld [tilespmem:s17+$0x450];
	_ =	sdelay $0x4  }
0x357: {  	v60 =	vsub.f32 $1.000000000e+00, v33;
	_ =	sdelay $0x1  }
0x358: {  	v34 =	vmul.f32 $2.900000000e+01, v60;
	_ =	sdelay $0x1  }
0x359: {  	v34 =	vadd.f32 $2.000000000e+00, v34;
	_ =	sdelay $0x1  }
0x35a: {  	v34 =	vtrunc.f32 v34  }
0x35b: {  	v34 =	vcvt.f32.s32 v34;
	_ =	sdelay $0x1  }
0x35c: {  	v34 =	vshll.u32 v34, $0x9  }
0x35d: {  	v34 =	vor.u32 v6, v34;
	_ =	sdelay $0x2  }
0x35e: {  	vm5 =	vgt.f32 v33, $0.0e+00  }
0x35f: {  	v33 =	vsel vm5, $0x3F800000, v1;
	[tilespmem:$0x18050] =	vst v34  }
0x360: {  	[tilespmem:v34+s11+$0x0] =	vst.idx.msk $0xffff, v33  }
0x361: {  	v33 =	vld [tilespmem:s17+$0x460];
	_ =	sdelay $0x4  }
0x362: {  	v61 =	vsub.f32 $1.000000000e+00, v33;
	_ =	sdelay $0x1  }
0x363: {  	v34 =	vmul.f32 $2.900000000e+01, v61;
	_ =	sdelay $0x1  }
0x364: {  	v34 =	vadd.f32 $2.000000000e+00, v34;
	_ =	sdelay $0x1  }
0x365: {  	v34 =	vtrunc.f32 v34  }
0x366: {  	v34 =	vcvt.f32.s32 v34;
	_ =	sdelay $0x1  }
0x367: {  	v34 =	vshll.u32 v34, $0x9  }
0x368: {  	v34 =	vor.u32 v7, v34;
	_ =	sdelay $0x2  }
0x369: {  	vm6 =	vgt.f32 v33, $0.0e+00  }
0x36a: {  	v33 =	vsel vm6, $0x3F800000, v1;
	[tilespmem:$0x18060] =	vst v34  }
0x36b: {  	[tilespmem:v34+s11+$0x0] =	vst.idx.msk $0xffff, v33  }
0x36c: {  	v33 =	vld [tilespmem:s17+$0x470];
	_ =	sdelay $0x4  }
0x36d: {  	v62 =	vsub.f32 $1.000000000e+00, v33;
	_ =	sdelay $0x1  }
0x36e: {  	v34 =	vmul.f32 $2.900000000e+01, v62;
	_ =	sdelay $0x1  }
0x36f: {  	v34 =	vadd.f32 $2.000000000e+00, v34;
	_ =	sdelay $0x1  }
0x370: {  	v34 =	vtrunc.f32 v34  }
0x371: {  	v34 =	vcvt.f32.s32 v34;
	_ =	sdelay $0x1  }
0x372: {  	v34 =	vshll.u32 v34, $0x9  }
0x373: {  	v34 =	vor.u32 v8, v34;
	_ =	sdelay $0x2  }
0x374: {  	vm7 =	vgt.f32 v33, $0.0e+00  }
0x375: {  	v33 =	vsel vm7, $0x3F800000, v1;
	[tilespmem:$0x18070] =	vst v34  }
0x376: {  	[tilespmem:v34+s11+$0x0] =	vst.idx.msk $0xffff, v33  }
0x377: {  	v33 =	vld [tilespmem:s17+$0x480];
	_ =	sdelay $0x4  }
0x378: {  	v63 =	vsub.f32 $1.000000000e+00, v33;
	_ =	sdelay $0x1  }
0x379: {  	v34 =	vmul.f32 $2.900000000e+01, v63;
	_ =	sdelay $0x1  }
0x37a: {  	v34 =	vadd.f32 $2.000000000e+00, v34;
	_ =	sdelay $0x1  }
0x37b: {  	v34 =	vtrunc.f32 v34  }
0x37c: {  	v34 =	vcvt.f32.s32 v34;
	_ =	sdelay $0x1  }
0x37d: {  	v34 =	vshll.u32 v34, $0x9  }
0x37e: {  	v34 =	vor.u32 v9, v34;
	_ =	sdelay $0x2  }
0x37f: {  	vm8 =	vgt.f32 v33, $0.0e+00  }
0x380: {  	v33 =	vsel vm8, $0x3F800000, v1;
	[tilespmem:$0x18080] =	vst v34  }
0x381: {  	[tilespmem:v34+s11+$0x0] =	vst.idx.msk $0xffff, v33  }
0x382: {  	v33 =	vld [tilespmem:s17+$0x490];
	_ =	sdelay $0x4  }
0x383: {  	v36 =	vsub.f32 $1.000000000e+00, v33;
	_ =	sdelay $0x1  }
0x384: {  	v34 =	vmul.f32 $2.900000000e+01, v36;
	_ =	sdelay $0x1  }
0x385: {  	v34 =	vadd.f32 $2.000000000e+00, v34;
	_ =	sdelay $0x1  }
0x386: {  	v34 =	vtrunc.f32 v34  }
0x387: {  	v34 =	vcvt.f32.s32 v34;
	_ =	sdelay $0x1  }
0x388: {  	v34 =	vshll.u32 v34, $0x9  }
0x389: {  	v34 =	vor.u32 v10, v34;
	_ =	sdelay $0x2  }
0x38a: {  	vm9 =	vgt.f32 v33, $0.0e+00  }
0x38b: {  	v33 =	vsel vm9, $0x3F800000, v1;
	[tilespmem:$0x18090] =	vst v34  }
0x38c: {  	[tilespmem:v34+s11+$0x0] =	vst.idx.msk $0xffff, v33  }
0x38d: {  	v33 =	vld [tilespmem:s17+$0x4A0];
	_ =	sdelay $0x4  }
0x38e: {  	v37 =	vsub.f32 $1.000000000e+00, v33;
	_ =	sdelay $0x1  }
0x38f: {  	v34 =	vmul.f32 $2.900000000e+01, v37;
	_ =	sdelay $0x1  }
0x390: {  	v34 =	vadd.f32 $2.000000000e+00, v34;
	_ =	sdelay $0x1  }
0x391: {  	v34 =	vtrunc.f32 v34  }
0x392: {  	v34 =	vcvt.f32.s32 v34;
	_ =	sdelay $0x1  }
0x393: {  	v34 =	vshll.u32 v34, $0x9  }
0x394: {  	v34 =	vor.u32 v11, v34;
	_ =	sdelay $0x2  }
0x395: {  	vm10 =	vgt.f32 v33, $0.0e+00  }
0x396: {  	v33 =	vsel vm10, $0x3F800000, v1;
	[tilespmem:$0x180A0] =	vst v34  }
0x397: {  	[tilespmem:v34+s11+$0x0] =	vst.idx.msk $0xffff, v33  }
0x398: {  	v33 =	vld [tilespmem:s17+$0x4B0];
	_ =	sdelay $0x4  }
0x399: {  	v38 =	vsub.f32 $1.000000000e+00, v33;
	_ =	sdelay $0x1  }
0x39a: {  	v34 =	vmul.f32 $2.900000000e+01, v38;
	_ =	sdelay $0x1  }
0x39b: {  	v34 =	vadd.f32 $2.000000000e+00, v34;
	_ =	sdelay $0x1  }
0x39c: {  	v34 =	vtrunc.f32 v34  }
0x39d: {  	v34 =	vcvt.f32.s32 v34;
	_ =	sdelay $0x1  }
0x39e: {  	v34 =	vshll.u32 v34, $0x9  }
0x39f: {  	v34 =	vor.u32 v12, v34;
	_ =	sdelay $0x2  }
0x3a0: {  	vm11 =	vgt.f32 v33, $0.0e+00  }
0x3a1: {  	v33 =	vsel vm11, $0x3F800000, v1;
	[tilespmem:$0x180B0] =	vst v34  }
0x3a2: {  	[tilespmem:v34+s11+$0x0] =	vst.idx.msk $0xffff, v33  }
0x3a3: {  	v33 =	vld [tilespmem:s17+$0x4C0];
	_ =	sdelay $0x4  }
0x3a4: {  	v39 =	vsub.f32 $1.000000000e+00, v33;
	_ =	sdelay $0x1  }
0x3a5: {  	v34 =	vmul.f32 $2.900000000e+01, v39;
	_ =	sdelay $0x1  }
0x3a6: {  	v34 =	vadd.f32 $2.000000000e+00, v34;
	_ =	sdelay $0x1  }
0x3a7: {  	v34 =	vtrunc.f32 v34  }
0x3a8: {  	v34 =	vcvt.f32.s32 v34;
	_ =	sdelay $0x1  }
0x3a9: {  	v34 =	vshll.u32 v34, $0x9  }
0x3aa: {  	v34 =	vor.u32 v13, v34;
	_ =	sdelay $0x2  }
0x3ab: {  	vm12 =	vgt.f32 v33, $0.0e+00  }
0x3ac: {  	v33 =	vsel vm12, $0x3F800000, v1;
	[tilespmem:$0x180C0] =	vst v34  }
0x3ad: {  	[tilespmem:v34+s11+$0x0] =	vst.idx.msk $0xffff, v33  }
0x3ae: {  	v33 =	vld [tilespmem:s17+$0x4D0];
	_ =	sdelay $0x4  }
0x3af: {  	v40 =	vsub.f32 $1.000000000e+00, v33;
	_ =	sdelay $0x1  }
0x3b0: {  	v34 =	vmul.f32 $2.900000000e+01, v40;
	_ =	sdelay $0x1  }
0x3b1: {  	v34 =	vadd.f32 $2.000000000e+00, v34;
	_ =	sdelay $0x1  }
0x3b2: {  	v34 =	vtrunc.f32 v34  }
0x3b3: {  	v34 =	vcvt.f32.s32 v34;
	_ =	sdelay $0x1  }
0x3b4: {  	v34 =	vshll.u32 v34, $0x9  }
0x3b5: {  	v34 =	vor.u32 v14, v34;
	_ =	sdelay $0x2  }
0x3b6: {  	vm13 =	vgt.f32 v33, $0.0e+00  }
0x3b7: {  	v33 =	vsel vm13, $0x3F800000, v1;
	[tilespmem:$0x180D0] =	vst v34  }
0x3b8: {  	[tilespmem:v34+s11+$0x0] =	vst.idx.msk $0xffff, v33  }
0x3b9: {  	v33 =	vld [tilespmem:s17+$0x4E0];
	_ =	sdelay $0x4  }
0x3ba: {  	v41 =	vsub.f32 $1.000000000e+00, v33;
	_ =	sdelay $0x1  }
0x3bb: {  	v34 =	vmul.f32 $2.900000000e+01, v41;
	_ =	sdelay $0x1  }
0x3bc: {  	v34 =	vadd.f32 $2.000000000e+00, v34;
	_ =	sdelay $0x1  }
0x3bd: {  	v34 =	vtrunc.f32 v34  }
0x3be: {  	v34 =	vcvt.f32.s32 v34;
	_ =	sdelay $0x1  }
0x3bf: {  	v34 =	vshll.u32 v34, $0x9  }
0x3c0: {  	v34 =	vor.u32 v15, v34;
	_ =	sdelay $0x2  }
0x3c1: {  	vm14 =	vgt.f32 v33, $0.0e+00  }
0x3c2: {  	v33 =	vsel vm14, $0x3F800000, v1;
	[tilespmem:$0x180E0] =	vst v34  }
0x3c3: {  	[tilespmem:v34+s11+$0x0] =	vst.idx.msk $0xffff, v33  }
0x3c4: {  	v33 =	vld [tilespmem:s17+$0x4F0];
	_ =	sdelay $0x4  }
0x3c5: {  	v42 =	vsub.f32 $1.000000000e+00, v33;
	_ =	sdelay $0x1  }
0x3c6: {  	v34 =	vmul.f32 $2.900000000e+01, v42;
	_ =	sdelay $0x1  }
0x3c7: {  	v34 =	vadd.f32 $2.000000000e+00, v34;
	_ =	sdelay $0x1  }
0x3c8: {  	v34 =	vtrunc.f32 v34  }
0x3c9: {  	v34 =	vcvt.f32.s32 v34;
	_ =	sdelay $0x1  }
0x3ca: {  	v34 =	vshll.u32 v34, $0x9  }
0x3cb: {  	v34 =	vor.u32 v16, v34;
	_ =	sdelay $0x2  }
0x3cc: {  	vm15 =	vgt.f32 v33, $0.0e+00  }
0x3cd: {  	v33 =	vsel vm15, $0x3F800000, v1;
	[tilespmem:$0x180F0] =	vst v34  }
0x3ce: {  	[tilespmem:v34+s11+$0x0] =	vst.idx.msk $0xffff, v33  }
0x3cf: {  	v33 =	vld [tilespmem:s17+$0x500];
	_ =	sdelay $0x4  }
0x3d0: {  	v43 =	vsub.f32 $1.000000000e+00, v33;
	_ =	sdelay $0x1  }
0x3d1: {  	v34 =	vmul.f32 $2.900000000e+01, v43;
	_ =	sdelay $0x1  }
0x3d2: {  	v34 =	vadd.f32 $2.000000000e+00, v34;
	_ =	sdelay $0x1  }
0x3d3: {  	v34 =	vtrunc.f32 v34  }
0x3d4: {  	v34 =	vcvt.f32.s32 v34;
	_ =	sdelay $0x1  }
0x3d5: {  	v34 =	vshll.u32 v34, $0x9  }
0x3d6: {  	v34 =	vor.u32 v17, v34;
	_ =	sdelay $0x2  }
0x3d7: {  	vm4 =	vgt.f32 v33, $0.0e+00  }
0x3d8: {  	v33 =	vsel vm4, $0x3F800000, v1;
	[tilespmem:$0x18100] =	vst v34  }
0x3d9: {  	[tilespmem:v34+s11+$0x0] =	vst.idx.msk $0xffff, v33  }
0x3da: {  	v33 =	vld [tilespmem:s17+$0x510];
	_ =	sdelay $0x4  }
0x3db: {  	v44 =	vsub.f32 $1.000000000e+00, v33;
	_ =	sdelay $0x1  }
0x3dc: {  	v34 =	vmul.f32 $2.900000000e+01, v44;
	_ =	sdelay $0x1  }
0x3dd: {  	v34 =	vadd.f32 $2.000000000e+00, v34;
	_ =	sdelay $0x1  }
0x3de: {  	v34 =	vtrunc.f32 v34  }
0x3df: {  	v34 =	vcvt.f32.s32 v34;
	_ =	sdelay $0x1  }
0x3e0: {  	v34 =	vshll.u32 v34, $0x9  }
0x3e1: {  	v34 =	vor.u32 v18, v34;
	_ =	sdelay $0x2  }
0x3e2: {  	vm5 =	vgt.f32 v33, $0.0e+00  }
0x3e3: {  	v33 =	vsel vm5, $0x3F800000, v1;
	[tilespmem:$0x18110] =	vst v34  }
0x3e4: {  	[tilespmem:v34+s11+$0x0] =	vst.idx.msk $0xffff, v33  }
0x3e5: {  	v33 =	vld [tilespmem:s17+$0x520];
	_ =	sdelay $0x4  }
0x3e6: {  	v45 =	vsub.f32 $1.000000000e+00, v33;
	_ =	sdelay $0x1  }
0x3e7: {  	v34 =	vmul.f32 $2.900000000e+01, v45;
	_ =	sdelay $0x1  }
0x3e8: {  	v34 =	vadd.f32 $2.000000000e+00, v34;
	_ =	sdelay $0x1  }
0x3e9: {  	v34 =	vtrunc.f32 v34  }
0x3ea: {  	v34 =	vcvt.f32.s32 v34;
	_ =	sdelay $0x1  }
0x3eb: {  	v34 =	vshll.u32 v34, $0x9  }
0x3ec: {  	v34 =	vor.u32 v19, v34;
	_ =	sdelay $0x2  }
0x3ed: {  	vm6 =	vgt.f32 v33, $0.0e+00  }
0x3ee: {  	v33 =	vsel vm6, $0x3F800000, v1;
	[tilespmem:$0x18120] =	vst v34  }
0x3ef: {  	[tilespmem:v34+s11+$0x0] =	vst.idx.msk $0xffff, v33  }
0x3f0: {  	v33 =	vld [tilespmem:s17+$0x530];
	_ =	sdelay $0x4  }
0x3f1: {  	v46 =	vsub.f32 $1.000000000e+00, v33;
	_ =	sdelay $0x1  }
0x3f2: {  	v34 =	vmul.f32 $2.900000000e+01, v46;
	_ =	sdelay $0x1  }
0x3f3: {  	v34 =	vadd.f32 $2.000000000e+00, v34;
	_ =	sdelay $0x1  }
0x3f4: {  	v34 =	vtrunc.f32 v34  }
0x3f5: {  	v34 =	vcvt.f32.s32 v34;
	_ =	sdelay $0x1  }
0x3f6: {  	v34 =	vshll.u32 v34, $0x9  }
0x3f7: {  	v34 =	vor.u32 v20, v34;
	_ =	sdelay $0x2  }
0x3f8: {  	vm7 =	vgt.f32 v33, $0.0e+00  }
0x3f9: {  	v33 =	vsel vm7, $0x3F800000, v1;
	[tilespmem:$0x18130] =	vst v34  }
0x3fa: {  	[tilespmem:v34+s11+$0x0] =	vst.idx.msk $0xffff, v33  }
0x3fb: {  	v33 =	vld [tilespmem:s17+$0x540];
	_ =	sdelay $0x4  }
0x3fc: {  	v47 =	vsub.f32 $1.000000000e+00, v33;
	_ =	sdelay $0x1  }
0x3fd: {  	v34 =	vmul.f32 $2.900000000e+01, v47;
	_ =	sdelay $0x1  }
0x3fe: {  	v34 =	vadd.f32 $2.000000000e+00, v34;
	_ =	sdelay $0x1  }
0x3ff: {  	v34 =	vtrunc.f32 v34  }
0x400: {  	v34 =	vcvt.f32.s32 v34;
	_ =	sdelay $0x1  }
0x401: {  	v34 =	vshll.u32 v34, $0x9  }
0x402: {  	v34 =	vor.u32 v21, v34;
	_ =	sdelay $0x2  }
0x403: {  	vm8 =	vgt.f32 v33, $0.0e+00  }
0x404: {  	v33 =	vsel vm8, $0x3F800000, v1;
	[tilespmem:$0x18140] =	vst v34  }
0x405: {  	[tilespmem:v34+s11+$0x0] =	vst.idx.msk $0xffff, v33  }
0x406: {  	v33 =	vld [tilespmem:s17+$0x550];
	_ =	sdelay $0x4  }
0x407: {  	v48 =	vsub.f32 $1.000000000e+00, v33;
	_ =	sdelay $0x1  }
0x408: {  	v34 =	vmul.f32 $2.900000000e+01, v48;
	_ =	sdelay $0x1  }
0x409: {  	v34 =	vadd.f32 $2.000000000e+00, v34;
	_ =	sdelay $0x1  }
0x40a: {  	v34 =	vtrunc.f32 v34  }
0x40b: {  	v34 =	vcvt.f32.s32 v34;
	_ =	sdelay $0x1  }
0x40c: {  	v34 =	vshll.u32 v34, $0x9  }
0x40d: {  	v34 =	vor.u32 v22, v34;
	_ =	sdelay $0x2  }
0x40e: {  	vm9 =	vgt.f32 v33, $0.0e+00  }
0x40f: {  	v33 =	vsel vm9, $0x3F800000, v1;
	[tilespmem:$0x18150] =	vst v34  }
0x410: {  	[tilespmem:v34+s11+$0x0] =	vst.idx.msk $0xffff, v33  }
0x411: {  	v33 =	vld [tilespmem:s17+$0x560];
	_ =	sdelay $0x4  }
0x412: {  	v49 =	vsub.f32 $1.000000000e+00, v33;
	_ =	sdelay $0x1  }
0x413: {  	v34 =	vmul.f32 $2.900000000e+01, v49;
	_ =	sdelay $0x1  }
0x414: {  	v34 =	vadd.f32 $2.000000000e+00, v34;
	_ =	sdelay $0x1  }
0x415: {  	v34 =	vtrunc.f32 v34  }
0x416: {  	v34 =	vcvt.f32.s32 v34;
	_ =	sdelay $0x1  }
0x417: {  	v34 =	vshll.u32 v34, $0x9  }
0x418: {  	v34 =	vor.u32 v23, v34;
	_ =	sdelay $0x2  }
0x419: {  	vm10 =	vgt.f32 v33, $0.0e+00  }
0x41a: {  	v33 =	vsel vm10, $0x3F800000, v1;
	[tilespmem:$0x18160] =	vst v34  }
0x41b: {  	[tilespmem:v34+s11+$0x0] =	vst.idx.msk $0xffff, v33  }
0x41c: {  	v33 =	vld [tilespmem:s17+$0x570];
	_ =	sdelay $0x4  }
0x41d: {  	v50 =	vsub.f32 $1.000000000e+00, v33;
	_ =	sdelay $0x1  }
0x41e: {  	v34 =	vmul.f32 $2.900000000e+01, v50;
	_ =	sdelay $0x1  }
0x41f: {  	v34 =	vadd.f32 $2.000000000e+00, v34;
	_ =	sdelay $0x1  }
0x420: {  	v34 =	vtrunc.f32 v34  }
0x421: {  	v34 =	vcvt.f32.s32 v34;
	_ =	sdelay $0x1  }
0x422: {  	v34 =	vshll.u32 v34, $0x9  }
0x423: {  	v34 =	vor.u32 v24, v34;
	_ =	sdelay $0x2  }
0x424: {  	vm11 =	vgt.f32 v33, $0.0e+00  }
0x425: {  	v33 =	vsel vm11, $0x3F800000, v1;
	[tilespmem:$0x18170] =	vst v34  }
0x426: {  	[tilespmem:v34+s11+$0x0] =	vst.idx.msk $0xffff, v33  }
0x427: {  	v33 =	vld [tilespmem:s17+$0x580];
	_ =	sdelay $0x4  }
0x428: {  	v51 =	vsub.f32 $1.000000000e+00, v33;
	_ =	sdelay $0x1  }
0x429: {  	v34 =	vmul.f32 $2.900000000e+01, v51;
	_ =	sdelay $0x1  }
0x42a: {  	v34 =	vadd.f32 $2.000000000e+00, v34;
	_ =	sdelay $0x1  }
0x42b: {  	v34 =	vtrunc.f32 v34  }
0x42c: {  	v34 =	vcvt.f32.s32 v34;
	_ =	sdelay $0x1  }
0x42d: {  	v34 =	vshll.u32 v34, $0x9  }
0x42e: {  	v34 =	vor.u32 v25, v34;
	_ =	sdelay $0x2  }
0x42f: {  	vm12 =	vgt.f32 v33, $0.0e+00  }
0x430: {  	v33 =	vsel vm12, $0x3F800000, v1;
	[tilespmem:$0x18180] =	vst v34  }
0x431: {  	[tilespmem:v34+s11+$0x0] =	vst.idx.msk $0xffff, v33  }
0x432: {  	v33 =	vld [tilespmem:s17+$0x590];
	_ =	sdelay $0x4  }
0x433: {  	v52 =	vsub.f32 $1.000000000e+00, v33;
	_ =	sdelay $0x1  }
0x434: {  	v34 =	vmul.f32 $2.900000000e+01, v52;
	_ =	sdelay $0x1  }
0x435: {  	v34 =	vadd.f32 $2.000000000e+00, v34;
	_ =	sdelay $0x1  }
0x436: {  	v34 =	vtrunc.f32 v34  }
0x437: {  	v34 =	vcvt.f32.s32 v34;
	_ =	sdelay $0x1  }
0x438: {  	v34 =	vshll.u32 v34, $0x9  }
0x439: {  	v34 =	vor.u32 v26, v34;
	_ =	sdelay $0x2  }
0x43a: {  	vm13 =	vgt.f32 v33, $0.0e+00  }
0x43b: {  	v33 =	vsel vm13, $0x3F800000, v1;
	[tilespmem:$0x18190] =	vst v34  }
0x43c: {  	[tilespmem:v34+s11+$0x0] =	vst.idx.msk $0xffff, v33  }
0x43d: {  	v33 =	vld [tilespmem:s17+$0x5A0];
	_ =	sdelay $0x4  }
0x43e: {  	v53 =	vsub.f32 $1.000000000e+00, v33;
	_ =	sdelay $0x1  }
0x43f: {  	v34 =	vmul.f32 $2.900000000e+01, v53;
	_ =	sdelay $0x1  }
0x440: {  	v34 =	vadd.f32 $2.000000000e+00, v34;
	_ =	sdelay $0x1  }
0x441: {  	v34 =	vtrunc.f32 v34  }
0x442: {  	v34 =	vcvt.f32.s32 v34;
	_ =	sdelay $0x1  }
0x443: {  	v34 =	vshll.u32 v34, $0x9  }
0x444: {  	v34 =	vor.u32 v27, v34;
	_ =	sdelay $0x2  }
0x445: {  	vm14 =	vgt.f32 v33, $0.0e+00  }
0x446: {  	v33 =	vsel vm14, $0x3F800000, v1;
	[tilespmem:$0x181A0] =	vst v34  }
0x447: {  	[tilespmem:v34+s11+$0x0] =	vst.idx.msk $0xffff, v33  }
0x448: {  	v33 =	vld [tilespmem:s17+$0x5B0];
	_ =	sdelay $0x4  }
0x449: {  	v54 =	vsub.f32 $1.000000000e+00, v33;
	_ =	sdelay $0x1  }
0x44a: {  	v34 =	vmul.f32 $2.900000000e+01, v54;
	_ =	sdelay $0x1  }
0x44b: {  	v34 =	vadd.f32 $2.000000000e+00, v34;
	_ =	sdelay $0x1  }
0x44c: {  	v34 =	vtrunc.f32 v34  }
0x44d: {  	v34 =	vcvt.f32.s32 v34;
	_ =	sdelay $0x1  }
0x44e: {  	v34 =	vshll.u32 v34, $0x9  }
0x44f: {  	v34 =	vor.u32 v28, v34;
	_ =	sdelay $0x2  }
0x450: {  	vm15 =	vgt.f32 v33, $0.0e+00  }
0x451: {  	v33 =	vsel vm15, $0x3F800000, v1;
	[tilespmem:$0x181B0] =	vst v34  }
0x452: {  	[tilespmem:v34+s11+$0x0] =	vst.idx.msk $0xffff, v33  }
0x453: {  	v33 =	vld [tilespmem:s17+$0x5C0];
	_ =	sdelay $0x4  }
0x454: {  	v55 =	vsub.f32 $1.000000000e+00, v33;
	_ =	sdelay $0x1  }
0x455: {  	v34 =	vmul.f32 $2.900000000e+01, v55;
	_ =	sdelay $0x1  }
0x456: {  	v34 =	vadd.f32 $2.000000000e+00, v34;
	_ =	sdelay $0x1  }
0x457: {  	v34 =	vtrunc.f32 v34  }
0x458: {  	v34 =	vcvt.f32.s32 v34;
	_ =	sdelay $0x1  }
0x459: {  	v34 =	vshll.u32 v34, $0x9  }
0x45a: {  	v34 =	vor.u32 v29, v34;
	_ =	sdelay $0x2  }
0x45b: {  	vm4 =	vgt.f32 v33, $0.0e+00  }
0x45c: {  	v33 =	vsel vm4, $0x3F800000, v1;
	[tilespmem:$0x181C0] =	vst v34  }
0x45d: {  	[tilespmem:v34+s11+$0x0] =	vst.idx.msk $0xffff, v33  }
0x45e: {  	v33 =	vld [tilespmem:s17+$0x5D0];
	_ =	sdelay $0x4  }
0x45f: {  	v56 =	vsub.f32 $1.000000000e+00, v33;
	_ =	sdelay $0x1  }
0x460: {  	v34 =	vmul.f32 $2.900000000e+01, v56;
	_ =	sdelay $0x1  }
0x461: {  	v34 =	vadd.f32 $2.000000000e+00, v34;
	_ =	sdelay $0x1  }
0x462: {  	v34 =	vtrunc.f32 v34  }
0x463: {  	v34 =	vcvt.f32.s32 v34;
	_ =	sdelay $0x1  }
0x464: {  	v34 =	vshll.u32 v34, $0x9  }
0x465: {  	v34 =	vor.u32 v30, v34;
	_ =	sdelay $0x2  }
0x466: {  	vm5 =	vgt.f32 v33, $0.0e+00  }
0x467: {  	v33 =	vsel vm5, $0x3F800000, v1;
	[tilespmem:$0x181D0] =	vst v34  }
0x468: {  	[tilespmem:v34+s11+$0x0] =	vst.idx.msk $0xffff, v33  }
0x469: {  	v33 =	vld [tilespmem:s17+$0x5E0];
	_ =	sdelay $0x4  }
0x46a: {  	v57 =	vsub.f32 $1.000000000e+00, v33;
	_ =	sdelay $0x1  }
0x46b: {  	v34 =	vmul.f32 $2.900000000e+01, v57;
	_ =	sdelay $0x1  }
0x46c: {  	v34 =	vadd.f32 $2.000000000e+00, v34;
	_ =	sdelay $0x1  }
0x46d: {  	v34 =	vtrunc.f32 v34  }
0x46e: {  	v34 =	vcvt.f32.s32 v34;
	_ =	sdelay $0x1  }
0x46f: {  	v34 =	vshll.u32 v34, $0x9  }
0x470: {  	v34 =	vor.u32 v31, v34;
	_ =	sdelay $0x2  }
0x471: {  	vm6 =	vgt.f32 v33, $0.0e+00  }
0x472: {  	v33 =	vsel vm6, $0x3F800000, v1;
	[tilespmem:$0x181E0] =	vst v34  }
0x473: {  	[tilespmem:v34+s11+$0x0] =	vst.idx.msk $0xffff, v33  }
0x474: {  	v33 =	vld [tilespmem:s17+$0x5F0];
	_ =	sdelay $0x4  }
0x475: {  	v58 =	vsub.f32 $1.000000000e+00, v33;
	_ =	sdelay $0x1  }
0x476: {  	v34 =	vmul.f32 $2.900000000e+01, v58;
	_ =	sdelay $0x1  }
0x477: {  	v34 =	vadd.f32 $2.000000000e+00, v34;
	_ =	sdelay $0x1  }
0x478: {  	v34 =	vtrunc.f32 v34  }
0x479: {  	v34 =	vcvt.f32.s32 v34;
	_ =	sdelay $0x1  }
0x47a: {  	v34 =	vshll.u32 v34, $0x9  }
0x47b: {  	v34 =	vor.u32 v32, v34;
	_ =	sdelay $0x2  }
0x47c: {  	vm7 =	vgt.f32 v33, $0.0e+00  }
0x47d: {  	v33 =	vsel vm7, $0x3F800000, v1;
	[tilespmem:$0x181F0] =	vst v34  }
0x47e: {  	s18 =	sadd.s32 s16, s9;
	[tilespmem:v34+s11+$0x0] =	vst.idx.msk $0xffff, v33  }
0x47f: {  	[hbm4b:s18+s1] =	stream.linear.scatter [tilespmem:s11], [sflag:$0x1], $0x4000, $0x38;
	[tilespmem:$0x18400] =	vst v63  }
0x480: {  	_ =	swait.ge [sflag:s14], $0x4000  }
0x481: {  	[sflag:s14] =	ssyncset.done $0x0  }
0x482: {  	[sflag:s14] =	ssyncadd.s32 $0xFFFFC000  }
0x483: {  	v59 =	vld [tilespmem:$0x18200];
	_ =	sdelay $0x7  }
0x484: {  	[tilespmem:v59+s12+$0x0] =	vst.idx.msk $0xffff, v1  }
0x485: {  	v33 =	vld [tilespmem:$0x18210];
	_ =	sdelay $0x7  }
0x486: {  	[tilespmem:v33+s12+$0x0] =	vst.idx.msk $0xffff, v1  }
0x487: {  	v33 =	vld [tilespmem:$0x18220];
	_ =	sdelay $0x7  }
0x488: {  	[tilespmem:v33+s12+$0x0] =	vst.idx.msk $0xffff, v1  }
0x489: {  	v33 =	vld [tilespmem:$0x18230];
	_ =	sdelay $0x7  }
0x48a: {  	[tilespmem:v33+s12+$0x0] =	vst.idx.msk $0xffff, v1  }
0x48b: {  	v33 =	vld [tilespmem:$0x18240];
	_ =	sdelay $0x7  }
0x48c: {  	[tilespmem:v33+s12+$0x0] =	vst.idx.msk $0xffff, v1  }
0x48d: {  	v33 =	vld [tilespmem:$0x18250];
	_ =	sdelay $0x7  }
0x48e: {  	[tilespmem:v33+s12+$0x0] =	vst.idx.msk $0xffff, v1  }
0x48f: {  	v33 =	vld [tilespmem:$0x18260];
	_ =	sdelay $0x7  }
0x490: {  	[tilespmem:v33+s12+$0x0] =	vst.idx.msk $0xffff, v1  }
0x491: {  	v33 =	vld [tilespmem:$0x18270];
	_ =	sdelay $0x7  }
0x492: {  	[tilespmem:v33+s12+$0x0] =	vst.idx.msk $0xffff, v1  }
0x493: {  	v33 =	vld [tilespmem:$0x18280];
	_ =	sdelay $0x7  }
0x494: {  	[tilespmem:v33+s12+$0x0] =	vst.idx.msk $0xffff, v1  }
0x495: {  	v33 =	vld [tilespmem:$0x18290];
	_ =	sdelay $0x7  }
0x496: {  	[tilespmem:v33+s12+$0x0] =	vst.idx.msk $0xffff, v1  }
0x497: {  	v33 =	vld [tilespmem:$0x182A0];
	_ =	sdelay $0x7  }
0x498: {  	[tilespmem:v33+s12+$0x0] =	vst.idx.msk $0xffff, v1  }
0x499: {  	v33 =	vld [tilespmem:$0x182B0];
	_ =	sdelay $0x7  }
0x49a: {  	[tilespmem:v33+s12+$0x0] =	vst.idx.msk $0xffff, v1  }
0x49b: {  	v33 =	vld [tilespmem:$0x182C0];
	_ =	sdelay $0x7  }
0x49c: {  	[tilespmem:v33+s12+$0x0] =	vst.idx.msk $0xffff, v1  }
0x49d: {  	v33 =	vld [tilespmem:$0x182D0];
	_ =	sdelay $0x7  }
0x49e: {  	[tilespmem:v33+s12+$0x0] =	vst.idx.msk $0xffff, v1  }
0x49f: {  	v33 =	vld [tilespmem:$0x182E0];
	_ =	sdelay $0x7  }
0x4a0: {  	[tilespmem:v33+s12+$0x0] =	vst.idx.msk $0xffff, v1  }
0x4a1: {  	v33 =	vld [tilespmem:$0x182F0];
	_ =	sdelay $0x7  }
0x4a2: {  	[tilespmem:v33+s12+$0x0] =	vst.idx.msk $0xffff, v1  }
0x4a3: {  	v33 =	vld [tilespmem:$0x18300];
	_ =	sdelay $0x7  }
0x4a4: {  	[tilespmem:v33+s12+$0x0] =	vst.idx.msk $0xffff, v1  }
0x4a5: {  	v33 =	vld [tilespmem:$0x18310];
	_ =	sdelay $0x7  }
0x4a6: {  	[tilespmem:v33+s12+$0x0] =	vst.idx.msk $0xffff, v1  }
0x4a7: {  	v33 =	vld [tilespmem:$0x18320];
	_ =	sdelay $0x7  }
0x4a8: {  	[tilespmem:v33+s12+$0x0] =	vst.idx.msk $0xffff, v1  }
0x4a9: {  	v33 =	vld [tilespmem:$0x18330];
	_ =	sdelay $0x7  }
0x4aa: {  	[tilespmem:v33+s12+$0x0] =	vst.idx.msk $0xffff, v1  }
0x4ab: {  	v33 =	vld [tilespmem:$0x18340];
	_ =	sdelay $0x7  }
0x4ac: {  	[tilespmem:v33+s12+$0x0] =	vst.idx.msk $0xffff, v1  }
0x4ad: {  	v33 =	vld [tilespmem:$0x18350];
	_ =	sdelay $0x7  }
0x4ae: {  	[tilespmem:v33+s12+$0x0] =	vst.idx.msk $0xffff, v1  }
0x4af: {  	v33 =	vld [tilespmem:$0x18360];
	_ =	sdelay $0x7  }
0x4b0: {  	[tilespmem:v33+s12+$0x0] =	vst.idx.msk $0xffff, v1  }
0x4b1: {  	v33 =	vld [tilespmem:$0x18370];
	_ =	sdelay $0x7  }
0x4b2: {  	[tilespmem:v33+s12+$0x0] =	vst.idx.msk $0xffff, v1  }
0x4b3: {  	v33 =	vld [tilespmem:$0x18380];
	_ =	sdelay $0x7  }
0x4b4: {  	[tilespmem:v33+s12+$0x0] =	vst.idx.msk $0xffff, v1  }
0x4b5: {  	v33 =	vld [tilespmem:$0x18390];
	_ =	sdelay $0x7  }
0x4b6: {  	[tilespmem:v33+s12+$0x0] =	vst.idx.msk $0xffff, v1  }
0x4b7: {  	v33 =	vld [tilespmem:$0x183A0];
	_ =	sdelay $0x7  }
0x4b8: {  	[tilespmem:v33+s12+$0x0] =	vst.idx.msk $0xffff, v1  }
0x4b9: {  	v33 =	vld [tilespmem:$0x183B0];
	_ =	sdelay $0x7  }
0x4ba: {  	[tilespmem:v33+s12+$0x0] =	vst.idx.msk $0xffff, v1  }
0x4bb: {  	v33 =	vld [tilespmem:$0x183C0];
	_ =	sdelay $0x7  }
0x4bc: {  	[tilespmem:v33+s12+$0x0] =	vst.idx.msk $0xffff, v1  }
0x4bd: {  	v33 =	vld [tilespmem:$0x183D0];
	_ =	sdelay $0x7  }
0x4be: {  	[tilespmem:v33+s12+$0x0] =	vst.idx.msk $0xffff, v1  }
0x4bf: {  	v33 =	vld [tilespmem:$0x183E0];
	_ =	sdelay $0x7  }
0x4c0: {  	[tilespmem:v33+s12+$0x0] =	vst.idx.msk $0xffff, v1  }
0x4c1: {  	v33 =	vld [tilespmem:$0x183F0];
	_ =	sdelay $0x7  }
0x4c2: {  	[tilespmem:v33+s12+$0x0] =	vst.idx.msk $0xffff, v1  }
0x4c3: {  	v33 =	vld [tilespmem:s17+$0x600];
	_ =	sdelay $0x4  }
0x4c4: {  	v60 =	vsub.f32 $1.000000000e+00, v33;
	_ =	sdelay $0x1  }
0x4c5: {  	v34 =	vmul.f32 $2.900000000e+01, v60;
	_ =	sdelay $0x1  }
0x4c6: {  	v34 =	vadd.f32 $2.000000000e+00, v34;
	_ =	sdelay $0x1  }
0x4c7: {  	v34 =	vtrunc.f32 v34  }
0x4c8: {  	v34 =	vcvt.f32.s32 v34;
	_ =	sdelay $0x1  }
0x4c9: {  	v34 =	vshll.u32 v34, $0x9  }
0x4ca: {  	v34 =	vor.u32 v0, v34;
	_ =	sdelay $0x2  }
0x4cb: {  	vm8 =	vgt.f32 v33, $0.0e+00  }
0x4cc: {  	v33 =	vsel vm8, $0x3F800000, v1;
	[tilespmem:$0x18200] =	vst v34  }
0x4cd: {  	[tilespmem:v34+s12+$0x0] =	vst.idx.msk $0xffff, v33  }
0x4ce: {  	v33 =	vld [tilespmem:s17+$0x610];
	_ =	sdelay $0x4  }
0x4cf: {  	v61 =	vsub.f32 $1.000000000e+00, v33;
	_ =	sdelay $0x1  }
0x4d0: {  	v34 =	vmul.f32 $2.900000000e+01, v61;
	_ =	sdelay $0x1  }
0x4d1: {  	v34 =	vadd.f32 $2.000000000e+00, v34;
	_ =	sdelay $0x1  }
0x4d2: {  	v34 =	vtrunc.f32 v34  }
0x4d3: {  	v34 =	vcvt.f32.s32 v34;
	_ =	sdelay $0x1  }
0x4d4: {  	v34 =	vshll.u32 v34, $0x9  }
0x4d5: {  	v34 =	vor.u32 v2, v34;
	_ =	sdelay $0x2  }
0x4d6: {  	vm9 =	vgt.f32 v33, $0.0e+00  }
0x4d7: {  	v33 =	vsel vm9, $0x3F800000, v1;
	[tilespmem:$0x18210] =	vst v34  }
0x4d8: {  	[tilespmem:v34+s12+$0x0] =	vst.idx.msk $0xffff, v33  }
0x4d9: {  	v33 =	vld [tilespmem:s17+$0x620];
	_ =	sdelay $0x4  }
0x4da: {  	v62 =	vsub.f32 $1.000000000e+00, v33;
	_ =	sdelay $0x1  }
0x4db: {  	v34 =	vmul.f32 $2.900000000e+01, v62;
	_ =	sdelay $0x1  }
0x4dc: {  	v34 =	vadd.f32 $2.000000000e+00, v34;
	_ =	sdelay $0x1  }
0x4dd: {  	v34 =	vtrunc.f32 v34  }
0x4de: {  	v34 =	vcvt.f32.s32 v34;
	_ =	sdelay $0x1  }
0x4df: {  	v34 =	vshll.u32 v34, $0x9  }
0x4e0: {  	v34 =	vor.u32 v3, v34;
	_ =	sdelay $0x2  }
0x4e1: {  	vm10 =	vgt.f32 v33, $0.0e+00  }
0x4e2: {  	v33 =	vsel vm10, $0x3F800000, v1;
	[tilespmem:$0x18220] =	vst v34  }
0x4e3: {  	[tilespmem:v34+s12+$0x0] =	vst.idx.msk $0xffff, v33  }
0x4e4: {  	v33 =	vld [tilespmem:s17+$0x630];
	_ =	sdelay $0x4  }
0x4e5: {  	v63 =	vsub.f32 $1.000000000e+00, v33;
	_ =	sdelay $0x1  }
0x4e6: {  	v34 =	vmul.f32 $2.900000000e+01, v63;
	_ =	sdelay $0x1  }
0x4e7: {  	v34 =	vadd.f32 $2.000000000e+00, v34;
	_ =	sdelay $0x1  }
0x4e8: {  	v34 =	vtrunc.f32 v34  }
0x4e9: {  	v34 =	vcvt.f32.s32 v34;
	_ =	sdelay $0x1  }
0x4ea: {  	v34 =	vshll.u32 v34, $0x9  }
0x4eb: {  	v34 =	vor.u32 v4, v34;
	_ =	sdelay $0x2  }
0x4ec: {  	vm11 =	vgt.f32 v33, $0.0e+00  }
0x4ed: {  	v33 =	vsel vm11, $0x3F800000, v1;
	[tilespmem:$0x18230] =	vst v34  }
0x4ee: {  	[tilespmem:v34+s12+$0x0] =	vst.idx.msk $0xffff, v33  }
0x4ef: {  	v33 =	vld [tilespmem:s17+$0x640];
	_ =	sdelay $0x4  }
0x4f0: {  	v36 =	vsub.f32 $1.000000000e+00, v33;
	_ =	sdelay $0x1  }
0x4f1: {  	v34 =	vmul.f32 $2.900000000e+01, v36;
	_ =	sdelay $0x1  }
0x4f2: {  	v34 =	vadd.f32 $2.000000000e+00, v34;
	_ =	sdelay $0x1  }
0x4f3: {  	v34 =	vtrunc.f32 v34  }
0x4f4: {  	v34 =	vcvt.f32.s32 v34;
	_ =	sdelay $0x1  }
0x4f5: {  	v34 =	vshll.u32 v34, $0x9  }
0x4f6: {  	v34 =	vor.u32 v5, v34;
	_ =	sdelay $0x2  }
0x4f7: {  	vm12 =	vgt.f32 v33, $0.0e+00  }
0x4f8: {  	v33 =	vsel vm12, $0x3F800000, v1;
	[tilespmem:$0x18240] =	vst v34  }
0x4f9: {  	[tilespmem:v34+s12+$0x0] =	vst.idx.msk $0xffff, v33  }
0x4fa: {  	v33 =	vld [tilespmem:s17+$0x650];
	_ =	sdelay $0x4  }
0x4fb: {  	v37 =	vsub.f32 $1.000000000e+00, v33;
	_ =	sdelay $0x1  }
0x4fc: {  	v34 =	vmul.f32 $2.900000000e+01, v37;
	_ =	sdelay $0x1  }
0x4fd: {  	v34 =	vadd.f32 $2.000000000e+00, v34;
	_ =	sdelay $0x1  }
0x4fe: {  	v34 =	vtrunc.f32 v34  }
0x4ff: {  	v34 =	vcvt.f32.s32 v34;
	_ =	sdelay $0x1  }
0x500: {  	v34 =	vshll.u32 v34, $0x9  }
0x501: {  	v34 =	vor.u32 v6, v34;
	_ =	sdelay $0x2  }
0x502: {  	vm13 =	vgt.f32 v33, $0.0e+00  }
0x503: {  	v33 =	vsel vm13, $0x3F800000, v1;
	[tilespmem:$0x18250] =	vst v34  }
0x504: {  	[tilespmem:v34+s12+$0x0] =	vst.idx.msk $0xffff, v33  }
0x505: {  	v33 =	vld [tilespmem:s17+$0x660];
	_ =	sdelay $0x4  }
0x506: {  	v38 =	vsub.f32 $1.000000000e+00, v33;
	_ =	sdelay $0x1  }
0x507: {  	v34 =	vmul.f32 $2.900000000e+01, v38;
	_ =	sdelay $0x1  }
0x508: {  	v34 =	vadd.f32 $2.000000000e+00, v34;
	_ =	sdelay $0x1  }
0x509: {  	v34 =	vtrunc.f32 v34  }
0x50a: {  	v34 =	vcvt.f32.s32 v34;
	_ =	sdelay $0x1  }
0x50b: {  	v34 =	vshll.u32 v34, $0x9  }
0x50c: {  	v34 =	vor.u32 v7, v34;
	_ =	sdelay $0x2  }
0x50d: {  	vm14 =	vgt.f32 v33, $0.0e+00  }
0x50e: {  	v33 =	vsel vm14, $0x3F800000, v1;
	[tilespmem:$0x18260] =	vst v34  }
0x50f: {  	[tilespmem:v34+s12+$0x0] =	vst.idx.msk $0xffff, v33  }
0x510: {  	v33 =	vld [tilespmem:s17+$0x670];
	_ =	sdelay $0x4  }
0x511: {  	v39 =	vsub.f32 $1.000000000e+00, v33;
	_ =	sdelay $0x1  }
0x512: {  	v34 =	vmul.f32 $2.900000000e+01, v39;
	_ =	sdelay $0x1  }
0x513: {  	v34 =	vadd.f32 $2.000000000e+00, v34;
	_ =	sdelay $0x1  }
0x514: {  	v34 =	vtrunc.f32 v34  }
0x515: {  	v34 =	vcvt.f32.s32 v34;
	_ =	sdelay $0x1  }
0x516: {  	v34 =	vshll.u32 v34, $0x9  }
0x517: {  	v34 =	vor.u32 v8, v34;
	_ =	sdelay $0x2  }
0x518: {  	vm15 =	vgt.f32 v33, $0.0e+00  }
0x519: {  	v33 =	vsel vm15, $0x3F800000, v1;
	[tilespmem:$0x18270] =	vst v34  }
0x51a: {  	[tilespmem:v34+s12+$0x0] =	vst.idx.msk $0xffff, v33  }
0x51b: {  	v33 =	vld [tilespmem:s17+$0x680];
	_ =	sdelay $0x4  }
0x51c: {  	v40 =	vsub.f32 $1.000000000e+00, v33;
	_ =	sdelay $0x1  }
0x51d: {  	v34 =	vmul.f32 $2.900000000e+01, v40;
	_ =	sdelay $0x1  }
0x51e: {  	v34 =	vadd.f32 $2.000000000e+00, v34;
	_ =	sdelay $0x1  }
0x51f: {  	v34 =	vtrunc.f32 v34  }
0x520: {  	v34 =	vcvt.f32.s32 v34;
	_ =	sdelay $0x1  }
0x521: {  	v34 =	vshll.u32 v34, $0x9  }
0x522: {  	v34 =	vor.u32 v9, v34;
	_ =	sdelay $0x2  }
0x523: {  	vm4 =	vgt.f32 v33, $0.0e+00  }
0x524: {  	v33 =	vsel vm4, $0x3F800000, v1;
	[tilespmem:$0x18280] =	vst v34  }
0x525: {  	[tilespmem:v34+s12+$0x0] =	vst.idx.msk $0xffff, v33  }
0x526: {  	v33 =	vld [tilespmem:s17+$0x690];
	_ =	sdelay $0x4  }
0x527: {  	v41 =	vsub.f32 $1.000000000e+00, v33;
	_ =	sdelay $0x1  }
0x528: {  	v34 =	vmul.f32 $2.900000000e+01, v41;
	_ =	sdelay $0x1  }
0x529: {  	v34 =	vadd.f32 $2.000000000e+00, v34;
	_ =	sdelay $0x1  }
0x52a: {  	v34 =	vtrunc.f32 v34  }
0x52b: {  	v34 =	vcvt.f32.s32 v34;
	_ =	sdelay $0x1  }
0x52c: {  	v34 =	vshll.u32 v34, $0x9  }
0x52d: {  	v34 =	vor.u32 v10, v34;
	_ =	sdelay $0x2  }
0x52e: {  	vm5 =	vgt.f32 v33, $0.0e+00  }
0x52f: {  	v33 =	vsel vm5, $0x3F800000, v1;
	[tilespmem:$0x18290] =	vst v34  }
0x530: {  	[tilespmem:v34+s12+$0x0] =	vst.idx.msk $0xffff, v33  }
0x531: {  	v33 =	vld [tilespmem:s17+$0x6A0];
	_ =	sdelay $0x4  }
0x532: {  	v42 =	vsub.f32 $1.000000000e+00, v33;
	_ =	sdelay $0x1  }
0x533: {  	v34 =	vmul.f32 $2.900000000e+01, v42;
	_ =	sdelay $0x1  }
0x534: {  	v34 =	vadd.f32 $2.000000000e+00, v34;
	_ =	sdelay $0x1  }
0x535: {  	v34 =	vtrunc.f32 v34  }
0x536: {  	v34 =	vcvt.f32.s32 v34;
	_ =	sdelay $0x1  }
0x537: {  	v34 =	vshll.u32 v34, $0x9  }
0x538: {  	v34 =	vor.u32 v11, v34;
	_ =	sdelay $0x2  }
0x539: {  	vm6 =	vgt.f32 v33, $0.0e+00  }
0x53a: {  	v33 =	vsel vm6, $0x3F800000, v1;
	[tilespmem:$0x182A0] =	vst v34  }
0x53b: {  	[tilespmem:v34+s12+$0x0] =	vst.idx.msk $0xffff, v33  }
0x53c: {  	v33 =	vld [tilespmem:s17+$0x6B0];
	_ =	sdelay $0x4  }
0x53d: {  	v43 =	vsub.f32 $1.000000000e+00, v33;
	_ =	sdelay $0x1  }
0x53e: {  	v34 =	vmul.f32 $2.900000000e+01, v43;
	_ =	sdelay $0x1  }
0x53f: {  	v34 =	vadd.f32 $2.000000000e+00, v34;
	_ =	sdelay $0x1  }
0x540: {  	v34 =	vtrunc.f32 v34  }
0x541: {  	v34 =	vcvt.f32.s32 v34;
	_ =	sdelay $0x1  }
0x542: {  	v34 =	vshll.u32 v34, $0x9  }
0x543: {  	v34 =	vor.u32 v12, v34;
	_ =	sdelay $0x2  }
0x544: {  	vm7 =	vgt.f32 v33, $0.0e+00  }
0x545: {  	v33 =	vsel vm7, $0x3F800000, v1;
	[tilespmem:$0x182B0] =	vst v34  }
0x546: {  	[tilespmem:v34+s12+$0x0] =	vst.idx.msk $0xffff, v33  }
0x547: {  	v33 =	vld [tilespmem:s17+$0x6C0];
	_ =	sdelay $0x4  }
0x548: {  	v44 =	vsub.f32 $1.000000000e+00, v33;
	_ =	sdelay $0x1  }
0x549: {  	v34 =	vmul.f32 $2.900000000e+01, v44;
	_ =	sdelay $0x1  }
0x54a: {  	v34 =	vadd.f32 $2.000000000e+00, v34;
	_ =	sdelay $0x1  }
0x54b: {  	v34 =	vtrunc.f32 v34  }
0x54c: {  	v34 =	vcvt.f32.s32 v34;
	_ =	sdelay $0x1  }
0x54d: {  	v34 =	vshll.u32 v34, $0x9  }
0x54e: {  	v34 =	vor.u32 v13, v34;
	_ =	sdelay $0x2  }
0x54f: {  	vm8 =	vgt.f32 v33, $0.0e+00  }
0x550: {  	v33 =	vsel vm8, $0x3F800000, v1;
	[tilespmem:$0x182C0] =	vst v34  }
0x551: {  	[tilespmem:v34+s12+$0x0] =	vst.idx.msk $0xffff, v33  }
0x552: {  	v33 =	vld [tilespmem:s17+$0x6D0];
	_ =	sdelay $0x4  }
0x553: {  	v45 =	vsub.f32 $1.000000000e+00, v33;
	_ =	sdelay $0x1  }
0x554: {  	v34 =	vmul.f32 $2.900000000e+01, v45;
	_ =	sdelay $0x1  }
0x555: {  	v34 =	vadd.f32 $2.000000000e+00, v34;
	_ =	sdelay $0x1  }
0x556: {  	v34 =	vtrunc.f32 v34  }
0x557: {  	v34 =	vcvt.f32.s32 v34;
	_ =	sdelay $0x1  }
0x558: {  	v34 =	vshll.u32 v34, $0x9  }
0x559: {  	v34 =	vor.u32 v14, v34;
	_ =	sdelay $0x2  }
0x55a: {  	vm9 =	vgt.f32 v33, $0.0e+00  }
0x55b: {  	v33 =	vsel vm9, $0x3F800000, v1;
	[tilespmem:$0x182D0] =	vst v34  }
0x55c: {  	[tilespmem:v34+s12+$0x0] =	vst.idx.msk $0xffff, v33  }
0x55d: {  	v33 =	vld [tilespmem:s17+$0x6E0];
	_ =	sdelay $0x4  }
0x55e: {  	v46 =	vsub.f32 $1.000000000e+00, v33;
	_ =	sdelay $0x1  }
0x55f: {  	v34 =	vmul.f32 $2.900000000e+01, v46;
	_ =	sdelay $0x1  }
0x560: {  	v34 =	vadd.f32 $2.000000000e+00, v34;
	_ =	sdelay $0x1  }
0x561: {  	v34 =	vtrunc.f32 v34  }
0x562: {  	v34 =	vcvt.f32.s32 v34;
	_ =	sdelay $0x1  }
0x563: {  	v34 =	vshll.u32 v34, $0x9  }
0x564: {  	v34 =	vor.u32 v15, v34;
	_ =	sdelay $0x2  }
0x565: {  	vm10 =	vgt.f32 v33, $0.0e+00  }
0x566: {  	v33 =	vsel vm10, $0x3F800000, v1;
	[tilespmem:$0x182E0] =	vst v34  }
0x567: {  	[tilespmem:v34+s12+$0x0] =	vst.idx.msk $0xffff, v33  }
0x568: {  	v33 =	vld [tilespmem:s17+$0x6F0];
	_ =	sdelay $0x4  }
0x569: {  	v47 =	vsub.f32 $1.000000000e+00, v33;
	_ =	sdelay $0x1  }
0x56a: {  	v34 =	vmul.f32 $2.900000000e+01, v47;
	_ =	sdelay $0x1  }
0x56b: {  	v34 =	vadd.f32 $2.000000000e+00, v34;
	_ =	sdelay $0x1  }
0x56c: {  	v34 =	vtrunc.f32 v34  }
0x56d: {  	v34 =	vcvt.f32.s32 v34;
	_ =	sdelay $0x1  }
0x56e: {  	v34 =	vshll.u32 v34, $0x9  }
0x56f: {  	v34 =	vor.u32 v16, v34;
	_ =	sdelay $0x2  }
0x570: {  	vm11 =	vgt.f32 v33, $0.0e+00  }
0x571: {  	v33 =	vsel vm11, $0x3F800000, v1;
	[tilespmem:$0x182F0] =	vst v34  }
0x572: {  	[tilespmem:v34+s12+$0x0] =	vst.idx.msk $0xffff, v33  }
0x573: {  	v33 =	vld [tilespmem:s17+$0x700];
	_ =	sdelay $0x4  }
0x574: {  	v48 =	vsub.f32 $1.000000000e+00, v33;
	_ =	sdelay $0x1  }
0x575: {  	v34 =	vmul.f32 $2.900000000e+01, v48;
	_ =	sdelay $0x1  }
0x576: {  	v34 =	vadd.f32 $2.000000000e+00, v34;
	_ =	sdelay $0x1  }
0x577: {  	v34 =	vtrunc.f32 v34  }
0x578: {  	v34 =	vcvt.f32.s32 v34;
	_ =	sdelay $0x1  }
0x579: {  	v34 =	vshll.u32 v34, $0x9  }
0x57a: {  	v34 =	vor.u32 v17, v34;
	_ =	sdelay $0x2  }
0x57b: {  	vm12 =	vgt.f32 v33, $0.0e+00  }
0x57c: {  	v33 =	vsel vm12, $0x3F800000, v1;
	[tilespmem:$0x18300] =	vst v34  }
0x57d: {  	[tilespmem:v34+s12+$0x0] =	vst.idx.msk $0xffff, v33  }
0x57e: {  	v33 =	vld [tilespmem:s17+$0x710];
	_ =	sdelay $0x4  }
0x57f: {  	v49 =	vsub.f32 $1.000000000e+00, v33;
	_ =	sdelay $0x1  }
0x580: {  	v34 =	vmul.f32 $2.900000000e+01, v49;
	_ =	sdelay $0x1  }
0x581: {  	v34 =	vadd.f32 $2.000000000e+00, v34;
	_ =	sdelay $0x1  }
0x582: {  	v34 =	vtrunc.f32 v34  }
0x583: {  	v34 =	vcvt.f32.s32 v34;
	_ =	sdelay $0x1  }
0x584: {  	v34 =	vshll.u32 v34, $0x9  }
0x585: {  	v34 =	vor.u32 v18, v34;
	_ =	sdelay $0x2  }
0x586: {  	vm13 =	vgt.f32 v33, $0.0e+00  }
0x587: {  	v33 =	vsel vm13, $0x3F800000, v1;
	[tilespmem:$0x18310] =	vst v34  }
0x588: {  	[tilespmem:v34+s12+$0x0] =	vst.idx.msk $0xffff, v33  }
0x589: {  	v33 =	vld [tilespmem:s17+$0x720];
	_ =	sdelay $0x4  }
0x58a: {  	v50 =	vsub.f32 $1.000000000e+00, v33;
	_ =	sdelay $0x1  }
0x58b: {  	v34 =	vmul.f32 $2.900000000e+01, v50;
	_ =	sdelay $0x1  }
0x58c: {  	v34 =	vadd.f32 $2.000000000e+00, v34;
	_ =	sdelay $0x1  }
0x58d: {  	v34 =	vtrunc.f32 v34  }
0x58e: {  	v34 =	vcvt.f32.s32 v34;
	_ =	sdelay $0x1  }
0x58f: {  	v34 =	vshll.u32 v34, $0x9  }
0x590: {  	v34 =	vor.u32 v19, v34;
	_ =	sdelay $0x2  }
0x591: {  	vm14 =	vgt.f32 v33, $0.0e+00  }
0x592: {  	v33 =	vsel vm14, $0x3F800000, v1;
	[tilespmem:$0x18320] =	vst v34  }
0x593: {  	[tilespmem:v34+s12+$0x0] =	vst.idx.msk $0xffff, v33  }
0x594: {  	v33 =	vld [tilespmem:s17+$0x730];
	_ =	sdelay $0x4  }
0x595: {  	v51 =	vsub.f32 $1.000000000e+00, v33;
	_ =	sdelay $0x1  }
0x596: {  	v34 =	vmul.f32 $2.900000000e+01, v51;
	_ =	sdelay $0x1  }
0x597: {  	v34 =	vadd.f32 $2.000000000e+00, v34;
	_ =	sdelay $0x1  }
0x598: {  	v34 =	vtrunc.f32 v34  }
0x599: {  	v34 =	vcvt.f32.s32 v34;
	_ =	sdelay $0x1  }
0x59a: {  	v34 =	vshll.u32 v34, $0x9  }
0x59b: {  	v34 =	vor.u32 v20, v34;
	_ =	sdelay $0x2  }
0x59c: {  	vm15 =	vgt.f32 v33, $0.0e+00  }
0x59d: {  	v33 =	vsel vm15, $0x3F800000, v1;
	[tilespmem:$0x18330] =	vst v34  }
0x59e: {  	[tilespmem:v34+s12+$0x0] =	vst.idx.msk $0xffff, v33  }
0x59f: {  	v33 =	vld [tilespmem:s17+$0x740];
	_ =	sdelay $0x4  }
0x5a0: {  	v52 =	vsub.f32 $1.000000000e+00, v33;
	_ =	sdelay $0x1  }
0x5a1: {  	v34 =	vmul.f32 $2.900000000e+01, v52;
	_ =	sdelay $0x1  }
0x5a2: {  	v34 =	vadd.f32 $2.000000000e+00, v34;
	_ =	sdelay $0x1  }
0x5a3: {  	v34 =	vtrunc.f32 v34  }
0x5a4: {  	v34 =	vcvt.f32.s32 v34;
	_ =	sdelay $0x1  }
0x5a5: {  	v34 =	vshll.u32 v34, $0x9  }
0x5a6: {  	v34 =	vor.u32 v21, v34;
	_ =	sdelay $0x2  }
0x5a7: {  	vm4 =	vgt.f32 v33, $0.0e+00  }
0x5a8: {  	v33 =	vsel vm4, $0x3F800000, v1;
	[tilespmem:$0x18340] =	vst v34  }
0x5a9: {  	[tilespmem:v34+s12+$0x0] =	vst.idx.msk $0xffff, v33  }
0x5aa: {  	v33 =	vld [tilespmem:s17+$0x750];
	_ =	sdelay $0x4  }
0x5ab: {  	v53 =	vsub.f32 $1.000000000e+00, v33;
	_ =	sdelay $0x1  }
0x5ac: {  	v34 =	vmul.f32 $2.900000000e+01, v53;
	_ =	sdelay $0x1  }
0x5ad: {  	v34 =	vadd.f32 $2.000000000e+00, v34;
	_ =	sdelay $0x1  }
0x5ae: {  	v34 =	vtrunc.f32 v34  }
0x5af: {  	v34 =	vcvt.f32.s32 v34;
	_ =	sdelay $0x1  }
0x5b0: {  	v34 =	vshll.u32 v34, $0x9  }
0x5b1: {  	v34 =	vor.u32 v22, v34;
	_ =	sdelay $0x2  }
0x5b2: {  	vm5 =	vgt.f32 v33, $0.0e+00  }
0x5b3: {  	v33 =	vsel vm5, $0x3F800000, v1;
	[tilespmem:$0x18350] =	vst v34  }
0x5b4: {  	[tilespmem:v34+s12+$0x0] =	vst.idx.msk $0xffff, v33  }
0x5b5: {  	v33 =	vld [tilespmem:s17+$0x760];
	_ =	sdelay $0x4  }
0x5b6: {  	v54 =	vsub.f32 $1.000000000e+00, v33;
	_ =	sdelay $0x1  }
0x5b7: {  	v34 =	vmul.f32 $2.900000000e+01, v54;
	_ =	sdelay $0x1  }
0x5b8: {  	v34 =	vadd.f32 $2.000000000e+00, v34;
	_ =	sdelay $0x1  }
0x5b9: {  	v34 =	vtrunc.f32 v34  }
0x5ba: {  	v34 =	vcvt.f32.s32 v34;
	_ =	sdelay $0x1  }
0x5bb: {  	v34 =	vshll.u32 v34, $0x9  }
0x5bc: {  	v34 =	vor.u32 v23, v34;
	_ =	sdelay $0x2  }
0x5bd: {  	vm6 =	vgt.f32 v33, $0.0e+00  }
0x5be: {  	v33 =	vsel vm6, $0x3F800000, v1;
	[tilespmem:$0x18360] =	vst v34  }
0x5bf: {  	[tilespmem:v34+s12+$0x0] =	vst.idx.msk $0xffff, v33  }
0x5c0: {  	v33 =	vld [tilespmem:s17+$0x770];
	_ =	sdelay $0x4  }
0x5c1: {  	v55 =	vsub.f32 $1.000000000e+00, v33;
	_ =	sdelay $0x1  }
0x5c2: {  	v34 =	vmul.f32 $2.900000000e+01, v55;
	_ =	sdelay $0x1  }
0x5c3: {  	v34 =	vadd.f32 $2.000000000e+00, v34;
	_ =	sdelay $0x1  }
0x5c4: {  	v34 =	vtrunc.f32 v34  }
0x5c5: {  	v34 =	vcvt.f32.s32 v34;
	_ =	sdelay $0x1  }
0x5c6: {  	v34 =	vshll.u32 v34, $0x9  }
0x5c7: {  	v34 =	vor.u32 v24, v34;
	_ =	sdelay $0x2  }
0x5c8: {  	vm7 =	vgt.f32 v33, $0.0e+00  }
0x5c9: {  	v33 =	vsel vm7, $0x3F800000, v1;
	[tilespmem:$0x18370] =	vst v34  }
0x5ca: {  	[tilespmem:v34+s12+$0x0] =	vst.idx.msk $0xffff, v33  }
0x5cb: {  	v33 =	vld [tilespmem:s17+$0x780];
	_ =	sdelay $0x4  }
0x5cc: {  	v56 =	vsub.f32 $1.000000000e+00, v33;
	_ =	sdelay $0x1  }
0x5cd: {  	v34 =	vmul.f32 $2.900000000e+01, v56;
	_ =	sdelay $0x1  }
0x5ce: {  	v34 =	vadd.f32 $2.000000000e+00, v34;
	_ =	sdelay $0x1  }
0x5cf: {  	v34 =	vtrunc.f32 v34  }
0x5d0: {  	v34 =	vcvt.f32.s32 v34;
	_ =	sdelay $0x1  }
0x5d1: {  	v34 =	vshll.u32 v34, $0x9  }
0x5d2: {  	v34 =	vor.u32 v25, v34;
	_ =	sdelay $0x2  }
0x5d3: {  	vm8 =	vgt.f32 v33, $0.0e+00  }
0x5d4: {  	v33 =	vsel vm8, $0x3F800000, v1;
	[tilespmem:$0x18380] =	vst v34  }
0x5d5: {  	[tilespmem:v34+s12+$0x0] =	vst.idx.msk $0xffff, v33  }
0x5d6: {  	v33 =	vld [tilespmem:s17+$0x790];
	_ =	sdelay $0x4  }
0x5d7: {  	v57 =	vsub.f32 $1.000000000e+00, v33;
	_ =	sdelay $0x1  }
0x5d8: {  	v34 =	vmul.f32 $2.900000000e+01, v57;
	_ =	sdelay $0x1  }
0x5d9: {  	v34 =	vadd.f32 $2.000000000e+00, v34;
	_ =	sdelay $0x1  }
0x5da: {  	v34 =	vtrunc.f32 v34  }
0x5db: {  	v34 =	vcvt.f32.s32 v34;
	_ =	sdelay $0x1  }
0x5dc: {  	v34 =	vshll.u32 v34, $0x9  }
0x5dd: {  	v34 =	vor.u32 v26, v34;
	_ =	sdelay $0x2  }
0x5de: {  	vm9 =	vgt.f32 v33, $0.0e+00  }
0x5df: {  	v33 =	vsel vm9, $0x3F800000, v1;
	[tilespmem:$0x18390] =	vst v34  }
0x5e0: {  	[tilespmem:v34+s12+$0x0] =	vst.idx.msk $0xffff, v33  }
0x5e1: {  	v33 =	vld [tilespmem:s17+$0x7A0];
	_ =	sdelay $0x4  }
0x5e2: {  	v58 =	vsub.f32 $1.000000000e+00, v33;
	_ =	sdelay $0x1  }
0x5e3: {  	v34 =	vmul.f32 $2.900000000e+01, v58;
	_ =	sdelay $0x1  }
0x5e4: {  	v34 =	vadd.f32 $2.000000000e+00, v34;
	_ =	sdelay $0x1  }
0x5e5: {  	v34 =	vtrunc.f32 v34  }
0x5e6: {  	v34 =	vcvt.f32.s32 v34;
	_ =	sdelay $0x1  }
0x5e7: {  	v34 =	vshll.u32 v34, $0x9  }
0x5e8: {  	v34 =	vor.u32 v27, v34;
	_ =	sdelay $0x2  }
0x5e9: {  	vm10 =	vgt.f32 v33, $0.0e+00  }
0x5ea: {  	v33 =	vsel vm10, $0x3F800000, v1;
	[tilespmem:$0x183A0] =	vst v34  }
0x5eb: {  	[tilespmem:v34+s12+$0x0] =	vst.idx.msk $0xffff, v33  }
0x5ec: {  	v33 =	vld [tilespmem:s17+$0x7B0];
	_ =	sdelay $0x4  }
0x5ed: {  	v59 =	vsub.f32 $1.000000000e+00, v33;
	_ =	sdelay $0x1  }
0x5ee: {  	v34 =	vmul.f32 $2.900000000e+01, v59;
	_ =	sdelay $0x1  }
0x5ef: {  	v34 =	vadd.f32 $2.000000000e+00, v34;
	_ =	sdelay $0x1  }
0x5f0: {  	v34 =	vtrunc.f32 v34  }
0x5f1: {  	v34 =	vcvt.f32.s32 v34;
	_ =	sdelay $0x1  }
0x5f2: {  	v34 =	vshll.u32 v34, $0x9  }
0x5f3: {  	v34 =	vor.u32 v28, v34;
	_ =	sdelay $0x2  }
0x5f4: {  	vm11 =	vgt.f32 v33, $0.0e+00  }
0x5f5: {  	v33 =	vsel vm11, $0x3F800000, v1;
	[tilespmem:$0x183B0] =	vst v34  }
0x5f6: {  	[tilespmem:v34+s12+$0x0] =	vst.idx.msk $0xffff, v33  }
0x5f7: {  	v33 =	vld [tilespmem:s17+$0x7C0];
	_ =	sdelay $0x4  }
0x5f8: {  	v60 =	vsub.f32 $1.000000000e+00, v33;
	_ =	sdelay $0x1  }
0x5f9: {  	v34 =	vmul.f32 $2.900000000e+01, v60;
	_ =	sdelay $0x1  }
0x5fa: {  	v34 =	vadd.f32 $2.000000000e+00, v34;
	_ =	sdelay $0x1  }
0x5fb: {  	v34 =	vtrunc.f32 v34  }
0x5fc: {  	v34 =	vcvt.f32.s32 v34;
	_ =	sdelay $0x1  }
0x5fd: {  	v34 =	vshll.u32 v34, $0x9  }
0x5fe: {  	v34 =	vor.u32 v29, v34;
	_ =	sdelay $0x2  }
0x5ff: {  	vm12 =	vgt.f32 v33, $0.0e+00  }
0x600: {  	v33 =	vsel vm12, $0x3F800000, v1;
	[tilespmem:$0x183C0] =	vst v34  }
0x601: {  	[tilespmem:v34+s12+$0x0] =	vst.idx.msk $0xffff, v33  }
0x602: {  	v33 =	vld [tilespmem:s17+$0x7D0];
	_ =	sdelay $0x4  }
0x603: {  	v61 =	vsub.f32 $1.000000000e+00, v33;
	_ =	sdelay $0x1  }
0x604: {  	v34 =	vmul.f32 $2.900000000e+01, v61;
	_ =	sdelay $0x1  }
0x605: {  	v34 =	vadd.f32 $2.000000000e+00, v34;
	_ =	sdelay $0x1  }
0x606: {  	v34 =	vtrunc.f32 v34  }
0x607: {  	v34 =	vcvt.f32.s32 v34;
	_ =	sdelay $0x1  }
0x608: {  	v34 =	vshll.u32 v34, $0x9  }
0x609: {  	v34 =	vor.u32 v30, v34;
	_ =	sdelay $0x2  }
0x60a: {  	vm13 =	vgt.f32 v33, $0.0e+00  }
0x60b: {  	v33 =	vsel vm13, $0x3F800000, v1;
	[tilespmem:$0x183D0] =	vst v34  }
0x60c: {  	[tilespmem:v34+s12+$0x0] =	vst.idx.msk $0xffff, v33  }
0x60d: {  	v33 =	vld [tilespmem:s17+$0x7E0];
	_ =	sdelay $0x4  }
0x60e: {  	v62 =	vsub.f32 $1.000000000e+00, v33;
	_ =	sdelay $0x1  }
0x60f: {  	v34 =	vmul.f32 $2.900000000e+01, v62;
	_ =	sdelay $0x1  }
0x610: {  	v34 =	vadd.f32 $2.000000000e+00, v34;
	_ =	sdelay $0x1  }
0x611: {  	v34 =	vtrunc.f32 v34  }
0x612: {  	v34 =	vcvt.f32.s32 v34;
	_ =	sdelay $0x1  }
0x613: {  	v34 =	vshll.u32 v34, $0x9  }
0x614: {  	v34 =	vor.u32 v31, v34;
	_ =	sdelay $0x2  }
0x615: {  	vm14 =	vgt.f32 v33, $0.0e+00  }
0x616: {  	v33 =	vsel vm14, $0x3F800000, v1;
	[tilespmem:$0x183E0] =	vst v34  }
0x617: {  	[tilespmem:v34+s12+$0x0] =	vst.idx.msk $0xffff, v33  }
0x618: {  	v33 =	vld [tilespmem:s17+$0x7F0];
	_ =	sdelay $0x4  }
0x619: {  	v63 =	vsub.f32 $1.000000000e+00, v33;
	_ =	sdelay $0x1  }
0x61a: {  	v34 =	vmul.f32 $2.900000000e+01, v63;
	_ =	sdelay $0x1  }
0x61b: {  	v34 =	vadd.f32 $2.000000000e+00, v34;
	_ =	sdelay $0x1  }
0x61c: {  	v34 =	vtrunc.f32 v34  }
0x61d: {  	v34 =	vcvt.f32.s32 v34;
	_ =	sdelay $0x1  }
0x61e: {  	v34 =	vshll.u32 v34, $0x9  }
0x61f: {  	v34 =	vor.u32 v32, v34  }
0x620: {  	p0 =	sne.s32 s16, $0x3E000  }
.Ltmp0:
0x621: {  	_ = 	snop;
	(pc) =	sbr.rel @p0 .LBB2_2-.Ltmp0, $4  }
0x622: {  	vm15 =	vgt.f32 v33, $0.0e+00  }
0x623: {  	v33 =	vsel vm15, $0x3F800000, v1;
	[tilespmem:$0x183F0] =	vst v34  }
0x624: {  	s31 =	sadd.s32 s16, s8;
	s16 =	sadd.s32 $0x1000, s16;
	[tilespmem:v34+s12+$0x0] =	vst.idx.msk $0xffff, v33  }
0x625: {  	[hbm4b:s31+s1] =	stream.linear.scatter [tilespmem:s12], [sflag:$0x2], $0x4000, $0x38;
	[tilespmem:$0x18400] =	vst v63  }
0x626: {  	s15 =	sadd.s32 $0x1, s15  }
0x627: {  	_ =	swait.ge [sflag:s13], $0x4000;
	p0 =	sne.s32 s15, s7  }
.Ltmp1:
0x628: {  	[sflag:s13] =	ssyncset.done $0x0;
	(pc) =	sbr.rel @p0 .LBB2_1-.Ltmp1, $4  }
0x629: {  	[sflag:s13] =	ssyncadd.s32 $0xFFFFC000  }
0x62a: {  	_ =	swait.ge [sflag:s14], $0x4000  }
0x62b: {  	[sflag:s14] =	ssyncset.done $0x0  }
0x62c: {  	[sflag:s14] =	ssyncadd.s32 $0xFFFFC000  }
0x62d: {  	_ =	sfence.sel $0x180000  }
0x62e: {  	[bflag:$0x0] =	sbarrier.arrive $0xFFFF  }
0x62f: {  	p0 =	sne.s32 s2, $0x0;
	_ =	strace $0x90000047  }
0x630: {  	s0 =	sadd.s32 @!p0 $0x100000, s0;
	[bflag:$0x2] =	sbarrier.arrive $0xFFFF  }
0x631: {  	[sflag:s0] =	ssyncadd.tile.s32 @!p0 $0x1;
	_ =	shalt  }
.Lfunc_end2:
_tile_overlayer_lowered:
.L_overlay_start_2:
0x632: {  	(tag) =	ssettag $0x2  }
0x633: {  	s0 =	rddreg [dreg:$0x0];
	s2 =	stileid.u32  }
0x634: {  	s1 =	rddreg [dreg:$0x1];
	p0 =	sne.s32 s2, $0x0  }
0x635: {  	s3 =	rddreg [dreg:$0x2];
	[bflag:$0x3] =	sbarrier.arrive $0xFFFF;
	s2 =	simm.s32 @!p0 $0x1C03  }
0x636: {  	[timem:s3], [sflag:s2] =	dma.local @!p0 [hbm:s0], s1  }
0x637: {  	s0 =	simm.s32 @!p0 $0x3  }
0x638: {  	_ =	swait.ge @!p0 [sflag:s0], s1  }
0x639: {  	s1 =	ssub.s32 @!p0 $0x0, s1;
	[sflag:s0] =	ssyncset.done @!p0 $0x0  }
0x63a: {  	[sflag:s0] =	ssyncadd.s32 @!p0 s1  }
0x63b: {  	[bflag:$0x3] =	sbarrier.arrive $0xFFFF  }
0x63c: {  	_ =	shalt  }

</sc_bundles>
